<compile_context>
chip_gen: v7x
topology: tpu7x:2x2x1
jax: 0.10.2.dev20260603
libtpu: 0.0.44.dev20260713+nightly
codegen_flags: <defaults>
</compile_context>

<pallas_src>
import functools

import jax
import jax.numpy as jnp
from jax import lax
from jax.experimental import pallas as pl
from jax.experimental.pallas import tpu as pltpu
from jax.experimental.pallas import tpu_sc as plsc

_VOCAB = 1000000
_EMBED = 64
_MAXLEN = 64
_SEGN = 2
_BATCH = 4096
_SEQ = 64

_WHALF = 512000
_BSTART = 488000
_TPB = 4096

_NC = 2
_NS = 16
_NW = _NC * _NS
_ROWS = _BATCH * _SEQ
_RPW = _ROWS // _NW
_C = 256
_NCHUNK = _RPW // _C
_G = 128
_NG = _C // _G


def _tp_body(a_ref, b_ref, o_ref):
  o_ref[:, 0:_EMBED] = a_ref[...].T
  o_ref[:, _EMBED:2 * _EMBED] = b_ref[...].T


def _pack_table(wt):
  nblk = _WHALF // _TPB
  wtb = lax.slice(wt, (0, _BSTART), (_EMBED, _VOCAB))
  return pl.pallas_call(
      _tp_body,
      grid=(nblk,),
      in_specs=[
          pl.BlockSpec((_EMBED, _TPB), lambda i: (0, i)),
          pl.BlockSpec((_EMBED, _TPB), lambda i: (0, i)),
      ],
      out_specs=pl.BlockSpec((_TPB, 2 * _EMBED), lambda i: (i, 0)),
      out_shape=jax.ShapeDtypeStruct((_WHALF, 2 * _EMBED), jnp.float32),
  )(wt, wtb)


def _sc_body(ids_hbm, seg_hbm, word_hbm, pos_hbm, segtab_hbm, out_hbm,
             idsw_v, segw_v, idxg0_v, idxg1_v, gbuf0_v, gbuf1_v, obuf_v,
             pos_v, segtab_v, sem0, sem1):
  idxg = (idxg0_v, idxg1_v)
  gbuf = (gbuf0_v, gbuf1_v)
  wid = lax.axis_index("c") * _NS + lax.axis_index("s")
  base = wid * _RPW

  t0 = pl.multiple_of(wid * _RPW, _RPW)
  pltpu.sync_copy(ids_hbm.at[:, pl.ds(t0, _RPW)], idsw_v)
  pltpu.sync_copy(seg_hbm.at[:, pl.ds(t0, _RPW)], segw_v)
  pltpu.sync_copy(pos_hbm.at[:, pl.ds(pl.multiple_of(wid * 2 * _EMBED, 128),
                                      2 * _EMBED)], pos_v)
  pltpu.sync_copy(segtab_hbm, segtab_v)

  seg0 = [segtab_v[0, pl.ds(o * 16, 16)] for o in range(4)]
  dseg = [segtab_v[0, pl.ds(_EMBED + o * 16, 16)] - seg0[o] for o in range(4)]

  def fill_idx(c, slot):
    for jr in range(_NG):
      def body(t, _, jr=jr):
        d = pl.ds(c * _C + jr * _G + t * 16, 16)
        v = idsw_v[0, d]
        idxg[slot][jr, pl.ds(t * 16, 16)] = jnp.where(
            v >= _WHALF, v - _BSTART, v)
        return _
      lax.fori_loop(0, _G // 16, body, None)

  def fire(c, slot, sem):
    fill_idx(c, slot)
    return [pltpu.async_copy(word_hbm.at[idxg[slot].at[j]],
                             gbuf[slot].at[pl.ds(j * _G, _G)], sem)
            for j in range(_NG)]

  def compute(c, slot):
    hp = lax.mul(lax.div(c, _NCHUNK // 2), _EMBED)
    basev = [pos_v[0, pl.ds(hp + o * 16, 16)] + seg0[o] for o in range(4)]

    def grp(t, _):
      d = pl.ds(c * _C + t * 16, 16)
      ids16 = idsw_v[0, d]
      seg16 = segw_v[0, d]
      for i in range(16):
        r = t * 16 + i
        h64 = lax.mul(lax.convert_element_type(ids16[i] >= _WHALF,
                                               jnp.int32), _EMBED)
        gf = lax.convert_element_type(seg16[i], jnp.float32)
        gfv = lax.broadcast(gf, (16,))
        q = t * 8 + (i // 2)
        ocol = (i % 2) * _EMBED
        for jj in range(4):
          o = jj * 16
          v = gbuf[slot][r, pl.ds(h64 + o, 16)]
          obuf_v[q, pl.ds(ocol + o, 16)] = v + basev[jj] + gfv * dseg[jj]
      return _
    lax.fori_loop(0, _C // 16, grp, None)

    ob = pl.multiple_of((base + c * _C) // 2, _C // 2)
    pltpu.sync_copy(obuf_v, out_hbm.at[pl.ds(ob, _C // 2)])

  def pair(p, _):
    c0 = p * 2
    cps0 = fire(c0, 0, sem0)
    cps1 = fire(c0 + 1, 1, sem1)
    for cp in cps0:
      cp.wait()
    compute(c0, 0)
    for cp in cps1:
      cp.wait()
    compute(c0 + 1, 1)
    return _

  lax.fori_loop(0, _NCHUNK // 2, pair, None)


@functools.partial(
    pl.kernel,
    out_type=jax.ShapeDtypeStruct((_ROWS // 2, 2 * _EMBED), jnp.float32),
    mesh=plsc.VectorSubcoreMesh(core_axis_name="c", subcore_axis_name="s"),
    scratch_types=[
        pltpu.VMEM((1, _RPW), jnp.int32),
        pltpu.VMEM((1, _RPW), jnp.int32),
        pltpu.VMEM((_NG, _G), jnp.int32),
        pltpu.VMEM((_NG, _G), jnp.int32),
        pltpu.VMEM((_C, 2 * _EMBED), jnp.float32),
        pltpu.VMEM((_C, 2 * _EMBED), jnp.float32),
        pltpu.VMEM((_C // 2, 2 * _EMBED), jnp.float32),
        pltpu.VMEM((1, 2 * _EMBED), jnp.float32),
        pltpu.VMEM((1, 2 * _EMBED), jnp.float32),
        pltpu.SemaphoreType.DMA,
        pltpu.SemaphoreType.DMA,
    ],
    compiler_params=pltpu.CompilerParams(use_tc_tiling_on_sc=True),
)
def _embed_sc(*refs):
  _sc_body(*refs)


@jax.jit
def kernel(input_ids, seg_ids, word_embed, pos_embed, seg_embed):
  ids1 = input_ids.astype(jnp.int32).T.reshape(1, _ROWS)
  seg1 = seg_ids.astype(jnp.int32).T.reshape(1, _ROWS)
  word2 = _pack_table(word_embed.T)
  pos3 = pos_embed.reshape(1, _MAXLEN * _EMBED)
  segtab2 = seg_embed.reshape(1, 2 * _EMBED)
  out2 = _embed_sc(ids1, seg1, word2, pos3, segtab2)
  return jnp.transpose(out2.reshape(_SEQ, _BATCH, _EMBED), (1, 0, 2))

# --- scband reference (transcript-rebuilt; emitter-appended) ---
"""Pipeline reference for scband-embedding-layer-52673478918820 (READ-ONLY COPY).

The authoritative reference and input builder live on the scoring server;
editing this copy changes nothing except your own understanding.
"""

import jax, jax.numpy as jnp
import numpy as np

VOCAB = 1000000
EMBED = 64
MAX_LEN = 64
SEG_NUM = 2
BATCH = 4096
SEQ = 64

def setup_inputs(seed: int = 0) -> dict:
    key = jax.random.key(seed)
    k1, k2, k3, k4, k5 = jax.random.split(key, 5)
    input_ids = jax.random.randint(k1, (BATCH, SEQ), 0, VOCAB, dtype=jnp.int64 if jax.config.jax_enable_x64 else jnp.int32)
    seg_ids = jax.random.randint(k2, (BATCH, SEQ), 0, SEG_NUM, dtype=jnp.int64 if jax.config.jax_enable_x64 else jnp.int32)
    word_embed = jax.random.normal(k3, (VOCAB, EMBED), dtype=jnp.float32)
    pos_embed = jax.random.normal(k4, (MAX_LEN, EMBED), dtype=jnp.float32)
    seg_embed = jax.random.normal(k5, (SEG_NUM, EMBED), dtype=jnp.float32)
    return {"input_ids": input_ids, "seg_ids": seg_ids, "word_embed": word_embed, "pos_embed": pos_embed, "seg_embed": seg_embed}

def reference(input_ids, seg_ids, word_embed, pos_embed, seg_embed):
    seq_len = input_ids.shape[1]
    pos_ids = jnp.broadcast_to(jnp.arange(seq_len)[None, :], input_ids.shape)
    e = jnp.take(word_embed, input_ids, axis=0) + jnp.take(pos_embed, pos_ids, axis=0) + jnp.take(seg_embed, seg_ids, axis=0)
    return e

if __name__ == "__main__":
    import jax
    _d = setup_inputs()
    print(jax.jit(kernel)(*tuple(_d.values())))

</pallas_src>

<mosaic_0001>
#map = affine_map<(d0, d1) -> (0, 0)>
module attributes {stable_mosaic.version = 14 : i64} {
  func.func @_embed_sc(%arg0: i32, %arg1: i32, %arg2: memref<1x262144xi32, #tpu.memory_space<hbm>>, %arg3: memref<1x262144xi32, #tpu.memory_space<hbm>>, %arg4: memref<512000x128xf32, #tpu.memory_space<hbm>>, %arg5: memref<1x4096xf32, #tpu.memory_space<hbm>>, %arg6: memref<1x128xf32, #tpu.memory_space<hbm>>, %arg7: memref<131072x128xf32, #tpu.memory_space<hbm>>, %arg8: memref<1x8192xi32, #tpu.memory_space<vmem>>, %arg9: memref<1x8192xi32, #tpu.memory_space<vmem>>, %arg10: memref<2x128xi32, #tpu.memory_space<vmem>>, %arg11: memref<2x128xi32, #tpu.memory_space<vmem>>, %arg12: memref<256x128xf32, #tpu.memory_space<vmem>>, %arg13: memref<256x128xf32, #tpu.memory_space<vmem>>, %arg14: memref<128x128xf32, #tpu.memory_space<vmem>>, %arg15: memref<1x128xf32, #tpu.memory_space<vmem>>, %arg16: memref<1x128xf32, #tpu.memory_space<vmem>>, %arg17: memref<!tpu.dma_semaphore, #tpu.memory_space<semaphore_mem>>, %arg18: memref<!tpu.dma_semaphore, #tpu.memory_space<semaphore_mem>>) attributes {dimension_semantics = [#tpu.dimension_semantics<core_parallel>, #tpu.dimension_semantics<subcore_parallel>], iteration_bounds = array<i64: 2, 16>, scalar_prefetch = 0 : i64, scratch_operands = 11 : i64, tpu.core_type = #tpu.core_type<sc_vector_subcore>, window_params = [{transform_indices = #map}, {transform_indices = #map}, {transform_indices = #map}, {transform_indices = #map}, {transform_indices = #map}, {transform_indices = #map}]} {
    %mul3A = arith.constant 16 : i32
    %mul3A_0 = arith.muli %arg0, %mul3A : i32
    %add3A = arith.addi %mul3A_0, %arg1 : i32
    %mul3A_1 = arith.constant 8192 : i32
    %mul3A_2 = arith.muli %add3A, %mul3A_1 : i32
    %mul3A_3 = arith.constant 8192 : i32
    %mul3A_4 = arith.muli %add3A, %mul3A_3 : i32
    %multiple_of3A = tpu.assume_multiple %mul3A_4, 8192 : i32
    "tpu.region"() ({
      %run_scoped3A = tpu.sem_alloc : memref<!tpu.dma_semaphore, #tpu.memory_space<semaphore_mem>>
      %dma_start3A = arith.constant 0 : i32
      %dma_start3A_56 = tpu.memref_slice %arg2[%dma_start3A, %multiple_of3A] : memref<1x262144xi32, #tpu.memory_space<hbm>> -> memref<1x8192xi32, #tpu.memory_space<hbm>>
      %dma_start3A_57 = arith.constant 0 : i32
      %dma_start3A_58 = tpu.memref_slice %arg2[%dma_start3A_57, %multiple_of3A] : memref<1x262144xi32, #tpu.memory_space<hbm>> -> memref<1x8192xi32, #tpu.memory_space<hbm>>
      tpu.enqueue_dma source(%dma_start3A_58 : memref<1x8192xi32, #tpu.memory_space<hbm>>) target(%arg8 : memref<1x8192xi32, #tpu.memory_space<vmem>>) target_semaphore(%run_scoped3A : memref<!tpu.dma_semaphore, #tpu.memory_space<semaphore_mem>>)
      %dma_wait3A = arith.constant 0 : i32
      %dma_wait3A_59 = tpu.memref_slice %arg2[%dma_wait3A, %multiple_of3A] : memref<1x262144xi32, #tpu.memory_space<hbm>> -> memref<1x8192xi32, #tpu.memory_space<hbm>>
      %dma_wait3A_60 = arith.constant 0 : i32
      %dma_wait3A_61 = tpu.memref_slice %arg2[%dma_wait3A_60, %multiple_of3A] : memref<1x262144xi32, #tpu.memory_space<hbm>> -> memref<1x8192xi32, #tpu.memory_space<hbm>>
      tpu.wait_dma2 semaphore(%run_scoped3A : memref<!tpu.dma_semaphore, #tpu.memory_space<semaphore_mem>>) src(%dma_wait3A_61 : memref<1x8192xi32, #tpu.memory_space<hbm>>) dst(%arg8 : memref<1x8192xi32, #tpu.memory_space<vmem>>)
      tpu.yield
    }) : () -> ()
    "tpu.region"() ({
      %run_scoped3A = tpu.sem_alloc : memref<!tpu.dma_semaphore, #tpu.memory_space<semaphore_mem>>
      %dma_start3A = arith.constant 0 : i32
      %dma_start3A_56 = tpu.memref_slice %arg3[%dma_start3A, %multiple_of3A] : memref<1x262144xi32, #tpu.memory_space<hbm>> -> memref<1x8192xi32, #tpu.memory_space<hbm>>
      %dma_start3A_57 = arith.constant 0 : i32
      %dma_start3A_58 = tpu.memref_slice %arg3[%dma_start3A_57, %multiple_of3A] : memref<1x262144xi32, #tpu.memory_space<hbm>> -> memref<1x8192xi32, #tpu.memory_space<hbm>>
      tpu.enqueue_dma source(%dma_start3A_58 : memref<1x8192xi32, #tpu.memory_space<hbm>>) target(%arg9 : memref<1x8192xi32, #tpu.memory_space<vmem>>) target_semaphore(%run_scoped3A : memref<!tpu.dma_semaphore, #tpu.memory_space<semaphore_mem>>)
      %dma_wait3A = arith.constant 0 : i32
      %dma_wait3A_59 = tpu.memref_slice %arg3[%dma_wait3A, %multiple_of3A] : memref<1x262144xi32, #tpu.memory_space<hbm>> -> memref<1x8192xi32, #tpu.memory_space<hbm>>
      %dma_wait3A_60 = arith.constant 0 : i32
      %dma_wait3A_61 = tpu.memref_slice %arg3[%dma_wait3A_60, %multiple_of3A] : memref<1x262144xi32, #tpu.memory_space<hbm>> -> memref<1x8192xi32, #tpu.memory_space<hbm>>
      tpu.wait_dma2 semaphore(%run_scoped3A : memref<!tpu.dma_semaphore, #tpu.memory_space<semaphore_mem>>) src(%dma_wait3A_61 : memref<1x8192xi32, #tpu.memory_space<hbm>>) dst(%arg9 : memref<1x8192xi32, #tpu.memory_space<vmem>>)
      tpu.yield
    }) : () -> ()
    %mul3A_5 = arith.constant 2 : i32
    %mul3A_6 = arith.muli %add3A, %mul3A_5 : i32
    %mul3A_7 = arith.constant 64 : i32
    %mul3A_8 = arith.muli %mul3A_6, %mul3A_7 : i32
    %multiple_of3A_9 = tpu.assume_multiple %mul3A_8, 128 : i32
    "tpu.region"() ({
      %run_scoped3A = tpu.sem_alloc : memref<!tpu.dma_semaphore, #tpu.memory_space<semaphore_mem>>
      %dma_start3A = arith.constant 0 : i32
      %dma_start3A_56 = tpu.memref_slice %arg5[%dma_start3A, %multiple_of3A_9] : memref<1x4096xf32, #tpu.memory_space<hbm>> -> memref<1x128xf32, #tpu.memory_space<hbm>>
      %dma_start3A_57 = arith.constant 0 : i32
      %dma_start3A_58 = tpu.memref_slice %arg5[%dma_start3A_57, %multiple_of3A_9] : memref<1x4096xf32, #tpu.memory_space<hbm>> -> memref<1x128xf32, #tpu.memory_space<hbm>>
      tpu.enqueue_dma source(%dma_start3A_58 : memref<1x128xf32, #tpu.memory_space<hbm>>) target(%arg15 : memref<1x128xf32, #tpu.memory_space<vmem>>) target_semaphore(%run_scoped3A : memref<!tpu.dma_semaphore, #tpu.memory_space<semaphore_mem>>)
      %dma_wait3A = arith.constant 0 : i32
      %dma_wait3A_59 = tpu.memref_slice %arg5[%dma_wait3A, %multiple_of3A_9] : memref<1x4096xf32, #tpu.memory_space<hbm>> -> memref<1x128xf32, #tpu.memory_space<hbm>>
      %dma_wait3A_60 = arith.constant 0 : i32
      %dma_wait3A_61 = tpu.memref_slice %arg5[%dma_wait3A_60, %multiple_of3A_9] : memref<1x4096xf32, #tpu.memory_space<hbm>> -> memref<1x128xf32, #tpu.memory_space<hbm>>
      tpu.wait_dma2 semaphore(%run_scoped3A : memref<!tpu.dma_semaphore, #tpu.memory_space<semaphore_mem>>) src(%dma_wait3A_61 : memref<1x128xf32, #tpu.memory_space<hbm>>) dst(%arg15 : memref<1x128xf32, #tpu.memory_space<vmem>>)
      tpu.yield
    }) : () -> ()
    "tpu.region"() ({
      %run_scoped3A = tpu.sem_alloc : memref<!tpu.dma_semaphore, #tpu.memory_space<semaphore_mem>>
      tpu.enqueue_dma source(%arg6 : memref<1x128xf32, #tpu.memory_space<hbm>>) target(%arg16 : memref<1x128xf32, #tpu.memory_space<vmem>>) target_semaphore(%run_scoped3A : memref<!tpu.dma_semaphore, #tpu.memory_space<semaphore_mem>>)
      tpu.wait_dma2 semaphore(%run_scoped3A : memref<!tpu.dma_semaphore, #tpu.memory_space<semaphore_mem>>) src(%arg6 : memref<1x128xf32, #tpu.memory_space<hbm>>) dst(%arg16 : memref<1x128xf32, #tpu.memory_space<vmem>>)
      tpu.yield
    }) : () -> ()
    %get3A = arith.constant 0 : i32
    %get3A_10 = arith.index_cast %get3A : i32 to index
    %get3A_11 = arith.constant 0 : index
    %get3A_12 = tpu.vector_load %arg16[%get3A_10, %get3A_11] {strides = array<i32>} : memref<1x128xf32, #tpu.memory_space<vmem>>, vector<1x16xf32>,
    %get3A_13 = vector.shape_cast %get3A_12 : vector<1x16xf32> to vector<16xf32>
    %get3A_14 = arith.constant 0 : i32
    %get3A_15 = arith.index_cast %get3A_14 : i32 to index
    %get3A_16 = arith.constant 16 : index
    %get3A_17 = tpu.vector_load %arg16[%get3A_15, %get3A_16] {strides = array<i32>} : memref<1x128xf32, #tpu.memory_space<vmem>>, vector<1x16xf32>,
    %get3A_18 = vector.shape_cast %get3A_17 : vector<1x16xf32> to vector<16xf32>
    %get3A_19 = arith.constant 0 : i32
    %get3A_20 = arith.index_cast %get3A_19 : i32 to index
    %get3A_21 = arith.constant 32 : index
    %get3A_22 = tpu.vector_load %arg16[%get3A_20, %get3A_21] {strides = array<i32>} : memref<1x128xf32, #tpu.memory_space<vmem>>, vector<1x16xf32>,
    %get3A_23 = vector.shape_cast %get3A_22 : vector<1x16xf32> to vector<16xf32>
    %get3A_24 = arith.constant 0 : i32
    %get3A_25 = arith.index_cast %get3A_24 : i32 to index
    %get3A_26 = arith.constant 48 : index
    %get3A_27 = tpu.vector_load %arg16[%get3A_25, %get3A_26] {strides = array<i32>} : memref<1x128xf32, #tpu.memory_space<vmem>>, vector<1x16xf32>,
    %get3A_28 = vector.shape_cast %get3A_27 : vector<1x16xf32> to vector<16xf32>
    %get3A_29 = arith.constant 0 : i32
    %get3A_30 = arith.index_cast %get3A_29 : i32 to index
    %get3A_31 = arith.constant 64 : index
    %get3A_32 = tpu.vector_load %arg16[%get3A_30, %get3A_31] {strides = array<i32>} : memref<1x128xf32, #tpu.memory_space<vmem>>, vector<1x16xf32>,
    %get3A_33 = vector.shape_cast %get3A_32 : vector<1x16xf32> to vector<16xf32>
    %sub3A = arith.subf %get3A_33, %get3A_13 : vector<16xf32>
    %get3A_34 = arith.constant 0 : i32
    %get3A_35 = arith.index_cast %get3A_34 : i32 to index
    %get3A_36 = arith.constant 80 : index
    %get3A_37 = tpu.vector_load %arg16[%get3A_35, %get3A_36] {strides = array<i32>} : memref<1x128xf32, #tpu.memory_space<vmem>>, vector<1x16xf32>,
    %get3A_38 = vector.shape_cast %get3A_37 : vector<1x16xf32> to vector<16xf32>
    %sub3A_39 = arith.subf %get3A_38, %get3A_18 : vector<16xf32>
    %get3A_40 = arith.constant 0 : i32
    %get3A_41 = arith.index_cast %get3A_40 : i32 to index
    %get3A_42 = arith.constant 96 : index
    %get3A_43 = tpu.vector_load %arg16[%get3A_41, %get3A_42] {strides = array<i32>} : memref<1x128xf32, #tpu.memory_space<vmem>>, vector<1x16xf32>,
    %get3A_44 = vector.shape_cast %get3A_43 : vector<1x16xf32> to vector<16xf32>
    %sub3A_45 = arith.subf %get3A_44, %get3A_23 : vector<16xf32>
    %get3A_46 = arith.constant 0 : i32
    %get3A_47 = arith.index_cast %get3A_46 : i32 to index
    %get3A_48 = arith.constant 112 : index
    %get3A_49 = tpu.vector_load %arg16[%get3A_47, %get3A_48] {strides = array<i32>} : memref<1x128xf32, #tpu.memory_space<vmem>>, vector<1x16xf32>,
    %get3A_50 = vector.shape_cast %get3A_49 : vector<1x16xf32> to vector<16xf32>
    %sub3A_51 = arith.subf %get3A_50, %get3A_28 : vector<16xf32>
    %scan3A = arith.constant 0 : i32
    %scan3A_52 = arith.constant 16 : i32
    %scan3A_53 = arith.addi %scan3A, %scan3A_52 : i32
    %scan3A_54 = arith.constant 1 : i32
    scf.for %scan3A_56 = %scan3A to %scan3A_53 step %scan3A_54  : i32 {
      %mul3A_57 = arith.constant 2 : i32
      %mul3A_58 = arith.muli %scan3A_56, %mul3A_57 : i32
      %scan3A_59 = arith.constant 0 : i32
      %scan3A_60 = arith.constant 8 : i32
      %scan3A_61 = arith.addi %scan3A_59, %scan3A_60 : i32
      %scan3A_62 = arith.constant 1 : i32
      scf.for %scan3A_292 = %scan3A_59 to %scan3A_61 step %scan3A_62  : i32 {
        %mul3A_293 = arith.constant 256 : i32
        %mul3A_294 = arith.muli %mul3A_58, %mul3A_293 : i32
        %add3A_295 = arith.constant 0 : i32
        %add3A_296 = arith.addi %mul3A_294, %add3A_295 : i32
        %mul3A_297 = arith.constant 16 : i32
        %mul3A_298 = arith.muli %scan3A_292, %mul3A_297 : i32
        %add3A_299 = arith.addi %add3A_296, %mul3A_298 : i32
        %get3A_300 = arith.constant 0 : i32
        %get3A_301 = arith.index_cast %get3A_300 : i32 to index
        %get3A_302 = arith.index_cast %add3A_299 : i32 to index
        %get3A_303 = tpu.vector_load %arg8[%get3A_301, %get3A_302] {strides = array<i32>} : memref<1x8192xi32, #tpu.memory_space<vmem>>, vector<1x16xi32>,
        %get3A_304 = vector.shape_cast %get3A_303 : vector<1x16xi32> to vector<16xi32>
        %ge3A = arith.constant 512000 : i32
        %ge3A_305 = vector.broadcast %ge3A : i32 to vector<16xi32>
        %ge3A_306 = arith.cmpi sge, %get3A_304, %ge3A_305 : vector<16xi32>
        %sub3A_307 = arith.constant 488000 : i32
        %sub3A_308 = vector.broadcast %sub3A_307 : i32 to vector<16xi32>
        %sub3A_309 = arith.subi %get3A_304, %sub3A_308 : vector<16xi32>
        %select_n3A_310 = arith.select %ge3A_306, %sub3A_309, %get3A_304 : vector<16xi1>, vector<16xi32>
        %mul3A_311 = arith.constant 16 : i32
        %mul3A_312 = arith.muli %scan3A_292, %mul3A_311 : i32
        %swap3A = arith.constant 0 : i32
        %swap3A_313 = arith.index_cast %swap3A : i32 to index
        %swap3A_314 = arith.index_cast %mul3A_312 : i32 to index
        %swap3A_315 = tpu.vector_load %arg10[%swap3A_313, %swap3A_314] {strides = array<i32>} : memref<2x128xi32, #tpu.memory_space<vmem>>, vector<1x16xi32>,
        %swap3A_316 = vector.shape_cast %swap3A_315 : vector<1x16xi32> to vector<16xi32>
        %swap3A_317 = vector.shape_cast %select_n3A_310 : vector<16xi32> to vector<1x16xi32>
        tpu.vector_store %arg10[%swap3A_313, %swap3A_314], %swap3A_317 {strides = array<i32>} : memref<2x128xi32, #tpu.memory_space<vmem>>, vector<1x16xi32>,
      }
      %scan3A_63 = arith.constant 8 : i32
      %scan3A_64 = arith.constant 0 : i32
      %scan3A_65 = arith.constant 8 : i32
      %scan3A_66 = arith.addi %scan3A_64, %scan3A_65 : i32
      %scan3A_67 = arith.constant 1 : i32
      scf.for %scan3A_292 = %scan3A_64 to %scan3A_66 step %scan3A_67  : i32 {
        %mul3A_293 = arith.constant 256 : i32
        %mul3A_294 = arith.muli %mul3A_58, %mul3A_293 : i32
        %add3A_295 = arith.constant 128 : i32
        %add3A_296 = arith.addi %mul3A_294, %add3A_295 : i32
        %mul3A_297 = arith.constant 16 : i32
        %mul3A_298 = arith.muli %scan3A_292, %mul3A_297 : i32
        %add3A_299 = arith.addi %add3A_296, %mul3A_298 : i32
        %get3A_300 = arith.constant 0 : i32
        %get3A_301 = arith.index_cast %get3A_300 : i32 to index
        %get3A_302 = arith.index_cast %add3A_299 : i32 to index
        %get3A_303 = tpu.vector_load %arg8[%get3A_301, %get3A_302] {strides = array<i32>} : memref<1x8192xi32, #tpu.memory_space<vmem>>, vector<1x16xi32>,
        %get3A_304 = vector.shape_cast %get3A_303 : vector<1x16xi32> to vector<16xi32>
        %ge3A = arith.constant 512000 : i32
        %ge3A_305 = vector.broadcast %ge3A : i32 to vector<16xi32>
        %ge3A_306 = arith.cmpi sge, %get3A_304, %ge3A_305 : vector<16xi32>
        %sub3A_307 = arith.constant 488000 : i32
        %sub3A_308 = vector.broadcast %sub3A_307 : i32 to vector<16xi32>
        %sub3A_309 = arith.subi %get3A_304, %sub3A_308 : vector<16xi32>
        %select_n3A_310 = arith.select %ge3A_306, %sub3A_309, %get3A_304 : vector<16xi1>, vector<16xi32>
        %mul3A_311 = arith.constant 16 : i32
        %mul3A_312 = arith.muli %scan3A_292, %mul3A_311 : i32
        %swap3A = arith.constant 1 : i32
        %swap3A_313 = arith.index_cast %swap3A : i32 to index
        %swap3A_314 = arith.index_cast %mul3A_312 : i32 to index
        %swap3A_315 = tpu.vector_load %arg10[%swap3A_313, %swap3A_314] {strides = array<i32>} : memref<2x128xi32, #tpu.memory_space<vmem>>, vector<1x16xi32>,
        %swap3A_316 = vector.shape_cast %swap3A_315 : vector<1x16xi32> to vector<16xi32>
        %swap3A_317 = vector.shape_cast %select_n3A_310 : vector<16xi32> to vector<1x16xi32>
        tpu.vector_store %arg10[%swap3A_313, %swap3A_314], %swap3A_317 {strides = array<i32>} : memref<2x128xi32, #tpu.memory_space<vmem>>, vector<1x16xi32>,
      }
      %scan3A_68 = arith.constant 8 : i32
      %dma_start3A = arith.constant 0 : i32
      %dma_start3A_69 = arith.constant 0 : i32
      %dma_start3A_70 = arith.constant 0 : i32
      %dma_start3A_71 = tpu.memref_slice %arg12[%dma_start3A_69, %dma_start3A_70] : memref<256x128xf32, #tpu.memory_space<vmem>> -> memref<128x128xf32, #tpu.memory_space<vmem>>
      %dma_start3A_72 = arith.constant 0 : i32
      %dma_start3A_73 = tpu.memref_slice %arg10[%dma_start3A, %dma_start3A_72] : memref<2x128xi32, #tpu.memory_space<vmem>> -> memref<1x128xi32, #tpu.memory_space<vmem>>
      %dma_start3A_74 = tpu.memref_squeeze %dma_start3A_73 : memref<1x128xi32, #tpu.memory_space<vmem>> -> memref<128xi32, #tpu.memory_space<vmem>>
      %dma_start3A_75 = arith.constant 0 : i32
      %dma_start3A_76 = arith.constant 0 : i32
      %dma_start3A_77 = tpu.memref_slice %arg4[%dma_start3A_75, %dma_start3A_76] : memref<512000x128xf32, #tpu.memory_space<hbm>> -> memref<512000x128xf32, #tpu.memory_space<hbm>>
      tpu.enqueue_indirect_dma source(%dma_start3A_77 : memref<512000x128xf32, #tpu.memory_space<hbm>>) target(%dma_start3A_71 : memref<128x128xf32, #tpu.memory_space<vmem>>) offsets(%dma_start3A_74 : memref<128xi32, #tpu.memory_space<vmem>>) semaphore(%arg17 : memref<!tpu.dma_semaphore, #tpu.memory_space<semaphore_mem>>)
      %dma_start3A_78 = arith.constant 1 : i32
      %dma_start3A_79 = arith.constant 128 : i32
      %dma_start3A_80 = arith.constant 0 : i32
      %dma_start3A_81 = tpu.memref_slice %arg12[%dma_start3A_79, %dma_start3A_80] : memref<256x128xf32, #tpu.memory_space<vmem>> -> memref<128x128xf32, #tpu.memory_space<vmem>>
      %dma_start3A_82 = arith.constant 0 : i32
      %dma_start3A_83 = tpu.memref_slice %arg10[%dma_start3A_78, %dma_start3A_82] : memref<2x128xi32, #tpu.memory_space<vmem>> -> memref<1x128xi32, #tpu.memory_space<vmem>>
      %dma_start3A_84 = tpu.memref_squeeze %dma_start3A_83 : memref<1x128xi32, #tpu.memory_space<vmem>> -> memref<128xi32, #tpu.memory_space<vmem>>
      %dma_start3A_85 = arith.constant 0 : i32
      %dma_start3A_86 = arith.constant 0 : i32
      %dma_start3A_87 = tpu.memref_slice %arg4[%dma_start3A_85, %dma_start3A_86] : memref<512000x128xf32, #tpu.memory_space<hbm>> -> memref<512000x128xf32, #tpu.memory_space<hbm>>
      tpu.enqueue_indirect_dma source(%dma_start3A_87 : memref<512000x128xf32, #tpu.memory_space<hbm>>) target(%dma_start3A_81 : memref<128x128xf32, #tpu.memory_space<vmem>>) offsets(%dma_start3A_84 : memref<128xi32, #tpu.memory_space<vmem>>) semaphore(%arg17 : memref<!tpu.dma_semaphore, #tpu.memory_space<semaphore_mem>>)
      %add3A_88 = arith.constant 1 : i32
      %add3A_89 = arith.addi %mul3A_58, %add3A_88 : i32
      %scan3A_90 = arith.constant 0 : i32
      %scan3A_91 = arith.constant 8 : i32
      %scan3A_92 = arith.addi %scan3A_90, %scan3A_91 : i32
      %scan3A_93 = arith.constant 1 : i32
      scf.for %scan3A_292 = %scan3A_90 to %scan3A_92 step %scan3A_93  : i32 {
        %mul3A_293 = arith.constant 256 : i32
        %mul3A_294 = arith.muli %add3A_89, %mul3A_293 : i32
        %add3A_295 = arith.constant 0 : i32
        %add3A_296 = arith.addi %mul3A_294, %add3A_295 : i32
        %mul3A_297 = arith.constant 16 : i32
        %mul3A_298 = arith.muli %scan3A_292, %mul3A_297 : i32
        %add3A_299 = arith.addi %add3A_296, %mul3A_298 : i32
        %get3A_300 = arith.constant 0 : i32
        %get3A_301 = arith.index_cast %get3A_300 : i32 to index
        %get3A_302 = arith.index_cast %add3A_299 : i32 to index
        %get3A_303 = tpu.vector_load %arg8[%get3A_301, %get3A_302] {strides = array<i32>} : memref<1x8192xi32, #tpu.memory_space<vmem>>, vector<1x16xi32>,
        %get3A_304 = vector.shape_cast %get3A_303 : vector<1x16xi32> to vector<16xi32>
        %ge3A = arith.constant 512000 : i32
        %ge3A_305 = vector.broadcast %ge3A : i32 to vector<16xi32>
        %ge3A_306 = arith.cmpi sge, %get3A_304, %ge3A_305 : vector<16xi32>
        %sub3A_307 = arith.constant 488000 : i32
        %sub3A_308 = vector.broadcast %sub3A_307 : i32 to vector<16xi32>
        %sub3A_309 = arith.subi %get3A_304, %sub3A_308 : vector<16xi32>
        %select_n3A_310 = arith.select %ge3A_306, %sub3A_309, %get3A_304 : vector<16xi1>, vector<16xi32>
        %mul3A_311 = arith.constant 16 : i32
        %mul3A_312 = arith.muli %scan3A_292, %mul3A_311 : i32
        %swap3A = arith.constant 0 : i32
        %swap3A_313 = arith.index_cast %swap3A : i32 to index
        %swap3A_314 = arith.index_cast %mul3A_312 : i32 to index
        %swap3A_315 = tpu.vector_load %arg11[%swap3A_313, %swap3A_314] {strides = array<i32>} : memref<2x128xi32, #tpu.memory_space<vmem>>, vector<1x16xi32>,
        %swap3A_316 = vector.shape_cast %swap3A_315 : vector<1x16xi32> to vector<16xi32>
        %swap3A_317 = vector.shape_cast %select_n3A_310 : vector<16xi32> to vector<1x16xi32>
        tpu.vector_store %arg11[%swap3A_313, %swap3A_314], %swap3A_317 {strides = array<i32>} : memref<2x128xi32, #tpu.memory_space<vmem>>, vector<1x16xi32>,
      }
      %scan3A_94 = arith.constant 8 : i32
      %scan3A_95 = arith.constant 0 : i32
      %scan3A_96 = arith.constant 8 : i32
      %scan3A_97 = arith.addi %scan3A_95, %scan3A_96 : i32
      %scan3A_98 = arith.constant 1 : i32
      scf.for %scan3A_292 = %scan3A_95 to %scan3A_97 step %scan3A_98  : i32 {
        %mul3A_293 = arith.constant 256 : i32
        %mul3A_294 = arith.muli %add3A_89, %mul3A_293 : i32
        %add3A_295 = arith.constant 128 : i32
        %add3A_296 = arith.addi %mul3A_294, %add3A_295 : i32
        %mul3A_297 = arith.constant 16 : i32
        %mul3A_298 = arith.muli %scan3A_292, %mul3A_297 : i32
        %add3A_299 = arith.addi %add3A_296, %mul3A_298 : i32
        %get3A_300 = arith.constant 0 : i32
        %get3A_301 = arith.index_cast %get3A_300 : i32 to index
        %get3A_302 = arith.index_cast %add3A_299 : i32 to index
        %get3A_303 = tpu.vector_load %arg8[%get3A_301, %get3A_302] {strides = array<i32>} : memref<1x8192xi32, #tpu.memory_space<vmem>>, vector<1x16xi32>,
        %get3A_304 = vector.shape_cast %get3A_303 : vector<1x16xi32> to vector<16xi32>
        %ge3A = arith.constant 512000 : i32
        %ge3A_305 = vector.broadcast %ge3A : i32 to vector<16xi32>
        %ge3A_306 = arith.cmpi sge, %get3A_304, %ge3A_305 : vector<16xi32>
        %sub3A_307 = arith.constant 488000 : i32
        %sub3A_308 = vector.broadcast %sub3A_307 : i32 to vector<16xi32>
        %sub3A_309 = arith.subi %get3A_304, %sub3A_308 : vector<16xi32>
        %select_n3A_310 = arith.select %ge3A_306, %sub3A_309, %get3A_304 : vector<16xi1>, vector<16xi32>
        %mul3A_311 = arith.constant 16 : i32
        %mul3A_312 = arith.muli %scan3A_292, %mul3A_311 : i32
        %swap3A = arith.constant 1 : i32
        %swap3A_313 = arith.index_cast %swap3A : i32 to index
        %swap3A_314 = arith.index_cast %mul3A_312 : i32 to index
        %swap3A_315 = tpu.vector_load %arg11[%swap3A_313, %swap3A_314] {strides = array<i32>} : memref<2x128xi32, #tpu.memory_space<vmem>>, vector<1x16xi32>,
        %swap3A_316 = vector.shape_cast %swap3A_315 : vector<1x16xi32> to vector<16xi32>
        %swap3A_317 = vector.shape_cast %select_n3A_310 : vector<16xi32> to vector<1x16xi32>
        tpu.vector_store %arg11[%swap3A_313, %swap3A_314], %swap3A_317 {strides = array<i32>} : memref<2x128xi32, #tpu.memory_space<vmem>>, vector<1x16xi32>,
      }
      %scan3A_99 = arith.constant 8 : i32
      %dma_start3A_100 = arith.constant 0 : i32
      %dma_start3A_101 = arith.constant 0 : i32
      %dma_start3A_102 = arith.constant 0 : i32
      %dma_start3A_103 = tpu.memref_slice %arg13[%dma_start3A_101, %dma_start3A_102] : memref<256x128xf32, #tpu.memory_space<vmem>> -> memref<128x128xf32, #tpu.memory_space<vmem>>
      %dma_start3A_104 = arith.constant 0 : i32
      %dma_start3A_105 = tpu.memref_slice %arg11[%dma_start3A_100, %dma_start3A_104] : memref<2x128xi32, #tpu.memory_space<vmem>> -> memref<1x128xi32, #tpu.memory_space<vmem>>
      %dma_start3A_106 = tpu.memref_squeeze %dma_start3A_105 : memref<1x128xi32, #tpu.memory_space<vmem>> -> memref<128xi32, #tpu.memory_space<vmem>>
      %dma_start3A_107 = arith.constant 0 : i32
      %dma_start3A_108 = arith.constant 0 : i32
      %dma_start3A_109 = tpu.memref_slice %arg4[%dma_start3A_107, %dma_start3A_108] : memref<512000x128xf32, #tpu.memory_space<hbm>> -> memref<512000x128xf32, #tpu.memory_space<hbm>>
      tpu.enqueue_indirect_dma source(%dma_start3A_109 : memref<512000x128xf32, #tpu.memory_space<hbm>>) target(%dma_start3A_103 : memref<128x128xf32, #tpu.memory_space<vmem>>) offsets(%dma_start3A_106 : memref<128xi32, #tpu.memory_space<vmem>>) semaphore(%arg18 : memref<!tpu.dma_semaphore, #tpu.memory_space<semaphore_mem>>)
      %dma_start3A_110 = arith.constant 1 : i32
      %dma_start3A_111 = arith.constant 128 : i32
      %dma_start3A_112 = arith.constant 0 : i32
      %dma_start3A_113 = tpu.memref_slice %arg13[%dma_start3A_111, %dma_start3A_112] : memref<256x128xf32, #tpu.memory_space<vmem>> -> memref<128x128xf32, #tpu.memory_space<vmem>>
      %dma_start3A_114 = arith.constant 0 : i32
      %dma_start3A_115 = tpu.memref_slice %arg11[%dma_start3A_110, %dma_start3A_114] : memref<2x128xi32, #tpu.memory_space<vmem>> -> memref<1x128xi32, #tpu.memory_space<vmem>>
      %dma_start3A_116 = tpu.memref_squeeze %dma_start3A_115 : memref<1x128xi32, #tpu.memory_space<vmem>> -> memref<128xi32, #tpu.memory_space<vmem>>
      %dma_start3A_117 = arith.constant 0 : i32
      %dma_start3A_118 = arith.constant 0 : i32
      %dma_start3A_119 = tpu.memref_slice %arg4[%dma_start3A_117, %dma_start3A_118] : memref<512000x128xf32, #tpu.memory_space<hbm>> -> memref<512000x128xf32, #tpu.memory_space<hbm>>
      tpu.enqueue_indirect_dma source(%dma_start3A_119 : memref<512000x128xf32, #tpu.memory_space<hbm>>) target(%dma_start3A_113 : memref<128x128xf32, #tpu.memory_space<vmem>>) offsets(%dma_start3A_116 : memref<128xi32, #tpu.memory_space<vmem>>) semaphore(%arg18 : memref<!tpu.dma_semaphore, #tpu.memory_space<semaphore_mem>>)
      %dma_wait3A = arith.constant 0 : i32
      %dma_wait3A_120 = arith.constant 0 : i32
      %dma_wait3A_121 = arith.constant 0 : i32
      %dma_wait3A_122 = tpu.memref_slice %arg12[%dma_wait3A_120, %dma_wait3A_121] : memref<256x128xf32, #tpu.memory_space<vmem>> -> memref<128x128xf32, #tpu.memory_space<vmem>>
      %dma_wait3A_123 = arith.constant 0 : i32
      %dma_wait3A_124 = tpu.memref_slice %arg10[%dma_wait3A, %dma_wait3A_123] : memref<2x128xi32, #tpu.memory_space<vmem>> -> memref<1x128xi32, #tpu.memory_space<vmem>>
      %dma_wait3A_125 = tpu.memref_squeeze %dma_wait3A_124 : memref<1x128xi32, #tpu.memory_space<vmem>> -> memref<128xi32, #tpu.memory_space<vmem>>
      %dma_wait3A_126 = arith.constant 0 : i32
      %dma_wait3A_127 = arith.constant 0 : i32
      %dma_wait3A_128 = tpu.memref_slice %arg4[%dma_wait3A_126, %dma_wait3A_127] : memref<512000x128xf32, #tpu.memory_space<hbm>> -> memref<512000x128xf32, #tpu.memory_space<hbm>>
      tpu.wait_indirect_dma semaphore(%arg17 : memref<!tpu.dma_semaphore, #tpu.memory_space<semaphore_mem>>) src(%dma_wait3A_128 : memref<512000x128xf32, #tpu.memory_space<hbm>>) dst(%dma_wait3A_122 : memref<128x128xf32, #tpu.memory_space<vmem>>)
      %dma_wait3A_129 = arith.constant 1 : i32
      %dma_wait3A_130 = arith.constant 128 : i32
      %dma_wait3A_131 = arith.constant 0 : i32
      %dma_wait3A_132 = tpu.memref_slice %arg12[%dma_wait3A_130, %dma_wait3A_131] : memref<256x128xf32, #tpu.memory_space<vmem>> -> memref<128x128xf32, #tpu.memory_space<vmem>>
      %dma_wait3A_133 = arith.constant 0 : i32
      %dma_wait3A_134 = tpu.memref_slice %arg10[%dma_wait3A_129, %dma_wait3A_133] : memref<2x128xi32, #tpu.memory_space<vmem>> -> memref<1x128xi32, #tpu.memory_space<vmem>>
      %dma_wait3A_135 = tpu.memref_squeeze %dma_wait3A_134 : memref<1x128xi32, #tpu.memory_space<vmem>> -> memref<128xi32, #tpu.memory_space<vmem>>
      %dma_wait3A_136 = arith.constant 0 : i32
      %dma_wait3A_137 = arith.constant 0 : i32
      %dma_wait3A_138 = tpu.memref_slice %arg4[%dma_wait3A_136, %dma_wait3A_137] : memref<512000x128xf32, #tpu.memory_space<hbm>> -> memref<512000x128xf32, #tpu.memory_space<hbm>>
      tpu.wait_indirect_dma semaphore(%arg17 : memref<!tpu.dma_semaphore, #tpu.memory_space<semaphore_mem>>) src(%dma_wait3A_138 : memref<512000x128xf32, #tpu.memory_space<hbm>>) dst(%dma_wait3A_132 : memref<128x128xf32, #tpu.memory_space<vmem>>)
      %div3A = arith.constant 16 : i32
      %div3A_139 = arith.divsi %mul3A_58, %div3A : i32
      %mul3A_140 = arith.constant 64 : i32
      %mul3A_141 = arith.muli %div3A_139, %mul3A_140 : i32
      %add3A_142 = arith.constant 0 : i32
      %add3A_143 = arith.addi %mul3A_141, %add3A_142 : i32
      %get3A_144 = arith.constant 0 : i32
      %get3A_145 = arith.index_cast %get3A_144 : i32 to index
      %get3A_146 = arith.index_cast %add3A_143 : i32 to index
      %get3A_147 = tpu.vector_load %arg15[%get3A_145, %get3A_146] {strides = array<i32>} : memref<1x128xf32, #tpu.memory_space<vmem>>, vector<1x16xf32>,
      %get3A_148 = vector.shape_cast %get3A_147 : vector<1x16xf32> to vector<16xf32>
      %add3A_149 = arith.addf %get3A_148, %get3A_13 : vector<16xf32>
      %add3A_150 = arith.constant 16 : i32
      %add3A_151 = arith.addi %mul3A_141, %add3A_150 : i32
      %get3A_152 = arith.constant 0 : i32
      %get3A_153 = arith.index_cast %get3A_152 : i32 to index
      %get3A_154 = arith.index_cast %add3A_151 : i32 to index
      %get3A_155 = tpu.vector_load %arg15[%get3A_153, %get3A_154] {strides = array<i32>} : memref<1x128xf32, #tpu.memory_space<vmem>>, vector<1x16xf32>,
      %get3A_156 = vector.shape_cast %get3A_155 : vector<1x16xf32> to vector<16xf32>
      %add3A_157 = arith.addf %get3A_156, %get3A_18 : vector<16xf32>
      %add3A_158 = arith.constant 32 : i32
      %add3A_159 = arith.addi %mul3A_141, %add3A_158 : i32
      %get3A_160 = arith.constant 0 : i32
      %get3A_161 = arith.index_cast %get3A_160 : i32 to index
      %get3A_162 = arith.index_cast %add3A_159 : i32 to index
      %get3A_163 = tpu.vector_load %arg15[%get3A_161, %get3A_162] {strides = array<i32>} : memref<1x128xf32, #tpu.memory_space<vmem>>, vector<1x16xf32>,
      %get3A_164 = vector.shape_cast %get3A_163 : vector<1x16xf32> to vector<16xf32>
      %add3A_165 = arith.addf %get3A_164, %get3A_23 : vector<16xf32>
      %add3A_166 = arith.constant 48 : i32
      %add3A_167 = arith.addi %mul3A_141, %add3A_166 : i32
      %get3A_168 = arith.constant 0 : i32
      %get3A_169 = arith.index_cast %get3A_168 : i32 to index
      %get3A_170 = arith.index_cast %add3A_167 : i32 to index
      %get3A_171 = tpu.vector_load %arg15[%get3A_169, %get3A_170] {strides = array<i32>} : memref<1x128xf32, #tpu.memory_space<vmem>>, vector<1x16xf32>,
      %get3A_172 = vector.shape_cast %get3A_171 : vector<1x16xf32> to vector<16xf32>
      %add3A_173 = arith.addf %get3A_172, %get3A_28 : vector<16xf32>
      %scan3A_174 = arith.constant 0 : i32
      %scan3A_175 = arith.constant 16 : i32
      %scan3A_176 = arith.addi %scan3A_174, %scan3A_175 : i32
      %scan3A_177 = arith.constant 1 : i32
      scf.for %scan3A_292 = %scan3A_174 to %scan3A_176 step %scan3A_177  : i32 {
        %mul3A_293 = arith.constant 256 : i32
        %mul3A_294 = arith.muli %mul3A_58, %mul3A_293 : i32
        %mul3A_295 = arith.constant 16 : i32
        %mul3A_296 = arith.muli %scan3A_292, %mul3A_295 : i32
        %add3A_297 = arith.addi %mul3A_294, %mul3A_296 : i32
        %get3A_298 = arith.constant 0 : i32
        %get3A_299 = arith.index_cast %get3A_298 : i32 to index
        %get3A_300 = arith.index_cast %add3A_297 : i32 to index
        %get3A_301 = tpu.vector_load %arg8[%get3A_299, %get3A_300] {strides = array<i32>} : memref<1x8192xi32, #tpu.memory_space<vmem>>, vector<1x16xi32>,
        %get3A_302 = vector.shape_cast %get3A_301 : vector<1x16xi32> to vector<16xi32>
        %get3A_303 = arith.constant 0 : i32
        %get3A_304 = arith.index_cast %get3A_303 : i32 to index
        %get3A_305 = arith.index_cast %add3A_297 : i32 to index
        %get3A_306 = tpu.vector_load %arg9[%get3A_304, %get3A_305] {strides = array<i32>} : memref<1x8192xi32, #tpu.memory_space<vmem>>, vector<1x16xi32>,
        %get3A_307 = vector.shape_cast %get3A_306 : vector<1x16xi32> to vector<16xi32>
        %mul3A_308 = arith.constant 16 : i32
        %mul3A_309 = arith.muli %scan3A_292, %mul3A_308 : i32
        %add3A_310 = arith.constant 0 : i32
        %add3A_311 = arith.addi %mul3A_309, %add3A_310 : i32
        %slice3A = vector.extract_strided_slice %get3A_302 {offsets = [0], sizes = [1], strides = [1]} : vector<16xi32> to vector<1xi32>
        %squeeze3A = vector.extract %slice3A[0] : i32 from vector<1xi32>
        %ge3A = arith.constant 512000 : i32
        %ge3A_312 = arith.cmpi sge, %squeeze3A, %ge3A : i32
        %convert_element_type3A = arith.extui %ge3A_312 : i1 to i32
        %mul3A_313 = arith.constant 64 : i32
        %mul3A_314 = arith.muli %convert_element_type3A, %mul3A_313 : i32
        %slice3A_315 = vector.extract_strided_slice %get3A_307 {offsets = [0], sizes = [1], strides = [1]} : vector<16xi32> to vector<1xi32>
        %squeeze3A_316 = vector.extract %slice3A_315[0] : i32 from vector<1xi32>
        %convert_element_type3A_317 = arith.sitofp %squeeze3A_316 : i32 to f32
        %broadcast_in_dim3A = vector.broadcast %convert_element_type3A_317 : f32 to vector<16xf32>
        %mul3A_318 = arith.constant 8 : i32
        %mul3A_319 = arith.muli %scan3A_292, %mul3A_318 : i32
        %add3A_320 = arith.constant 0 : i32
        %add3A_321 = arith.addi %mul3A_319, %add3A_320 : i32
        %add3A_322 = arith.constant 0 : i32
        %add3A_323 = arith.addi %mul3A_314, %add3A_322 : i32
        %get3A_324 = arith.index_cast %add3A_311 : i32 to index
        %get3A_325 = arith.index_cast %add3A_323 : i32 to index
        %get3A_326 = tpu.vector_load %arg12[%get3A_324, %get3A_325] {strides = array<i32>} : memref<256x128xf32, #tpu.memory_space<vmem>>, vector<1x16xf32>,
        %get3A_327 = vector.shape_cast %get3A_326 : vector<1x16xf32> to vector<16xf32>
        %add3A_328 = arith.addf %get3A_327, %add3A_149 : vector<16xf32>
        %mul3A_329 = arith.mulf %broadcast_in_dim3A, %sub3A : vector<16xf32>
        %add3A_330 = arith.addf %add3A_328, %mul3A_329 : vector<16xf32>
        %swap3A = arith.index_cast %add3A_321 : i32 to index
        %swap3A_331 = arith.constant 0 : index
        %swap3A_332 = tpu.vector_load %arg14[%swap3A, %swap3A_331] {strides = array<i32>} : memref<128x128xf32, #tpu.memory_space<vmem>>, vector<1x16xf32>,
        %swap3A_333 = vector.shape_cast %swap3A_332 : vector<1x16xf32> to vector<16xf32>
        %swap3A_334 = vector.shape_cast %add3A_330 : vector<16xf32> to vector<1x16xf32>
        tpu.vector_store %arg14[%swap3A, %swap3A_331], %swap3A_334 {strides = array<i32>} : memref<128x128xf32, #tpu.memory_space<vmem>>, vector<1x16xf32>,
        %add3A_335 = arith.constant 16 : i32
        %add3A_336 = arith.addi %mul3A_314, %add3A_335 : i32
        %get3A_337 = arith.index_cast %add3A_311 : i32 to index
        %get3A_338 = arith.index_cast %add3A_336 : i32 to index
        %get3A_339 = tpu.vector_load %arg12[%get3A_337, %get3A_338] {strides = array<i32>} : memref<256x128xf32, #tpu.memory_space<vmem>>, vector<1x16xf32>,
        %get3A_340 = vector.shape_cast %get3A_339 : vector<1x16xf32> to vector<16xf32>
        %add3A_341 = arith.addf %get3A_340, %add3A_157 : vector<16xf32>
        %mul3A_342 = arith.mulf %broadcast_in_dim3A, %sub3A_39 : vector<16xf32>
        %add3A_343 = arith.addf %add3A_341, %mul3A_342 : vector<16xf32>
        %swap3A_344 = arith.index_cast %add3A_321 : i32 to index
        %swap3A_345 = arith.constant 16 : index
        %swap3A_346 = tpu.vector_load %arg14[%swap3A_344, %swap3A_345] {strides = array<i32>} : memref<128x128xf32, #tpu.memory_space<vmem>>, vector<1x16xf32>,
        %swap3A_347 = vector.shape_cast %swap3A_346 : vector<1x16xf32> to vector<16xf32>
        %swap3A_348 = vector.shape_cast %add3A_343 : vector<16xf32> to vector<1x16xf32>
        tpu.vector_store %arg14[%swap3A_344, %swap3A_345], %swap3A_348 {strides = array<i32>} : memref<128x128xf32, #tpu.memory_space<vmem>>, vector<1x16xf32>,
        %add3A_349 = arith.constant 32 : i32
        %add3A_350 = arith.addi %mul3A_314, %add3A_349 : i32
        %get3A_351 = arith.index_cast %add3A_311 : i32 to index
        %get3A_352 = arith.index_cast %add3A_350 : i32 to index
        %get3A_353 = tpu.vector_load %arg12[%get3A_351, %get3A_352] {strides = array<i32>} : memref<256x128xf32, #tpu.memory_space<vmem>>, vector<1x16xf32>,
        %get3A_354 = vector.shape_cast %get3A_353 : vector<1x16xf32> to vector<16xf32>
        %add3A_355 = arith.addf %get3A_354, %add3A_165 : vector<16xf32>
        %mul3A_356 = arith.mulf %broadcast_in_dim3A, %sub3A_45 : vector<16xf32>
        %add3A_357 = arith.addf %add3A_355, %mul3A_356 : vector<16xf32>
        %swap3A_358 = arith.index_cast %add3A_321 : i32 to index
        %swap3A_359 = arith.constant 32 : index
        %swap3A_360 = tpu.vector_load %arg14[%swap3A_358, %swap3A_359] {strides = array<i32>} : memref<128x128xf32, #tpu.memory_space<vmem>>, vector<1x16xf32>,
        %swap3A_361 = vector.shape_cast %swap3A_360 : vector<1x16xf32> to vector<16xf32>
        %swap3A_362 = vector.shape_cast %add3A_357 : vector<16xf32> to vector<1x16xf32>
        tpu.vector_store %arg14[%swap3A_358, %swap3A_359], %swap3A_362 {strides = array<i32>} : memref<128x128xf32, #tpu.memory_space<vmem>>, vector<1x16xf32>,
        %add3A_363 = arith.constant 48 : i32
        %add3A_364 = arith.addi %mul3A_314, %add3A_363 : i32
        %get3A_365 = arith.index_cast %add3A_311 : i32 to index
        %get3A_366 = arith.index_cast %add3A_364 : i32 to index
        %get3A_367 = tpu.vector_load %arg12[%get3A_365, %get3A_366] {strides = array<i32>} : memref<256x128xf32, #tpu.memory_space<vmem>>, vector<1x16xf32>,
        %get3A_368 = vector.shape_cast %get3A_367 : vector<1x16xf32> to vector<16xf32>
        %add3A_369 = arith.addf %get3A_368, %add3A_173 : vector<16xf32>
        %mul3A_370 = arith.mulf %broadcast_in_dim3A, %sub3A_51 : vector<16xf32>
        %add3A_371 = arith.addf %add3A_369, %mul3A_370 : vector<16xf32>
        %swap3A_372 = arith.index_cast %add3A_321 : i32 to index
        %swap3A_373 = arith.constant 48 : index
        %swap3A_374 = tpu.vector_load %arg14[%swap3A_372, %swap3A_373] {strides = array<i32>} : memref<128x128xf32, #tpu.memory_space<vmem>>, vector<1x16xf32>,
        %swap3A_375 = vector.shape_cast %swap3A_374 : vector<1x16xf32> to vector<16xf32>
        %swap3A_376 = vector.shape_cast %add3A_371 : vector<16xf32> to vector<1x16xf32>
        tpu.vector_store %arg14[%swap3A_372, %swap3A_373], %swap3A_376 {strides = array<i32>} : memref<128x128xf32, #tpu.memory_space<vmem>>, vector<1x16xf32>,
        %mul3A_377 = arith.constant 16 : i32
        %mul3A_378 = arith.muli %scan3A_292, %mul3A_377 : i32
        %add3A_379 = arith.constant 1 : i32
        %add3A_380 = arith.addi %mul3A_378, %add3A_379 : i32
        %slice3A_381 = vector.extract_strided_slice %get3A_302 {offsets = [1], sizes = [1], strides = [1]} : vector<16xi32> to vector<1xi32>
        %squeeze3A_382 = vector.extract %slice3A_381[0] : i32 from vector<1xi32>
        %ge3A_383 = arith.constant 512000 : i32
        %ge3A_384 = arith.cmpi sge, %squeeze3A_382, %ge3A_383 : i32
        %convert_element_type3A_385 = arith.extui %ge3A_384 : i1 to i32
        %mul3A_386 = arith.constant 64 : i32
        %mul3A_387 = arith.muli %convert_element_type3A_385, %mul3A_386 : i32
        %slice3A_388 = vector.extract_strided_slice %get3A_307 {offsets = [1], sizes = [1], strides = [1]} : vector<16xi32> to vector<1xi32>
        %squeeze3A_389 = vector.extract %slice3A_388[0] : i32 from vector<1xi32>
        %convert_element_type3A_390 = arith.sitofp %squeeze3A_389 : i32 to f32
        %broadcast_in_dim3A_391 = vector.broadcast %convert_element_type3A_390 : f32 to vector<16xf32>
        %mul3A_392 = arith.constant 8 : i32
        %mul3A_393 = arith.muli %scan3A_292, %mul3A_392 : i32
        %add3A_394 = arith.constant 0 : i32
        %add3A_395 = arith.addi %mul3A_393, %add3A_394 : i32
        %add3A_396 = arith.constant 0 : i32
        %add3A_397 = arith.addi %mul3A_387, %add3A_396 : i32
        %get3A_398 = arith.index_cast %add3A_380 : i32 to index
        %get3A_399 = arith.index_cast %add3A_397 : i32 to index
        %get3A_400 = tpu.vector_load %arg12[%get3A_398, %get3A_399] {strides = array<i32>} : memref<256x128xf32, #tpu.memory_space<vmem>>, vector<1x16xf32>,
        %get3A_401 = vector.shape_cast %get3A_400 : vector<1x16xf32> to vector<16xf32>
        %add3A_402 = arith.addf %get3A_401, %add3A_149 : vector<16xf32>
        %mul3A_403 = arith.mulf %broadcast_in_dim3A_391, %sub3A : vector<16xf32>
        %add3A_404 = arith.addf %add3A_402, %mul3A_403 : vector<16xf32>
        %swap3A_405 = arith.index_cast %add3A_395 : i32 to index
        %swap3A_406 = arith.constant 64 : index
        %swap3A_407 = tpu.vector_load %arg14[%swap3A_405, %swap3A_406] {strides = array<i32>} : memref<128x128xf32, #tpu.memory_space<vmem>>, vector<1x16xf32>,
        %swap3A_408 = vector.shape_cast %swap3A_407 : vector<1x16xf32> to vector<16xf32>
        %swap3A_409 = vector.shape_cast %add3A_404 : vector<16xf32> to vector<1x16xf32>
        tpu.vector_store %arg14[%swap3A_405, %swap3A_406], %swap3A_409 {strides = array<i32>} : memref<128x128xf32, #tpu.memory_space<vmem>>, vector<1x16xf32>,
        %add3A_410 = arith.constant 16 : i32
        %add3A_411 = arith.addi %mul3A_387, %add3A_410 : i32
        %get3A_412 = arith.index_cast %add3A_380 : i32 to index
        %get3A_413 = arith.index_cast %add3A_411 : i32 to index
        %get3A_414 = tpu.vector_load %arg12[%get3A_412, %get3A_413] {strides = array<i32>} : memref<256x128xf32, #tpu.memory_space<vmem>>, vector<1x16xf32>,
        %get3A_415 = vector.shape_cast %get3A_414 : vector<1x16xf32> to vector<16xf32>
        %add3A_416 = arith.addf %get3A_415, %add3A_157 : vector<16xf32>
        %mul3A_417 = arith.mulf %broadcast_in_dim3A_391, %sub3A_39 : vector<16xf32>
        %add3A_418 = arith.addf %add3A_416, %mul3A_417 : vector<16xf32>
        %swap3A_419 = arith.index_cast %add3A_395 : i32 to index
        %swap3A_420 = arith.constant 80 : index
        %swap3A_421 = tpu.vector_load %arg14[%swap3A_419, %swap3A_420] {strides = array<i32>} : memref<128x128xf32, #tpu.memory_space<vmem>>, vector<1x16xf32>,
        %swap3A_422 = vector.shape_cast %swap3A_421 : vector<1x16xf32> to vector<16xf32>
        %swap3A_423 = vector.shape_cast %add3A_418 : vector<16xf32> to vector<1x16xf32>
        tpu.vector_store %arg14[%swap3A_419, %swap3A_420], %swap3A_423 {strides = array<i32>} : memref<128x128xf32, #tpu.memory_space<vmem>>, vector<1x16xf32>,
        %add3A_424 = arith.constant 32 : i32
        %add3A_425 = arith.addi %mul3A_387, %add3A_424 : i32
        %get3A_426 = arith.index_cast %add3A_380 : i32 to index
        %get3A_427 = arith.index_cast %add3A_425 : i32 to index
        %get3A_428 = tpu.vector_load %arg12[%get3A_426, %get3A_427] {strides = array<i32>} : memref<256x128xf32, #tpu.memory_space<vmem>>, vector<1x16xf32>,
        %get3A_429 = vector.shape_cast %get3A_428 : vector<1x16xf32> to vector<16xf32>
        %add3A_430 = arith.addf %get3A_429, %add3A_165 : vector<16xf32>
        %mul3A_431 = arith.mulf %broadcast_in_dim3A_391, %sub3A_45 : vector<16xf32>
        %add3A_432 = arith.addf %add3A_430, %mul3A_431 : vector<16xf32>
        %swap3A_433 = arith.index_cast %add3A_395 : i32 to index
        %swap3A_434 = arith.constant 96 : index
        %swap3A_435 = tpu.vector_load %arg14[%swap3A_433, %swap3A_434] {strides = array<i32>} : memref<128x128xf32, #tpu.memory_space<vmem>>, vector<1x16xf32>,
        %swap3A_436 = vector.shape_cast %swap3A_435 : vector<1x16xf32> to vector<16xf32>
        %swap3A_437 = vector.shape_cast %add3A_432 : vector<16xf32> to vector<1x16xf32>
        tpu.vector_store %arg14[%swap3A_433, %swap3A_434], %swap3A_437 {strides = array<i32>} : memref<128x128xf32, #tpu.memory_space<vmem>>, vector<1x16xf32>,
        %add3A_438 = arith.constant 48 : i32
        %add3A_439 = arith.addi %mul3A_387, %add3A_438 : i32
        %get3A_440 = arith.index_cast %add3A_380 : i32 to index
        %get3A_441 = arith.index_cast %add3A_439 : i32 to index
        %get3A_442 = tpu.vector_load %arg12[%get3A_440, %get3A_441] {strides = array<i32>} : memref<256x128xf32, #tpu.memory_space<vmem>>, vector<1x16xf32>,
        %get3A_443 = vector.shape_cast %get3A_442 : vector<1x16xf32> to vector<16xf32>
        %add3A_444 = arith.addf %get3A_443, %add3A_173 : vector<16xf32>
        %mul3A_445 = arith.mulf %broadcast_in_dim3A_391, %sub3A_51 : vector<16xf32>
        %add3A_446 = arith.addf %add3A_444, %mul3A_445 : vector<16xf32>
        %swap3A_447 = arith.index_cast %add3A_395 : i32 to index
        %swap3A_448 = arith.constant 112 : index
        %swap3A_449 = tpu.vector_load %arg14[%swap3A_447, %swap3A_448] {strides = array<i32>} : memref<128x128xf32, #tpu.memory_space<vmem>>, vector<1x16xf32>,
        %swap3A_450 = vector.shape_cast %swap3A_449 : vector<1x16xf32> to vector<16xf32>
        %swap3A_451 = vector.shape_cast %add3A_446 : vector<16xf32> to vector<1x16xf32>
        tpu.vector_store %arg14[%swap3A_447, %swap3A_448], %swap3A_451 {strides = array<i32>} : memref<128x128xf32, #tpu.memory_space<vmem>>, vector<1x16xf32>,
        %mul3A_452 = arith.constant 16 : i32
        %mul3A_453 = arith.muli %scan3A_292, %mul3A_452 : i32
        %add3A_454 = arith.constant 2 : i32
        %add3A_455 = arith.addi %mul3A_453, %add3A_454 : i32
        %slice3A_456 = vector.extract_strided_slice %get3A_302 {offsets = [2], sizes = [1], strides = [1]} : vector<16xi32> to vector<1xi32>
        %squeeze3A_457 = vector.extract %slice3A_456[0] : i32 from vector<1xi32>
        %ge3A_458 = arith.constant 512000 : i32
        %ge3A_459 = arith.cmpi sge, %squeeze3A_457, %ge3A_458 : i32
        %convert_element_type3A_460 = arith.extui %ge3A_459 : i1 to i32
        %mul3A_461 = arith.constant 64 : i32
        %mul3A_462 = arith.muli %convert_element_type3A_460, %mul3A_461 : i32
        %slice3A_463 = vector.extract_strided_slice %get3A_307 {offsets = [2], sizes = [1], strides = [1]} : vector<16xi32> to vector<1xi32>
        %squeeze3A_464 = vector.extract %slice3A_463[0] : i32 from vector<1xi32>
        %convert_element_type3A_465 = arith.sitofp %squeeze3A_464 : i32 to f32
        %broadcast_in_dim3A_466 = vector.broadcast %convert_element_type3A_465 : f32 to vector<16xf32>
        %mul3A_467 = arith.constant 8 : i32
        %mul3A_468 = arith.muli %scan3A_292, %mul3A_467 : i32
        %add3A_469 = arith.constant 1 : i32
        %add3A_470 = arith.addi %mul3A_468, %add3A_469 : i32
        %add3A_471 = arith.constant 0 : i32
        %add3A_472 = arith.addi %mul3A_462, %add3A_471 : i32
        %get3A_473 = arith.index_cast %add3A_455 : i32 to index
        %get3A_474 = arith.index_cast %add3A_472 : i32 to index
        %get3A_475 = tpu.vector_load %arg12[%get3A_473, %get3A_474] {strides = array<i32>} : memref<256x128xf32, #tpu.memory_space<vmem>>, vector<1x16xf32>,
        %get3A_476 = vector.shape_cast %get3A_475 : vector<1x16xf32> to vector<16xf32>
        %add3A_477 = arith.addf %get3A_476, %add3A_149 : vector<16xf32>
        %mul3A_478 = arith.mulf %broadcast_in_dim3A_466, %sub3A : vector<16xf32>
        %add3A_479 = arith.addf %add3A_477, %mul3A_478 : vector<16xf32>
        %swap3A_480 = arith.index_cast %add3A_470 : i32 to index
        %swap3A_481 = arith.constant 0 : index
        %swap3A_482 = tpu.vector_load %arg14[%swap3A_480, %swap3A_481] {strides = array<i32>} : memref<128x128xf32, #tpu.memory_space<vmem>>, vector<1x16xf32>,
        %swap3A_483 = vector.shape_cast %swap3A_482 : vector<1x16xf32> to vector<16xf32>
        %swap3A_484 = vector.shape_cast %add3A_479 : vector<16xf32> to vector<1x16xf32>
        tpu.vector_store %arg14[%swap3A_480, %swap3A_481], %swap3A_484 {strides = array<i32>} : memref<128x128xf32, #tpu.memory_space<vmem>>, vector<1x16xf32>,
        %add3A_485 = arith.constant 16 : i32
        %add3A_486 = arith.addi %mul3A_462, %add3A_485 : i32
        %get3A_487 = arith.index_cast %add3A_455 : i32 to index
        %get3A_488 = arith.index_cast %add3A_486 : i32 to index
        %get3A_489 = tpu.vector_load %arg12[%get3A_487, %get3A_488] {strides = array<i32>} : memref<256x128xf32, #tpu.memory_space<vmem>>, vector<1x16xf32>,
        %get3A_490 = vector.shape_cast %get3A_489 : vector<1x16xf32> to vector<16xf32>
        %add3A_491 = arith.addf %get3A_490, %add3A_157 : vector<16xf32>
        %mul3A_492 = arith.mulf %broadcast_in_dim3A_466, %sub3A_39 : vector<16xf32>
        %add3A_493 = arith.addf %add3A_491, %mul3A_492 : vector<16xf32>
        %swap3A_494 = arith.index_cast %add3A_470 : i32 to index
        %swap3A_495 = arith.constant 16 : index
        %swap3A_496 = tpu.vector_load %arg14[%swap3A_494, %swap3A_495] {strides = array<i32>} : memref<128x128xf32, #tpu.memory_space<vmem>>, vector<1x16xf32>,
        %swap3A_497 = vector.shape_cast %swap3A_496 : vector<1x16xf32> to vector<16xf32>
        %swap3A_498 = vector.shape_cast %add3A_493 : vector<16xf32> to vector<1x16xf32>
        tpu.vector_store %arg14[%swap3A_494, %swap3A_495], %swap3A_498 {strides = array<i32>} : memref<128x128xf32, #tpu.memory_space<vmem>>, vector<1x16xf32>,
        %add3A_499 = arith.constant 32 : i32
        %add3A_500 = arith.addi %mul3A_462, %add3A_499 : i32
        %get3A_501 = arith.index_cast %add3A_455 : i32 to index
        %get3A_502 = arith.index_cast %add3A_500 : i32 to index
        %get3A_503 = tpu.vector_load %arg12[%get3A_501, %get3A_502] {strides = array<i32>} : memref<256x128xf32, #tpu.memory_space<vmem>>, vector<1x16xf32>,
        %get3A_504 = vector.shape_cast %get3A_503 : vector<1x16xf32> to vector<16xf32>
        %add3A_505 = arith.addf %get3A_504, %add3A_165 : vector<16xf32>
        %mul3A_506 = arith.mulf %broadcast_in_dim3A_466, %sub3A_45 : vector<16xf32>
        %add3A_507 = arith.addf %add3A_505, %mul3A_506 : vector<16xf32>
        %swap3A_508 = arith.index_cast %add3A_470 : i32 to index
        %swap3A_509 = arith.constant 32 : index
        %swap3A_510 = tpu.vector_load %arg14[%swap3A_508, %swap3A_509] {strides = array<i32>} : memref<128x128xf32, #tpu.memory_space<vmem>>, vector<1x16xf32>,
        %swap3A_511 = vector.shape_cast %swap3A_510 : vector<1x16xf32> to vector<16xf32>
        %swap3A_512 = vector.shape_cast %add3A_507 : vector<16xf32> to vector<1x16xf32>
        tpu.vector_store %arg14[%swap3A_508, %swap3A_509], %swap3A_512 {strides = array<i32>} : memref<128x128xf32, #tpu.memory_space<vmem>>, vector<1x16xf32>,
        %add3A_513 = arith.constant 48 : i32
        %add3A_514 = arith.addi %mul3A_462, %add3A_513 : i32
        %get3A_515 = arith.index_cast %add3A_455 : i32 to index
        %get3A_516 = arith.index_cast %add3A_514 : i32 to index
        %get3A_517 = tpu.vector_load %arg12[%get3A_515, %get3A_516] {strides = array<i32>} : memref<256x128xf32, #tpu.memory_space<vmem>>, vector<1x16xf32>,
        %get3A_518 = vector.shape_cast %get3A_517 : vector<1x16xf32> to vector<16xf32>
        %add3A_519 = arith.addf %get3A_518, %add3A_173 : vector<16xf32>
        %mul3A_520 = arith.mulf %broadcast_in_dim3A_466, %sub3A_51 : vector<16xf32>
        %add3A_521 = arith.addf %add3A_519, %mul3A_520 : vector<16xf32>
        %swap3A_522 = arith.index_cast %add3A_470 : i32 to index
        %swap3A_523 = arith.constant 48 : index
        %swap3A_524 = tpu.vector_load %arg14[%swap3A_522, %swap3A_523] {strides = array<i32>} : memref<128x128xf32, #tpu.memory_space<vmem>>, vector<1x16xf32>,
        %swap3A_525 = vector.shape_cast %swap3A_524 : vector<1x16xf32> to vector<16xf32>
        %swap3A_526 = vector.shape_cast %add3A_521 : vector<16xf32> to vector<1x16xf32>
        tpu.vector_store %arg14[%swap3A_522, %swap3A_523], %swap3A_526 {strides = array<i32>} : memref<128x128xf32, #tpu.memory_space<vmem>>, vector<1x16xf32>,
        %mul3A_527 = arith.constant 16 : i32
        %mul3A_528 = arith.muli %scan3A_292, %mul3A_527 : i32
        %add3A_529 = arith.constant 3 : i32
        %add3A_530 = arith.addi %mul3A_528, %add3A_529 : i32
        %slice3A_531 = vector.extract_strided_slice %get3A_302 {offsets = [3], sizes = [1], strides = [1]} : vector<16xi32> to vector<1xi32>
        %squeeze3A_532 = vector.extract %slice3A_531[0] : i32 from vector<1xi32>
        %ge3A_533 = arith.constant 512000 : i32
        %ge3A_534 = arith.cmpi sge, %squeeze3A_532, %ge3A_533 : i32
        %convert_element_type3A_535 = arith.extui %ge3A_534 : i1 to i32
        %mul3A_536 = arith.constant 64 : i32
        %mul3A_537 = arith.muli %convert_element_type3A_535, %mul3A_536 : i32
        %slice3A_538 = vector.extract_strided_slice %get3A_307 {offsets = [3], sizes = [1], strides = [1]} : vector<16xi32> to vector<1xi32>
        %squeeze3A_539 = vector.extract %slice3A_538[0] : i32 from vector<1xi32>
        %convert_element_type3A_540 = arith.sitofp %squeeze3A_539 : i32 to f32
        %broadcast_in_dim3A_541 = vector.broadcast %convert_element_type3A_540 : f32 to vector<16xf32>
        %mul3A_542 = arith.constant 8 : i32
        %mul3A_543 = arith.muli %scan3A_292, %mul3A_542 : i32
        %add3A_544 = arith.constant 1 : i32
        %add3A_545 = arith.addi %mul3A_543, %add3A_544 : i32
        %add3A_546 = arith.constant 0 : i32
        %add3A_547 = arith.addi %mul3A_537, %add3A_546 : i32
        %get3A_548 = arith.index_cast %add3A_530 : i32 to index
        %get3A_549 = arith.index_cast %add3A_547 : i32 to index
        %get3A_550 = tpu.vector_load %arg12[%get3A_548, %get3A_549] {strides = array<i32>} : memref<256x128xf32, #tpu.memory_space<vmem>>, vector<1x16xf32>,
        %get3A_551 = vector.shape_cast %get3A_550 : vector<1x16xf32> to vector<16xf32>
        %add3A_552 = arith.addf %get3A_551, %add3A_149 : vector<16xf32>
        %mul3A_553 = arith.mulf %broadcast_in_dim3A_541, %sub3A : vector<16xf32>
        %add3A_554 = arith.addf %add3A_552, %mul3A_553 : vector<16xf32>
        %swap3A_555 = arith.index_cast %add3A_545 : i32 to index
        %swap3A_556 = arith.constant 64 : index
        %swap3A_557 = tpu.vector_load %arg14[%swap3A_555, %swap3A_556] {strides = array<i32>} : memref<128x128xf32, #tpu.memory_space<vmem>>, vector<1x16xf32>,
        %swap3A_558 = vector.shape_cast %swap3A_557 : vector<1x16xf32> to vector<16xf32>
        %swap3A_559 = vector.shape_cast %add3A_554 : vector<16xf32> to vector<1x16xf32>
        tpu.vector_store %arg14[%swap3A_555, %swap3A_556], %swap3A_559 {strides = array<i32>} : memref<128x128xf32, #tpu.memory_space<vmem>>, vector<1x16xf32>,
        %add3A_560 = arith.constant 16 : i32
        %add3A_561 = arith.addi %mul3A_537, %add3A_560 : i32
        %get3A_562 = arith.index_cast %add3A_530 : i32 to index
        %get3A_563 = arith.index_cast %add3A_561 : i32 to index
        %get3A_564 = tpu.vector_load %arg12[%get3A_562, %get3A_563] {strides = array<i32>} : memref<256x128xf32, #tpu.memory_space<vmem>>, vector<1x16xf32>,
        %get3A_565 = vector.shape_cast %get3A_564 : vector<1x16xf32> to vector<16xf32>
        %add3A_566 = arith.addf %get3A_565, %add3A_157 : vector<16xf32>
        %mul3A_567 = arith.mulf %broadcast_in_dim3A_541, %sub3A_39 : vector<16xf32>
        %add3A_568 = arith.addf %add3A_566, %mul3A_567 : vector<16xf32>
        %swap3A_569 = arith.index_cast %add3A_545 : i32 to index
        %swap3A_570 = arith.constant 80 : index
        %swap3A_571 = tpu.vector_load %arg14[%swap3A_569, %swap3A_570] {strides = array<i32>} : memref<128x128xf32, #tpu.memory_space<vmem>>, vector<1x16xf32>,
        %swap3A_572 = vector.shape_cast %swap3A_571 : vector<1x16xf32> to vector<16xf32>
        %swap3A_573 = vector.shape_cast %add3A_568 : vector<16xf32> to vector<1x16xf32>
        tpu.vector_store %arg14[%swap3A_569, %swap3A_570], %swap3A_573 {strides = array<i32>} : memref<128x128xf32, #tpu.memory_space<vmem>>, vector<1x16xf32>,
        %add3A_574 = arith.constant 32 : i32
        %add3A_575 = arith.addi %mul3A_537, %add3A_574 : i32
        %get3A_576 = arith.index_cast %add3A_530 : i32 to index
        %get3A_577 = arith.index_cast %add3A_575 : i32 to index
        %get3A_578 = tpu.vector_load %arg12[%get3A_576, %get3A_577] {strides = array<i32>} : memref<256x128xf32, #tpu.memory_space<vmem>>, vector<1x16xf32>,
        %get3A_579 = vector.shape_cast %get3A_578 : vector<1x16xf32> to vector<16xf32>
        %add3A_580 = arith.addf %get3A_579, %add3A_165 : vector<16xf32>
        %mul3A_581 = arith.mulf %broadcast_in_dim3A_541, %sub3A_45 : vector<16xf32>
        %add3A_582 = arith.addf %add3A_580, %mul3A_581 : vector<16xf32>
        %swap3A_583 = arith.index_cast %add3A_545 : i32 to index
        %swap3A_584 = arith.constant 96 : index
        %swap3A_585 = tpu.vector_load %arg14[%swap3A_583, %swap3A_584] {strides = array<i32>} : memref<128x128xf32, #tpu.memory_space<vmem>>, vector<1x16xf32>,
        %swap3A_586 = vector.shape_cast %swap3A_585 : vector<1x16xf32> to vector<16xf32>
        %swap3A_587 = vector.shape_cast %add3A_582 : vector<16xf32> to vector<1x16xf32>
        tpu.vector_store %arg14[%swap3A_583, %swap3A_584], %swap3A_587 {strides = array<i32>} : memref<128x128xf32, #tpu.memory_space<vmem>>, vector<1x16xf32>,
        %add3A_588 = arith.constant 48 : i32
        %add3A_589 = arith.addi %mul3A_537, %add3A_588 : i32
        %get3A_590 = arith.index_cast %add3A_530 : i32 to index
        %get3A_591 = arith.index_cast %add3A_589 : i32 to index
        %get3A_592 = tpu.vector_load %arg12[%get3A_590, %get3A_591] {strides = array<i32>} : memref<256x128xf32, #tpu.memory_space<vmem>>, vector<1x16xf32>,
        %get3A_593 = vector.shape_cast %get3A_592 : vector<1x16xf32> to vector<16xf32>
        %add3A_594 = arith.addf %get3A_593, %add3A_173 : vector<16xf32>
        %mul3A_595 = arith.mulf %broadcast_in_dim3A_541, %sub3A_51 : vector<16xf32>
        %add3A_596 = arith.addf %add3A_594, %mul3A_595 : vector<16xf32>
        %swap3A_597 = arith.index_cast %add3A_545 : i32 to index
        %swap3A_598 = arith.constant 112 : index
        %swap3A_599 = tpu.vector_load %arg14[%swap3A_597, %swap3A_598] {strides = array<i32>} : memref<128x128xf32, #tpu.memory_space<vmem>>, vector<1x16xf32>,
        %swap3A_600 = vector.shape_cast %swap3A_599 : vector<1x16xf32> to vector<16xf32>
        %swap3A_601 = vector.shape_cast %add3A_596 : vector<16xf32> to vector<1x16xf32>
        tpu.vector_store %arg14[%swap3A_597, %swap3A_598], %swap3A_601 {strides = array<i32>} : memref<128x128xf32, #tpu.memory_space<vmem>>, vector<1x16xf32>,
        %mul3A_602 = arith.constant 16 : i32
        %mul3A_603 = arith.muli %scan3A_292, %mul3A_602 : i32
        %add3A_604 = arith.constant 4 : i32
        %add3A_605 = arith.addi %mul3A_603, %add3A_604 : i32
        %slice3A_606 = vector.extract_strided_slice %get3A_302 {offsets = [4], sizes = [1], strides = [1]} : vector<16xi32> to vector<1xi32>
        %squeeze3A_607 = vector.extract %slice3A_606[0] : i32 from vector<1xi32>
        %ge3A_608 = arith.constant 512000 : i32
        %ge3A_609 = arith.cmpi sge, %squeeze3A_607, %ge3A_608 : i32
        %convert_element_type3A_610 = arith.extui %ge3A_609 : i1 to i32
        %mul3A_611 = arith.constant 64 : i32
        %mul3A_612 = arith.muli %convert_element_type3A_610, %mul3A_611 : i32
        %slice3A_613 = vector.extract_strided_slice %get3A_307 {offsets = [4], sizes = [1], strides = [1]} : vector<16xi32> to vector<1xi32>
        %squeeze3A_614 = vector.extract %slice3A_613[0] : i32 from vector<1xi32>
        %convert_element_type3A_615 = arith.sitofp %squeeze3A_614 : i32 to f32
        %broadcast_in_dim3A_616 = vector.broadcast %convert_element_type3A_615 : f32 to vector<16xf32>
        %mul3A_617 = arith.constant 8 : i32
        %mul3A_618 = arith.muli %scan3A_292, %mul3A_617 : i32
        %add3A_619 = arith.constant 2 : i32
        %add3A_620 = arith.addi %mul3A_618, %add3A_619 : i32
        %add3A_621 = arith.constant 0 : i32
        %add3A_622 = arith.addi %mul3A_612, %add3A_621 : i32
        %get3A_623 = arith.index_cast %add3A_605 : i32 to index
        %get3A_624 = arith.index_cast %add3A_622 : i32 to index
        %get3A_625 = tpu.vector_load %arg12[%get3A_623, %get3A_624] {strides = array<i32>} : memref<256x128xf32, #tpu.memory_space<vmem>>, vector<1x16xf32>,
        %get3A_626 = vector.shape_cast %get3A_625 : vector<1x16xf32> to vector<16xf32>
        %add3A_627 = arith.addf %get3A_626, %add3A_149 : vector<16xf32>
        %mul3A_628 = arith.mulf %broadcast_in_dim3A_616, %sub3A : vector<16xf32>
        %add3A_629 = arith.addf %add3A_627, %mul3A_628 : vector<16xf32>
        %swap3A_630 = arith.index_cast %add3A_620 : i32 to index
        %swap3A_631 = arith.constant 0 : index
        %swap3A_632 = tpu.vector_load %arg14[%swap3A_630, %swap3A_631] {strides = array<i32>} : memref<128x128xf32, #tpu.memory_space<vmem>>, vector<1x16xf32>,
        %swap3A_633 = vector.shape_cast %swap3A_632 : vector<1x16xf32> to vector<16xf32>
        %swap3A_634 = vector.shape_cast %add3A_629 : vector<16xf32> to vector<1x16xf32>
        tpu.vector_store %arg14[%swap3A_630, %swap3A_631], %swap3A_634 {strides = array<i32>} : memref<128x128xf32, #tpu.memory_space<vmem>>, vector<1x16xf32>,
        %add3A_635 = arith.constant 16 : i32
        %add3A_636 = arith.addi %mul3A_612, %add3A_635 : i32
        %get3A_637 = arith.index_cast %add3A_605 : i32 to index
        %get3A_638 = arith.index_cast %add3A_636 : i32 to index
        %get3A_639 = tpu.vector_load %arg12[%get3A_637, %get3A_638] {strides = array<i32>} : memref<256x128xf32, #tpu.memory_space<vmem>>, vector<1x16xf32>,
        %get3A_640 = vector.shape_cast %get3A_639 : vector<1x16xf32> to vector<16xf32>
        %add3A_641 = arith.addf %get3A_640, %add3A_157 : vector<16xf32>
        %mul3A_642 = arith.mulf %broadcast_in_dim3A_616, %sub3A_39 : vector<16xf32>
        %add3A_643 = arith.addf %add3A_641, %mul3A_642 : vector<16xf32>
        %swap3A_644 = arith.index_cast %add3A_620 : i32 to index
        %swap3A_645 = arith.constant 16 : index
        %swap3A_646 = tpu.vector_load %arg14[%swap3A_644, %swap3A_645] {strides = array<i32>} : memref<128x128xf32, #tpu.memory_space<vmem>>, vector<1x16xf32>,
        %swap3A_647 = vector.shape_cast %swap3A_646 : vector<1x16xf32> to vector<16xf32>
        %swap3A_648 = vector.shape_cast %add3A_643 : vector<16xf32> to vector<1x16xf32>
        tpu.vector_store %arg14[%swap3A_644, %swap3A_645], %swap3A_648 {strides = array<i32>} : memref<128x128xf32, #tpu.memory_space<vmem>>, vector<1x16xf32>,
        %add3A_649 = arith.constant 32 : i32
        %add3A_650 = arith.addi %mul3A_612, %add3A_649 : i32
        %get3A_651 = arith.index_cast %add3A_605 : i32 to index
        %get3A_652 = arith.index_cast %add3A_650 : i32 to index
        %get3A_653 = tpu.vector_load %arg12[%get3A_651, %get3A_652] {strides = array<i32>} : memref<256x128xf32, #tpu.memory_space<vmem>>, vector<1x16xf32>,
        %get3A_654 = vector.shape_cast %get3A_653 : vector<1x16xf32> to vector<16xf32>
        %add3A_655 = arith.addf %get3A_654, %add3A_165 : vector<16xf32>
        %mul3A_656 = arith.mulf %broadcast_in_dim3A_616, %sub3A_45 : vector<16xf32>
        %add3A_657 = arith.addf %add3A_655, %mul3A_656 : vector<16xf32>
        %swap3A_658 = arith.index_cast %add3A_620 : i32 to index
        %swap3A_659 = arith.constant 32 : index
        %swap3A_660 = tpu.vector_load %arg14[%swap3A_658, %swap3A_659] {strides = array<i32>} : memref<128x128xf32, #tpu.memory_space<vmem>>, vector<1x16xf32>,
        %swap3A_661 = vector.shape_cast %swap3A_660 : vector<1x16xf32> to vector<16xf32>
        %swap3A_662 = vector.shape_cast %add3A_657 : vector<16xf32> to vector<1x16xf32>
        tpu.vector_store %arg14[%swap3A_658, %swap3A_659], %swap3A_662 {strides = array<i32>} : memref<128x128xf32, #tpu.memory_space<vmem>>, vector<1x16xf32>,
        %add3A_663 = arith.constant 48 : i32
        %add3A_664 = arith.addi %mul3A_612, %add3A_663 : i32
        %get3A_665 = arith.index_cast %add3A_605 : i32 to index
        %get3A_666 = arith.index_cast %add3A_664 : i32 to index
        %get3A_667 = tpu.vector_load %arg12[%get3A_665, %get3A_666] {strides = array<i32>} : memref<256x128xf32, #tpu.memory_space<vmem>>, vector<1x16xf32>,
        %get3A_668 = vector.shape_cast %get3A_667 : vector<1x16xf32> to vector<16xf32>
        %add3A_669 = arith.addf %get3A_668, %add3A_173 : vector<16xf32>
        %mul3A_670 = arith.mulf %broadcast_in_dim3A_616, %sub3A_51 : vector<16xf32>
        %add3A_671 = arith.addf %add3A_669, %mul3A_670 : vector<16xf32>
        %swap3A_672 = arith.index_cast %add3A_620 : i32 to index
        %swap3A_673 = arith.constant 48 : index
        %swap3A_674 = tpu.vector_load %arg14[%swap3A_672, %swap3A_673] {strides = array<i32>} : memref<128x128xf32, #tpu.memory_space<vmem>>, vector<1x16xf32>,
        %swap3A_675 = vector.shape_cast %swap3A_674 : vector<1x16xf32> to vector<16xf32>
        %swap3A_676 = vector.shape_cast %add3A_671 : vector<16xf32> to vector<1x16xf32>
        tpu.vector_store %arg14[%swap3A_672, %swap3A_673], %swap3A_676 {strides = array<i32>} : memref<128x128xf32, #tpu.memory_space<vmem>>, vector<1x16xf32>,
        %mul3A_677 = arith.constant 16 : i32
        %mul3A_678 = arith.muli %scan3A_292, %mul3A_677 : i32
        %add3A_679 = arith.constant 5 : i32
        %add3A_680 = arith.addi %mul3A_678, %add3A_679 : i32
        %slice3A_681 = vector.extract_strided_slice %get3A_302 {offsets = [5], sizes = [1], strides = [1]} : vector<16xi32> to vector<1xi32>
        %squeeze3A_682 = vector.extract %slice3A_681[0] : i32 from vector<1xi32>
        %ge3A_683 = arith.constant 512000 : i32
        %ge3A_684 = arith.cmpi sge, %squeeze3A_682, %ge3A_683 : i32
        %convert_element_type3A_685 = arith.extui %ge3A_684 : i1 to i32
        %mul3A_686 = arith.constant 64 : i32
        %mul3A_687 = arith.muli %convert_element_type3A_685, %mul3A_686 : i32
        %slice3A_688 = vector.extract_strided_slice %get3A_307 {offsets = [5], sizes = [1], strides = [1]} : vector<16xi32> to vector<1xi32>
        %squeeze3A_689 = vector.extract %slice3A_688[0] : i32 from vector<1xi32>
        %convert_element_type3A_690 = arith.sitofp %squeeze3A_689 : i32 to f32
        %broadcast_in_dim3A_691 = vector.broadcast %convert_element_type3A_690 : f32 to vector<16xf32>
        %mul3A_692 = arith.constant 8 : i32
        %mul3A_693 = arith.muli %scan3A_292, %mul3A_692 : i32
        %add3A_694 = arith.constant 2 : i32
        %add3A_695 = arith.addi %mul3A_693, %add3A_694 : i32
        %add3A_696 = arith.constant 0 : i32
        %add3A_697 = arith.addi %mul3A_687, %add3A_696 : i32
        %get3A_698 = arith.index_cast %add3A_680 : i32 to index
        %get3A_699 = arith.index_cast %add3A_697 : i32 to index
        %get3A_700 = tpu.vector_load %arg12[%get3A_698, %get3A_699] {strides = array<i32>} : memref<256x128xf32, #tpu.memory_space<vmem>>, vector<1x16xf32>,
        %get3A_701 = vector.shape_cast %get3A_700 : vector<1x16xf32> to vector<16xf32>
        %add3A_702 = arith.addf %get3A_701, %add3A_149 : vector<16xf32>
        %mul3A_703 = arith.mulf %broadcast_in_dim3A_691, %sub3A : vector<16xf32>
        %add3A_704 = arith.addf %add3A_702, %mul3A_703 : vector<16xf32>
        %swap3A_705 = arith.index_cast %add3A_695 : i32 to index
        %swap3A_706 = arith.constant 64 : index
        %swap3A_707 = tpu.vector_load %arg14[%swap3A_705, %swap3A_706] {strides = array<i32>} : memref<128x128xf32, #tpu.memory_space<vmem>>, vector<1x16xf32>,
        %swap3A_708 = vector.shape_cast %swap3A_707 : vector<1x16xf32> to vector<16xf32>
        %swap3A_709 = vector.shape_cast %add3A_704 : vector<16xf32> to vector<1x16xf32>
        tpu.vector_store %arg14[%swap3A_705, %swap3A_706], %swap3A_709 {strides = array<i32>} : memref<128x128xf32, #tpu.memory_space<vmem>>, vector<1x16xf32>,
        %add3A_710 = arith.constant 16 : i32
        %add3A_711 = arith.addi %mul3A_687, %add3A_710 : i32
        %get3A_712 = arith.index_cast %add3A_680 : i32 to index
        %get3A_713 = arith.index_cast %add3A_711 : i32 to index
        %get3A_714 = tpu.vector_load %arg12[%get3A_712, %get3A_713] {strides = array<i32>} : memref<256x128xf32, #tpu.memory_space<vmem>>, vector<1x16xf32>,
        %get3A_715 = vector.shape_cast %get3A_714 : vector<1x16xf32> to vector<16xf32>
        %add3A_716 = arith.addf %get3A_715, %add3A_157 : vector<16xf32>
        %mul3A_717 = arith.mulf %broadcast_in_dim3A_691, %sub3A_39 : vector<16xf32>
        %add3A_718 = arith.addf %add3A_716, %mul3A_717 : vector<16xf32>
        %swap3A_719 = arith.index_cast %add3A_695 : i32 to index
        %swap3A_720 = arith.constant 80 : index
        %swap3A_721 = tpu.vector_load %arg14[%swap3A_719, %swap3A_720] {strides = array<i32>} : memref<128x128xf32, #tpu.memory_space<vmem>>, vector<1x16xf32>,
        %swap3A_722 = vector.shape_cast %swap3A_721 : vector<1x16xf32> to vector<16xf32>
        %swap3A_723 = vector.shape_cast %add3A_718 : vector<16xf32> to vector<1x16xf32>
        tpu.vector_store %arg14[%swap3A_719, %swap3A_720], %swap3A_723 {strides = array<i32>} : memref<128x128xf32, #tpu.memory_space<vmem>>, vector<1x16xf32>,
        %add3A_724 = arith.constant 32 : i32
        %add3A_725 = arith.addi %mul3A_687, %add3A_724 : i32
        %get3A_726 = arith.index_cast %add3A_680 : i32 to index
        %get3A_727 = arith.index_cast %add3A_725 : i32 to index
        %get3A_728 = tpu.vector_load %arg12[%get3A_726, %get3A_727] {strides = array<i32>} : memref<256x128xf32, #tpu.memory_space<vmem>>, vector<1x16xf32>,
        %get3A_729 = vector.shape_cast %get3A_728 : vector<1x16xf32> to vector<16xf32>
        %add3A_730 = arith.addf %get3A_729, %add3A_165 : vector<16xf32>
        %mul3A_731 = arith.mulf %broadcast_in_dim3A_691, %sub3A_45 : vector<16xf32>
        %add3A_732 = arith.addf %add3A_730, %mul3A_731 : vector<16xf32>
        %swap3A_733 = arith.index_cast %add3A_695 : i32 to index
        %swap3A_734 = arith.constant 96 : index
        %swap3A_735 = tpu.vector_load %arg14[%swap3A_733, %swap3A_734] {strides = array<i32>} : memref<128x128xf32, #tpu.memory_space<vmem>>, vector<1x16xf32>,
        %swap3A_736 = vector.shape_cast %swap3A_735 : vector<1x16xf32> to vector<16xf32>
        %swap3A_737 = vector.shape_cast %add3A_732 : vector<16xf32> to vector<1x16xf32>
        tpu.vector_store %arg14[%swap3A_733, %swap3A_734], %swap3A_737 {strides = array<i32>} : memref<128x128xf32, #tpu.memory_space<vmem>>, vector<1x16xf32>,
        %add3A_738 = arith.constant 48 : i32
        %add3A_739 = arith.addi %mul3A_687, %add3A_738 : i32
        %get3A_740 = arith.index_cast %add3A_680 : i32 to index
        %get3A_741 = arith.index_cast %add3A_739 : i32 to index
        %get3A_742 = tpu.vector_load %arg12[%get3A_740, %get3A_741] {strides = array<i32>} : memref<256x128xf32, #tpu.memory_space<vmem>>, vector<1x16xf32>,
        %get3A_743 = vector.shape_cast %get3A_742 : vector<1x16xf32> to vector<16xf32>
        %add3A_744 = arith.addf %get3A_743, %add3A_173 : vector<16xf32>
        %mul3A_745 = arith.mulf %broadcast_in_dim3A_691, %sub3A_51 : vector<16xf32>
        %add3A_746 = arith.addf %add3A_744, %mul3A_745 : vector<16xf32>
        %swap3A_747 = arith.index_cast %add3A_695 : i32 to index
        %swap3A_748 = arith.constant 112 : index
        %swap3A_749 = tpu.vector_load %arg14[%swap3A_747, %swap3A_748] {strides = array<i32>} : memref<128x128xf32, #tpu.memory_space<vmem>>, vector<1x16xf32>,
        %swap3A_750 = vector.shape_cast %swap3A_749 : vector<1x16xf32> to vector<16xf32>
        %swap3A_751 = vector.shape_cast %add3A_746 : vector<16xf32> to vector<1x16xf32>
        tpu.vector_store %arg14[%swap3A_747, %swap3A_748], %swap3A_751 {strides = array<i32>} : memref<128x128xf32, #tpu.memory_space<vmem>>, vector<1x16xf32>,
        %mul3A_752 = arith.constant 16 : i32
        %mul3A_753 = arith.muli %scan3A_292, %mul3A_752 : i32
        %add3A_754 = arith.constant 6 : i32
        %add3A_755 = arith.addi %mul3A_753, %add3A_754 : i32
        %slice3A_756 = vector.extract_strided_slice %get3A_302 {offsets = [6], sizes = [1], strides = [1]} : vector<16xi32> to vector<1xi32>
        %squeeze3A_757 = vector.extract %slice3A_756[0] : i32 from vector<1xi32>
        %ge3A_758 = arith.constant 512000 : i32
        %ge3A_759 = arith.cmpi sge, %squeeze3A_757, %ge3A_758 : i32
        %convert_element_type3A_760 = arith.extui %ge3A_759 : i1 to i32
        %mul3A_761 = arith.constant 64 : i32
        %mul3A_762 = arith.muli %convert_element_type3A_760, %mul3A_761 : i32
        %slice3A_763 = vector.extract_strided_slice %get3A_307 {offsets = [6], sizes = [1], strides = [1]} : vector<16xi32> to vector<1xi32>
        %squeeze3A_764 = vector.extract %slice3A_763[0] : i32 from vector<1xi32>
        %convert_element_type3A_765 = arith.sitofp %squeeze3A_764 : i32 to f32
        %broadcast_in_dim3A_766 = vector.broadcast %convert_element_type3A_765 : f32 to vector<16xf32>
        %mul3A_767 = arith.constant 8 : i32
        %mul3A_768 = arith.muli %scan3A_292, %mul3A_767 : i32
        %add3A_769 = arith.constant 3 : i32
        %add3A_770 = arith.addi %mul3A_768, %add3A_769 : i32
        %add3A_771 = arith.constant 0 : i32
        %add3A_772 = arith.addi %mul3A_762, %add3A_771 : i32
        %get3A_773 = arith.index_cast %add3A_755 : i32 to index
        %get3A_774 = arith.index_cast %add3A_772 : i32 to index
        %get3A_775 = tpu.vector_load %arg12[%get3A_773, %get3A_774] {strides = array<i32>} : memref<256x128xf32, #tpu.memory_space<vmem>>, vector<1x16xf32>,
        %get3A_776 = vector.shape_cast %get3A_775 : vector<1x16xf32> to vector<16xf32>
        %add3A_777 = arith.addf %get3A_776, %add3A_149 : vector<16xf32>
        %mul3A_778 = arith.mulf %broadcast_in_dim3A_766, %sub3A : vector<16xf32>
        %add3A_779 = arith.addf %add3A_777, %mul3A_778 : vector<16xf32>
        %swap3A_780 = arith.index_cast %add3A_770 : i32 to index
        %swap3A_781 = arith.constant 0 : index
        %swap3A_782 = tpu.vector_load %arg14[%swap3A_780, %swap3A_781] {strides = array<i32>} : memref<128x128xf32, #tpu.memory_space<vmem>>, vector<1x16xf32>,
        %swap3A_783 = vector.shape_cast %swap3A_782 : vector<1x16xf32> to vector<16xf32>
        %swap3A_784 = vector.shape_cast %add3A_779 : vector<16xf32> to vector<1x16xf32>
        tpu.vector_store %arg14[%swap3A_780, %swap3A_781], %swap3A_784 {strides = array<i32>} : memref<128x128xf32, #tpu.memory_space<vmem>>, vector<1x16xf32>,
        %add3A_785 = arith.constant 16 : i32
        %add3A_786 = arith.addi %mul3A_762, %add3A_785 : i32
        %get3A_787 = arith.index_cast %add3A_755 : i32 to index
        %get3A_788 = arith.index_cast %add3A_786 : i32 to index
        %get3A_789 = tpu.vector_load %arg12[%get3A_787, %get3A_788] {strides = array<i32>} : memref<256x128xf32, #tpu.memory_space<vmem>>, vector<1x16xf32>,
        %get3A_790 = vector.shape_cast %get3A_789 : vector<1x16xf32> to vector<16xf32>
        %add3A_791 = arith.addf %get3A_790, %add3A_157 : vector<16xf32>
        %mul3A_792 = arith.mulf %broadcast_in_dim3A_766, %sub3A_39 : vector<16xf32>
        %add3A_793 = arith.addf %add3A_791, %mul3A_792 : vector<16xf32>
        %swap3A_794 = arith.index_cast %add3A_770 : i32 to index
        %swap3A_795 = arith.constant 16 : index
        %swap3A_796 = tpu.vector_load %arg14[%swap3A_794, %swap3A_795] {strides = array<i32>} : memref<128x128xf32, #tpu.memory_space<vmem>>, vector<1x16xf32>,
        %swap3A_797 = vector.shape_cast %swap3A_796 : vector<1x16xf32> to vector<16xf32>
        %swap3A_798 = vector.shape_cast %add3A_793 : vector<16xf32> to vector<1x16xf32>
        tpu.vector_store %arg14[%swap3A_794, %swap3A_795], %swap3A_798 {strides = array<i32>} : memref<128x128xf32, #tpu.memory_space<vmem>>, vector<1x16xf32>,
        %add3A_799 = arith.constant 32 : i32
        %add3A_800 = arith.addi %mul3A_762, %add3A_799 : i32
        %get3A_801 = arith.index_cast %add3A_755 : i32 to index
        %get3A_802 = arith.index_cast %add3A_800 : i32 to index
        %get3A_803 = tpu.vector_load %arg12[%get3A_801, %get3A_802] {strides = array<i32>} : memref<256x128xf32, #tpu.memory_space<vmem>>, vector<1x16xf32>,
        %get3A_804 = vector.shape_cast %get3A_803 : vector<1x16xf32> to vector<16xf32>
        %add3A_805 = arith.addf %get3A_804, %add3A_165 : vector<16xf32>
        %mul3A_806 = arith.mulf %broadcast_in_dim3A_766, %sub3A_45 : vector<16xf32>
        %add3A_807 = arith.addf %add3A_805, %mul3A_806 : vector<16xf32>
        %swap3A_808 = arith.index_cast %add3A_770 : i32 to index
        %swap3A_809 = arith.constant 32 : index
        %swap3A_810 = tpu.vector_load %arg14[%swap3A_808, %swap3A_809] {strides = array<i32>} : memref<128x128xf32, #tpu.memory_space<vmem>>, vector<1x16xf32>,
        %swap3A_811 = vector.shape_cast %swap3A_810 : vector<1x16xf32> to vector<16xf32>
        %swap3A_812 = vector.shape_cast %add3A_807 : vector<16xf32> to vector<1x16xf32>
        tpu.vector_store %arg14[%swap3A_808, %swap3A_809], %swap3A_812 {strides = array<i32>} : memref<128x128xf32, #tpu.memory_space<vmem>>, vector<1x16xf32>,
        %add3A_813 = arith.constant 48 : i32
        %add3A_814 = arith.addi %mul3A_762, %add3A_813 : i32
        %get3A_815 = arith.index_cast %add3A_755 : i32 to index
        %get3A_816 = arith.index_cast %add3A_814 : i32 to index
        %get3A_817 = tpu.vector_load %arg12[%get3A_815, %get3A_816] {strides = array<i32>} : memref<256x128xf32, #tpu.memory_space<vmem>>, vector<1x16xf32>,
        %get3A_818 = vector.shape_cast %get3A_817 : vector<1x16xf32> to vector<16xf32>
        %add3A_819 = arith.addf %get3A_818, %add3A_173 : vector<16xf32>
        %mul3A_820 = arith.mulf %broadcast_in_dim3A_766, %sub3A_51 : vector<16xf32>
        %add3A_821 = arith.addf %add3A_819, %mul3A_820 : vector<16xf32>
        %swap3A_822 = arith.index_cast %add3A_770 : i32 to index
        %swap3A_823 = arith.constant 48 : index
        %swap3A_824 = tpu.vector_load %arg14[%swap3A_822, %swap3A_823] {strides = array<i32>} : memref<128x128xf32, #tpu.memory_space<vmem>>, vector<1x16xf32>,
        %swap3A_825 = vector.shape_cast %swap3A_824 : vector<1x16xf32> to vector<16xf32>
        %swap3A_826 = vector.shape_cast %add3A_821 : vector<16xf32> to vector<1x16xf32>
        tpu.vector_store %arg14[%swap3A_822, %swap3A_823], %swap3A_826 {strides = array<i32>} : memref<128x128xf32, #tpu.memory_space<vmem>>, vector<1x16xf32>,
        %mul3A_827 = arith.constant 16 : i32
        %mul3A_828 = arith.muli %scan3A_292, %mul3A_827 : i32
        %add3A_829 = arith.constant 7 : i32
        %add3A_830 = arith.addi %mul3A_828, %add3A_829 : i32
        %slice3A_831 = vector.extract_strided_slice %get3A_302 {offsets = [7], sizes = [1], strides = [1]} : vector<16xi32> to vector<1xi32>
        %squeeze3A_832 = vector.extract %slice3A_831[0] : i32 from vector<1xi32>
        %ge3A_833 = arith.constant 512000 : i32
        %ge3A_834 = arith.cmpi sge, %squeeze3A_832, %ge3A_833 : i32
        %convert_element_type3A_835 = arith.extui %ge3A_834 : i1 to i32
        %mul3A_836 = arith.constant 64 : i32
        %mul3A_837 = arith.muli %convert_element_type3A_835, %mul3A_836 : i32
        %slice3A_838 = vector.extract_strided_slice %get3A_307 {offsets = [7], sizes = [1], strides = [1]} : vector<16xi32> to vector<1xi32>
        %squeeze3A_839 = vector.extract %slice3A_838[0] : i32 from vector<1xi32>
        %convert_element_type3A_840 = arith.sitofp %squeeze3A_839 : i32 to f32
        %broadcast_in_dim3A_841 = vector.broadcast %convert_element_type3A_840 : f32 to vector<16xf32>
        %mul3A_842 = arith.constant 8 : i32
        %mul3A_843 = arith.muli %scan3A_292, %mul3A_842 : i32
        %add3A_844 = arith.constant 3 : i32
        %add3A_845 = arith.addi %mul3A_843, %add3A_844 : i32
        %add3A_846 = arith.constant 0 : i32
        %add3A_847 = arith.addi %mul3A_837, %add3A_846 : i32
        %get3A_848 = arith.index_cast %add3A_830 : i32 to index
        %get3A_849 = arith.index_cast %add3A_847 : i32 to index
        %get3A_850 = tpu.vector_load %arg12[%get3A_848, %get3A_849] {strides = array<i32>} : memref<256x128xf32, #tpu.memory_space<vmem>>, vector<1x16xf32>,
        %get3A_851 = vector.shape_cast %get3A_850 : vector<1x16xf32> to vector<16xf32>
        %add3A_852 = arith.addf %get3A_851, %add3A_149 : vector<16xf32>
        %mul3A_853 = arith.mulf %broadcast_in_dim3A_841, %sub3A : vector<16xf32>
        %add3A_854 = arith.addf %add3A_852, %mul3A_853 : vector<16xf32>
        %swap3A_855 = arith.index_cast %add3A_845 : i32 to index
        %swap3A_856 = arith.constant 64 : index
        %swap3A_857 = tpu.vector_load %arg14[%swap3A_855, %swap3A_856] {strides = array<i32>} : memref<128x128xf32, #tpu.memory_space<vmem>>, vector<1x16xf32>,
        %swap3A_858 = vector.shape_cast %swap3A_857 : vector<1x16xf32> to vector<16xf32>
        %swap3A_859 = vector.shape_cast %add3A_854 : vector<16xf32> to vector<1x16xf32>
        tpu.vector_store %arg14[%swap3A_855, %swap3A_856], %swap3A_859 {strides = array<i32>} : memref<128x128xf32, #tpu.memory_space<vmem>>, vector<1x16xf32>,
        %add3A_860 = arith.constant 16 : i32
        %add3A_861 = arith.addi %mul3A_837, %add3A_860 : i32
        %get3A_862 = arith.index_cast %add3A_830 : i32 to index
        %get3A_863 = arith.index_cast %add3A_861 : i32 to index
        %get3A_864 = tpu.vector_load %arg12[%get3A_862, %get3A_863] {strides = array<i32>} : memref<256x128xf32, #tpu.memory_space<vmem>>, vector<1x16xf32>,
        %get3A_865 = vector.shape_cast %get3A_864 : vector<1x16xf32> to vector<16xf32>
        %add3A_866 = arith.addf %get3A_865, %add3A_157 : vector<16xf32>
        %mul3A_867 = arith.mulf %broadcast_in_dim3A_841, %sub3A_39 : vector<16xf32>
        %add3A_868 = arith.addf %add3A_866, %mul3A_867 : vector<16xf32>
        %swap3A_869 = arith.index_cast %add3A_845 : i32 to index
        %swap3A_870 = arith.constant 80 : index
        %swap3A_871 = tpu.vector_load %arg14[%swap3A_869, %swap3A_870] {strides = array<i32>} : memref<128x128xf32, #tpu.memory_space<vmem>>, vector<1x16xf32>,
        %swap3A_872 = vector.shape_cast %swap3A_871 : vector<1x16xf32> to vector<16xf32>
        %swap3A_873 = vector.shape_cast %add3A_868 : vector<16xf32> to vector<1x16xf32>
        tpu.vector_store %arg14[%swap3A_869, %swap3A_870], %swap3A_873 {strides = array<i32>} : memref<128x128xf32, #tpu.memory_space<vmem>>, vector<1x16xf32>,
        %add3A_874 = arith.constant 32 : i32
        %add3A_875 = arith.addi %mul3A_837, %add3A_874 : i32
        %get3A_876 = arith.index_cast %add3A_830 : i32 to index
        %get3A_877 = arith.index_cast %add3A_875 : i32 to index
        %get3A_878 = tpu.vector_load %arg12[%get3A_876, %get3A_877] {strides = array<i32>} : memref<256x128xf32, #tpu.memory_space<vmem>>, vector<1x16xf32>,
        %get3A_879 = vector.shape_cast %get3A_878 : vector<1x16xf32> to vector<16xf32>
        %add3A_880 = arith.addf %get3A_879, %add3A_165 : vector<16xf32>
        %mul3A_881 = arith.mulf %broadcast_in_dim3A_841, %sub3A_45 : vector<16xf32>
        %add3A_882 = arith.addf %add3A_880, %mul3A_881 : vector<16xf32>
        %swap3A_883 = arith.index_cast %add3A_845 : i32 to index
        %swap3A_884 = arith.constant 96 : index
        %swap3A_885 = tpu.vector_load %arg14[%swap3A_883, %swap3A_884] {strides = array<i32>} : memref<128x128xf32, #tpu.memory_space<vmem>>, vector<1x16xf32>,
        %swap3A_886 = vector.shape_cast %swap3A_885 : vector<1x16xf32> to vector<16xf32>
        %swap3A_887 = vector.shape_cast %add3A_882 : vector<16xf32> to vector<1x16xf32>
        tpu.vector_store %arg14[%swap3A_883, %swap3A_884], %swap3A_887 {strides = array<i32>} : memref<128x128xf32, #tpu.memory_space<vmem>>, vector<1x16xf32>,
        %add3A_888 = arith.constant 48 : i32
        %add3A_889 = arith.addi %mul3A_837, %add3A_888 : i32
        %get3A_890 = arith.index_cast %add3A_830 : i32 to index
        %get3A_891 = arith.index_cast %add3A_889 : i32 to index
        %get3A_892 = tpu.vector_load %arg12[%get3A_890, %get3A_891] {strides = array<i32>} : memref<256x128xf32, #tpu.memory_space<vmem>>, vector<1x16xf32>,
        %get3A_893 = vector.shape_cast %get3A_892 : vector<1x16xf32> to vector<16xf32>
        %add3A_894 = arith.addf %get3A_893, %add3A_173 : vector<16xf32>
        %mul3A_895 = arith.mulf %broadcast_in_dim3A_841, %sub3A_51 : vector<16xf32>
        %add3A_896 = arith.addf %add3A_894, %mul3A_895 : vector<16xf32>
        %swap3A_897 = arith.index_cast %add3A_845 : i32 to index
        %swap3A_898 = arith.constant 112 : index
        %swap3A_899 = tpu.vector_load %arg14[%swap3A_897, %swap3A_898] {strides = array<i32>} : memref<128x128xf32, #tpu.memory_space<vmem>>, vector<1x16xf32>,
        %swap3A_900 = vector.shape_cast %swap3A_899 : vector<1x16xf32> to vector<16xf32>
        %swap3A_901 = vector.shape_cast %add3A_896 : vector<16xf32> to vector<1x16xf32>
        tpu.vector_store %arg14[%swap3A_897, %swap3A_898], %swap3A_901 {strides = array<i32>} : memref<128x128xf32, #tpu.memory_space<vmem>>, vector<1x16xf32>,
        %mul3A_902 = arith.constant 16 : i32
        %mul3A_903 = arith.muli %scan3A_292, %mul3A_902 : i32
        %add3A_904 = arith.constant 8 : i32
        %add3A_905 = arith.addi %mul3A_903, %add3A_904 : i32
        %slice3A_906 = vector.extract_strided_slice %get3A_302 {offsets = [8], sizes = [1], strides = [1]} : vector<16xi32> to vector<1xi32>
        %squeeze3A_907 = vector.extract %slice3A_906[0] : i32 from vector<1xi32>
        %ge3A_908 = arith.constant 512000 : i32
        %ge3A_909 = arith.cmpi sge, %squeeze3A_907, %ge3A_908 : i32
        %convert_element_type3A_910 = arith.extui %ge3A_909 : i1 to i32
        %mul3A_911 = arith.constant 64 : i32
        %mul3A_912 = arith.muli %convert_element_type3A_910, %mul3A_911 : i32
        %slice3A_913 = vector.extract_strided_slice %get3A_307 {offsets = [8], sizes = [1], strides = [1]} : vector<16xi32> to vector<1xi32>
        %squeeze3A_914 = vector.extract %slice3A_913[0] : i32 from vector<1xi32>
        %convert_element_type3A_915 = arith.sitofp %squeeze3A_914 : i32 to f32
        %broadcast_in_dim3A_916 = vector.broadcast %convert_element_type3A_915 : f32 to vector<16xf32>
        %mul3A_917 = arith.constant 8 : i32
        %mul3A_918 = arith.muli %scan3A_292, %mul3A_917 : i32
        %add3A_919 = arith.constant 4 : i32
        %add3A_920 = arith.addi %mul3A_918, %add3A_919 : i32
        %add3A_921 = arith.constant 0 : i32
        %add3A_922 = arith.addi %mul3A_912, %add3A_921 : i32
        %get3A_923 = arith.index_cast %add3A_905 : i32 to index
        %get3A_924 = arith.index_cast %add3A_922 : i32 to index
        %get3A_925 = tpu.vector_load %arg12[%get3A_923, %get3A_924] {strides = array<i32>} : memref<256x128xf32, #tpu.memory_space<vmem>>, vector<1x16xf32>,
        %get3A_926 = vector.shape_cast %get3A_925 : vector<1x16xf32> to vector<16xf32>
        %add3A_927 = arith.addf %get3A_926, %add3A_149 : vector<16xf32>
        %mul3A_928 = arith.mulf %broadcast_in_dim3A_916, %sub3A : vector<16xf32>
        %add3A_929 = arith.addf %add3A_927, %mul3A_928 : vector<16xf32>
        %swap3A_930 = arith.index_cast %add3A_920 : i32 to index
        %swap3A_931 = arith.constant 0 : index
        %swap3A_932 = tpu.vector_load %arg14[%swap3A_930, %swap3A_931] {strides = array<i32>} : memref<128x128xf32, #tpu.memory_space<vmem>>, vector<1x16xf32>,
        %swap3A_933 = vector.shape_cast %swap3A_932 : vector<1x16xf32> to vector<16xf32>
        %swap3A_934 = vector.shape_cast %add3A_929 : vector<16xf32> to vector<1x16xf32>
        tpu.vector_store %arg14[%swap3A_930, %swap3A_931], %swap3A_934 {strides = array<i32>} : memref<128x128xf32, #tpu.memory_space<vmem>>, vector<1x16xf32>,
        %add3A_935 = arith.constant 16 : i32
        %add3A_936 = arith.addi %mul3A_912, %add3A_935 : i32
        %get3A_937 = arith.index_cast %add3A_905 : i32 to index
        %get3A_938 = arith.index_cast %add3A_936 : i32 to index
        %get3A_939 = tpu.vector_load %arg12[%get3A_937, %get3A_938] {strides = array<i32>} : memref<256x128xf32, #tpu.memory_space<vmem>>, vector<1x16xf32>,
        %get3A_940 = vector.shape_cast %get3A_939 : vector<1x16xf32> to vector<16xf32>
        %add3A_941 = arith.addf %get3A_940, %add3A_157 : vector<16xf32>
        %mul3A_942 = arith.mulf %broadcast_in_dim3A_916, %sub3A_39 : vector<16xf32>
        %add3A_943 = arith.addf %add3A_941, %mul3A_942 : vector<16xf32>
        %swap3A_944 = arith.index_cast %add3A_920 : i32 to index
        %swap3A_945 = arith.constant 16 : index
        %swap3A_946 = tpu.vector_load %arg14[%swap3A_944, %swap3A_945] {strides = array<i32>} : memref<128x128xf32, #tpu.memory_space<vmem>>, vector<1x16xf32>,
        %swap3A_947 = vector.shape_cast %swap3A_946 : vector<1x16xf32> to vector<16xf32>
        %swap3A_948 = vector.shape_cast %add3A_943 : vector<16xf32> to vector<1x16xf32>
        tpu.vector_store %arg14[%swap3A_944, %swap3A_945], %swap3A_948 {strides = array<i32>} : memref<128x128xf32, #tpu.memory_space<vmem>>, vector<1x16xf32>,
        %add3A_949 = arith.constant 32 : i32
        %add3A_950 = arith.addi %mul3A_912, %add3A_949 : i32
        %get3A_951 = arith.index_cast %add3A_905 : i32 to index
        %get3A_952 = arith.index_cast %add3A_950 : i32 to index
        %get3A_953 = tpu.vector_load %arg12[%get3A_951, %get3A_952] {strides = array<i32>} : memref<256x128xf32, #tpu.memory_space<vmem>>, vector<1x16xf32>,
        %get3A_954 = vector.shape_cast %get3A_953 : vector<1x16xf32> to vector<16xf32>
        %add3A_955 = arith.addf %get3A_954, %add3A_165 : vector<16xf32>
        %mul3A_956 = arith.mulf %broadcast_in_dim3A_916, %sub3A_45 : vector<16xf32>
        %add3A_957 = arith.addf %add3A_955, %mul3A_956 : vector<16xf32>
        %swap3A_958 = arith.index_cast %add3A_920 : i32 to index
        %swap3A_959 = arith.constant 32 : index
        %swap3A_960 = tpu.vector_load %arg14[%swap3A_958, %swap3A_959] {strides = array<i32>} : memref<128x128xf32, #tpu.memory_space<vmem>>, vector<1x16xf32>,
        %swap3A_961 = vector.shape_cast %swap3A_960 : vector<1x16xf32> to vector<16xf32>
        %swap3A_962 = vector.shape_cast %add3A_957 : vector<16xf32> to vector<1x16xf32>
        tpu.vector_store %arg14[%swap3A_958, %swap3A_959], %swap3A_962 {strides = array<i32>} : memref<128x128xf32, #tpu.memory_space<vmem>>, vector<1x16xf32>,
        %add3A_963 = arith.constant 48 : i32
        %add3A_964 = arith.addi %mul3A_912, %add3A_963 : i32
        %get3A_965 = arith.index_cast %add3A_905 : i32 to index
        %get3A_966 = arith.index_cast %add3A_964 : i32 to index
        %get3A_967 = tpu.vector_load %arg12[%get3A_965, %get3A_966] {strides = array<i32>} : memref<256x128xf32, #tpu.memory_space<vmem>>, vector<1x16xf32>,
        %get3A_968 = vector.shape_cast %get3A_967 : vector<1x16xf32> to vector<16xf32>
        %add3A_969 = arith.addf %get3A_968, %add3A_173 : vector<16xf32>
        %mul3A_970 = arith.mulf %broadcast_in_dim3A_916, %sub3A_51 : vector<16xf32>
        %add3A_971 = arith.addf %add3A_969, %mul3A_970 : vector<16xf32>
        %swap3A_972 = arith.index_cast %add3A_920 : i32 to index
        %swap3A_973 = arith.constant 48 : index
        %swap3A_974 = tpu.vector_load %arg14[%swap3A_972, %swap3A_973] {strides = array<i32>} : memref<128x128xf32, #tpu.memory_space<vmem>>, vector<1x16xf32>,
        %swap3A_975 = vector.shape_cast %swap3A_974 : vector<1x16xf32> to vector<16xf32>
        %swap3A_976 = vector.shape_cast %add3A_971 : vector<16xf32> to vector<1x16xf32>
        tpu.vector_store %arg14[%swap3A_972, %swap3A_973], %swap3A_976 {strides = array<i32>} : memref<128x128xf32, #tpu.memory_space<vmem>>, vector<1x16xf32>,
        %mul3A_977 = arith.constant 16 : i32
        %mul3A_978 = arith.muli %scan3A_292, %mul3A_977 : i32
        %add3A_979 = arith.constant 9 : i32
        %add3A_980 = arith.addi %mul3A_978, %add3A_979 : i32
        %slice3A_981 = vector.extract_strided_slice %get3A_302 {offsets = [9], sizes = [1], strides = [1]} : vector<16xi32> to vector<1xi32>
        %squeeze3A_982 = vector.extract %slice3A_981[0] : i32 from vector<1xi32>
        %ge3A_983 = arith.constant 512000 : i32
        %ge3A_984 = arith.cmpi sge, %squeeze3A_982, %ge3A_983 : i32
        %convert_element_type3A_985 = arith.extui %ge3A_984 : i1 to i32
        %mul3A_986 = arith.constant 64 : i32
        %mul3A_987 = arith.muli %convert_element_type3A_985, %mul3A_986 : i32
        %slice3A_988 = vector.extract_strided_slice %get3A_307 {offsets = [9], sizes = [1], strides = [1]} : vector<16xi32> to vector<1xi32>
        %squeeze3A_989 = vector.extract %slice3A_988[0] : i32 from vector<1xi32>
        %convert_element_type3A_990 = arith.sitofp %squeeze3A_989 : i32 to f32
        %broadcast_in_dim3A_991 = vector.broadcast %convert_element_type3A_990 : f32 to vector<16xf32>
        %mul3A_992 = arith.constant 8 : i32
        %mul3A_993 = arith.muli %scan3A_292, %mul3A_992 : i32
        %add3A_994 = arith.constant 4 : i32
        %add3A_995 = arith.addi %mul3A_993, %add3A_994 : i32
        %add3A_996 = arith.constant 0 : i32
        %add3A_997 = arith.addi %mul3A_987, %add3A_996 : i32
        %get3A_998 = arith.index_cast %add3A_980 : i32 to index
        %get3A_999 = arith.index_cast %add3A_997 : i32 to index
        %get3A_1000 = tpu.vector_load %arg12[%get3A_998, %get3A_999] {strides = array<i32>} : memref<256x128xf32, #tpu.memory_space<vmem>>, vector<1x16xf32>,
        %get3A_1001 = vector.shape_cast %get3A_1000 : vector<1x16xf32> to vector<16xf32>
        %add3A_1002 = arith.addf %get3A_1001, %add3A_149 : vector<16xf32>
        %mul3A_1003 = arith.mulf %broadcast_in_dim3A_991, %sub3A : vector<16xf32>
        %add3A_1004 = arith.addf %add3A_1002, %mul3A_1003 : vector<16xf32>
        %swap3A_1005 = arith.index_cast %add3A_995 : i32 to index
        %swap3A_1006 = arith.constant 64 : index
        %swap3A_1007 = tpu.vector_load %arg14[%swap3A_1005, %swap3A_1006] {strides = array<i32>} : memref<128x128xf32, #tpu.memory_space<vmem>>, vector<1x16xf32>,
        %swap3A_1008 = vector.shape_cast %swap3A_1007 : vector<1x16xf32> to vector<16xf32>
        %swap3A_1009 = vector.shape_cast %add3A_1004 : vector<16xf32> to vector<1x16xf32>
        tpu.vector_store %arg14[%swap3A_1005, %swap3A_1006], %swap3A_1009 {strides = array<i32>} : memref<128x128xf32, #tpu.memory_space<vmem>>, vector<1x16xf32>,
        %add3A_1010 = arith.constant 16 : i32
        %add3A_1011 = arith.addi %mul3A_987, %add3A_1010 : i32
        %get3A_1012 = arith.index_cast %add3A_980 : i32 to index
        %get3A_1013 = arith.index_cast %add3A_1011 : i32 to index
        %get3A_1014 = tpu.vector_load %arg12[%get3A_1012, %get3A_1013] {strides = array<i32>} : memref<256x128xf32, #tpu.memory_space<vmem>>, vector<1x16xf32>,
        %get3A_1015 = vector.shape_cast %get3A_1014 : vector<1x16xf32> to vector<16xf32>
        %add3A_1016 = arith.addf %get3A_1015, %add3A_157 : vector<16xf32>
        %mul3A_1017 = arith.mulf %broadcast_in_dim3A_991, %sub3A_39 : vector<16xf32>
        %add3A_1018 = arith.addf %add3A_1016, %mul3A_1017 : vector<16xf32>
        %swap3A_1019 = arith.index_cast %add3A_995 : i32 to index
        %swap3A_1020 = arith.constant 80 : index
        %swap3A_1021 = tpu.vector_load %arg14[%swap3A_1019, %swap3A_1020] {strides = array<i32>} : memref<128x128xf32, #tpu.memory_space<vmem>>, vector<1x16xf32>,
        %swap3A_1022 = vector.shape_cast %swap3A_1021 : vector<1x16xf32> to vector<16xf32>
        %swap3A_1023 = vector.shape_cast %add3A_1018 : vector<16xf32> to vector<1x16xf32>
        tpu.vector_store %arg14[%swap3A_1019, %swap3A_1020], %swap3A_1023 {strides = array<i32>} : memref<128x128xf32, #tpu.memory_space<vmem>>, vector<1x16xf32>,
        %add3A_1024 = arith.constant 32 : i32
        %add3A_1025 = arith.addi %mul3A_987, %add3A_1024 : i32
        %get3A_1026 = arith.index_cast %add3A_980 : i32 to index
        %get3A_1027 = arith.index_cast %add3A_1025 : i32 to index
        %get3A_1028 = tpu.vector_load %arg12[%get3A_1026, %get3A_1027] {strides = array<i32>} : memref<256x128xf32, #tpu.memory_space<vmem>>, vector<1x16xf32>,
        %get3A_1029 = vector.shape_cast %get3A_1028 : vector<1x16xf32> to vector<16xf32>
        %add3A_1030 = arith.addf %get3A_1029, %add3A_165 : vector<16xf32>
        %mul3A_1031 = arith.mulf %broadcast_in_dim3A_991, %sub3A_45 : vector<16xf32>
        %add3A_1032 = arith.addf %add3A_1030, %mul3A_1031 : vector<16xf32>
        %swap3A_1033 = arith.index_cast %add3A_995 : i32 to index
        %swap3A_1034 = arith.constant 96 : index
        %swap3A_1035 = tpu.vector_load %arg14[%swap3A_1033, %swap3A_1034] {strides = array<i32>} : memref<128x128xf32, #tpu.memory_space<vmem>>, vector<1x16xf32>,
        %swap3A_1036 = vector.shape_cast %swap3A_1035 : vector<1x16xf32> to vector<16xf32>
        %swap3A_1037 = vector.shape_cast %add3A_1032 : vector<16xf32> to vector<1x16xf32>
        tpu.vector_store %arg14[%swap3A_1033, %swap3A_1034], %swap3A_1037 {strides = array<i32>} : memref<128x128xf32, #tpu.memory_space<vmem>>, vector<1x16xf32>,
        %add3A_1038 = arith.constant 48 : i32
        %add3A_1039 = arith.addi %mul3A_987, %add3A_1038 : i32
        %get3A_1040 = arith.index_cast %add3A_980 : i32 to index
        %get3A_1041 = arith.index_cast %add3A_1039 : i32 to index
        %get3A_1042 = tpu.vector_load %arg12[%get3A_1040, %get3A_1041] {strides = array<i32>} : memref<256x128xf32, #tpu.memory_space<vmem>>, vector<1x16xf32>,
        %get3A_1043 = vector.shape_cast %get3A_1042 : vector<1x16xf32> to vector<16xf32>
        %add3A_1044 = arith.addf %get3A_1043, %add3A_173 : vector<16xf32>
        %mul3A_1045 = arith.mulf %broadcast_in_dim3A_991, %sub3A_51 : vector<16xf32>
        %add3A_1046 = arith.addf %add3A_1044, %mul3A_1045 : vector<16xf32>
        %swap3A_1047 = arith.index_cast %add3A_995 : i32 to index
        %swap3A_1048 = arith.constant 112 : index
        %swap3A_1049 = tpu.vector_load %arg14[%swap3A_1047, %swap3A_1048] {strides = array<i32>} : memref<128x128xf32, #tpu.memory_space<vmem>>, vector<1x16xf32>,
        %swap3A_1050 = vector.shape_cast %swap3A_1049 : vector<1x16xf32> to vector<16xf32>
        %swap3A_1051 = vector.shape_cast %add3A_1046 : vector<16xf32> to vector<1x16xf32>
        tpu.vector_store %arg14[%swap3A_1047, %swap3A_1048], %swap3A_1051 {strides = array<i32>} : memref<128x128xf32, #tpu.memory_space<vmem>>, vector<1x16xf32>,
        %mul3A_1052 = arith.constant 16 : i32
        %mul3A_1053 = arith.muli %scan3A_292, %mul3A_1052 : i32
        %add3A_1054 = arith.constant 10 : i32
        %add3A_1055 = arith.addi %mul3A_1053, %add3A_1054 : i32
        %slice3A_1056 = vector.extract_strided_slice %get3A_302 {offsets = [10], sizes = [1], strides = [1]} : vector<16xi32> to vector<1xi32>
        %squeeze3A_1057 = vector.extract %slice3A_1056[0] : i32 from vector<1xi32>
        %ge3A_1058 = arith.constant 512000 : i32
        %ge3A_1059 = arith.cmpi sge, %squeeze3A_1057, %ge3A_1058 : i32
        %convert_element_type3A_1060 = arith.extui %ge3A_1059 : i1 to i32
        %mul3A_1061 = arith.constant 64 : i32
        %mul3A_1062 = arith.muli %convert_element_type3A_1060, %mul3A_1061 : i32
        %slice3A_1063 = vector.extract_strided_slice %get3A_307 {offsets = [10], sizes = [1], strides = [1]} : vector<16xi32> to vector<1xi32>
        %squeeze3A_1064 = vector.extract %slice3A_1063[0] : i32 from vector<1xi32>
        %convert_element_type3A_1065 = arith.sitofp %squeeze3A_1064 : i32 to f32
        %broadcast_in_dim3A_1066 = vector.broadcast %convert_element_type3A_1065 : f32 to vector<16xf32>
        %mul3A_1067 = arith.constant 8 : i32
        %mul3A_1068 = arith.muli %scan3A_292, %mul3A_1067 : i32
        %add3A_1069 = arith.constant 5 : i32
        %add3A_1070 = arith.addi %mul3A_1068, %add3A_1069 : i32
        %add3A_1071 = arith.constant 0 : i32
        %add3A_1072 = arith.addi %mul3A_1062, %add3A_1071 : i32
        %get3A_1073 = arith.index_cast %add3A_1055 : i32 to index
        %get3A_1074 = arith.index_cast %add3A_1072 : i32 to index
        %get3A_1075 = tpu.vector_load %arg12[%get3A_1073, %get3A_1074] {strides = array<i32>} : memref<256x128xf32, #tpu.memory_space<vmem>>, vector<1x16xf32>,
        %get3A_1076 = vector.shape_cast %get3A_1075 : vector<1x16xf32> to vector<16xf32>
        %add3A_1077 = arith.addf %get3A_1076, %add3A_149 : vector<16xf32>
        %mul3A_1078 = arith.mulf %broadcast_in_dim3A_1066, %sub3A : vector<16xf32>
        %add3A_1079 = arith.addf %add3A_1077, %mul3A_1078 : vector<16xf32>
        %swap3A_1080 = arith.index_cast %add3A_1070 : i32 to index
        %swap3A_1081 = arith.constant 0 : index
        %swap3A_1082 = tpu.vector_load %arg14[%swap3A_1080, %swap3A_1081] {strides = array<i32>} : memref<128x128xf32, #tpu.memory_space<vmem>>, vector<1x16xf32>,
        %swap3A_1083 = vector.shape_cast %swap3A_1082 : vector<1x16xf32> to vector<16xf32>
        %swap3A_1084 = vector.shape_cast %add3A_1079 : vector<16xf32> to vector<1x16xf32>
        tpu.vector_store %arg14[%swap3A_1080, %swap3A_1081], %swap3A_1084 {strides = array<i32>} : memref<128x128xf32, #tpu.memory_space<vmem>>, vector<1x16xf32>,
        %add3A_1085 = arith.constant 16 : i32
        %add3A_1086 = arith.addi %mul3A_1062, %add3A_1085 : i32
        %get3A_1087 = arith.index_cast %add3A_1055 : i32 to index
        %get3A_1088 = arith.index_cast %add3A_1086 : i32 to index
        %get3A_1089 = tpu.vector_load %arg12[%get3A_1087, %get3A_1088] {strides = array<i32>} : memref<256x128xf32, #tpu.memory_space<vmem>>, vector<1x16xf32>,
        %get3A_1090 = vector.shape_cast %get3A_1089 : vector<1x16xf32> to vector<16xf32>
        %add3A_1091 = arith.addf %get3A_1090, %add3A_157 : vector<16xf32>
        %mul3A_1092 = arith.mulf %broadcast_in_dim3A_1066, %sub3A_39 : vector<16xf32>
        %add3A_1093 = arith.addf %add3A_1091, %mul3A_1092 : vector<16xf32>
        %swap3A_1094 = arith.index_cast %add3A_1070 : i32 to index
        %swap3A_1095 = arith.constant 16 : index
        %swap3A_1096 = tpu.vector_load %arg14[%swap3A_1094, %swap3A_1095] {strides = array<i32>} : memref<128x128xf32, #tpu.memory_space<vmem>>, vector<1x16xf32>,
        %swap3A_1097 = vector.shape_cast %swap3A_1096 : vector<1x16xf32> to vector<16xf32>
        %swap3A_1098 = vector.shape_cast %add3A_1093 : vector<16xf32> to vector<1x16xf32>
        tpu.vector_store %arg14[%swap3A_1094, %swap3A_1095], %swap3A_1098 {strides = array<i32>} : memref<128x128xf32, #tpu.memory_space<vmem>>, vector<1x16xf32>,
        %add3A_1099 = arith.constant 32 : i32
        %add3A_1100 = arith.addi %mul3A_1062, %add3A_1099 : i32
        %get3A_1101 = arith.index_cast %add3A_1055 : i32 to index
        %get3A_1102 = arith.index_cast %add3A_1100 : i32 to index
        %get3A_1103 = tpu.vector_load %arg12[%get3A_1101, %get3A_1102] {strides = array<i32>} : memref<256x128xf32, #tpu.memory_space<vmem>>, vector<1x16xf32>,
        %get3A_1104 = vector.shape_cast %get3A_1103 : vector<1x16xf32> to vector<16xf32>
        %add3A_1105 = arith.addf %get3A_1104, %add3A_165 : vector<16xf32>
        %mul3A_1106 = arith.mulf %broadcast_in_dim3A_1066, %sub3A_45 : vector<16xf32>
        %add3A_1107 = arith.addf %add3A_1105, %mul3A_1106 : vector<16xf32>
        %swap3A_1108 = arith.index_cast %add3A_1070 : i32 to index
        %swap3A_1109 = arith.constant 32 : index
        %swap3A_1110 = tpu.vector_load %arg14[%swap3A_1108, %swap3A_1109] {strides = array<i32>} : memref<128x128xf32, #tpu.memory_space<vmem>>, vector<1x16xf32>,
        %swap3A_1111 = vector.shape_cast %swap3A_1110 : vector<1x16xf32> to vector<16xf32>
        %swap3A_1112 = vector.shape_cast %add3A_1107 : vector<16xf32> to vector<1x16xf32>
        tpu.vector_store %arg14[%swap3A_1108, %swap3A_1109], %swap3A_1112 {strides = array<i32>} : memref<128x128xf32, #tpu.memory_space<vmem>>, vector<1x16xf32>,
        %add3A_1113 = arith.constant 48 : i32
        %add3A_1114 = arith.addi %mul3A_1062, %add3A_1113 : i32
        %get3A_1115 = arith.index_cast %add3A_1055 : i32 to index
        %get3A_1116 = arith.index_cast %add3A_1114 : i32 to index
        %get3A_1117 = tpu.vector_load %arg12[%get3A_1115, %get3A_1116] {strides = array<i32>} : memref<256x128xf32, #tpu.memory_space<vmem>>, vector<1x16xf32>,
        %get3A_1118 = vector.shape_cast %get3A_1117 : vector<1x16xf32> to vector<16xf32>
        %add3A_1119 = arith.addf %get3A_1118, %add3A_173 : vector<16xf32>
        %mul3A_1120 = arith.mulf %broadcast_in_dim3A_1066, %sub3A_51 : vector<16xf32>
        %add3A_1121 = arith.addf %add3A_1119, %mul3A_1120 : vector<16xf32>
        %swap3A_1122 = arith.index_cast %add3A_1070 : i32 to index
        %swap3A_1123 = arith.constant 48 : index
        %swap3A_1124 = tpu.vector_load %arg14[%swap3A_1122, %swap3A_1123] {strides = array<i32>} : memref<128x128xf32, #tpu.memory_space<vmem>>, vector<1x16xf32>,
        %swap3A_1125 = vector.shape_cast %swap3A_1124 : vector<1x16xf32> to vector<16xf32>
        %swap3A_1126 = vector.shape_cast %add3A_1121 : vector<16xf32> to vector<1x16xf32>
        tpu.vector_store %arg14[%swap3A_1122, %swap3A_1123], %swap3A_1126 {strides = array<i32>} : memref<128x128xf32, #tpu.memory_space<vmem>>, vector<1x16xf32>,
        %mul3A_1127 = arith.constant 16 : i32
        %mul3A_1128 = arith.muli %scan3A_292, %mul3A_1127 : i32
        %add3A_1129 = arith.constant 11 : i32
        %add3A_1130 = arith.addi %mul3A_1128, %add3A_1129 : i32
        %slice3A_1131 = vector.extract_strided_slice %get3A_302 {offsets = [11], sizes = [1], strides = [1]} : vector<16xi32> to vector<1xi32>
        %squeeze3A_1132 = vector.extract %slice3A_1131[0] : i32 from vector<1xi32>
        %ge3A_1133 = arith.constant 512000 : i32
        %ge3A_1134 = arith.cmpi sge, %squeeze3A_1132, %ge3A_1133 : i32
        %convert_element_type3A_1135 = arith.extui %ge3A_1134 : i1 to i32
        %mul3A_1136 = arith.constant 64 : i32
        %mul3A_1137 = arith.muli %convert_element_type3A_1135, %mul3A_1136 : i32
        %slice3A_1138 = vector.extract_strided_slice %get3A_307 {offsets = [11], sizes = [1], strides = [1]} : vector<16xi32> to vector<1xi32>
        %squeeze3A_1139 = vector.extract %slice3A_1138[0] : i32 from vector<1xi32>
        %convert_element_type3A_1140 = arith.sitofp %squeeze3A_1139 : i32 to f32
        %broadcast_in_dim3A_1141 = vector.broadcast %convert_element_type3A_1140 : f32 to vector<16xf32>
        %mul3A_1142 = arith.constant 8 : i32
        %mul3A_1143 = arith.muli %scan3A_292, %mul3A_1142 : i32
        %add3A_1144 = arith.constant 5 : i32
        %add3A_1145 = arith.addi %mul3A_1143, %add3A_1144 : i32
        %add3A_1146 = arith.constant 0 : i32
        %add3A_1147 = arith.addi %mul3A_1137, %add3A_1146 : i32
        %get3A_1148 = arith.index_cast %add3A_1130 : i32 to index
        %get3A_1149 = arith.index_cast %add3A_1147 : i32 to index
        %get3A_1150 = tpu.vector_load %arg12[%get3A_1148, %get3A_1149] {strides = array<i32>} : memref<256x128xf32, #tpu.memory_space<vmem>>, vector<1x16xf32>,
        %get3A_1151 = vector.shape_cast %get3A_1150 : vector<1x16xf32> to vector<16xf32>
        %add3A_1152 = arith.addf %get3A_1151, %add3A_149 : vector<16xf32>
        %mul3A_1153 = arith.mulf %broadcast_in_dim3A_1141, %sub3A : vector<16xf32>
        %add3A_1154 = arith.addf %add3A_1152, %mul3A_1153 : vector<16xf32>
        %swap3A_1155 = arith.index_cast %add3A_1145 : i32 to index
        %swap3A_1156 = arith.constant 64 : index
        %swap3A_1157 = tpu.vector_load %arg14[%swap3A_1155, %swap3A_1156] {strides = array<i32>} : memref<128x128xf32, #tpu.memory_space<vmem>>, vector<1x16xf32>,
        %swap3A_1158 = vector.shape_cast %swap3A_1157 : vector<1x16xf32> to vector<16xf32>
        %swap3A_1159 = vector.shape_cast %add3A_1154 : vector<16xf32> to vector<1x16xf32>
        tpu.vector_store %arg14[%swap3A_1155, %swap3A_1156], %swap3A_1159 {strides = array<i32>} : memref<128x128xf32, #tpu.memory_space<vmem>>, vector<1x16xf32>,
        %add3A_1160 = arith.constant 16 : i32
        %add3A_1161 = arith.addi %mul3A_1137, %add3A_1160 : i32
        %get3A_1162 = arith.index_cast %add3A_1130 : i32 to index
        %get3A_1163 = arith.index_cast %add3A_1161 : i32 to index
        %get3A_1164 = tpu.vector_load %arg12[%get3A_1162, %get3A_1163] {strides = array<i32>} : memref<256x128xf32, #tpu.memory_space<vmem>>, vector<1x16xf32>,
        %get3A_1165 = vector.shape_cast %get3A_1164 : vector<1x16xf32> to vector<16xf32>
        %add3A_1166 = arith.addf %get3A_1165, %add3A_157 : vector<16xf32>
        %mul3A_1167 = arith.mulf %broadcast_in_dim3A_1141, %sub3A_39 : vector<16xf32>
        %add3A_1168 = arith.addf %add3A_1166, %mul3A_1167 : vector<16xf32>
        %swap3A_1169 = arith.index_cast %add3A_1145 : i32 to index
        %swap3A_1170 = arith.constant 80 : index
        %swap3A_1171 = tpu.vector_load %arg14[%swap3A_1169, %swap3A_1170] {strides = array<i32>} : memref<128x128xf32, #tpu.memory_space<vmem>>, vector<1x16xf32>,
        %swap3A_1172 = vector.shape_cast %swap3A_1171 : vector<1x16xf32> to vector<16xf32>
        %swap3A_1173 = vector.shape_cast %add3A_1168 : vector<16xf32> to vector<1x16xf32>
        tpu.vector_store %arg14[%swap3A_1169, %swap3A_1170], %swap3A_1173 {strides = array<i32>} : memref<128x128xf32, #tpu.memory_space<vmem>>, vector<1x16xf32>,
        %add3A_1174 = arith.constant 32 : i32
        %add3A_1175 = arith.addi %mul3A_1137, %add3A_1174 : i32
        %get3A_1176 = arith.index_cast %add3A_1130 : i32 to index
        %get3A_1177 = arith.index_cast %add3A_1175 : i32 to index
        %get3A_1178 = tpu.vector_load %arg12[%get3A_1176, %get3A_1177] {strides = array<i32>} : memref<256x128xf32, #tpu.memory_space<vmem>>, vector<1x16xf32>,
        %get3A_1179 = vector.shape_cast %get3A_1178 : vector<1x16xf32> to vector<16xf32>
        %add3A_1180 = arith.addf %get3A_1179, %add3A_165 : vector<16xf32>
        %mul3A_1181 = arith.mulf %broadcast_in_dim3A_1141, %sub3A_45 : vector<16xf32>
        %add3A_1182 = arith.addf %add3A_1180, %mul3A_1181 : vector<16xf32>
        %swap3A_1183 = arith.index_cast %add3A_1145 : i32 to index
        %swap3A_1184 = arith.constant 96 : index
        %swap3A_1185 = tpu.vector_load %arg14[%swap3A_1183, %swap3A_1184] {strides = array<i32>} : memref<128x128xf32, #tpu.memory_space<vmem>>, vector<1x16xf32>,
        %swap3A_1186 = vector.shape_cast %swap3A_1185 : vector<1x16xf32> to vector<16xf32>
        %swap3A_1187 = vector.shape_cast %add3A_1182 : vector<16xf32> to vector<1x16xf32>
        tpu.vector_store %arg14[%swap3A_1183, %swap3A_1184], %swap3A_1187 {strides = array<i32>} : memref<128x128xf32, #tpu.memory_space<vmem>>, vector<1x16xf32>,
        %add3A_1188 = arith.constant 48 : i32
        %add3A_1189 = arith.addi %mul3A_1137, %add3A_1188 : i32
        %get3A_1190 = arith.index_cast %add3A_1130 : i32 to index
        %get3A_1191 = arith.index_cast %add3A_1189 : i32 to index
        %get3A_1192 = tpu.vector_load %arg12[%get3A_1190, %get3A_1191] {strides = array<i32>} : memref<256x128xf32, #tpu.memory_space<vmem>>, vector<1x16xf32>,
        %get3A_1193 = vector.shape_cast %get3A_1192 : vector<1x16xf32> to vector<16xf32>
        %add3A_1194 = arith.addf %get3A_1193, %add3A_173 : vector<16xf32>
        %mul3A_1195 = arith.mulf %broadcast_in_dim3A_1141, %sub3A_51 : vector<16xf32>
        %add3A_1196 = arith.addf %add3A_1194, %mul3A_1195 : vector<16xf32>
        %swap3A_1197 = arith.index_cast %add3A_1145 : i32 to index
        %swap3A_1198 = arith.constant 112 : index
        %swap3A_1199 = tpu.vector_load %arg14[%swap3A_1197, %swap3A_1198] {strides = array<i32>} : memref<128x128xf32, #tpu.memory_space<vmem>>, vector<1x16xf32>,
        %swap3A_1200 = vector.shape_cast %swap3A_1199 : vector<1x16xf32> to vector<16xf32>
        %swap3A_1201 = vector.shape_cast %add3A_1196 : vector<16xf32> to vector<1x16xf32>
        tpu.vector_store %arg14[%swap3A_1197, %swap3A_1198], %swap3A_1201 {strides = array<i32>} : memref<128x128xf32, #tpu.memory_space<vmem>>, vector<1x16xf32>,
        %mul3A_1202 = arith.constant 16 : i32
        %mul3A_1203 = arith.muli %scan3A_292, %mul3A_1202 : i32
        %add3A_1204 = arith.constant 12 : i32
        %add3A_1205 = arith.addi %mul3A_1203, %add3A_1204 : i32
        %slice3A_1206 = vector.extract_strided_slice %get3A_302 {offsets = [12], sizes = [1], strides = [1]} : vector<16xi32> to vector<1xi32>
        %squeeze3A_1207 = vector.extract %slice3A_1206[0] : i32 from vector<1xi32>
        %ge3A_1208 = arith.constant 512000 : i32
        %ge3A_1209 = arith.cmpi sge, %squeeze3A_1207, %ge3A_1208 : i32
        %convert_element_type3A_1210 = arith.extui %ge3A_1209 : i1 to i32
        %mul3A_1211 = arith.constant 64 : i32
        %mul3A_1212 = arith.muli %convert_element_type3A_1210, %mul3A_1211 : i32
        %slice3A_1213 = vector.extract_strided_slice %get3A_307 {offsets = [12], sizes = [1], strides = [1]} : vector<16xi32> to vector<1xi32>
        %squeeze3A_1214 = vector.extract %slice3A_1213[0] : i32 from vector<1xi32>
        %convert_element_type3A_1215 = arith.sitofp %squeeze3A_1214 : i32 to f32
        %broadcast_in_dim3A_1216 = vector.broadcast %convert_element_type3A_1215 : f32 to vector<16xf32>
        %mul3A_1217 = arith.constant 8 : i32
        %mul3A_1218 = arith.muli %scan3A_292, %mul3A_1217 : i32
        %add3A_1219 = arith.constant 6 : i32
        %add3A_1220 = arith.addi %mul3A_1218, %add3A_1219 : i32
        %add3A_1221 = arith.constant 0 : i32
        %add3A_1222 = arith.addi %mul3A_1212, %add3A_1221 : i32
        %get3A_1223 = arith.index_cast %add3A_1205 : i32 to index
        %get3A_1224 = arith.index_cast %add3A_1222 : i32 to index
        %get3A_1225 = tpu.vector_load %arg12[%get3A_1223, %get3A_1224] {strides = array<i32>} : memref<256x128xf32, #tpu.memory_space<vmem>>, vector<1x16xf32>,
        %get3A_1226 = vector.shape_cast %get3A_1225 : vector<1x16xf32> to vector<16xf32>
        %add3A_1227 = arith.addf %get3A_1226, %add3A_149 : vector<16xf32>
        %mul3A_1228 = arith.mulf %broadcast_in_dim3A_1216, %sub3A : vector<16xf32>
        %add3A_1229 = arith.addf %add3A_1227, %mul3A_1228 : vector<16xf32>
        %swap3A_1230 = arith.index_cast %add3A_1220 : i32 to index
        %swap3A_1231 = arith.constant 0 : index
        %swap3A_1232 = tpu.vector_load %arg14[%swap3A_1230, %swap3A_1231] {strides = array<i32>} : memref<128x128xf32, #tpu.memory_space<vmem>>, vector<1x16xf32>,
        %swap3A_1233 = vector.shape_cast %swap3A_1232 : vector<1x16xf32> to vector<16xf32>
        %swap3A_1234 = vector.shape_cast %add3A_1229 : vector<16xf32> to vector<1x16xf32>
        tpu.vector_store %arg14[%swap3A_1230, %swap3A_1231], %swap3A_1234 {strides = array<i32>} : memref<128x128xf32, #tpu.memory_space<vmem>>, vector<1x16xf32>,
        %add3A_1235 = arith.constant 16 : i32
        %add3A_1236 = arith.addi %mul3A_1212, %add3A_1235 : i32
        %get3A_1237 = arith.index_cast %add3A_1205 : i32 to index
        %get3A_1238 = arith.index_cast %add3A_1236 : i32 to index
        %get3A_1239 = tpu.vector_load %arg12[%get3A_1237, %get3A_1238] {strides = array<i32>} : memref<256x128xf32, #tpu.memory_space<vmem>>, vector<1x16xf32>,
        %get3A_1240 = vector.shape_cast %get3A_1239 : vector<1x16xf32> to vector<16xf32>
        %add3A_1241 = arith.addf %get3A_1240, %add3A_157 : vector<16xf32>
        %mul3A_1242 = arith.mulf %broadcast_in_dim3A_1216, %sub3A_39 : vector<16xf32>
        %add3A_1243 = arith.addf %add3A_1241, %mul3A_1242 : vector<16xf32>
        %swap3A_1244 = arith.index_cast %add3A_1220 : i32 to index
        %swap3A_1245 = arith.constant 16 : index
        %swap3A_1246 = tpu.vector_load %arg14[%swap3A_1244, %swap3A_1245] {strides = array<i32>} : memref<128x128xf32, #tpu.memory_space<vmem>>, vector<1x16xf32>,
        %swap3A_1247 = vector.shape_cast %swap3A_1246 : vector<1x16xf32> to vector<16xf32>
        %swap3A_1248 = vector.shape_cast %add3A_1243 : vector<16xf32> to vector<1x16xf32>
        tpu.vector_store %arg14[%swap3A_1244, %swap3A_1245], %swap3A_1248 {strides = array<i32>} : memref<128x128xf32, #tpu.memory_space<vmem>>, vector<1x16xf32>,
        %add3A_1249 = arith.constant 32 : i32
        %add3A_1250 = arith.addi %mul3A_1212, %add3A_1249 : i32
        %get3A_1251 = arith.index_cast %add3A_1205 : i32 to index
        %get3A_1252 = arith.index_cast %add3A_1250 : i32 to index
        %get3A_1253 = tpu.vector_load %arg12[%get3A_1251, %get3A_1252] {strides = array<i32>} : memref<256x128xf32, #tpu.memory_space<vmem>>, vector<1x16xf32>,
        %get3A_1254 = vector.shape_cast %get3A_1253 : vector<1x16xf32> to vector<16xf32>
        %add3A_1255 = arith.addf %get3A_1254, %add3A_165 : vector<16xf32>
        %mul3A_1256 = arith.mulf %broadcast_in_dim3A_1216, %sub3A_45 : vector<16xf32>
        %add3A_1257 = arith.addf %add3A_1255, %mul3A_1256 : vector<16xf32>
        %swap3A_1258 = arith.index_cast %add3A_1220 : i32 to index
        %swap3A_1259 = arith.constant 32 : index
        %swap3A_1260 = tpu.vector_load %arg14[%swap3A_1258, %swap3A_1259] {strides = array<i32>} : memref<128x128xf32, #tpu.memory_space<vmem>>, vector<1x16xf32>,
        %swap3A_1261 = vector.shape_cast %swap3A_1260 : vector<1x16xf32> to vector<16xf32>
        %swap3A_1262 = vector.shape_cast %add3A_1257 : vector<16xf32> to vector<1x16xf32>
        tpu.vector_store %arg14[%swap3A_1258, %swap3A_1259], %swap3A_1262 {strides = array<i32>} : memref<128x128xf32, #tpu.memory_space<vmem>>, vector<1x16xf32>,
        %add3A_1263 = arith.constant 48 : i32
        %add3A_1264 = arith.addi %mul3A_1212, %add3A_1263 : i32
        %get3A_1265 = arith.index_cast %add3A_1205 : i32 to index
        %get3A_1266 = arith.index_cast %add3A_1264 : i32 to index
        %get3A_1267 = tpu.vector_load %arg12[%get3A_1265, %get3A_1266] {strides = array<i32>} : memref<256x128xf32, #tpu.memory_space<vmem>>, vector<1x16xf32>,
        %get3A_1268 = vector.shape_cast %get3A_1267 : vector<1x16xf32> to vector<16xf32>
        %add3A_1269 = arith.addf %get3A_1268, %add3A_173 : vector<16xf32>
        %mul3A_1270 = arith.mulf %broadcast_in_dim3A_1216, %sub3A_51 : vector<16xf32>
        %add3A_1271 = arith.addf %add3A_1269, %mul3A_1270 : vector<16xf32>
        %swap3A_1272 = arith.index_cast %add3A_1220 : i32 to index
        %swap3A_1273 = arith.constant 48 : index
        %swap3A_1274 = tpu.vector_load %arg14[%swap3A_1272, %swap3A_1273] {strides = array<i32>} : memref<128x128xf32, #tpu.memory_space<vmem>>, vector<1x16xf32>,
        %swap3A_1275 = vector.shape_cast %swap3A_1274 : vector<1x16xf32> to vector<16xf32>
        %swap3A_1276 = vector.shape_cast %add3A_1271 : vector<16xf32> to vector<1x16xf32>
        tpu.vector_store %arg14[%swap3A_1272, %swap3A_1273], %swap3A_1276 {strides = array<i32>} : memref<128x128xf32, #tpu.memory_space<vmem>>, vector<1x16xf32>,
        %mul3A_1277 = arith.constant 16 : i32
        %mul3A_1278 = arith.muli %scan3A_292, %mul3A_1277 : i32
        %add3A_1279 = arith.constant 13 : i32
        %add3A_1280 = arith.addi %mul3A_1278, %add3A_1279 : i32
        %slice3A_1281 = vector.extract_strided_slice %get3A_302 {offsets = [13], sizes = [1], strides = [1]} : vector<16xi32> to vector<1xi32>
        %squeeze3A_1282 = vector.extract %slice3A_1281[0] : i32 from vector<1xi32>
        %ge3A_1283 = arith.constant 512000 : i32
        %ge3A_1284 = arith.cmpi sge, %squeeze3A_1282, %ge3A_1283 : i32
        %convert_element_type3A_1285 = arith.extui %ge3A_1284 : i1 to i32
        %mul3A_1286 = arith.constant 64 : i32
        %mul3A_1287 = arith.muli %convert_element_type3A_1285, %mul3A_1286 : i32
        %slice3A_1288 = vector.extract_strided_slice %get3A_307 {offsets = [13], sizes = [1], strides = [1]} : vector<16xi32> to vector<1xi32>
        %squeeze3A_1289 = vector.extract %slice3A_1288[0] : i32 from vector<1xi32>
        %convert_element_type3A_1290 = arith.sitofp %squeeze3A_1289 : i32 to f32
        %broadcast_in_dim3A_1291 = vector.broadcast %convert_element_type3A_1290 : f32 to vector<16xf32>
        %mul3A_1292 = arith.constant 8 : i32
        %mul3A_1293 = arith.muli %scan3A_292, %mul3A_1292 : i32
        %add3A_1294 = arith.constant 6 : i32
        %add3A_1295 = arith.addi %mul3A_1293, %add3A_1294 : i32
        %add3A_1296 = arith.constant 0 : i32
        %add3A_1297 = arith.addi %mul3A_1287, %add3A_1296 : i32
        %get3A_1298 = arith.index_cast %add3A_1280 : i32 to index
        %get3A_1299 = arith.index_cast %add3A_1297 : i32 to index
        %get3A_1300 = tpu.vector_load %arg12[%get3A_1298, %get3A_1299] {strides = array<i32>} : memref<256x128xf32, #tpu.memory_space<vmem>>, vector<1x16xf32>,
        %get3A_1301 = vector.shape_cast %get3A_1300 : vector<1x16xf32> to vector<16xf32>
        %add3A_1302 = arith.addf %get3A_1301, %add3A_149 : vector<16xf32>
        %mul3A_1303 = arith.mulf %broadcast_in_dim3A_1291, %sub3A : vector<16xf32>
        %add3A_1304 = arith.addf %add3A_1302, %mul3A_1303 : vector<16xf32>
        %swap3A_1305 = arith.index_cast %add3A_1295 : i32 to index
        %swap3A_1306 = arith.constant 64 : index
        %swap3A_1307 = tpu.vector_load %arg14[%swap3A_1305, %swap3A_1306] {strides = array<i32>} : memref<128x128xf32, #tpu.memory_space<vmem>>, vector<1x16xf32>,
        %swap3A_1308 = vector.shape_cast %swap3A_1307 : vector<1x16xf32> to vector<16xf32>
        %swap3A_1309 = vector.shape_cast %add3A_1304 : vector<16xf32> to vector<1x16xf32>
        tpu.vector_store %arg14[%swap3A_1305, %swap3A_1306], %swap3A_1309 {strides = array<i32>} : memref<128x128xf32, #tpu.memory_space<vmem>>, vector<1x16xf32>,
        %add3A_1310 = arith.constant 16 : i32
        %add3A_1311 = arith.addi %mul3A_1287, %add3A_1310 : i32
        %get3A_1312 = arith.index_cast %add3A_1280 : i32 to index
        %get3A_1313 = arith.index_cast %add3A_1311 : i32 to index
        %get3A_1314 = tpu.vector_load %arg12[%get3A_1312, %get3A_1313] {strides = array<i32>} : memref<256x128xf32, #tpu.memory_space<vmem>>, vector<1x16xf32>,
        %get3A_1315 = vector.shape_cast %get3A_1314 : vector<1x16xf32> to vector<16xf32>
        %add3A_1316 = arith.addf %get3A_1315, %add3A_157 : vector<16xf32>
        %mul3A_1317 = arith.mulf %broadcast_in_dim3A_1291, %sub3A_39 : vector<16xf32>
        %add3A_1318 = arith.addf %add3A_1316, %mul3A_1317 : vector<16xf32>
        %swap3A_1319 = arith.index_cast %add3A_1295 : i32 to index
        %swap3A_1320 = arith.constant 80 : index
        %swap3A_1321 = tpu.vector_load %arg14[%swap3A_1319, %swap3A_1320] {strides = array<i32>} : memref<128x128xf32, #tpu.memory_space<vmem>>, vector<1x16xf32>,
        %swap3A_1322 = vector.shape_cast %swap3A_1321 : vector<1x16xf32> to vector<16xf32>
        %swap3A_1323 = vector.shape_cast %add3A_1318 : vector<16xf32> to vector<1x16xf32>
        tpu.vector_store %arg14[%swap3A_1319, %swap3A_1320], %swap3A_1323 {strides = array<i32>} : memref<128x128xf32, #tpu.memory_space<vmem>>, vector<1x16xf32>,
        %add3A_1324 = arith.constant 32 : i32
        %add3A_1325 = arith.addi %mul3A_1287, %add3A_1324 : i32
        %get3A_1326 = arith.index_cast %add3A_1280 : i32 to index
        %get3A_1327 = arith.index_cast %add3A_1325 : i32 to index
        %get3A_1328 = tpu.vector_load %arg12[%get3A_1326, %get3A_1327] {strides = array<i32>} : memref<256x128xf32, #tpu.memory_space<vmem>>, vector<1x16xf32>,
        %get3A_1329 = vector.shape_cast %get3A_1328 : vector<1x16xf32> to vector<16xf32>
        %add3A_1330 = arith.addf %get3A_1329, %add3A_165 : vector<16xf32>
        %mul3A_1331 = arith.mulf %broadcast_in_dim3A_1291, %sub3A_45 : vector<16xf32>
        %add3A_1332 = arith.addf %add3A_1330, %mul3A_1331 : vector<16xf32>
        %swap3A_1333 = arith.index_cast %add3A_1295 : i32 to index
        %swap3A_1334 = arith.constant 96 : index
        %swap3A_1335 = tpu.vector_load %arg14[%swap3A_1333, %swap3A_1334] {strides = array<i32>} : memref<128x128xf32, #tpu.memory_space<vmem>>, vector<1x16xf32>,
        %swap3A_1336 = vector.shape_cast %swap3A_1335 : vector<1x16xf32> to vector<16xf32>
        %swap3A_1337 = vector.shape_cast %add3A_1332 : vector<16xf32> to vector<1x16xf32>
        tpu.vector_store %arg14[%swap3A_1333, %swap3A_1334], %swap3A_1337 {strides = array<i32>} : memref<128x128xf32, #tpu.memory_space<vmem>>, vector<1x16xf32>,
        %add3A_1338 = arith.constant 48 : i32
        %add3A_1339 = arith.addi %mul3A_1287, %add3A_1338 : i32
        %get3A_1340 = arith.index_cast %add3A_1280 : i32 to index
        %get3A_1341 = arith.index_cast %add3A_1339 : i32 to index
        %get3A_1342 = tpu.vector_load %arg12[%get3A_1340, %get3A_1341] {strides = array<i32>} : memref<256x128xf32, #tpu.memory_space<vmem>>, vector<1x16xf32>,
        %get3A_1343 = vector.shape_cast %get3A_1342 : vector<1x16xf32> to vector<16xf32>
        %add3A_1344 = arith.addf %get3A_1343, %add3A_173 : vector<16xf32>
        %mul3A_1345 = arith.mulf %broadcast_in_dim3A_1291, %sub3A_51 : vector<16xf32>
        %add3A_1346 = arith.addf %add3A_1344, %mul3A_1345 : vector<16xf32>
        %swap3A_1347 = arith.index_cast %add3A_1295 : i32 to index
        %swap3A_1348 = arith.constant 112 : index
        %swap3A_1349 = tpu.vector_load %arg14[%swap3A_1347, %swap3A_1348] {strides = array<i32>} : memref<128x128xf32, #tpu.memory_space<vmem>>, vector<1x16xf32>,
        %swap3A_1350 = vector.shape_cast %swap3A_1349 : vector<1x16xf32> to vector<16xf32>
        %swap3A_1351 = vector.shape_cast %add3A_1346 : vector<16xf32> to vector<1x16xf32>
        tpu.vector_store %arg14[%swap3A_1347, %swap3A_1348], %swap3A_1351 {strides = array<i32>} : memref<128x128xf32, #tpu.memory_space<vmem>>, vector<1x16xf32>,
        %mul3A_1352 = arith.constant 16 : i32
        %mul3A_1353 = arith.muli %scan3A_292, %mul3A_1352 : i32
        %add3A_1354 = arith.constant 14 : i32
        %add3A_1355 = arith.addi %mul3A_1353, %add3A_1354 : i32
        %slice3A_1356 = vector.extract_strided_slice %get3A_302 {offsets = [14], sizes = [1], strides = [1]} : vector<16xi32> to vector<1xi32>
        %squeeze3A_1357 = vector.extract %slice3A_1356[0] : i32 from vector<1xi32>
        %ge3A_1358 = arith.constant 512000 : i32
        %ge3A_1359 = arith.cmpi sge, %squeeze3A_1357, %ge3A_1358 : i32
        %convert_element_type3A_1360 = arith.extui %ge3A_1359 : i1 to i32
        %mul3A_1361 = arith.constant 64 : i32
        %mul3A_1362 = arith.muli %convert_element_type3A_1360, %mul3A_1361 : i32
        %slice3A_1363 = vector.extract_strided_slice %get3A_307 {offsets = [14], sizes = [1], strides = [1]} : vector<16xi32> to vector<1xi32>
        %squeeze3A_1364 = vector.extract %slice3A_1363[0] : i32 from vector<1xi32>
        %convert_element_type3A_1365 = arith.sitofp %squeeze3A_1364 : i32 to f32
        %broadcast_in_dim3A_1366 = vector.broadcast %convert_element_type3A_1365 : f32 to vector<16xf32>
        %mul3A_1367 = arith.constant 8 : i32
        %mul3A_1368 = arith.muli %scan3A_292, %mul3A_1367 : i32
        %add3A_1369 = arith.constant 7 : i32
        %add3A_1370 = arith.addi %mul3A_1368, %add3A_1369 : i32
        %add3A_1371 = arith.constant 0 : i32
        %add3A_1372 = arith.addi %mul3A_1362, %add3A_1371 : i32
        %get3A_1373 = arith.index_cast %add3A_1355 : i32 to index
        %get3A_1374 = arith.index_cast %add3A_1372 : i32 to index
        %get3A_1375 = tpu.vector_load %arg12[%get3A_1373, %get3A_1374] {strides = array<i32>} : memref<256x128xf32, #tpu.memory_space<vmem>>, vector<1x16xf32>,
        %get3A_1376 = vector.shape_cast %get3A_1375 : vector<1x16xf32> to vector<16xf32>
        %add3A_1377 = arith.addf %get3A_1376, %add3A_149 : vector<16xf32>
        %mul3A_1378 = arith.mulf %broadcast_in_dim3A_1366, %sub3A : vector<16xf32>
        %add3A_1379 = arith.addf %add3A_1377, %mul3A_1378 : vector<16xf32>
        %swap3A_1380 = arith.index_cast %add3A_1370 : i32 to index
        %swap3A_1381 = arith.constant 0 : index
        %swap3A_1382 = tpu.vector_load %arg14[%swap3A_1380, %swap3A_1381] {strides = array<i32>} : memref<128x128xf32, #tpu.memory_space<vmem>>, vector<1x16xf32>,
        %swap3A_1383 = vector.shape_cast %swap3A_1382 : vector<1x16xf32> to vector<16xf32>
        %swap3A_1384 = vector.shape_cast %add3A_1379 : vector<16xf32> to vector<1x16xf32>
        tpu.vector_store %arg14[%swap3A_1380, %swap3A_1381], %swap3A_1384 {strides = array<i32>} : memref<128x128xf32, #tpu.memory_space<vmem>>, vector<1x16xf32>,
        %add3A_1385 = arith.constant 16 : i32
        %add3A_1386 = arith.addi %mul3A_1362, %add3A_1385 : i32
        %get3A_1387 = arith.index_cast %add3A_1355 : i32 to index
        %get3A_1388 = arith.index_cast %add3A_1386 : i32 to index
        %get3A_1389 = tpu.vector_load %arg12[%get3A_1387, %get3A_1388] {strides = array<i32>} : memref<256x128xf32, #tpu.memory_space<vmem>>, vector<1x16xf32>,
        %get3A_1390 = vector.shape_cast %get3A_1389 : vector<1x16xf32> to vector<16xf32>
        %add3A_1391 = arith.addf %get3A_1390, %add3A_157 : vector<16xf32>
        %mul3A_1392 = arith.mulf %broadcast_in_dim3A_1366, %sub3A_39 : vector<16xf32>
        %add3A_1393 = arith.addf %add3A_1391, %mul3A_1392 : vector<16xf32>
        %swap3A_1394 = arith.index_cast %add3A_1370 : i32 to index
        %swap3A_1395 = arith.constant 16 : index
        %swap3A_1396 = tpu.vector_load %arg14[%swap3A_1394, %swap3A_1395] {strides = array<i32>} : memref<128x128xf32, #tpu.memory_space<vmem>>, vector<1x16xf32>,
        %swap3A_1397 = vector.shape_cast %swap3A_1396 : vector<1x16xf32> to vector<16xf32>
        %swap3A_1398 = vector.shape_cast %add3A_1393 : vector<16xf32> to vector<1x16xf32>
        tpu.vector_store %arg14[%swap3A_1394, %swap3A_1395], %swap3A_1398 {strides = array<i32>} : memref<128x128xf32, #tpu.memory_space<vmem>>, vector<1x16xf32>,
        %add3A_1399 = arith.constant 32 : i32
        %add3A_1400 = arith.addi %mul3A_1362, %add3A_1399 : i32
        %get3A_1401 = arith.index_cast %add3A_1355 : i32 to index
        %get3A_1402 = arith.index_cast %add3A_1400 : i32 to index
        %get3A_1403 = tpu.vector_load %arg12[%get3A_1401, %get3A_1402] {strides = array<i32>} : memref<256x128xf32, #tpu.memory_space<vmem>>, vector<1x16xf32>,
        %get3A_1404 = vector.shape_cast %get3A_1403 : vector<1x16xf32> to vector<16xf32>
        %add3A_1405 = arith.addf %get3A_1404, %add3A_165 : vector<16xf32>
        %mul3A_1406 = arith.mulf %broadcast_in_dim3A_1366, %sub3A_45 : vector<16xf32>
        %add3A_1407 = arith.addf %add3A_1405, %mul3A_1406 : vector<16xf32>
        %swap3A_1408 = arith.index_cast %add3A_1370 : i32 to index
        %swap3A_1409 = arith.constant 32 : index
        %swap3A_1410 = tpu.vector_load %arg14[%swap3A_1408, %swap3A_1409] {strides = array<i32>} : memref<128x128xf32, #tpu.memory_space<vmem>>, vector<1x16xf32>,
        %swap3A_1411 = vector.shape_cast %swap3A_1410 : vector<1x16xf32> to vector<16xf32>
        %swap3A_1412 = vector.shape_cast %add3A_1407 : vector<16xf32> to vector<1x16xf32>
        tpu.vector_store %arg14[%swap3A_1408, %swap3A_1409], %swap3A_1412 {strides = array<i32>} : memref<128x128xf32, #tpu.memory_space<vmem>>, vector<1x16xf32>,
        %add3A_1413 = arith.constant 48 : i32
        %add3A_1414 = arith.addi %mul3A_1362, %add3A_1413 : i32
        %get3A_1415 = arith.index_cast %add3A_1355 : i32 to index
        %get3A_1416 = arith.index_cast %add3A_1414 : i32 to index
        %get3A_1417 = tpu.vector_load %arg12[%get3A_1415, %get3A_1416] {strides = array<i32>} : memref<256x128xf32, #tpu.memory_space<vmem>>, vector<1x16xf32>,
        %get3A_1418 = vector.shape_cast %get3A_1417 : vector<1x16xf32> to vector<16xf32>
        %add3A_1419 = arith.addf %get3A_1418, %add3A_173 : vector<16xf32>
        %mul3A_1420 = arith.mulf %broadcast_in_dim3A_1366, %sub3A_51 : vector<16xf32>
        %add3A_1421 = arith.addf %add3A_1419, %mul3A_1420 : vector<16xf32>
        %swap3A_1422 = arith.index_cast %add3A_1370 : i32 to index
        %swap3A_1423 = arith.constant 48 : index
        %swap3A_1424 = tpu.vector_load %arg14[%swap3A_1422, %swap3A_1423] {strides = array<i32>} : memref<128x128xf32, #tpu.memory_space<vmem>>, vector<1x16xf32>,
        %swap3A_1425 = vector.shape_cast %swap3A_1424 : vector<1x16xf32> to vector<16xf32>
        %swap3A_1426 = vector.shape_cast %add3A_1421 : vector<16xf32> to vector<1x16xf32>
        tpu.vector_store %arg14[%swap3A_1422, %swap3A_1423], %swap3A_1426 {strides = array<i32>} : memref<128x128xf32, #tpu.memory_space<vmem>>, vector<1x16xf32>,
        %mul3A_1427 = arith.constant 16 : i32
        %mul3A_1428 = arith.muli %scan3A_292, %mul3A_1427 : i32
        %add3A_1429 = arith.constant 15 : i32
        %add3A_1430 = arith.addi %mul3A_1428, %add3A_1429 : i32
        %slice3A_1431 = vector.extract_strided_slice %get3A_302 {offsets = [15], sizes = [1], strides = [1]} : vector<16xi32> to vector<1xi32>
        %squeeze3A_1432 = vector.extract %slice3A_1431[0] : i32 from vector<1xi32>
        %ge3A_1433 = arith.constant 512000 : i32
        %ge3A_1434 = arith.cmpi sge, %squeeze3A_1432, %ge3A_1433 : i32
        %convert_element_type3A_1435 = arith.extui %ge3A_1434 : i1 to i32
        %mul3A_1436 = arith.constant 64 : i32
        %mul3A_1437 = arith.muli %convert_element_type3A_1435, %mul3A_1436 : i32
        %slice3A_1438 = vector.extract_strided_slice %get3A_307 {offsets = [15], sizes = [1], strides = [1]} : vector<16xi32> to vector<1xi32>
        %squeeze3A_1439 = vector.extract %slice3A_1438[0] : i32 from vector<1xi32>
        %convert_element_type3A_1440 = arith.sitofp %squeeze3A_1439 : i32 to f32
        %broadcast_in_dim3A_1441 = vector.broadcast %convert_element_type3A_1440 : f32 to vector<16xf32>
        %mul3A_1442 = arith.constant 8 : i32
        %mul3A_1443 = arith.muli %scan3A_292, %mul3A_1442 : i32
        %add3A_1444 = arith.constant 7 : i32
        %add3A_1445 = arith.addi %mul3A_1443, %add3A_1444 : i32
        %add3A_1446 = arith.constant 0 : i32
        %add3A_1447 = arith.addi %mul3A_1437, %add3A_1446 : i32
        %get3A_1448 = arith.index_cast %add3A_1430 : i32 to index
        %get3A_1449 = arith.index_cast %add3A_1447 : i32 to index
        %get3A_1450 = tpu.vector_load %arg12[%get3A_1448, %get3A_1449] {strides = array<i32>} : memref<256x128xf32, #tpu.memory_space<vmem>>, vector<1x16xf32>,
        %get3A_1451 = vector.shape_cast %get3A_1450 : vector<1x16xf32> to vector<16xf32>
        %add3A_1452 = arith.addf %get3A_1451, %add3A_149 : vector<16xf32>
        %mul3A_1453 = arith.mulf %broadcast_in_dim3A_1441, %sub3A : vector<16xf32>
        %add3A_1454 = arith.addf %add3A_1452, %mul3A_1453 : vector<16xf32>
        %swap3A_1455 = arith.index_cast %add3A_1445 : i32 to index
        %swap3A_1456 = arith.constant 64 : index
        %swap3A_1457 = tpu.vector_load %arg14[%swap3A_1455, %swap3A_1456] {strides = array<i32>} : memref<128x128xf32, #tpu.memory_space<vmem>>, vector<1x16xf32>,
        %swap3A_1458 = vector.shape_cast %swap3A_1457 : vector<1x16xf32> to vector<16xf32>
        %swap3A_1459 = vector.shape_cast %add3A_1454 : vector<16xf32> to vector<1x16xf32>
        tpu.vector_store %arg14[%swap3A_1455, %swap3A_1456], %swap3A_1459 {strides = array<i32>} : memref<128x128xf32, #tpu.memory_space<vmem>>, vector<1x16xf32>,
        %add3A_1460 = arith.constant 16 : i32
        %add3A_1461 = arith.addi %mul3A_1437, %add3A_1460 : i32
        %get3A_1462 = arith.index_cast %add3A_1430 : i32 to index
        %get3A_1463 = arith.index_cast %add3A_1461 : i32 to index
        %get3A_1464 = tpu.vector_load %arg12[%get3A_1462, %get3A_1463] {strides = array<i32>} : memref<256x128xf32, #tpu.memory_space<vmem>>, vector<1x16xf32>,
        %get3A_1465 = vector.shape_cast %get3A_1464 : vector<1x16xf32> to vector<16xf32>
        %add3A_1466 = arith.addf %get3A_1465, %add3A_157 : vector<16xf32>
        %mul3A_1467 = arith.mulf %broadcast_in_dim3A_1441, %sub3A_39 : vector<16xf32>
        %add3A_1468 = arith.addf %add3A_1466, %mul3A_1467 : vector<16xf32>
        %swap3A_1469 = arith.index_cast %add3A_1445 : i32 to index
        %swap3A_1470 = arith.constant 80 : index
        %swap3A_1471 = tpu.vector_load %arg14[%swap3A_1469, %swap3A_1470] {strides = array<i32>} : memref<128x128xf32, #tpu.memory_space<vmem>>, vector<1x16xf32>,
        %swap3A_1472 = vector.shape_cast %swap3A_1471 : vector<1x16xf32> to vector<16xf32>
        %swap3A_1473 = vector.shape_cast %add3A_1468 : vector<16xf32> to vector<1x16xf32>
        tpu.vector_store %arg14[%swap3A_1469, %swap3A_1470], %swap3A_1473 {strides = array<i32>} : memref<128x128xf32, #tpu.memory_space<vmem>>, vector<1x16xf32>,
        %add3A_1474 = arith.constant 32 : i32
        %add3A_1475 = arith.addi %mul3A_1437, %add3A_1474 : i32
        %get3A_1476 = arith.index_cast %add3A_1430 : i32 to index
        %get3A_1477 = arith.index_cast %add3A_1475 : i32 to index
        %get3A_1478 = tpu.vector_load %arg12[%get3A_1476, %get3A_1477] {strides = array<i32>} : memref<256x128xf32, #tpu.memory_space<vmem>>, vector<1x16xf32>,
        %get3A_1479 = vector.shape_cast %get3A_1478 : vector<1x16xf32> to vector<16xf32>
        %add3A_1480 = arith.addf %get3A_1479, %add3A_165 : vector<16xf32>
        %mul3A_1481 = arith.mulf %broadcast_in_dim3A_1441, %sub3A_45 : vector<16xf32>
        %add3A_1482 = arith.addf %add3A_1480, %mul3A_1481 : vector<16xf32>
        %swap3A_1483 = arith.index_cast %add3A_1445 : i32 to index
        %swap3A_1484 = arith.constant 96 : index
        %swap3A_1485 = tpu.vector_load %arg14[%swap3A_1483, %swap3A_1484] {strides = array<i32>} : memref<128x128xf32, #tpu.memory_space<vmem>>, vector<1x16xf32>,
        %swap3A_1486 = vector.shape_cast %swap3A_1485 : vector<1x16xf32> to vector<16xf32>
        %swap3A_1487 = vector.shape_cast %add3A_1482 : vector<16xf32> to vector<1x16xf32>
        tpu.vector_store %arg14[%swap3A_1483, %swap3A_1484], %swap3A_1487 {strides = array<i32>} : memref<128x128xf32, #tpu.memory_space<vmem>>, vector<1x16xf32>,
        %add3A_1488 = arith.constant 48 : i32
        %add3A_1489 = arith.addi %mul3A_1437, %add3A_1488 : i32
        %get3A_1490 = arith.index_cast %add3A_1430 : i32 to index
        %get3A_1491 = arith.index_cast %add3A_1489 : i32 to index
        %get3A_1492 = tpu.vector_load %arg12[%get3A_1490, %get3A_1491] {strides = array<i32>} : memref<256x128xf32, #tpu.memory_space<vmem>>, vector<1x16xf32>,
        %get3A_1493 = vector.shape_cast %get3A_1492 : vector<1x16xf32> to vector<16xf32>
        %add3A_1494 = arith.addf %get3A_1493, %add3A_173 : vector<16xf32>
        %mul3A_1495 = arith.mulf %broadcast_in_dim3A_1441, %sub3A_51 : vector<16xf32>
        %add3A_1496 = arith.addf %add3A_1494, %mul3A_1495 : vector<16xf32>
        %swap3A_1497 = arith.index_cast %add3A_1445 : i32 to index
        %swap3A_1498 = arith.constant 112 : index
        %swap3A_1499 = tpu.vector_load %arg14[%swap3A_1497, %swap3A_1498] {strides = array<i32>} : memref<128x128xf32, #tpu.memory_space<vmem>>, vector<1x16xf32>,
        %swap3A_1500 = vector.shape_cast %swap3A_1499 : vector<1x16xf32> to vector<16xf32>
        %swap3A_1501 = vector.shape_cast %add3A_1496 : vector<16xf32> to vector<1x16xf32>
        tpu.vector_store %arg14[%swap3A_1497, %swap3A_1498], %swap3A_1501 {strides = array<i32>} : memref<128x128xf32, #tpu.memory_space<vmem>>, vector<1x16xf32>,
      }
      %scan3A_178 = arith.constant 16 : i32
      %mul3A_179 = arith.constant 256 : i32
      %mul3A_180 = arith.muli %mul3A_58, %mul3A_179 : i32
      %add3A_181 = arith.addi %mul3A_2, %mul3A_180 : i32
      %jit3A = arith.constant 2 : i32
      %div3A_182 = arith.divsi %add3A_181, %jit3A : i32
      %sign3A = arith.constant 0 : i32
      %sign3A_183 = arith.cmpi sgt, %add3A_181, %sign3A : i32
      %sign3A_184 = arith.extui %sign3A_183 : i1 to i32
      %sign3A_185 = arith.constant 0 : i32
      %sign3A_186 = arith.cmpi slt, %add3A_181, %sign3A_185 : i32
      %sign3A_187 = arith.extui %sign3A_186 : i1 to i32
      %sign3A_188 = arith.subi %sign3A_184, %sign3A_187 : i32
      %sign3A_189 = arith.constant 0 : i32
      %sign3A_190 = arith.cmpi sgt, %jit3A, %sign3A_189 : i32
      %sign3A_191 = arith.extui %sign3A_190 : i1 to i32
      %sign3A_192 = arith.constant 0 : i32
      %sign3A_193 = arith.cmpi slt, %jit3A, %sign3A_192 : i32
      %sign3A_194 = arith.extui %sign3A_193 : i1 to i32
      %sign3A_195 = arith.subi %sign3A_191, %sign3A_194 : i32
      %ne3A = arith.cmpi ne, %sign3A_188, %sign3A_195 : i32
      %rem3A = arith.remsi %add3A_181, %jit3A : i32
      %ne3A_196 = arith.constant 0 : i32
      %ne3A_197 = arith.cmpi ne, %rem3A, %ne3A_196 : i32
      %and3A = arith.andi %ne3A, %ne3A_197 : i1
      %sub3A_198 = arith.constant 1 : i32
      %sub3A_199 = arith.subi %div3A_182, %sub3A_198 : i32
      %select_n3A = arith.select %and3A, %sub3A_199, %div3A_182 : i32
      %multiple_of3A_200 = tpu.assume_multiple %select_n3A, 128 : i32
      "tpu.region"() ({
        %run_scoped3A = tpu.sem_alloc : memref<!tpu.dma_semaphore, #tpu.memory_space<semaphore_mem>>
        %dma_start3A_292 = arith.constant 0 : i32
        %dma_start3A_293 = tpu.memref_slice %arg7[%multiple_of3A_200, %dma_start3A_292] : memref<131072x128xf32, #tpu.memory_space<hbm>> -> memref<128x128xf32, #tpu.memory_space<hbm>>
        %dma_start3A_294 = arith.constant 0 : i32
        %dma_start3A_295 = tpu.memref_slice %arg7[%multiple_of3A_200, %dma_start3A_294] : memref<131072x128xf32, #tpu.memory_space<hbm>> -> memref<128x128xf32, #tpu.memory_space<hbm>>
        tpu.enqueue_dma source(%arg14 : memref<128x128xf32, #tpu.memory_space<vmem>>) target(%dma_start3A_295 : memref<128x128xf32, #tpu.memory_space<hbm>>) target_semaphore(%run_scoped3A : memref<!tpu.dma_semaphore, #tpu.memory_space<semaphore_mem>>)
        %dma_wait3A_296 = arith.constant 0 : i32
        %dma_wait3A_297 = tpu.memref_slice %arg7[%multiple_of3A_200, %dma_wait3A_296] : memref<131072x128xf32, #tpu.memory_space<hbm>> -> memref<128x128xf32, #tpu.memory_space<hbm>>
        %dma_wait3A_298 = arith.constant 0 : i32
        %dma_wait3A_299 = tpu.memref_slice %arg7[%multiple_of3A_200, %dma_wait3A_298] : memref<131072x128xf32, #tpu.memory_space<hbm>> -> memref<128x128xf32, #tpu.memory_space<hbm>>
        tpu.wait_dma2 semaphore(%run_scoped3A : memref<!tpu.dma_semaphore, #tpu.memory_space<semaphore_mem>>) src(%arg14 : memref<128x128xf32, #tpu.memory_space<vmem>>) dst(%dma_wait3A_299 : memref<128x128xf32, #tpu.memory_space<hbm>>)
        tpu.yield
      }) : () -> ()
      %dma_wait3A_201 = arith.constant 0 : i32
      %dma_wait3A_202 = arith.constant 0 : i32
      %dma_wait3A_203 = arith.constant 0 : i32
      %dma_wait3A_204 = tpu.memref_slice %arg13[%dma_wait3A_202, %dma_wait3A_203] : memref<256x128xf32, #tpu.memory_space<vmem>> -> memref<128x128xf32, #tpu.memory_space<vmem>>
      %dma_wait3A_205 = arith.constant 0 : i32
      %dma_wait3A_206 = tpu.memref_slice %arg11[%dma_wait3A_201, %dma_wait3A_205] : memref<2x128xi32, #tpu.memory_space<vmem>> -> memref<1x128xi32, #tpu.memory_space<vmem>>
      %dma_wait3A_207 = tpu.memref_squeeze %dma_wait3A_206 : memref<1x128xi32, #tpu.memory_space<vmem>> -> memref<128xi32, #tpu.memory_space<vmem>>
      %dma_wait3A_208 = arith.constant 0 : i32
      %dma_wait3A_209 = arith.constant 0 : i32
      %dma_wait3A_210 = tpu.memref_slice %arg4[%dma_wait3A_208, %dma_wait3A_209] : memref<512000x128xf32, #tpu.memory_space<hbm>> -> memref<512000x128xf32, #tpu.memory_space<hbm>>
      tpu.wait_indirect_dma semaphore(%arg18 : memref<!tpu.dma_semaphore, #tpu.memory_space<semaphore_mem>>) src(%dma_wait3A_210 : memref<512000x128xf32, #tpu.memory_space<hbm>>) dst(%dma_wait3A_204 : memref<128x128xf32, #tpu.memory_space<vmem>>)
      %dma_wait3A_211 = arith.constant 1 : i32
      %dma_wait3A_212 = arith.constant 128 : i32
      %dma_wait3A_213 = arith.constant 0 : i32
      %dma_wait3A_214 = tpu.memref_slice %arg13[%dma_wait3A_212, %dma_wait3A_213] : memref<256x128xf32, #tpu.memory_space<vmem>> -> memref<128x128xf32, #tpu.memory_space<vmem>>
      %dma_wait3A_215 = arith.constant 0 : i32
      %dma_wait3A_216 = tpu.memref_slice %arg11[%dma_wait3A_211, %dma_wait3A_215] : memref<2x128xi32, #tpu.memory_space<vmem>> -> memref<1x128xi32, #tpu.memory_space<vmem>>
      %dma_wait3A_217 = tpu.memref_squeeze %dma_wait3A_216 : memref<1x128xi32, #tpu.memory_space<vmem>> -> memref<128xi32, #tpu.memory_space<vmem>>
      %dma_wait3A_218 = arith.constant 0 : i32
      %dma_wait3A_219 = arith.constant 0 : i32
      %dma_wait3A_220 = tpu.memref_slice %arg4[%dma_wait3A_218, %dma_wait3A_219] : memref<512000x128xf32, #tpu.memory_space<hbm>> -> memref<512000x128xf32, #tpu.memory_space<hbm>>
      tpu.wait_indirect_dma semaphore(%arg18 : memref<!tpu.dma_semaphore, #tpu.memory_space<semaphore_mem>>) src(%dma_wait3A_220 : memref<512000x128xf32, #tpu.memory_space<hbm>>) dst(%dma_wait3A_214 : memref<128x128xf32, #tpu.memory_space<vmem>>)
      %add3A_221 = arith.constant 1 : i32
      %add3A_222 = arith.addi %mul3A_58, %add3A_221 : i32
      %div3A_223 = arith.constant 16 : i32
      %div3A_224 = arith.divsi %add3A_222, %div3A_223 : i32
      %mul3A_225 = arith.constant 64 : i32
      %mul3A_226 = arith.muli %div3A_224, %mul3A_225 : i32
      %add3A_227 = arith.constant 0 : i32
      %add3A_228 = arith.addi %mul3A_226, %add3A_227 : i32
      %get3A_229 = arith.constant 0 : i32
      %get3A_230 = arith.index_cast %get3A_229 : i32 to index
      %get3A_231 = arith.index_cast %add3A_228 : i32 to index
      %get3A_232 = tpu.vector_load %arg15[%get3A_230, %get3A_231] {strides = array<i32>} : memref<1x128xf32, #tpu.memory_space<vmem>>, vector<1x16xf32>,
      %get3A_233 = vector.shape_cast %get3A_232 : vector<1x16xf32> to vector<16xf32>
      %add3A_234 = arith.addf %get3A_233, %get3A_13 : vector<16xf32>
      %add3A_235 = arith.constant 16 : i32
      %add3A_236 = arith.addi %mul3A_226, %add3A_235 : i32
      %get3A_237 = arith.constant 0 : i32
      %get3A_238 = arith.index_cast %get3A_237 : i32 to index
      %get3A_239 = arith.index_cast %add3A_236 : i32 to index
      %get3A_240 = tpu.vector_load %arg15[%get3A_238, %get3A_239] {strides = array<i32>} : memref<1x128xf32, #tpu.memory_space<vmem>>, vector<1x16xf32>,
      %get3A_241 = vector.shape_cast %get3A_240 : vector<1x16xf32> to vector<16xf32>
      %add3A_242 = arith.addf %get3A_241, %get3A_18 : vector<16xf32>
      %add3A_243 = arith.constant 32 : i32
      %add3A_244 = arith.addi %mul3A_226, %add3A_243 : i32
      %get3A_245 = arith.constant 0 : i32
      %get3A_246 = arith.index_cast %get3A_245 : i32 to index
      %get3A_247 = arith.index_cast %add3A_244 : i32 to index
      %get3A_248 = tpu.vector_load %arg15[%get3A_246, %get3A_247] {strides = array<i32>} : memref<1x128xf32, #tpu.memory_space<vmem>>, vector<1x16xf32>,
      %get3A_249 = vector.shape_cast %get3A_248 : vector<1x16xf32> to vector<16xf32>
      %add3A_250 = arith.addf %get3A_249, %get3A_23 : vector<16xf32>
      %add3A_251 = arith.constant 48 : i32
      %add3A_252 = arith.addi %mul3A_226, %add3A_251 : i32
      %get3A_253 = arith.constant 0 : i32
      %get3A_254 = arith.index_cast %get3A_253 : i32 to index
      %get3A_255 = arith.index_cast %add3A_252 : i32 to index
      %get3A_256 = tpu.vector_load %arg15[%get3A_254, %get3A_255] {strides = array<i32>} : memref<1x128xf32, #tpu.memory_space<vmem>>, vector<1x16xf32>,
      %get3A_257 = vector.shape_cast %get3A_256 : vector<1x16xf32> to vector<16xf32>
      %add3A_258 = arith.addf %get3A_257, %get3A_28 : vector<16xf32>
      %scan3A_259 = arith.constant 0 : i32
      %scan3A_260 = arith.constant 16 : i32
      %scan3A_261 = arith.addi %scan3A_259, %scan3A_260 : i32
      %scan3A_262 = arith.constant 1 : i32
      scf.for %scan3A_292 = %scan3A_259 to %scan3A_261 step %scan3A_262  : i32 {
        %mul3A_293 = arith.constant 256 : i32
        %mul3A_294 = arith.muli %add3A_222, %mul3A_293 : i32
        %mul3A_295 = arith.constant 16 : i32
        %mul3A_296 = arith.muli %scan3A_292, %mul3A_295 : i32
        %add3A_297 = arith.addi %mul3A_294, %mul3A_296 : i32
        %get3A_298 = arith.constant 0 : i32
        %get3A_299 = arith.index_cast %get3A_298 : i32 to index
        %get3A_300 = arith.index_cast %add3A_297 : i32 to index
        %get3A_301 = tpu.vector_load %arg8[%get3A_299, %get3A_300] {strides = array<i32>} : memref<1x8192xi32, #tpu.memory_space<vmem>>, vector<1x16xi32>,
        %get3A_302 = vector.shape_cast %get3A_301 : vector<1x16xi32> to vector<16xi32>
        %get3A_303 = arith.constant 0 : i32
        %get3A_304 = arith.index_cast %get3A_303 : i32 to index
        %get3A_305 = arith.index_cast %add3A_297 : i32 to index
        %get3A_306 = tpu.vector_load %arg9[%get3A_304, %get3A_305] {strides = array<i32>} : memref<1x8192xi32, #tpu.memory_space<vmem>>, vector<1x16xi32>,
        %get3A_307 = vector.shape_cast %get3A_306 : vector<1x16xi32> to vector<16xi32>
        %mul3A_308 = arith.constant 16 : i32
        %mul3A_309 = arith.muli %scan3A_292, %mul3A_308 : i32
        %add3A_310 = arith.constant 0 : i32
        %add3A_311 = arith.addi %mul3A_309, %add3A_310 : i32
        %slice3A = vector.extract_strided_slice %get3A_302 {offsets = [0], sizes = [1], strides = [1]} : vector<16xi32> to vector<1xi32>
        %squeeze3A = vector.extract %slice3A[0] : i32 from vector<1xi32>
        %ge3A = arith.constant 512000 : i32
        %ge3A_312 = arith.cmpi sge, %squeeze3A, %ge3A : i32
        %convert_element_type3A = arith.extui %ge3A_312 : i1 to i32
        %mul3A_313 = arith.constant 64 : i32
        %mul3A_314 = arith.muli %convert_element_type3A, %mul3A_313 : i32
        %slice3A_315 = vector.extract_strided_slice %get3A_307 {offsets = [0], sizes = [1], strides = [1]} : vector<16xi32> to vector<1xi32>
        %squeeze3A_316 = vector.extract %slice3A_315[0] : i32 from vector<1xi32>
        %convert_element_type3A_317 = arith.sitofp %squeeze3A_316 : i32 to f32
        %broadcast_in_dim3A = vector.broadcast %convert_element_type3A_317 : f32 to vector<16xf32>
        %mul3A_318 = arith.constant 8 : i32
        %mul3A_319 = arith.muli %scan3A_292, %mul3A_318 : i32
        %add3A_320 = arith.constant 0 : i32
        %add3A_321 = arith.addi %mul3A_319, %add3A_320 : i32
        %add3A_322 = arith.constant 0 : i32
        %add3A_323 = arith.addi %mul3A_314, %add3A_322 : i32
        %get3A_324 = arith.index_cast %add3A_311 : i32 to index
        %get3A_325 = arith.index_cast %add3A_323 : i32 to index
        %get3A_326 = tpu.vector_load %arg13[%get3A_324, %get3A_325] {strides = array<i32>} : memref<256x128xf32, #tpu.memory_space<vmem>>, vector<1x16xf32>,
        %get3A_327 = vector.shape_cast %get3A_326 : vector<1x16xf32> to vector<16xf32>
        %add3A_328 = arith.addf %get3A_327, %add3A_234 : vector<16xf32>
        %mul3A_329 = arith.mulf %broadcast_in_dim3A, %sub3A : vector<16xf32>
        %add3A_330 = arith.addf %add3A_328, %mul3A_329 : vector<16xf32>
        %swap3A = arith.index_cast %add3A_321 : i32 to index
        %swap3A_331 = arith.constant 0 : index
        %swap3A_332 = tpu.vector_load %arg14[%swap3A, %swap3A_331] {strides = array<i32>} : memref<128x128xf32, #tpu.memory_space<vmem>>, vector<1x16xf32>,
        %swap3A_333 = vector.shape_cast %swap3A_332 : vector<1x16xf32> to vector<16xf32>
        %swap3A_334 = vector.shape_cast %add3A_330 : vector<16xf32> to vector<1x16xf32>
        tpu.vector_store %arg14[%swap3A, %swap3A_331], %swap3A_334 {strides = array<i32>} : memref<128x128xf32, #tpu.memory_space<vmem>>, vector<1x16xf32>,
        %add3A_335 = arith.constant 16 : i32
        %add3A_336 = arith.addi %mul3A_314, %add3A_335 : i32
        %get3A_337 = arith.index_cast %add3A_311 : i32 to index
        %get3A_338 = arith.index_cast %add3A_336 : i32 to index
        %get3A_339 = tpu.vector_load %arg13[%get3A_337, %get3A_338] {strides = array<i32>} : memref<256x128xf32, #tpu.memory_space<vmem>>, vector<1x16xf32>,
        %get3A_340 = vector.shape_cast %get3A_339 : vector<1x16xf32> to vector<16xf32>
        %add3A_341 = arith.addf %get3A_340, %add3A_242 : vector<16xf32>
        %mul3A_342 = arith.mulf %broadcast_in_dim3A, %sub3A_39 : vector<16xf32>
        %add3A_343 = arith.addf %add3A_341, %mul3A_342 : vector<16xf32>
        %swap3A_344 = arith.index_cast %add3A_321 : i32 to index
        %swap3A_345 = arith.constant 16 : index
        %swap3A_346 = tpu.vector_load %arg14[%swap3A_344, %swap3A_345] {strides = array<i32>} : memref<128x128xf32, #tpu.memory_space<vmem>>, vector<1x16xf32>,
        %swap3A_347 = vector.shape_cast %swap3A_346 : vector<1x16xf32> to vector<16xf32>
        %swap3A_348 = vector.shape_cast %add3A_343 : vector<16xf32> to vector<1x16xf32>
        tpu.vector_store %arg14[%swap3A_344, %swap3A_345], %swap3A_348 {strides = array<i32>} : memref<128x128xf32, #tpu.memory_space<vmem>>, vector<1x16xf32>,
        %add3A_349 = arith.constant 32 : i32
        %add3A_350 = arith.addi %mul3A_314, %add3A_349 : i32
        %get3A_351 = arith.index_cast %add3A_311 : i32 to index
        %get3A_352 = arith.index_cast %add3A_350 : i32 to index
        %get3A_353 = tpu.vector_load %arg13[%get3A_351, %get3A_352] {strides = array<i32>} : memref<256x128xf32, #tpu.memory_space<vmem>>, vector<1x16xf32>,
        %get3A_354 = vector.shape_cast %get3A_353 : vector<1x16xf32> to vector<16xf32>
        %add3A_355 = arith.addf %get3A_354, %add3A_250 : vector<16xf32>
        %mul3A_356 = arith.mulf %broadcast_in_dim3A, %sub3A_45 : vector<16xf32>
        %add3A_357 = arith.addf %add3A_355, %mul3A_356 : vector<16xf32>
        %swap3A_358 = arith.index_cast %add3A_321 : i32 to index
        %swap3A_359 = arith.constant 32 : index
        %swap3A_360 = tpu.vector_load %arg14[%swap3A_358, %swap3A_359] {strides = array<i32>} : memref<128x128xf32, #tpu.memory_space<vmem>>, vector<1x16xf32>,
        %swap3A_361 = vector.shape_cast %swap3A_360 : vector<1x16xf32> to vector<16xf32>
        %swap3A_362 = vector.shape_cast %add3A_357 : vector<16xf32> to vector<1x16xf32>
        tpu.vector_store %arg14[%swap3A_358, %swap3A_359], %swap3A_362 {strides = array<i32>} : memref<128x128xf32, #tpu.memory_space<vmem>>, vector<1x16xf32>,
        %add3A_363 = arith.constant 48 : i32
        %add3A_364 = arith.addi %mul3A_314, %add3A_363 : i32
        %get3A_365 = arith.index_cast %add3A_311 : i32 to index
        %get3A_366 = arith.index_cast %add3A_364 : i32 to index
        %get3A_367 = tpu.vector_load %arg13[%get3A_365, %get3A_366] {strides = array<i32>} : memref<256x128xf32, #tpu.memory_space<vmem>>, vector<1x16xf32>,
        %get3A_368 = vector.shape_cast %get3A_367 : vector<1x16xf32> to vector<16xf32>
        %add3A_369 = arith.addf %get3A_368, %add3A_258 : vector<16xf32>
        %mul3A_370 = arith.mulf %broadcast_in_dim3A, %sub3A_51 : vector<16xf32>
        %add3A_371 = arith.addf %add3A_369, %mul3A_370 : vector<16xf32>
        %swap3A_372 = arith.index_cast %add3A_321 : i32 to index
        %swap3A_373 = arith.constant 48 : index
        %swap3A_374 = tpu.vector_load %arg14[%swap3A_372, %swap3A_373] {strides = array<i32>} : memref<128x128xf32, #tpu.memory_space<vmem>>, vector<1x16xf32>,
        %swap3A_375 = vector.shape_cast %swap3A_374 : vector<1x16xf32> to vector<16xf32>
        %swap3A_376 = vector.shape_cast %add3A_371 : vector<16xf32> to vector<1x16xf32>
        tpu.vector_store %arg14[%swap3A_372, %swap3A_373], %swap3A_376 {strides = array<i32>} : memref<128x128xf32, #tpu.memory_space<vmem>>, vector<1x16xf32>,
        %mul3A_377 = arith.constant 16 : i32
        %mul3A_378 = arith.muli %scan3A_292, %mul3A_377 : i32
        %add3A_379 = arith.constant 1 : i32
        %add3A_380 = arith.addi %mul3A_378, %add3A_379 : i32
        %slice3A_381 = vector.extract_strided_slice %get3A_302 {offsets = [1], sizes = [1], strides = [1]} : vector<16xi32> to vector<1xi32>
        %squeeze3A_382 = vector.extract %slice3A_381[0] : i32 from vector<1xi32>
        %ge3A_383 = arith.constant 512000 : i32
        %ge3A_384 = arith.cmpi sge, %squeeze3A_382, %ge3A_383 : i32
        %convert_element_type3A_385 = arith.extui %ge3A_384 : i1 to i32
        %mul3A_386 = arith.constant 64 : i32
        %mul3A_387 = arith.muli %convert_element_type3A_385, %mul3A_386 : i32
        %slice3A_388 = vector.extract_strided_slice %get3A_307 {offsets = [1], sizes = [1], strides = [1]} : vector<16xi32> to vector<1xi32>
        %squeeze3A_389 = vector.extract %slice3A_388[0] : i32 from vector<1xi32>
        %convert_element_type3A_390 = arith.sitofp %squeeze3A_389 : i32 to f32
        %broadcast_in_dim3A_391 = vector.broadcast %convert_element_type3A_390 : f32 to vector<16xf32>
        %mul3A_392 = arith.constant 8 : i32
        %mul3A_393 = arith.muli %scan3A_292, %mul3A_392 : i32
        %add3A_394 = arith.constant 0 : i32
        %add3A_395 = arith.addi %mul3A_393, %add3A_394 : i32
        %add3A_396 = arith.constant 0 : i32
        %add3A_397 = arith.addi %mul3A_387, %add3A_396 : i32
        %get3A_398 = arith.index_cast %add3A_380 : i32 to index
        %get3A_399 = arith.index_cast %add3A_397 : i32 to index
        %get3A_400 = tpu.vector_load %arg13[%get3A_398, %get3A_399] {strides = array<i32>} : memref<256x128xf32, #tpu.memory_space<vmem>>, vector<1x16xf32>,
        %get3A_401 = vector.shape_cast %get3A_400 : vector<1x16xf32> to vector<16xf32>
        %add3A_402 = arith.addf %get3A_401, %add3A_234 : vector<16xf32>
        %mul3A_403 = arith.mulf %broadcast_in_dim3A_391, %sub3A : vector<16xf32>
        %add3A_404 = arith.addf %add3A_402, %mul3A_403 : vector<16xf32>
        %swap3A_405 = arith.index_cast %add3A_395 : i32 to index
        %swap3A_406 = arith.constant 64 : index
        %swap3A_407 = tpu.vector_load %arg14[%swap3A_405, %swap3A_406] {strides = array<i32>} : memref<128x128xf32, #tpu.memory_space<vmem>>, vector<1x16xf32>,
        %swap3A_408 = vector.shape_cast %swap3A_407 : vector<1x16xf32> to vector<16xf32>
        %swap3A_409 = vector.shape_cast %add3A_404 : vector<16xf32> to vector<1x16xf32>
        tpu.vector_store %arg14[%swap3A_405, %swap3A_406], %swap3A_409 {strides = array<i32>} : memref<128x128xf32, #tpu.memory_space<vmem>>, vector<1x16xf32>,
        %add3A_410 = arith.constant 16 : i32
        %add3A_411 = arith.addi %mul3A_387, %add3A_410 : i32
        %get3A_412 = arith.index_cast %add3A_380 : i32 to index
        %get3A_413 = arith.index_cast %add3A_411 : i32 to index
        %get3A_414 = tpu.vector_load %arg13[%get3A_412, %get3A_413] {strides = array<i32>} : memref<256x128xf32, #tpu.memory_space<vmem>>, vector<1x16xf32>,
        %get3A_415 = vector.shape_cast %get3A_414 : vector<1x16xf32> to vector<16xf32>
        %add3A_416 = arith.addf %get3A_415, %add3A_242 : vector<16xf32>
        %mul3A_417 = arith.mulf %broadcast_in_dim3A_391, %sub3A_39 : vector<16xf32>
        %add3A_418 = arith.addf %add3A_416, %mul3A_417 : vector<16xf32>
        %swap3A_419 = arith.index_cast %add3A_395 : i32 to index
        %swap3A_420 = arith.constant 80 : index
        %swap3A_421 = tpu.vector_load %arg14[%swap3A_419, %swap3A_420] {strides = array<i32>} : memref<128x128xf32, #tpu.memory_space<vmem>>, vector<1x16xf32>,
        %swap3A_422 = vector.shape_cast %swap3A_421 : vector<1x16xf32> to vector<16xf32>
        %swap3A_423 = vector.shape_cast %add3A_418 : vector<16xf32> to vector<1x16xf32>
        tpu.vector_store %arg14[%swap3A_419, %swap3A_420], %swap3A_423 {strides = array<i32>} : memref<128x128xf32, #tpu.memory_space<vmem>>, vector<1x16xf32>,
        %add3A_424 = arith.constant 32 : i32
        %add3A_425 = arith.addi %mul3A_387, %add3A_424 : i32
        %get3A_426 = arith.index_cast %add3A_380 : i32 to index
        %get3A_427 = arith.index_cast %add3A_425 : i32 to index
        %get3A_428 = tpu.vector_load %arg13[%get3A_426, %get3A_427] {strides = array<i32>} : memref<256x128xf32, #tpu.memory_space<vmem>>, vector<1x16xf32>,
        %get3A_429 = vector.shape_cast %get3A_428 : vector<1x16xf32> to vector<16xf32>
        %add3A_430 = arith.addf %get3A_429, %add3A_250 : vector<16xf32>
        %mul3A_431 = arith.mulf %broadcast_in_dim3A_391, %sub3A_45 : vector<16xf32>
        %add3A_432 = arith.addf %add3A_430, %mul3A_431 : vector<16xf32>
        %swap3A_433 = arith.index_cast %add3A_395 : i32 to index
        %swap3A_434 = arith.constant 96 : index
        %swap3A_435 = tpu.vector_load %arg14[%swap3A_433, %swap3A_434] {strides = array<i32>} : memref<128x128xf32, #tpu.memory_space<vmem>>, vector<1x16xf32>,
        %swap3A_436 = vector.shape_cast %swap3A_435 : vector<1x16xf32> to vector<16xf32>
        %swap3A_437 = vector.shape_cast %add3A_432 : vector<16xf32> to vector<1x16xf32>
        tpu.vector_store %arg14[%swap3A_433, %swap3A_434], %swap3A_437 {strides = array<i32>} : memref<128x128xf32, #tpu.memory_space<vmem>>, vector<1x16xf32>,
        %add3A_438 = arith.constant 48 : i32
        %add3A_439 = arith.addi %mul3A_387, %add3A_438 : i32
        %get3A_440 = arith.index_cast %add3A_380 : i32 to index
        %get3A_441 = arith.index_cast %add3A_439 : i32 to index
        %get3A_442 = tpu.vector_load %arg13[%get3A_440, %get3A_441] {strides = array<i32>} : memref<256x128xf32, #tpu.memory_space<vmem>>, vector<1x16xf32>,
        %get3A_443 = vector.shape_cast %get3A_442 : vector<1x16xf32> to vector<16xf32>
        %add3A_444 = arith.addf %get3A_443, %add3A_258 : vector<16xf32>
        %mul3A_445 = arith.mulf %broadcast_in_dim3A_391, %sub3A_51 : vector<16xf32>
        %add3A_446 = arith.addf %add3A_444, %mul3A_445 : vector<16xf32>
        %swap3A_447 = arith.index_cast %add3A_395 : i32 to index
        %swap3A_448 = arith.constant 112 : index
        %swap3A_449 = tpu.vector_load %arg14[%swap3A_447, %swap3A_448] {strides = array<i32>} : memref<128x128xf32, #tpu.memory_space<vmem>>, vector<1x16xf32>,
        %swap3A_450 = vector.shape_cast %swap3A_449 : vector<1x16xf32> to vector<16xf32>
        %swap3A_451 = vector.shape_cast %add3A_446 : vector<16xf32> to vector<1x16xf32>
        tpu.vector_store %arg14[%swap3A_447, %swap3A_448], %swap3A_451 {strides = array<i32>} : memref<128x128xf32, #tpu.memory_space<vmem>>, vector<1x16xf32>,
        %mul3A_452 = arith.constant 16 : i32
        %mul3A_453 = arith.muli %scan3A_292, %mul3A_452 : i32
        %add3A_454 = arith.constant 2 : i32
        %add3A_455 = arith.addi %mul3A_453, %add3A_454 : i32
        %slice3A_456 = vector.extract_strided_slice %get3A_302 {offsets = [2], sizes = [1], strides = [1]} : vector<16xi32> to vector<1xi32>
        %squeeze3A_457 = vector.extract %slice3A_456[0] : i32 from vector<1xi32>
        %ge3A_458 = arith.constant 512000 : i32
        %ge3A_459 = arith.cmpi sge, %squeeze3A_457, %ge3A_458 : i32
        %convert_element_type3A_460 = arith.extui %ge3A_459 : i1 to i32
        %mul3A_461 = arith.constant 64 : i32
        %mul3A_462 = arith.muli %convert_element_type3A_460, %mul3A_461 : i32
        %slice3A_463 = vector.extract_strided_slice %get3A_307 {offsets = [2], sizes = [1], strides = [1]} : vector<16xi32> to vector<1xi32>
        %squeeze3A_464 = vector.extract %slice3A_463[0] : i32 from vector<1xi32>
        %convert_element_type3A_465 = arith.sitofp %squeeze3A_464 : i32 to f32
        %broadcast_in_dim3A_466 = vector.broadcast %convert_element_type3A_465 : f32 to vector<16xf32>
        %mul3A_467 = arith.constant 8 : i32
        %mul3A_468 = arith.muli %scan3A_292, %mul3A_467 : i32
        %add3A_469 = arith.constant 1 : i32
        %add3A_470 = arith.addi %mul3A_468, %add3A_469 : i32
        %add3A_471 = arith.constant 0 : i32
        %add3A_472 = arith.addi %mul3A_462, %add3A_471 : i32
        %get3A_473 = arith.index_cast %add3A_455 : i32 to index
        %get3A_474 = arith.index_cast %add3A_472 : i32 to index
        %get3A_475 = tpu.vector_load %arg13[%get3A_473, %get3A_474] {strides = array<i32>} : memref<256x128xf32, #tpu.memory_space<vmem>>, vector<1x16xf32>,
        %get3A_476 = vector.shape_cast %get3A_475 : vector<1x16xf32> to vector<16xf32>
        %add3A_477 = arith.addf %get3A_476, %add3A_234 : vector<16xf32>
        %mul3A_478 = arith.mulf %broadcast_in_dim3A_466, %sub3A : vector<16xf32>
        %add3A_479 = arith.addf %add3A_477, %mul3A_478 : vector<16xf32>
        %swap3A_480 = arith.index_cast %add3A_470 : i32 to index
        %swap3A_481 = arith.constant 0 : index
        %swap3A_482 = tpu.vector_load %arg14[%swap3A_480, %swap3A_481] {strides = array<i32>} : memref<128x128xf32, #tpu.memory_space<vmem>>, vector<1x16xf32>,
        %swap3A_483 = vector.shape_cast %swap3A_482 : vector<1x16xf32> to vector<16xf32>
        %swap3A_484 = vector.shape_cast %add3A_479 : vector<16xf32> to vector<1x16xf32>
        tpu.vector_store %arg14[%swap3A_480, %swap3A_481], %swap3A_484 {strides = array<i32>} : memref<128x128xf32, #tpu.memory_space<vmem>>, vector<1x16xf32>,
        %add3A_485 = arith.constant 16 : i32
        %add3A_486 = arith.addi %mul3A_462, %add3A_485 : i32
        %get3A_487 = arith.index_cast %add3A_455 : i32 to index
        %get3A_488 = arith.index_cast %add3A_486 : i32 to index
        %get3A_489 = tpu.vector_load %arg13[%get3A_487, %get3A_488] {strides = array<i32>} : memref<256x128xf32, #tpu.memory_space<vmem>>, vector<1x16xf32>,
        %get3A_490 = vector.shape_cast %get3A_489 : vector<1x16xf32> to vector<16xf32>
        %add3A_491 = arith.addf %get3A_490, %add3A_242 : vector<16xf32>
        %mul3A_492 = arith.mulf %broadcast_in_dim3A_466, %sub3A_39 : vector<16xf32>
        %add3A_493 = arith.addf %add3A_491, %mul3A_492 : vector<16xf32>
        %swap3A_494 = arith.index_cast %add3A_470 : i32 to index
        %swap3A_495 = arith.constant 16 : index
        %swap3A_496 = tpu.vector_load %arg14[%swap3A_494, %swap3A_495] {strides = array<i32>} : memref<128x128xf32, #tpu.memory_space<vmem>>, vector<1x16xf32>,
        %swap3A_497 = vector.shape_cast %swap3A_496 : vector<1x16xf32> to vector<16xf32>
        %swap3A_498 = vector.shape_cast %add3A_493 : vector<16xf32> to vector<1x16xf32>
        tpu.vector_store %arg14[%swap3A_494, %swap3A_495], %swap3A_498 {strides = array<i32>} : memref<128x128xf32, #tpu.memory_space<vmem>>, vector<1x16xf32>,
        %add3A_499 = arith.constant 32 : i32
        %add3A_500 = arith.addi %mul3A_462, %add3A_499 : i32
        %get3A_501 = arith.index_cast %add3A_455 : i32 to index
        %get3A_502 = arith.index_cast %add3A_500 : i32 to index
        %get3A_503 = tpu.vector_load %arg13[%get3A_501, %get3A_502] {strides = array<i32>} : memref<256x128xf32, #tpu.memory_space<vmem>>, vector<1x16xf32>,
        %get3A_504 = vector.shape_cast %get3A_503 : vector<1x16xf32> to vector<16xf32>
        %add3A_505 = arith.addf %get3A_504, %add3A_250 : vector<16xf32>
        %mul3A_506 = arith.mulf %broadcast_in_dim3A_466, %sub3A_45 : vector<16xf32>
        %add3A_507 = arith.addf %add3A_505, %mul3A_506 : vector<16xf32>
        %swap3A_508 = arith.index_cast %add3A_470 : i32 to index
        %swap3A_509 = arith.constant 32 : index
        %swap3A_510 = tpu.vector_load %arg14[%swap3A_508, %swap3A_509] {strides = array<i32>} : memref<128x128xf32, #tpu.memory_space<vmem>>, vector<1x16xf32>,
        %swap3A_511 = vector.shape_cast %swap3A_510 : vector<1x16xf32> to vector<16xf32>
        %swap3A_512 = vector.shape_cast %add3A_507 : vector<16xf32> to vector<1x16xf32>
        tpu.vector_store %arg14[%swap3A_508, %swap3A_509], %swap3A_512 {strides = array<i32>} : memref<128x128xf32, #tpu.memory_space<vmem>>, vector<1x16xf32>,
        %add3A_513 = arith.constant 48 : i32
        %add3A_514 = arith.addi %mul3A_462, %add3A_513 : i32
        %get3A_515 = arith.index_cast %add3A_455 : i32 to index
        %get3A_516 = arith.index_cast %add3A_514 : i32 to index
        %get3A_517 = tpu.vector_load %arg13[%get3A_515, %get3A_516] {strides = array<i32>} : memref<256x128xf32, #tpu.memory_space<vmem>>, vector<1x16xf32>,
        %get3A_518 = vector.shape_cast %get3A_517 : vector<1x16xf32> to vector<16xf32>
        %add3A_519 = arith.addf %get3A_518, %add3A_258 : vector<16xf32>
        %mul3A_520 = arith.mulf %broadcast_in_dim3A_466, %sub3A_51 : vector<16xf32>
        %add3A_521 = arith.addf %add3A_519, %mul3A_520 : vector<16xf32>
        %swap3A_522 = arith.index_cast %add3A_470 : i32 to index
        %swap3A_523 = arith.constant 48 : index
        %swap3A_524 = tpu.vector_load %arg14[%swap3A_522, %swap3A_523] {strides = array<i32>} : memref<128x128xf32, #tpu.memory_space<vmem>>, vector<1x16xf32>,
        %swap3A_525 = vector.shape_cast %swap3A_524 : vector<1x16xf32> to vector<16xf32>
        %swap3A_526 = vector.shape_cast %add3A_521 : vector<16xf32> to vector<1x16xf32>
        tpu.vector_store %arg14[%swap3A_522, %swap3A_523], %swap3A_526 {strides = array<i32>} : memref<128x128xf32, #tpu.memory_space<vmem>>, vector<1x16xf32>,
        %mul3A_527 = arith.constant 16 : i32
        %mul3A_528 = arith.muli %scan3A_292, %mul3A_527 : i32
        %add3A_529 = arith.constant 3 : i32
        %add3A_530 = arith.addi %mul3A_528, %add3A_529 : i32
        %slice3A_531 = vector.extract_strided_slice %get3A_302 {offsets = [3], sizes = [1], strides = [1]} : vector<16xi32> to vector<1xi32>
        %squeeze3A_532 = vector.extract %slice3A_531[0] : i32 from vector<1xi32>
        %ge3A_533 = arith.constant 512000 : i32
        %ge3A_534 = arith.cmpi sge, %squeeze3A_532, %ge3A_533 : i32
        %convert_element_type3A_535 = arith.extui %ge3A_534 : i1 to i32
        %mul3A_536 = arith.constant 64 : i32
        %mul3A_537 = arith.muli %convert_element_type3A_535, %mul3A_536 : i32
        %slice3A_538 = vector.extract_strided_slice %get3A_307 {offsets = [3], sizes = [1], strides = [1]} : vector<16xi32> to vector<1xi32>
        %squeeze3A_539 = vector.extract %slice3A_538[0] : i32 from vector<1xi32>
        %convert_element_type3A_540 = arith.sitofp %squeeze3A_539 : i32 to f32
        %broadcast_in_dim3A_541 = vector.broadcast %convert_element_type3A_540 : f32 to vector<16xf32>
        %mul3A_542 = arith.constant 8 : i32
        %mul3A_543 = arith.muli %scan3A_292, %mul3A_542 : i32
        %add3A_544 = arith.constant 1 : i32
        %add3A_545 = arith.addi %mul3A_543, %add3A_544 : i32
        %add3A_546 = arith.constant 0 : i32
        %add3A_547 = arith.addi %mul3A_537, %add3A_546 : i32
        %get3A_548 = arith.index_cast %add3A_530 : i32 to index
        %get3A_549 = arith.index_cast %add3A_547 : i32 to index
        %get3A_550 = tpu.vector_load %arg13[%get3A_548, %get3A_549] {strides = array<i32>} : memref<256x128xf32, #tpu.memory_space<vmem>>, vector<1x16xf32>,
        %get3A_551 = vector.shape_cast %get3A_550 : vector<1x16xf32> to vector<16xf32>
        %add3A_552 = arith.addf %get3A_551, %add3A_234 : vector<16xf32>
        %mul3A_553 = arith.mulf %broadcast_in_dim3A_541, %sub3A : vector<16xf32>
        %add3A_554 = arith.addf %add3A_552, %mul3A_553 : vector<16xf32>
        %swap3A_555 = arith.index_cast %add3A_545 : i32 to index
        %swap3A_556 = arith.constant 64 : index
        %swap3A_557 = tpu.vector_load %arg14[%swap3A_555, %swap3A_556] {strides = array<i32>} : memref<128x128xf32, #tpu.memory_space<vmem>>, vector<1x16xf32>,
        %swap3A_558 = vector.shape_cast %swap3A_557 : vector<1x16xf32> to vector<16xf32>
        %swap3A_559 = vector.shape_cast %add3A_554 : vector<16xf32> to vector<1x16xf32>
        tpu.vector_store %arg14[%swap3A_555, %swap3A_556], %swap3A_559 {strides = array<i32>} : memref<128x128xf32, #tpu.memory_space<vmem>>, vector<1x16xf32>,
        %add3A_560 = arith.constant 16 : i32
        %add3A_561 = arith.addi %mul3A_537, %add3A_560 : i32
        %get3A_562 = arith.index_cast %add3A_530 : i32 to index
        %get3A_563 = arith.index_cast %add3A_561 : i32 to index
        %get3A_564 = tpu.vector_load %arg13[%get3A_562, %get3A_563] {strides = array<i32>} : memref<256x128xf32, #tpu.memory_space<vmem>>, vector<1x16xf32>,
        %get3A_565 = vector.shape_cast %get3A_564 : vector<1x16xf32> to vector<16xf32>
        %add3A_566 = arith.addf %get3A_565, %add3A_242 : vector<16xf32>
        %mul3A_567 = arith.mulf %broadcast_in_dim3A_541, %sub3A_39 : vector<16xf32>
        %add3A_568 = arith.addf %add3A_566, %mul3A_567 : vector<16xf32>
        %swap3A_569 = arith.index_cast %add3A_545 : i32 to index
        %swap3A_570 = arith.constant 80 : index
        %swap3A_571 = tpu.vector_load %arg14[%swap3A_569, %swap3A_570] {strides = array<i32>} : memref<128x128xf32, #tpu.memory_space<vmem>>, vector<1x16xf32>,
        %swap3A_572 = vector.shape_cast %swap3A_571 : vector<1x16xf32> to vector<16xf32>
        %swap3A_573 = vector.shape_cast %add3A_568 : vector<16xf32> to vector<1x16xf32>
        tpu.vector_store %arg14[%swap3A_569, %swap3A_570], %swap3A_573 {strides = array<i32>} : memref<128x128xf32, #tpu.memory_space<vmem>>, vector<1x16xf32>,
        %add3A_574 = arith.constant 32 : i32
        %add3A_575 = arith.addi %mul3A_537, %add3A_574 : i32
        %get3A_576 = arith.index_cast %add3A_530 : i32 to index
        %get3A_577 = arith.index_cast %add3A_575 : i32 to index
        %get3A_578 = tpu.vector_load %arg13[%get3A_576, %get3A_577] {strides = array<i32>} : memref<256x128xf32, #tpu.memory_space<vmem>>, vector<1x16xf32>,
        %get3A_579 = vector.shape_cast %get3A_578 : vector<1x16xf32> to vector<16xf32>
        %add3A_580 = arith.addf %get3A_579, %add3A_250 : vector<16xf32>
        %mul3A_581 = arith.mulf %broadcast_in_dim3A_541, %sub3A_45 : vector<16xf32>
        %add3A_582 = arith.addf %add3A_580, %mul3A_581 : vector<16xf32>
        %swap3A_583 = arith.index_cast %add3A_545 : i32 to index
        %swap3A_584 = arith.constant 96 : index
        %swap3A_585 = tpu.vector_load %arg14[%swap3A_583, %swap3A_584] {strides = array<i32>} : memref<128x128xf32, #tpu.memory_space<vmem>>, vector<1x16xf32>,
        %swap3A_586 = vector.shape_cast %swap3A_585 : vector<1x16xf32> to vector<16xf32>
        %swap3A_587 = vector.shape_cast %add3A_582 : vector<16xf32> to vector<1x16xf32>
        tpu.vector_store %arg14[%swap3A_583, %swap3A_584], %swap3A_587 {strides = array<i32>} : memref<128x128xf32, #tpu.memory_space<vmem>>, vector<1x16xf32>,
        %add3A_588 = arith.constant 48 : i32
        %add3A_589 = arith.addi %mul3A_537, %add3A_588 : i32
        %get3A_590 = arith.index_cast %add3A_530 : i32 to index
        %get3A_591 = arith.index_cast %add3A_589 : i32 to index
        %get3A_592 = tpu.vector_load %arg13[%get3A_590, %get3A_591] {strides = array<i32>} : memref<256x128xf32, #tpu.memory_space<vmem>>, vector<1x16xf32>,
        %get3A_593 = vector.shape_cast %get3A_592 : vector<1x16xf32> to vector<16xf32>
        %add3A_594 = arith.addf %get3A_593, %add3A_258 : vector<16xf32>
        %mul3A_595 = arith.mulf %broadcast_in_dim3A_541, %sub3A_51 : vector<16xf32>
        %add3A_596 = arith.addf %add3A_594, %mul3A_595 : vector<16xf32>
        %swap3A_597 = arith.index_cast %add3A_545 : i32 to index
        %swap3A_598 = arith.constant 112 : index
        %swap3A_599 = tpu.vector_load %arg14[%swap3A_597, %swap3A_598] {strides = array<i32>} : memref<128x128xf32, #tpu.memory_space<vmem>>, vector<1x16xf32>,
        %swap3A_600 = vector.shape_cast %swap3A_599 : vector<1x16xf32> to vector<16xf32>
        %swap3A_601 = vector.shape_cast %add3A_596 : vector<16xf32> to vector<1x16xf32>
        tpu.vector_store %arg14[%swap3A_597, %swap3A_598], %swap3A_601 {strides = array<i32>} : memref<128x128xf32, #tpu.memory_space<vmem>>, vector<1x16xf32>,
        %mul3A_602 = arith.constant 16 : i32
        %mul3A_603 = arith.muli %scan3A_292, %mul3A_602 : i32
        %add3A_604 = arith.constant 4 : i32
        %add3A_605 = arith.addi %mul3A_603, %add3A_604 : i32
        %slice3A_606 = vector.extract_strided_slice %get3A_302 {offsets = [4], sizes = [1], strides = [1]} : vector<16xi32> to vector<1xi32>
        %squeeze3A_607 = vector.extract %slice3A_606[0] : i32 from vector<1xi32>
        %ge3A_608 = arith.constant 512000 : i32
        %ge3A_609 = arith.cmpi sge, %squeeze3A_607, %ge3A_608 : i32
        %convert_element_type3A_610 = arith.extui %ge3A_609 : i1 to i32
        %mul3A_611 = arith.constant 64 : i32
        %mul3A_612 = arith.muli %convert_element_type3A_610, %mul3A_611 : i32
        %slice3A_613 = vector.extract_strided_slice %get3A_307 {offsets = [4], sizes = [1], strides = [1]} : vector<16xi32> to vector<1xi32>
        %squeeze3A_614 = vector.extract %slice3A_613[0] : i32 from vector<1xi32>
        %convert_element_type3A_615 = arith.sitofp %squeeze3A_614 : i32 to f32
        %broadcast_in_dim3A_616 = vector.broadcast %convert_element_type3A_615 : f32 to vector<16xf32>
        %mul3A_617 = arith.constant 8 : i32
        %mul3A_618 = arith.muli %scan3A_292, %mul3A_617 : i32
        %add3A_619 = arith.constant 2 : i32
        %add3A_620 = arith.addi %mul3A_618, %add3A_619 : i32
        %add3A_621 = arith.constant 0 : i32
        %add3A_622 = arith.addi %mul3A_612, %add3A_621 : i32
        %get3A_623 = arith.index_cast %add3A_605 : i32 to index
        %get3A_624 = arith.index_cast %add3A_622 : i32 to index
        %get3A_625 = tpu.vector_load %arg13[%get3A_623, %get3A_624] {strides = array<i32>} : memref<256x128xf32, #tpu.memory_space<vmem>>, vector<1x16xf32>,
        %get3A_626 = vector.shape_cast %get3A_625 : vector<1x16xf32> to vector<16xf32>
        %add3A_627 = arith.addf %get3A_626, %add3A_234 : vector<16xf32>
        %mul3A_628 = arith.mulf %broadcast_in_dim3A_616, %sub3A : vector<16xf32>
        %add3A_629 = arith.addf %add3A_627, %mul3A_628 : vector<16xf32>
        %swap3A_630 = arith.index_cast %add3A_620 : i32 to index
        %swap3A_631 = arith.constant 0 : index
        %swap3A_632 = tpu.vector_load %arg14[%swap3A_630, %swap3A_631] {strides = array<i32>} : memref<128x128xf32, #tpu.memory_space<vmem>>, vector<1x16xf32>,
        %swap3A_633 = vector.shape_cast %swap3A_632 : vector<1x16xf32> to vector<16xf32>
        %swap3A_634 = vector.shape_cast %add3A_629 : vector<16xf32> to vector<1x16xf32>
        tpu.vector_store %arg14[%swap3A_630, %swap3A_631], %swap3A_634 {strides = array<i32>} : memref<128x128xf32, #tpu.memory_space<vmem>>, vector<1x16xf32>,
        %add3A_635 = arith.constant 16 : i32
        %add3A_636 = arith.addi %mul3A_612, %add3A_635 : i32
        %get3A_637 = arith.index_cast %add3A_605 : i32 to index
        %get3A_638 = arith.index_cast %add3A_636 : i32 to index
        %get3A_639 = tpu.vector_load %arg13[%get3A_637, %get3A_638] {strides = array<i32>} : memref<256x128xf32, #tpu.memory_space<vmem>>, vector<1x16xf32>,
        %get3A_640 = vector.shape_cast %get3A_639 : vector<1x16xf32> to vector<16xf32>
        %add3A_641 = arith.addf %get3A_640, %add3A_242 : vector<16xf32>
        %mul3A_642 = arith.mulf %broadcast_in_dim3A_616, %sub3A_39 : vector<16xf32>
        %add3A_643 = arith.addf %add3A_641, %mul3A_642 : vector<16xf32>
        %swap3A_644 = arith.index_cast %add3A_620 : i32 to index
        %swap3A_645 = arith.constant 16 : index
        %swap3A_646 = tpu.vector_load %arg14[%swap3A_644, %swap3A_645] {strides = array<i32>} : memref<128x128xf32, #tpu.memory_space<vmem>>, vector<1x16xf32>,
        %swap3A_647 = vector.shape_cast %swap3A_646 : vector<1x16xf32> to vector<16xf32>
        %swap3A_648 = vector.shape_cast %add3A_643 : vector<16xf32> to vector<1x16xf32>
        tpu.vector_store %arg14[%swap3A_644, %swap3A_645], %swap3A_648 {strides = array<i32>} : memref<128x128xf32, #tpu.memory_space<vmem>>, vector<1x16xf32>,
        %add3A_649 = arith.constant 32 : i32
        %add3A_650 = arith.addi %mul3A_612, %add3A_649 : i32
        %get3A_651 = arith.index_cast %add3A_605 : i32 to index
        %get3A_652 = arith.index_cast %add3A_650 : i32 to index
        %get3A_653 = tpu.vector_load %arg13[%get3A_651, %get3A_652] {strides = array<i32>} : memref<256x128xf32, #tpu.memory_space<vmem>>, vector<1x16xf32>,
        %get3A_654 = vector.shape_cast %get3A_653 : vector<1x16xf32> to vector<16xf32>
        %add3A_655 = arith.addf %get3A_654, %add3A_250 : vector<16xf32>
        %mul3A_656 = arith.mulf %broadcast_in_dim3A_616, %sub3A_45 : vector<16xf32>
        %add3A_657 = arith.addf %add3A_655, %mul3A_656 : vector<16xf32>
        %swap3A_658 = arith.index_cast %add3A_620 : i32 to index
        %swap3A_659 = arith.constant 32 : index
        %swap3A_660 = tpu.vector_load %arg14[%swap3A_658, %swap3A_659] {strides = array<i32>} : memref<128x128xf32, #tpu.memory_space<vmem>>, vector<1x16xf32>,
        %swap3A_661 = vector.shape_cast %swap3A_660 : vector<1x16xf32> to vector<16xf32>
        %swap3A_662 = vector.shape_cast %add3A_657 : vector<16xf32> to vector<1x16xf32>
        tpu.vector_store %arg14[%swap3A_658, %swap3A_659], %swap3A_662 {strides = array<i32>} : memref<128x128xf32, #tpu.memory_space<vmem>>, vector<1x16xf32>,
        %add3A_663 = arith.constant 48 : i32
        %add3A_664 = arith.addi %mul3A_612, %add3A_663 : i32
        %get3A_665 = arith.index_cast %add3A_605 : i32 to index
        %get3A_666 = arith.index_cast %add3A_664 : i32 to index
        %get3A_667 = tpu.vector_load %arg13[%get3A_665, %get3A_666] {strides = array<i32>} : memref<256x128xf32, #tpu.memory_space<vmem>>, vector<1x16xf32>,
        %get3A_668 = vector.shape_cast %get3A_667 : vector<1x16xf32> to vector<16xf32>
        %add3A_669 = arith.addf %get3A_668, %add3A_258 : vector<16xf32>
        %mul3A_670 = arith.mulf %broadcast_in_dim3A_616, %sub3A_51 : vector<16xf32>
        %add3A_671 = arith.addf %add3A_669, %mul3A_670 : vector<16xf32>
        %swap3A_672 = arith.index_cast %add3A_620 : i32 to index
        %swap3A_673 = arith.constant 48 : index
        %swap3A_674 = tpu.vector_load %arg14[%swap3A_672, %swap3A_673] {strides = array<i32>} : memref<128x128xf32, #tpu.memory_space<vmem>>, vector<1x16xf32>,
        %swap3A_675 = vector.shape_cast %swap3A_674 : vector<1x16xf32> to vector<16xf32>
        %swap3A_676 = vector.shape_cast %add3A_671 : vector<16xf32> to vector<1x16xf32>
        tpu.vector_store %arg14[%swap3A_672, %swap3A_673], %swap3A_676 {strides = array<i32>} : memref<128x128xf32, #tpu.memory_space<vmem>>, vector<1x16xf32>,
        %mul3A_677 = arith.constant 16 : i32
        %mul3A_678 = arith.muli %scan3A_292, %mul3A_677 : i32
        %add3A_679 = arith.constant 5 : i32
        %add3A_680 = arith.addi %mul3A_678, %add3A_679 : i32
        %slice3A_681 = vector.extract_strided_slice %get3A_302 {offsets = [5], sizes = [1], strides = [1]} : vector<16xi32> to vector<1xi32>
        %squeeze3A_682 = vector.extract %slice3A_681[0] : i32 from vector<1xi32>
        %ge3A_683 = arith.constant 512000 : i32
        %ge3A_684 = arith.cmpi sge, %squeeze3A_682, %ge3A_683 : i32
        %convert_element_type3A_685 = arith.extui %ge3A_684 : i1 to i32
        %mul3A_686 = arith.constant 64 : i32
        %mul3A_687 = arith.muli %convert_element_type3A_685, %mul3A_686 : i32
        %slice3A_688 = vector.extract_strided_slice %get3A_307 {offsets = [5], sizes = [1], strides = [1]} : vector<16xi32> to vector<1xi32>
        %squeeze3A_689 = vector.extract %slice3A_688[0] : i32 from vector<1xi32>
        %convert_element_type3A_690 = arith.sitofp %squeeze3A_689 : i32 to f32
        %broadcast_in_dim3A_691 = vector.broadcast %convert_element_type3A_690 : f32 to vector<16xf32>
        %mul3A_692 = arith.constant 8 : i32
        %mul3A_693 = arith.muli %scan3A_292, %mul3A_692 : i32
        %add3A_694 = arith.constant 2 : i32
        %add3A_695 = arith.addi %mul3A_693, %add3A_694 : i32
        %add3A_696 = arith.constant 0 : i32
        %add3A_697 = arith.addi %mul3A_687, %add3A_696 : i32
        %get3A_698 = arith.index_cast %add3A_680 : i32 to index
        %get3A_699 = arith.index_cast %add3A_697 : i32 to index
        %get3A_700 = tpu.vector_load %arg13[%get3A_698, %get3A_699] {strides = array<i32>} : memref<256x128xf32, #tpu.memory_space<vmem>>, vector<1x16xf32>,
        %get3A_701 = vector.shape_cast %get3A_700 : vector<1x16xf32> to vector<16xf32>
        %add3A_702 = arith.addf %get3A_701, %add3A_234 : vector<16xf32>
        %mul3A_703 = arith.mulf %broadcast_in_dim3A_691, %sub3A : vector<16xf32>
        %add3A_704 = arith.addf %add3A_702, %mul3A_703 : vector<16xf32>
        %swap3A_705 = arith.index_cast %add3A_695 : i32 to index
        %swap3A_706 = arith.constant 64 : index
        %swap3A_707 = tpu.vector_load %arg14[%swap3A_705, %swap3A_706] {strides = array<i32>} : memref<128x128xf32, #tpu.memory_space<vmem>>, vector<1x16xf32>,
        %swap3A_708 = vector.shape_cast %swap3A_707 : vector<1x16xf32> to vector<16xf32>
        %swap3A_709 = vector.shape_cast %add3A_704 : vector<16xf32> to vector<1x16xf32>
        tpu.vector_store %arg14[%swap3A_705, %swap3A_706], %swap3A_709 {strides = array<i32>} : memref<128x128xf32, #tpu.memory_space<vmem>>, vector<1x16xf32>,
        %add3A_710 = arith.constant 16 : i32
        %add3A_711 = arith.addi %mul3A_687, %add3A_710 : i32
        %get3A_712 = arith.index_cast %add3A_680 : i32 to index
        %get3A_713 = arith.index_cast %add3A_711 : i32 to index
        %get3A_714 = tpu.vector_load %arg13[%get3A_712, %get3A_713] {strides = array<i32>} : memref<256x128xf32, #tpu.memory_space<vmem>>, vector<1x16xf32>,
        %get3A_715 = vector.shape_cast %get3A_714 : vector<1x16xf32> to vector<16xf32>
        %add3A_716 = arith.addf %get3A_715, %add3A_242 : vector<16xf32>
        %mul3A_717 = arith.mulf %broadcast_in_dim3A_691, %sub3A_39 : vector<16xf32>
        %add3A_718 = arith.addf %add3A_716, %mul3A_717 : vector<16xf32>
        %swap3A_719 = arith.index_cast %add3A_695 : i32 to index
        %swap3A_720 = arith.constant 80 : index
        %swap3A_721 = tpu.vector_load %arg14[%swap3A_719, %swap3A_720] {strides = array<i32>} : memref<128x128xf32, #tpu.memory_space<vmem>>, vector<1x16xf32>,
        %swap3A_722 = vector.shape_cast %swap3A_721 : vector<1x16xf32> to vector<16xf32>
        %swap3A_723 = vector.shape_cast %add3A_718 : vector<16xf32> to vector<1x16xf32>
        tpu.vector_store %arg14[%swap3A_719, %swap3A_720], %swap3A_723 {strides = array<i32>} : memref<128x128xf32, #tpu.memory_space<vmem>>, vector<1x16xf32>,
        %add3A_724 = arith.constant 32 : i32
        %add3A_725 = arith.addi %mul3A_687, %add3A_724 : i32
        %get3A_726 = arith.index_cast %add3A_680 : i32 to index
        %get3A_727 = arith.index_cast %add3A_725 : i32 to index
        %get3A_728 = tpu.vector_load %arg13[%get3A_726, %get3A_727] {strides = array<i32>} : memref<256x128xf32, #tpu.memory_space<vmem>>, vector<1x16xf32>,
        %get3A_729 = vector.shape_cast %get3A_728 : vector<1x16xf32> to vector<16xf32>
        %add3A_730 = arith.addf %get3A_729, %add3A_250 : vector<16xf32>
        %mul3A_731 = arith.mulf %broadcast_in_dim3A_691, %sub3A_45 : vector<16xf32>
        %add3A_732 = arith.addf %add3A_730, %mul3A_731 : vector<16xf32>
        %swap3A_733 = arith.index_cast %add3A_695 : i32 to index
        %swap3A_734 = arith.constant 96 : index
        %swap3A_735 = tpu.vector_load %arg14[%swap3A_733, %swap3A_734] {strides = array<i32>} : memref<128x128xf32, #tpu.memory_space<vmem>>, vector<1x16xf32>,
        %swap3A_736 = vector.shape_cast %swap3A_735 : vector<1x16xf32> to vector<16xf32>
        %swap3A_737 = vector.shape_cast %add3A_732 : vector<16xf32> to vector<1x16xf32>
        tpu.vector_store %arg14[%swap3A_733, %swap3A_734], %swap3A_737 {strides = array<i32>} : memref<128x128xf32, #tpu.memory_space<vmem>>, vector<1x16xf32>,
        %add3A_738 = arith.constant 48 : i32
        %add3A_739 = arith.addi %mul3A_687, %add3A_738 : i32
        %get3A_740 = arith.index_cast %add3A_680 : i32 to index
        %get3A_741 = arith.index_cast %add3A_739 : i32 to index
        %get3A_742 = tpu.vector_load %arg13[%get3A_740, %get3A_741] {strides = array<i32>} : memref<256x128xf32, #tpu.memory_space<vmem>>, vector<1x16xf32>,
        %get3A_743 = vector.shape_cast %get3A_742 : vector<1x16xf32> to vector<16xf32>
        %add3A_744 = arith.addf %get3A_743, %add3A_258 : vector<16xf32>
        %mul3A_745 = arith.mulf %broadcast_in_dim3A_691, %sub3A_51 : vector<16xf32>
        %add3A_746 = arith.addf %add3A_744, %mul3A_745 : vector<16xf32>
        %swap3A_747 = arith.index_cast %add3A_695 : i32 to index
        %swap3A_748 = arith.constant 112 : index
        %swap3A_749 = tpu.vector_load %arg14[%swap3A_747, %swap3A_748] {strides = array<i32>} : memref<128x128xf32, #tpu.memory_space<vmem>>, vector<1x16xf32>,
        %swap3A_750 = vector.shape_cast %swap3A_749 : vector<1x16xf32> to vector<16xf32>
        %swap3A_751 = vector.shape_cast %add3A_746 : vector<16xf32> to vector<1x16xf32>
        tpu.vector_store %arg14[%swap3A_747, %swap3A_748], %swap3A_751 {strides = array<i32>} : memref<128x128xf32, #tpu.memory_space<vmem>>, vector<1x16xf32>,
        %mul3A_752 = arith.constant 16 : i32
        %mul3A_753 = arith.muli %scan3A_292, %mul3A_752 : i32
        %add3A_754 = arith.constant 6 : i32
        %add3A_755 = arith.addi %mul3A_753, %add3A_754 : i32
        %slice3A_756 = vector.extract_strided_slice %get3A_302 {offsets = [6], sizes = [1], strides = [1]} : vector<16xi32> to vector<1xi32>
        %squeeze3A_757 = vector.extract %slice3A_756[0] : i32 from vector<1xi32>
        %ge3A_758 = arith.constant 512000 : i32
        %ge3A_759 = arith.cmpi sge, %squeeze3A_757, %ge3A_758 : i32
        %convert_element_type3A_760 = arith.extui %ge3A_759 : i1 to i32
        %mul3A_761 = arith.constant 64 : i32
        %mul3A_762 = arith.muli %convert_element_type3A_760, %mul3A_761 : i32
        %slice3A_763 = vector.extract_strided_slice %get3A_307 {offsets = [6], sizes = [1], strides = [1]} : vector<16xi32> to vector<1xi32>
        %squeeze3A_764 = vector.extract %slice3A_763[0] : i32 from vector<1xi32>
        %convert_element_type3A_765 = arith.sitofp %squeeze3A_764 : i32 to f32
        %broadcast_in_dim3A_766 = vector.broadcast %convert_element_type3A_765 : f32 to vector<16xf32>
        %mul3A_767 = arith.constant 8 : i32
        %mul3A_768 = arith.muli %scan3A_292, %mul3A_767 : i32
        %add3A_769 = arith.constant 3 : i32
        %add3A_770 = arith.addi %mul3A_768, %add3A_769 : i32
        %add3A_771 = arith.constant 0 : i32
        %add3A_772 = arith.addi %mul3A_762, %add3A_771 : i32
        %get3A_773 = arith.index_cast %add3A_755 : i32 to index
        %get3A_774 = arith.index_cast %add3A_772 : i32 to index
        %get3A_775 = tpu.vector_load %arg13[%get3A_773, %get3A_774] {strides = array<i32>} : memref<256x128xf32, #tpu.memory_space<vmem>>, vector<1x16xf32>,
        %get3A_776 = vector.shape_cast %get3A_775 : vector<1x16xf32> to vector<16xf32>
        %add3A_777 = arith.addf %get3A_776, %add3A_234 : vector<16xf32>
        %mul3A_778 = arith.mulf %broadcast_in_dim3A_766, %sub3A : vector<16xf32>
        %add3A_779 = arith.addf %add3A_777, %mul3A_778 : vector<16xf32>
        %swap3A_780 = arith.index_cast %add3A_770 : i32 to index
        %swap3A_781 = arith.constant 0 : index
        %swap3A_782 = tpu.vector_load %arg14[%swap3A_780, %swap3A_781] {strides = array<i32>} : memref<128x128xf32, #tpu.memory_space<vmem>>, vector<1x16xf32>,
        %swap3A_783 = vector.shape_cast %swap3A_782 : vector<1x16xf32> to vector<16xf32>
        %swap3A_784 = vector.shape_cast %add3A_779 : vector<16xf32> to vector<1x16xf32>
        tpu.vector_store %arg14[%swap3A_780, %swap3A_781], %swap3A_784 {strides = array<i32>} : memref<128x128xf32, #tpu.memory_space<vmem>>, vector<1x16xf32>,
        %add3A_785 = arith.constant 16 : i32
        %add3A_786 = arith.addi %mul3A_762, %add3A_785 : i32
        %get3A_787 = arith.index_cast %add3A_755 : i32 to index
        %get3A_788 = arith.index_cast %add3A_786 : i32 to index
        %get3A_789 = tpu.vector_load %arg13[%get3A_787, %get3A_788] {strides = array<i32>} : memref<256x128xf32, #tpu.memory_space<vmem>>, vector<1x16xf32>,
        %get3A_790 = vector.shape_cast %get3A_789 : vector<1x16xf32> to vector<16xf32>
        %add3A_791 = arith.addf %get3A_790, %add3A_242 : vector<16xf32>
        %mul3A_792 = arith.mulf %broadcast_in_dim3A_766, %sub3A_39 : vector<16xf32>
        %add3A_793 = arith.addf %add3A_791, %mul3A_792 : vector<16xf32>
        %swap3A_794 = arith.index_cast %add3A_770 : i32 to index
        %swap3A_795 = arith.constant 16 : index
        %swap3A_796 = tpu.vector_load %arg14[%swap3A_794, %swap3A_795] {strides = array<i32>} : memref<128x128xf32, #tpu.memory_space<vmem>>, vector<1x16xf32>,
        %swap3A_797 = vector.shape_cast %swap3A_796 : vector<1x16xf32> to vector<16xf32>
        %swap3A_798 = vector.shape_cast %add3A_793 : vector<16xf32> to vector<1x16xf32>
        tpu.vector_store %arg14[%swap3A_794, %swap3A_795], %swap3A_798 {strides = array<i32>} : memref<128x128xf32, #tpu.memory_space<vmem>>, vector<1x16xf32>,
        %add3A_799 = arith.constant 32 : i32
        %add3A_800 = arith.addi %mul3A_762, %add3A_799 : i32
        %get3A_801 = arith.index_cast %add3A_755 : i32 to index
        %get3A_802 = arith.index_cast %add3A_800 : i32 to index
        %get3A_803 = tpu.vector_load %arg13[%get3A_801, %get3A_802] {strides = array<i32>} : memref<256x128xf32, #tpu.memory_space<vmem>>, vector<1x16xf32>,
        %get3A_804 = vector.shape_cast %get3A_803 : vector<1x16xf32> to vector<16xf32>
        %add3A_805 = arith.addf %get3A_804, %add3A_250 : vector<16xf32>
        %mul3A_806 = arith.mulf %broadcast_in_dim3A_766, %sub3A_45 : vector<16xf32>
        %add3A_807 = arith.addf %add3A_805, %mul3A_806 : vector<16xf32>
        %swap3A_808 = arith.index_cast %add3A_770 : i32 to index
        %swap3A_809 = arith.constant 32 : index
        %swap3A_810 = tpu.vector_load %arg14[%swap3A_808, %swap3A_809] {strides = array<i32>} : memref<128x128xf32, #tpu.memory_space<vmem>>, vector<1x16xf32>,
        %swap3A_811 = vector.shape_cast %swap3A_810 : vector<1x16xf32> to vector<16xf32>
        %swap3A_812 = vector.shape_cast %add3A_807 : vector<16xf32> to vector<1x16xf32>
        tpu.vector_store %arg14[%swap3A_808, %swap3A_809], %swap3A_812 {strides = array<i32>} : memref<128x128xf32, #tpu.memory_space<vmem>>, vector<1x16xf32>,
        %add3A_813 = arith.constant 48 : i32
        %add3A_814 = arith.addi %mul3A_762, %add3A_813 : i32
        %get3A_815 = arith.index_cast %add3A_755 : i32 to index
        %get3A_816 = arith.index_cast %add3A_814 : i32 to index
        %get3A_817 = tpu.vector_load %arg13[%get3A_815, %get3A_816] {strides = array<i32>} : memref<256x128xf32, #tpu.memory_space<vmem>>, vector<1x16xf32>,
        %get3A_818 = vector.shape_cast %get3A_817 : vector<1x16xf32> to vector<16xf32>
        %add3A_819 = arith.addf %get3A_818, %add3A_258 : vector<16xf32>
        %mul3A_820 = arith.mulf %broadcast_in_dim3A_766, %sub3A_51 : vector<16xf32>
        %add3A_821 = arith.addf %add3A_819, %mul3A_820 : vector<16xf32>
        %swap3A_822 = arith.index_cast %add3A_770 : i32 to index
        %swap3A_823 = arith.constant 48 : index
        %swap3A_824 = tpu.vector_load %arg14[%swap3A_822, %swap3A_823] {strides = array<i32>} : memref<128x128xf32, #tpu.memory_space<vmem>>, vector<1x16xf32>,
        %swap3A_825 = vector.shape_cast %swap3A_824 : vector<1x16xf32> to vector<16xf32>
        %swap3A_826 = vector.shape_cast %add3A_821 : vector<16xf32> to vector<1x16xf32>
        tpu.vector_store %arg14[%swap3A_822, %swap3A_823], %swap3A_826 {strides = array<i32>} : memref<128x128xf32, #tpu.memory_space<vmem>>, vector<1x16xf32>,
        %mul3A_827 = arith.constant 16 : i32
        %mul3A_828 = arith.muli %scan3A_292, %mul3A_827 : i32
        %add3A_829 = arith.constant 7 : i32
        %add3A_830 = arith.addi %mul3A_828, %add3A_829 : i32
        %slice3A_831 = vector.extract_strided_slice %get3A_302 {offsets = [7], sizes = [1], strides = [1]} : vector<16xi32> to vector<1xi32>
        %squeeze3A_832 = vector.extract %slice3A_831[0] : i32 from vector<1xi32>
        %ge3A_833 = arith.constant 512000 : i32
        %ge3A_834 = arith.cmpi sge, %squeeze3A_832, %ge3A_833 : i32
        %convert_element_type3A_835 = arith.extui %ge3A_834 : i1 to i32
        %mul3A_836 = arith.constant 64 : i32
        %mul3A_837 = arith.muli %convert_element_type3A_835, %mul3A_836 : i32
        %slice3A_838 = vector.extract_strided_slice %get3A_307 {offsets = [7], sizes = [1], strides = [1]} : vector<16xi32> to vector<1xi32>
        %squeeze3A_839 = vector.extract %slice3A_838[0] : i32 from vector<1xi32>
        %convert_element_type3A_840 = arith.sitofp %squeeze3A_839 : i32 to f32
        %broadcast_in_dim3A_841 = vector.broadcast %convert_element_type3A_840 : f32 to vector<16xf32>
        %mul3A_842 = arith.constant 8 : i32
        %mul3A_843 = arith.muli %scan3A_292, %mul3A_842 : i32
        %add3A_844 = arith.constant 3 : i32
        %add3A_845 = arith.addi %mul3A_843, %add3A_844 : i32
        %add3A_846 = arith.constant 0 : i32
        %add3A_847 = arith.addi %mul3A_837, %add3A_846 : i32
        %get3A_848 = arith.index_cast %add3A_830 : i32 to index
        %get3A_849 = arith.index_cast %add3A_847 : i32 to index
        %get3A_850 = tpu.vector_load %arg13[%get3A_848, %get3A_849] {strides = array<i32>} : memref<256x128xf32, #tpu.memory_space<vmem>>, vector<1x16xf32>,
        %get3A_851 = vector.shape_cast %get3A_850 : vector<1x16xf32> to vector<16xf32>
        %add3A_852 = arith.addf %get3A_851, %add3A_234 : vector<16xf32>
        %mul3A_853 = arith.mulf %broadcast_in_dim3A_841, %sub3A : vector<16xf32>
        %add3A_854 = arith.addf %add3A_852, %mul3A_853 : vector<16xf32>
        %swap3A_855 = arith.index_cast %add3A_845 : i32 to index
        %swap3A_856 = arith.constant 64 : index
        %swap3A_857 = tpu.vector_load %arg14[%swap3A_855, %swap3A_856] {strides = array<i32>} : memref<128x128xf32, #tpu.memory_space<vmem>>, vector<1x16xf32>,
        %swap3A_858 = vector.shape_cast %swap3A_857 : vector<1x16xf32> to vector<16xf32>
        %swap3A_859 = vector.shape_cast %add3A_854 : vector<16xf32> to vector<1x16xf32>
        tpu.vector_store %arg14[%swap3A_855, %swap3A_856], %swap3A_859 {strides = array<i32>} : memref<128x128xf32, #tpu.memory_space<vmem>>, vector<1x16xf32>,
        %add3A_860 = arith.constant 16 : i32
        %add3A_861 = arith.addi %mul3A_837, %add3A_860 : i32
        %get3A_862 = arith.index_cast %add3A_830 : i32 to index
        %get3A_863 = arith.index_cast %add3A_861 : i32 to index
        %get3A_864 = tpu.vector_load %arg13[%get3A_862, %get3A_863] {strides = array<i32>} : memref<256x128xf32, #tpu.memory_space<vmem>>, vector<1x16xf32>,
        %get3A_865 = vector.shape_cast %get3A_864 : vector<1x16xf32> to vector<16xf32>
        %add3A_866 = arith.addf %get3A_865, %add3A_242 : vector<16xf32>
        %mul3A_867 = arith.mulf %broadcast_in_dim3A_841, %sub3A_39 : vector<16xf32>
        %add3A_868 = arith.addf %add3A_866, %mul3A_867 : vector<16xf32>
        %swap3A_869 = arith.index_cast %add3A_845 : i32 to index
        %swap3A_870 = arith.constant 80 : index
        %swap3A_871 = tpu.vector_load %arg14[%swap3A_869, %swap3A_870] {strides = array<i32>} : memref<128x128xf32, #tpu.memory_space<vmem>>, vector<1x16xf32>,
        %swap3A_872 = vector.shape_cast %swap3A_871 : vector<1x16xf32> to vector<16xf32>
        %swap3A_873 = vector.shape_cast %add3A_868 : vector<16xf32> to vector<1x16xf32>
        tpu.vector_store %arg14[%swap3A_869, %swap3A_870], %swap3A_873 {strides = array<i32>} : memref<128x128xf32, #tpu.memory_space<vmem>>, vector<1x16xf32>,
        %add3A_874 = arith.constant 32 : i32
        %add3A_875 = arith.addi %mul3A_837, %add3A_874 : i32
        %get3A_876 = arith.index_cast %add3A_830 : i32 to index
        %get3A_877 = arith.index_cast %add3A_875 : i32 to index
        %get3A_878 = tpu.vector_load %arg13[%get3A_876, %get3A_877] {strides = array<i32>} : memref<256x128xf32, #tpu.memory_space<vmem>>, vector<1x16xf32>,
        %get3A_879 = vector.shape_cast %get3A_878 : vector<1x16xf32> to vector<16xf32>
        %add3A_880 = arith.addf %get3A_879, %add3A_250 : vector<16xf32>
        %mul3A_881 = arith.mulf %broadcast_in_dim3A_841, %sub3A_45 : vector<16xf32>
        %add3A_882 = arith.addf %add3A_880, %mul3A_881 : vector<16xf32>
        %swap3A_883 = arith.index_cast %add3A_845 : i32 to index
        %swap3A_884 = arith.constant 96 : index
        %swap3A_885 = tpu.vector_load %arg14[%swap3A_883, %swap3A_884] {strides = array<i32>} : memref<128x128xf32, #tpu.memory_space<vmem>>, vector<1x16xf32>,
        %swap3A_886 = vector.shape_cast %swap3A_885 : vector<1x16xf32> to vector<16xf32>
        %swap3A_887 = vector.shape_cast %add3A_882 : vector<16xf32> to vector<1x16xf32>
        tpu.vector_store %arg14[%swap3A_883, %swap3A_884], %swap3A_887 {strides = array<i32>} : memref<128x128xf32, #tpu.memory_space<vmem>>, vector<1x16xf32>,
        %add3A_888 = arith.constant 48 : i32
        %add3A_889 = arith.addi %mul3A_837, %add3A_888 : i32
        %get3A_890 = arith.index_cast %add3A_830 : i32 to index
        %get3A_891 = arith.index_cast %add3A_889 : i32 to index
        %get3A_892 = tpu.vector_load %arg13[%get3A_890, %get3A_891] {strides = array<i32>} : memref<256x128xf32, #tpu.memory_space<vmem>>, vector<1x16xf32>,
        %get3A_893 = vector.shape_cast %get3A_892 : vector<1x16xf32> to vector<16xf32>
        %add3A_894 = arith.addf %get3A_893, %add3A_258 : vector<16xf32>
        %mul3A_895 = arith.mulf %broadcast_in_dim3A_841, %sub3A_51 : vector<16xf32>
        %add3A_896 = arith.addf %add3A_894, %mul3A_895 : vector<16xf32>
        %swap3A_897 = arith.index_cast %add3A_845 : i32 to index
        %swap3A_898 = arith.constant 112 : index
        %swap3A_899 = tpu.vector_load %arg14[%swap3A_897, %swap3A_898] {strides = array<i32>} : memref<128x128xf32, #tpu.memory_space<vmem>>, vector<1x16xf32>,
        %swap3A_900 = vector.shape_cast %swap3A_899 : vector<1x16xf32> to vector<16xf32>
        %swap3A_901 = vector.shape_cast %add3A_896 : vector<16xf32> to vector<1x16xf32>
        tpu.vector_store %arg14[%swap3A_897, %swap3A_898], %swap3A_901 {strides = array<i32>} : memref<128x128xf32, #tpu.memory_space<vmem>>, vector<1x16xf32>,
        %mul3A_902 = arith.constant 16 : i32
        %mul3A_903 = arith.muli %scan3A_292, %mul3A_902 : i32
        %add3A_904 = arith.constant 8 : i32
        %add3A_905 = arith.addi %mul3A_903, %add3A_904 : i32
        %slice3A_906 = vector.extract_strided_slice %get3A_302 {offsets = [8], sizes = [1], strides = [1]} : vector<16xi32> to vector<1xi32>
        %squeeze3A_907 = vector.extract %slice3A_906[0] : i32 from vector<1xi32>
        %ge3A_908 = arith.constant 512000 : i32
        %ge3A_909 = arith.cmpi sge, %squeeze3A_907, %ge3A_908 : i32
        %convert_element_type3A_910 = arith.extui %ge3A_909 : i1 to i32
        %mul3A_911 = arith.constant 64 : i32
        %mul3A_912 = arith.muli %convert_element_type3A_910, %mul3A_911 : i32
        %slice3A_913 = vector.extract_strided_slice %get3A_307 {offsets = [8], sizes = [1], strides = [1]} : vector<16xi32> to vector<1xi32>
        %squeeze3A_914 = vector.extract %slice3A_913[0] : i32 from vector<1xi32>
        %convert_element_type3A_915 = arith.sitofp %squeeze3A_914 : i32 to f32
        %broadcast_in_dim3A_916 = vector.broadcast %convert_element_type3A_915 : f32 to vector<16xf32>
        %mul3A_917 = arith.constant 8 : i32
        %mul3A_918 = arith.muli %scan3A_292, %mul3A_917 : i32
        %add3A_919 = arith.constant 4 : i32
        %add3A_920 = arith.addi %mul3A_918, %add3A_919 : i32
        %add3A_921 = arith.constant 0 : i32
        %add3A_922 = arith.addi %mul3A_912, %add3A_921 : i32
        %get3A_923 = arith.index_cast %add3A_905 : i32 to index
        %get3A_924 = arith.index_cast %add3A_922 : i32 to index
        %get3A_925 = tpu.vector_load %arg13[%get3A_923, %get3A_924] {strides = array<i32>} : memref<256x128xf32, #tpu.memory_space<vmem>>, vector<1x16xf32>,
        %get3A_926 = vector.shape_cast %get3A_925 : vector<1x16xf32> to vector<16xf32>
        %add3A_927 = arith.addf %get3A_926, %add3A_234 : vector<16xf32>
        %mul3A_928 = arith.mulf %broadcast_in_dim3A_916, %sub3A : vector<16xf32>
        %add3A_929 = arith.addf %add3A_927, %mul3A_928 : vector<16xf32>
        %swap3A_930 = arith.index_cast %add3A_920 : i32 to index
        %swap3A_931 = arith.constant 0 : index
        %swap3A_932 = tpu.vector_load %arg14[%swap3A_930, %swap3A_931] {strides = array<i32>} : memref<128x128xf32, #tpu.memory_space<vmem>>, vector<1x16xf32>,
        %swap3A_933 = vector.shape_cast %swap3A_932 : vector<1x16xf32> to vector<16xf32>
        %swap3A_934 = vector.shape_cast %add3A_929 : vector<16xf32> to vector<1x16xf32>
        tpu.vector_store %arg14[%swap3A_930, %swap3A_931], %swap3A_934 {strides = array<i32>} : memref<128x128xf32, #tpu.memory_space<vmem>>, vector<1x16xf32>,
        %add3A_935 = arith.constant 16 : i32
        %add3A_936 = arith.addi %mul3A_912, %add3A_935 : i32
        %get3A_937 = arith.index_cast %add3A_905 : i32 to index
        %get3A_938 = arith.index_cast %add3A_936 : i32 to index
        %get3A_939 = tpu.vector_load %arg13[%get3A_937, %get3A_938] {strides = array<i32>} : memref<256x128xf32, #tpu.memory_space<vmem>>, vector<1x16xf32>,
        %get3A_940 = vector.shape_cast %get3A_939 : vector<1x16xf32> to vector<16xf32>
        %add3A_941 = arith.addf %get3A_940, %add3A_242 : vector<16xf32>
        %mul3A_942 = arith.mulf %broadcast_in_dim3A_916, %sub3A_39 : vector<16xf32>
        %add3A_943 = arith.addf %add3A_941, %mul3A_942 : vector<16xf32>
        %swap3A_944 = arith.index_cast %add3A_920 : i32 to index
        %swap3A_945 = arith.constant 16 : index
        %swap3A_946 = tpu.vector_load %arg14[%swap3A_944, %swap3A_945] {strides = array<i32>} : memref<128x128xf32, #tpu.memory_space<vmem>>, vector<1x16xf32>,
        %swap3A_947 = vector.shape_cast %swap3A_946 : vector<1x16xf32> to vector<16xf32>
        %swap3A_948 = vector.shape_cast %add3A_943 : vector<16xf32> to vector<1x16xf32>
        tpu.vector_store %arg14[%swap3A_944, %swap3A_945], %swap3A_948 {strides = array<i32>} : memref<128x128xf32, #tpu.memory_space<vmem>>, vector<1x16xf32>,
        %add3A_949 = arith.constant 32 : i32
        %add3A_950 = arith.addi %mul3A_912, %add3A_949 : i32
        %get3A_951 = arith.index_cast %add3A_905 : i32 to index
        %get3A_952 = arith.index_cast %add3A_950 : i32 to index
        %get3A_953 = tpu.vector_load %arg13[%get3A_951, %get3A_952] {strides = array<i32>} : memref<256x128xf32, #tpu.memory_space<vmem>>, vector<1x16xf32>,
        %get3A_954 = vector.shape_cast %get3A_953 : vector<1x16xf32> to vector<16xf32>
        %add3A_955 = arith.addf %get3A_954, %add3A_250 : vector<16xf32>
        %mul3A_956 = arith.mulf %broadcast_in_dim3A_916, %sub3A_45 : vector<16xf32>
        %add3A_957 = arith.addf %add3A_955, %mul3A_956 : vector<16xf32>
        %swap3A_958 = arith.index_cast %add3A_920 : i32 to index
        %swap3A_959 = arith.constant 32 : index
        %swap3A_960 = tpu.vector_load %arg14[%swap3A_958, %swap3A_959] {strides = array<i32>} : memref<128x128xf32, #tpu.memory_space<vmem>>, vector<1x16xf32>,
        %swap3A_961 = vector.shape_cast %swap3A_960 : vector<1x16xf32> to vector<16xf32>
        %swap3A_962 = vector.shape_cast %add3A_957 : vector<16xf32> to vector<1x16xf32>
        tpu.vector_store %arg14[%swap3A_958, %swap3A_959], %swap3A_962 {strides = array<i32>} : memref<128x128xf32, #tpu.memory_space<vmem>>, vector<1x16xf32>,
        %add3A_963 = arith.constant 48 : i32
        %add3A_964 = arith.addi %mul3A_912, %add3A_963 : i32
        %get3A_965 = arith.index_cast %add3A_905 : i32 to index
        %get3A_966 = arith.index_cast %add3A_964 : i32 to index
        %get3A_967 = tpu.vector_load %arg13[%get3A_965, %get3A_966] {strides = array<i32>} : memref<256x128xf32, #tpu.memory_space<vmem>>, vector<1x16xf32>,
        %get3A_968 = vector.shape_cast %get3A_967 : vector<1x16xf32> to vector<16xf32>
        %add3A_969 = arith.addf %get3A_968, %add3A_258 : vector<16xf32>
        %mul3A_970 = arith.mulf %broadcast_in_dim3A_916, %sub3A_51 : vector<16xf32>
        %add3A_971 = arith.addf %add3A_969, %mul3A_970 : vector<16xf32>
        %swap3A_972 = arith.index_cast %add3A_920 : i32 to index
        %swap3A_973 = arith.constant 48 : index
        %swap3A_974 = tpu.vector_load %arg14[%swap3A_972, %swap3A_973] {strides = array<i32>} : memref<128x128xf32, #tpu.memory_space<vmem>>, vector<1x16xf32>,
        %swap3A_975 = vector.shape_cast %swap3A_974 : vector<1x16xf32> to vector<16xf32>
        %swap3A_976 = vector.shape_cast %add3A_971 : vector<16xf32> to vector<1x16xf32>
        tpu.vector_store %arg14[%swap3A_972, %swap3A_973], %swap3A_976 {strides = array<i32>} : memref<128x128xf32, #tpu.memory_space<vmem>>, vector<1x16xf32>,
        %mul3A_977 = arith.constant 16 : i32
        %mul3A_978 = arith.muli %scan3A_292, %mul3A_977 : i32
        %add3A_979 = arith.constant 9 : i32
        %add3A_980 = arith.addi %mul3A_978, %add3A_979 : i32
        %slice3A_981 = vector.extract_strided_slice %get3A_302 {offsets = [9], sizes = [1], strides = [1]} : vector<16xi32> to vector<1xi32>
        %squeeze3A_982 = vector.extract %slice3A_981[0] : i32 from vector<1xi32>
        %ge3A_983 = arith.constant 512000 : i32
        %ge3A_984 = arith.cmpi sge, %squeeze3A_982, %ge3A_983 : i32
        %convert_element_type3A_985 = arith.extui %ge3A_984 : i1 to i32
        %mul3A_986 = arith.constant 64 : i32
        %mul3A_987 = arith.muli %convert_element_type3A_985, %mul3A_986 : i32
        %slice3A_988 = vector.extract_strided_slice %get3A_307 {offsets = [9], sizes = [1], strides = [1]} : vector<16xi32> to vector<1xi32>
        %squeeze3A_989 = vector.extract %slice3A_988[0] : i32 from vector<1xi32>
        %convert_element_type3A_990 = arith.sitofp %squeeze3A_989 : i32 to f32
        %broadcast_in_dim3A_991 = vector.broadcast %convert_element_type3A_990 : f32 to vector<16xf32>
        %mul3A_992 = arith.constant 8 : i32
        %mul3A_993 = arith.muli %scan3A_292, %mul3A_992 : i32
        %add3A_994 = arith.constant 4 : i32
        %add3A_995 = arith.addi %mul3A_993, %add3A_994 : i32
        %add3A_996 = arith.constant 0 : i32
        %add3A_997 = arith.addi %mul3A_987, %add3A_996 : i32
        %get3A_998 = arith.index_cast %add3A_980 : i32 to index
        %get3A_999 = arith.index_cast %add3A_997 : i32 to index
        %get3A_1000 = tpu.vector_load %arg13[%get3A_998, %get3A_999] {strides = array<i32>} : memref<256x128xf32, #tpu.memory_space<vmem>>, vector<1x16xf32>,
        %get3A_1001 = vector.shape_cast %get3A_1000 : vector<1x16xf32> to vector<16xf32>
        %add3A_1002 = arith.addf %get3A_1001, %add3A_234 : vector<16xf32>
        %mul3A_1003 = arith.mulf %broadcast_in_dim3A_991, %sub3A : vector<16xf32>
        %add3A_1004 = arith.addf %add3A_1002, %mul3A_1003 : vector<16xf32>
        %swap3A_1005 = arith.index_cast %add3A_995 : i32 to index
        %swap3A_1006 = arith.constant 64 : index
        %swap3A_1007 = tpu.vector_load %arg14[%swap3A_1005, %swap3A_1006] {strides = array<i32>} : memref<128x128xf32, #tpu.memory_space<vmem>>, vector<1x16xf32>,
        %swap3A_1008 = vector.shape_cast %swap3A_1007 : vector<1x16xf32> to vector<16xf32>
        %swap3A_1009 = vector.shape_cast %add3A_1004 : vector<16xf32> to vector<1x16xf32>
        tpu.vector_store %arg14[%swap3A_1005, %swap3A_1006], %swap3A_1009 {strides = array<i32>} : memref<128x128xf32, #tpu.memory_space<vmem>>, vector<1x16xf32>,
        %add3A_1010 = arith.constant 16 : i32
        %add3A_1011 = arith.addi %mul3A_987, %add3A_1010 : i32
        %get3A_1012 = arith.index_cast %add3A_980 : i32 to index
        %get3A_1013 = arith.index_cast %add3A_1011 : i32 to index
        %get3A_1014 = tpu.vector_load %arg13[%get3A_1012, %get3A_1013] {strides = array<i32>} : memref<256x128xf32, #tpu.memory_space<vmem>>, vector<1x16xf32>,
        %get3A_1015 = vector.shape_cast %get3A_1014 : vector<1x16xf32> to vector<16xf32>
        %add3A_1016 = arith.addf %get3A_1015, %add3A_242 : vector<16xf32>
        %mul3A_1017 = arith.mulf %broadcast_in_dim3A_991, %sub3A_39 : vector<16xf32>
        %add3A_1018 = arith.addf %add3A_1016, %mul3A_1017 : vector<16xf32>
        %swap3A_1019 = arith.index_cast %add3A_995 : i32 to index
        %swap3A_1020 = arith.constant 80 : index
        %swap3A_1021 = tpu.vector_load %arg14[%swap3A_1019, %swap3A_1020] {strides = array<i32>} : memref<128x128xf32, #tpu.memory_space<vmem>>, vector<1x16xf32>,
        %swap3A_1022 = vector.shape_cast %swap3A_1021 : vector<1x16xf32> to vector<16xf32>
        %swap3A_1023 = vector.shape_cast %add3A_1018 : vector<16xf32> to vector<1x16xf32>
        tpu.vector_store %arg14[%swap3A_1019, %swap3A_1020], %swap3A_1023 {strides = array<i32>} : memref<128x128xf32, #tpu.memory_space<vmem>>, vector<1x16xf32>,
        %add3A_1024 = arith.constant 32 : i32
        %add3A_1025 = arith.addi %mul3A_987, %add3A_1024 : i32
        %get3A_1026 = arith.index_cast %add3A_980 : i32 to index
        %get3A_1027 = arith.index_cast %add3A_1025 : i32 to index
        %get3A_1028 = tpu.vector_load %arg13[%get3A_1026, %get3A_1027] {strides = array<i32>} : memref<256x128xf32, #tpu.memory_space<vmem>>, vector<1x16xf32>,
        %get3A_1029 = vector.shape_cast %get3A_1028 : vector<1x16xf32> to vector<16xf32>
        %add3A_1030 = arith.addf %get3A_1029, %add3A_250 : vector<16xf32>
        %mul3A_1031 = arith.mulf %broadcast_in_dim3A_991, %sub3A_45 : vector<16xf32>
        %add3A_1032 = arith.addf %add3A_1030, %mul3A_1031 : vector<16xf32>
        %swap3A_1033 = arith.index_cast %add3A_995 : i32 to index
        %swap3A_1034 = arith.constant 96 : index
        %swap3A_1035 = tpu.vector_load %arg14[%swap3A_1033, %swap3A_1034] {strides = array<i32>} : memref<128x128xf32, #tpu.memory_space<vmem>>, vector<1x16xf32>,
        %swap3A_1036 = vector.shape_cast %swap3A_1035 : vector<1x16xf32> to vector<16xf32>
        %swap3A_1037 = vector.shape_cast %add3A_1032 : vector<16xf32> to vector<1x16xf32>
        tpu.vector_store %arg14[%swap3A_1033, %swap3A_1034], %swap3A_1037 {strides = array<i32>} : memref<128x128xf32, #tpu.memory_space<vmem>>, vector<1x16xf32>,
        %add3A_1038 = arith.constant 48 : i32
        %add3A_1039 = arith.addi %mul3A_987, %add3A_1038 : i32
        %get3A_1040 = arith.index_cast %add3A_980 : i32 to index
        %get3A_1041 = arith.index_cast %add3A_1039 : i32 to index
        %get3A_1042 = tpu.vector_load %arg13[%get3A_1040, %get3A_1041] {strides = array<i32>} : memref<256x128xf32, #tpu.memory_space<vmem>>, vector<1x16xf32>,
        %get3A_1043 = vector.shape_cast %get3A_1042 : vector<1x16xf32> to vector<16xf32>
        %add3A_1044 = arith.addf %get3A_1043, %add3A_258 : vector<16xf32>
        %mul3A_1045 = arith.mulf %broadcast_in_dim3A_991, %sub3A_51 : vector<16xf32>
        %add3A_1046 = arith.addf %add3A_1044, %mul3A_1045 : vector<16xf32>
        %swap3A_1047 = arith.index_cast %add3A_995 : i32 to index
        %swap3A_1048 = arith.constant 112 : index
        %swap3A_1049 = tpu.vector_load %arg14[%swap3A_1047, %swap3A_1048] {strides = array<i32>} : memref<128x128xf32, #tpu.memory_space<vmem>>, vector<1x16xf32>,
        %swap3A_1050 = vector.shape_cast %swap3A_1049 : vector<1x16xf32> to vector<16xf32>
        %swap3A_1051 = vector.shape_cast %add3A_1046 : vector<16xf32> to vector<1x16xf32>
        tpu.vector_store %arg14[%swap3A_1047, %swap3A_1048], %swap3A_1051 {strides = array<i32>} : memref<128x128xf32, #tpu.memory_space<vmem>>, vector<1x16xf32>,
        %mul3A_1052 = arith.constant 16 : i32
        %mul3A_1053 = arith.muli %scan3A_292, %mul3A_1052 : i32
        %add3A_1054 = arith.constant 10 : i32
        %add3A_1055 = arith.addi %mul3A_1053, %add3A_1054 : i32
        %slice3A_1056 = vector.extract_strided_slice %get3A_302 {offsets = [10], sizes = [1], strides = [1]} : vector<16xi32> to vector<1xi32>
        %squeeze3A_1057 = vector.extract %slice3A_1056[0] : i32 from vector<1xi32>
        %ge3A_1058 = arith.constant 512000 : i32
        %ge3A_1059 = arith.cmpi sge, %squeeze3A_1057, %ge3A_1058 : i32
        %convert_element_type3A_1060 = arith.extui %ge3A_1059 : i1 to i32
        %mul3A_1061 = arith.constant 64 : i32
        %mul3A_1062 = arith.muli %convert_element_type3A_1060, %mul3A_1061 : i32
        %slice3A_1063 = vector.extract_strided_slice %get3A_307 {offsets = [10], sizes = [1], strides = [1]} : vector<16xi32> to vector<1xi32>
        %squeeze3A_1064 = vector.extract %slice3A_1063[0] : i32 from vector<1xi32>
        %convert_element_type3A_1065 = arith.sitofp %squeeze3A_1064 : i32 to f32
        %broadcast_in_dim3A_1066 = vector.broadcast %convert_element_type3A_1065 : f32 to vector<16xf32>
        %mul3A_1067 = arith.constant 8 : i32
        %mul3A_1068 = arith.muli %scan3A_292, %mul3A_1067 : i32
        %add3A_1069 = arith.constant 5 : i32
        %add3A_1070 = arith.addi %mul3A_1068, %add3A_1069 : i32
        %add3A_1071 = arith.constant 0 : i32
        %add3A_1072 = arith.addi %mul3A_1062, %add3A_1071 : i32
        %get3A_1073 = arith.index_cast %add3A_1055 : i32 to index
        %get3A_1074 = arith.index_cast %add3A_1072 : i32 to index
        %get3A_1075 = tpu.vector_load %arg13[%get3A_1073, %get3A_1074] {strides = array<i32>} : memref<256x128xf32, #tpu.memory_space<vmem>>, vector<1x16xf32>,
        %get3A_1076 = vector.shape_cast %get3A_1075 : vector<1x16xf32> to vector<16xf32>
        %add3A_1077 = arith.addf %get3A_1076, %add3A_234 : vector<16xf32>
        %mul3A_1078 = arith.mulf %broadcast_in_dim3A_1066, %sub3A : vector<16xf32>
        %add3A_1079 = arith.addf %add3A_1077, %mul3A_1078 : vector<16xf32>
        %swap3A_1080 = arith.index_cast %add3A_1070 : i32 to index
        %swap3A_1081 = arith.constant 0 : index
        %swap3A_1082 = tpu.vector_load %arg14[%swap3A_1080, %swap3A_1081] {strides = array<i32>} : memref<128x128xf32, #tpu.memory_space<vmem>>, vector<1x16xf32>,
        %swap3A_1083 = vector.shape_cast %swap3A_1082 : vector<1x16xf32> to vector<16xf32>
        %swap3A_1084 = vector.shape_cast %add3A_1079 : vector<16xf32> to vector<1x16xf32>
        tpu.vector_store %arg14[%swap3A_1080, %swap3A_1081], %swap3A_1084 {strides = array<i32>} : memref<128x128xf32, #tpu.memory_space<vmem>>, vector<1x16xf32>,
        %add3A_1085 = arith.constant 16 : i32
        %add3A_1086 = arith.addi %mul3A_1062, %add3A_1085 : i32
        %get3A_1087 = arith.index_cast %add3A_1055 : i32 to index
        %get3A_1088 = arith.index_cast %add3A_1086 : i32 to index
        %get3A_1089 = tpu.vector_load %arg13[%get3A_1087, %get3A_1088] {strides = array<i32>} : memref<256x128xf32, #tpu.memory_space<vmem>>, vector<1x16xf32>,
        %get3A_1090 = vector.shape_cast %get3A_1089 : vector<1x16xf32> to vector<16xf32>
        %add3A_1091 = arith.addf %get3A_1090, %add3A_242 : vector<16xf32>
        %mul3A_1092 = arith.mulf %broadcast_in_dim3A_1066, %sub3A_39 : vector<16xf32>
        %add3A_1093 = arith.addf %add3A_1091, %mul3A_1092 : vector<16xf32>
        %swap3A_1094 = arith.index_cast %add3A_1070 : i32 to index
        %swap3A_1095 = arith.constant 16 : index
        %swap3A_1096 = tpu.vector_load %arg14[%swap3A_1094, %swap3A_1095] {strides = array<i32>} : memref<128x128xf32, #tpu.memory_space<vmem>>, vector<1x16xf32>,
        %swap3A_1097 = vector.shape_cast %swap3A_1096 : vector<1x16xf32> to vector<16xf32>
        %swap3A_1098 = vector.shape_cast %add3A_1093 : vector<16xf32> to vector<1x16xf32>
        tpu.vector_store %arg14[%swap3A_1094, %swap3A_1095], %swap3A_1098 {strides = array<i32>} : memref<128x128xf32, #tpu.memory_space<vmem>>, vector<1x16xf32>,
        %add3A_1099 = arith.constant 32 : i32
        %add3A_1100 = arith.addi %mul3A_1062, %add3A_1099 : i32
        %get3A_1101 = arith.index_cast %add3A_1055 : i32 to index
        %get3A_1102 = arith.index_cast %add3A_1100 : i32 to index
        %get3A_1103 = tpu.vector_load %arg13[%get3A_1101, %get3A_1102] {strides = array<i32>} : memref<256x128xf32, #tpu.memory_space<vmem>>, vector<1x16xf32>,
        %get3A_1104 = vector.shape_cast %get3A_1103 : vector<1x16xf32> to vector<16xf32>
        %add3A_1105 = arith.addf %get3A_1104, %add3A_250 : vector<16xf32>
        %mul3A_1106 = arith.mulf %broadcast_in_dim3A_1066, %sub3A_45 : vector<16xf32>
        %add3A_1107 = arith.addf %add3A_1105, %mul3A_1106 : vector<16xf32>
        %swap3A_1108 = arith.index_cast %add3A_1070 : i32 to index
        %swap3A_1109 = arith.constant 32 : index
        %swap3A_1110 = tpu.vector_load %arg14[%swap3A_1108, %swap3A_1109] {strides = array<i32>} : memref<128x128xf32, #tpu.memory_space<vmem>>, vector<1x16xf32>,
        %swap3A_1111 = vector.shape_cast %swap3A_1110 : vector<1x16xf32> to vector<16xf32>
        %swap3A_1112 = vector.shape_cast %add3A_1107 : vector<16xf32> to vector<1x16xf32>
        tpu.vector_store %arg14[%swap3A_1108, %swap3A_1109], %swap3A_1112 {strides = array<i32>} : memref<128x128xf32, #tpu.memory_space<vmem>>, vector<1x16xf32>,
        %add3A_1113 = arith.constant 48 : i32
        %add3A_1114 = arith.addi %mul3A_1062, %add3A_1113 : i32
        %get3A_1115 = arith.index_cast %add3A_1055 : i32 to index
        %get3A_1116 = arith.index_cast %add3A_1114 : i32 to index
        %get3A_1117 = tpu.vector_load %arg13[%get3A_1115, %get3A_1116] {strides = array<i32>} : memref<256x128xf32, #tpu.memory_space<vmem>>, vector<1x16xf32>,
        %get3A_1118 = vector.shape_cast %get3A_1117 : vector<1x16xf32> to vector<16xf32>
        %add3A_1119 = arith.addf %get3A_1118, %add3A_258 : vector<16xf32>
        %mul3A_1120 = arith.mulf %broadcast_in_dim3A_1066, %sub3A_51 : vector<16xf32>
        %add3A_1121 = arith.addf %add3A_1119, %mul3A_1120 : vector<16xf32>
        %swap3A_1122 = arith.index_cast %add3A_1070 : i32 to index
        %swap3A_1123 = arith.constant 48 : index
        %swap3A_1124 = tpu.vector_load %arg14[%swap3A_1122, %swap3A_1123] {strides = array<i32>} : memref<128x128xf32, #tpu.memory_space<vmem>>, vector<1x16xf32>,
        %swap3A_1125 = vector.shape_cast %swap3A_1124 : vector<1x16xf32> to vector<16xf32>
        %swap3A_1126 = vector.shape_cast %add3A_1121 : vector<16xf32> to vector<1x16xf32>
        tpu.vector_store %arg14[%swap3A_1122, %swap3A_1123], %swap3A_1126 {strides = array<i32>} : memref<128x128xf32, #tpu.memory_space<vmem>>, vector<1x16xf32>,
        %mul3A_1127 = arith.constant 16 : i32
        %mul3A_1128 = arith.muli %scan3A_292, %mul3A_1127 : i32
        %add3A_1129 = arith.constant 11 : i32
        %add3A_1130 = arith.addi %mul3A_1128, %add3A_1129 : i32
        %slice3A_1131 = vector.extract_strided_slice %get3A_302 {offsets = [11], sizes = [1], strides = [1]} : vector<16xi32> to vector<1xi32>
        %squeeze3A_1132 = vector.extract %slice3A_1131[0] : i32 from vector<1xi32>
        %ge3A_1133 = arith.constant 512000 : i32
        %ge3A_1134 = arith.cmpi sge, %squeeze3A_1132, %ge3A_1133 : i32
        %convert_element_type3A_1135 = arith.extui %ge3A_1134 : i1 to i32
        %mul3A_1136 = arith.constant 64 : i32
        %mul3A_1137 = arith.muli %convert_element_type3A_1135, %mul3A_1136 : i32
        %slice3A_1138 = vector.extract_strided_slice %get3A_307 {offsets = [11], sizes = [1], strides = [1]} : vector<16xi32> to vector<1xi32>
        %squeeze3A_1139 = vector.extract %slice3A_1138[0] : i32 from vector<1xi32>
        %convert_element_type3A_1140 = arith.sitofp %squeeze3A_1139 : i32 to f32
        %broadcast_in_dim3A_1141 = vector.broadcast %convert_element_type3A_1140 : f32 to vector<16xf32>
        %mul3A_1142 = arith.constant 8 : i32
        %mul3A_1143 = arith.muli %scan3A_292, %mul3A_1142 : i32
        %add3A_1144 = arith.constant 5 : i32
        %add3A_1145 = arith.addi %mul3A_1143, %add3A_1144 : i32
        %add3A_1146 = arith.constant 0 : i32
        %add3A_1147 = arith.addi %mul3A_1137, %add3A_1146 : i32
        %get3A_1148 = arith.index_cast %add3A_1130 : i32 to index
        %get3A_1149 = arith.index_cast %add3A_1147 : i32 to index
        %get3A_1150 = tpu.vector_load %arg13[%get3A_1148, %get3A_1149] {strides = array<i32>} : memref<256x128xf32, #tpu.memory_space<vmem>>, vector<1x16xf32>,
        %get3A_1151 = vector.shape_cast %get3A_1150 : vector<1x16xf32> to vector<16xf32>
        %add3A_1152 = arith.addf %get3A_1151, %add3A_234 : vector<16xf32>
        %mul3A_1153 = arith.mulf %broadcast_in_dim3A_1141, %sub3A : vector<16xf32>
        %add3A_1154 = arith.addf %add3A_1152, %mul3A_1153 : vector<16xf32>
        %swap3A_1155 = arith.index_cast %add3A_1145 : i32 to index
        %swap3A_1156 = arith.constant 64 : index
        %swap3A_1157 = tpu.vector_load %arg14[%swap3A_1155, %swap3A_1156] {strides = array<i32>} : memref<128x128xf32, #tpu.memory_space<vmem>>, vector<1x16xf32>,
        %swap3A_1158 = vector.shape_cast %swap3A_1157 : vector<1x16xf32> to vector<16xf32>
        %swap3A_1159 = vector.shape_cast %add3A_1154 : vector<16xf32> to vector<1x16xf32>
        tpu.vector_store %arg14[%swap3A_1155, %swap3A_1156], %swap3A_1159 {strides = array<i32>} : memref<128x128xf32, #tpu.memory_space<vmem>>, vector<1x16xf32>,
        %add3A_1160 = arith.constant 16 : i32
        %add3A_1161 = arith.addi %mul3A_1137, %add3A_1160 : i32
        %get3A_1162 = arith.index_cast %add3A_1130 : i32 to index
        %get3A_1163 = arith.index_cast %add3A_1161 : i32 to index
        %get3A_1164 = tpu.vector_load %arg13[%get3A_1162, %get3A_1163] {strides = array<i32>} : memref<256x128xf32, #tpu.memory_space<vmem>>, vector<1x16xf32>,
        %get3A_1165 = vector.shape_cast %get3A_1164 : vector<1x16xf32> to vector<16xf32>
        %add3A_1166 = arith.addf %get3A_1165, %add3A_242 : vector<16xf32>
        %mul3A_1167 = arith.mulf %broadcast_in_dim3A_1141, %sub3A_39 : vector<16xf32>
        %add3A_1168 = arith.addf %add3A_1166, %mul3A_1167 : vector<16xf32>
        %swap3A_1169 = arith.index_cast %add3A_1145 : i32 to index
        %swap3A_1170 = arith.constant 80 : index
        %swap3A_1171 = tpu.vector_load %arg14[%swap3A_1169, %swap3A_1170] {strides = array<i32>} : memref<128x128xf32, #tpu.memory_space<vmem>>, vector<1x16xf32>,
        %swap3A_1172 = vector.shape_cast %swap3A_1171 : vector<1x16xf32> to vector<16xf32>
        %swap3A_1173 = vector.shape_cast %add3A_1168 : vector<16xf32> to vector<1x16xf32>
        tpu.vector_store %arg14[%swap3A_1169, %swap3A_1170], %swap3A_1173 {strides = array<i32>} : memref<128x128xf32, #tpu.memory_space<vmem>>, vector<1x16xf32>,
        %add3A_1174 = arith.constant 32 : i32
        %add3A_1175 = arith.addi %mul3A_1137, %add3A_1174 : i32
        %get3A_1176 = arith.index_cast %add3A_1130 : i32 to index
        %get3A_1177 = arith.index_cast %add3A_1175 : i32 to index
        %get3A_1178 = tpu.vector_load %arg13[%get3A_1176, %get3A_1177] {strides = array<i32>} : memref<256x128xf32, #tpu.memory_space<vmem>>, vector<1x16xf32>,
        %get3A_1179 = vector.shape_cast %get3A_1178 : vector<1x16xf32> to vector<16xf32>
        %add3A_1180 = arith.addf %get3A_1179, %add3A_250 : vector<16xf32>
        %mul3A_1181 = arith.mulf %broadcast_in_dim3A_1141, %sub3A_45 : vector<16xf32>
        %add3A_1182 = arith.addf %add3A_1180, %mul3A_1181 : vector<16xf32>
        %swap3A_1183 = arith.index_cast %add3A_1145 : i32 to index
        %swap3A_1184 = arith.constant 96 : index
        %swap3A_1185 = tpu.vector_load %arg14[%swap3A_1183, %swap3A_1184] {strides = array<i32>} : memref<128x128xf32, #tpu.memory_space<vmem>>, vector<1x16xf32>,
        %swap3A_1186 = vector.shape_cast %swap3A_1185 : vector<1x16xf32> to vector<16xf32>
        %swap3A_1187 = vector.shape_cast %add3A_1182 : vector<16xf32> to vector<1x16xf32>
        tpu.vector_store %arg14[%swap3A_1183, %swap3A_1184], %swap3A_1187 {strides = array<i32>} : memref<128x128xf32, #tpu.memory_space<vmem>>, vector<1x16xf32>,
        %add3A_1188 = arith.constant 48 : i32
        %add3A_1189 = arith.addi %mul3A_1137, %add3A_1188 : i32
        %get3A_1190 = arith.index_cast %add3A_1130 : i32 to index
        %get3A_1191 = arith.index_cast %add3A_1189 : i32 to index
        %get3A_1192 = tpu.vector_load %arg13[%get3A_1190, %get3A_1191] {strides = array<i32>} : memref<256x128xf32, #tpu.memory_space<vmem>>, vector<1x16xf32>,
        %get3A_1193 = vector.shape_cast %get3A_1192 : vector<1x16xf32> to vector<16xf32>
        %add3A_1194 = arith.addf %get3A_1193, %add3A_258 : vector<16xf32>
        %mul3A_1195 = arith.mulf %broadcast_in_dim3A_1141, %sub3A_51 : vector<16xf32>
        %add3A_1196 = arith.addf %add3A_1194, %mul3A_1195 : vector<16xf32>
        %swap3A_1197 = arith.index_cast %add3A_1145 : i32 to index
        %swap3A_1198 = arith.constant 112 : index
        %swap3A_1199 = tpu.vector_load %arg14[%swap3A_1197, %swap3A_1198] {strides = array<i32>} : memref<128x128xf32, #tpu.memory_space<vmem>>, vector<1x16xf32>,
        %swap3A_1200 = vector.shape_cast %swap3A_1199 : vector<1x16xf32> to vector<16xf32>
        %swap3A_1201 = vector.shape_cast %add3A_1196 : vector<16xf32> to vector<1x16xf32>
        tpu.vector_store %arg14[%swap3A_1197, %swap3A_1198], %swap3A_1201 {strides = array<i32>} : memref<128x128xf32, #tpu.memory_space<vmem>>, vector<1x16xf32>,
        %mul3A_1202 = arith.constant 16 : i32
        %mul3A_1203 = arith.muli %scan3A_292, %mul3A_1202 : i32
        %add3A_1204 = arith.constant 12 : i32
        %add3A_1205 = arith.addi %mul3A_1203, %add3A_1204 : i32
        %slice3A_1206 = vector.extract_strided_slice %get3A_302 {offsets = [12], sizes = [1], strides = [1]} : vector<16xi32> to vector<1xi32>
        %squeeze3A_1207 = vector.extract %slice3A_1206[0] : i32 from vector<1xi32>
        %ge3A_1208 = arith.constant 512000 : i32
        %ge3A_1209 = arith.cmpi sge, %squeeze3A_1207, %ge3A_1208 : i32
        %convert_element_type3A_1210 = arith.extui %ge3A_1209 : i1 to i32
        %mul3A_1211 = arith.constant 64 : i32
        %mul3A_1212 = arith.muli %convert_element_type3A_1210, %mul3A_1211 : i32
        %slice3A_1213 = vector.extract_strided_slice %get3A_307 {offsets = [12], sizes = [1], strides = [1]} : vector<16xi32> to vector<1xi32>
        %squeeze3A_1214 = vector.extract %slice3A_1213[0] : i32 from vector<1xi32>
        %convert_element_type3A_1215 = arith.sitofp %squeeze3A_1214 : i32 to f32
        %broadcast_in_dim3A_1216 = vector.broadcast %convert_element_type3A_1215 : f32 to vector<16xf32>
        %mul3A_1217 = arith.constant 8 : i32
        %mul3A_1218 = arith.muli %scan3A_292, %mul3A_1217 : i32
        %add3A_1219 = arith.constant 6 : i32
        %add3A_1220 = arith.addi %mul3A_1218, %add3A_1219 : i32
        %add3A_1221 = arith.constant 0 : i32
        %add3A_1222 = arith.addi %mul3A_1212, %add3A_1221 : i32
        %get3A_1223 = arith.index_cast %add3A_1205 : i32 to index
        %get3A_1224 = arith.index_cast %add3A_1222 : i32 to index
        %get3A_1225 = tpu.vector_load %arg13[%get3A_1223, %get3A_1224] {strides = array<i32>} : memref<256x128xf32, #tpu.memory_space<vmem>>, vector<1x16xf32>,
        %get3A_1226 = vector.shape_cast %get3A_1225 : vector<1x16xf32> to vector<16xf32>
        %add3A_1227 = arith.addf %get3A_1226, %add3A_234 : vector<16xf32>
        %mul3A_1228 = arith.mulf %broadcast_in_dim3A_1216, %sub3A : vector<16xf32>
        %add3A_1229 = arith.addf %add3A_1227, %mul3A_1228 : vector<16xf32>
        %swap3A_1230 = arith.index_cast %add3A_1220 : i32 to index
        %swap3A_1231 = arith.constant 0 : index
        %swap3A_1232 = tpu.vector_load %arg14[%swap3A_1230, %swap3A_1231] {strides = array<i32>} : memref<128x128xf32, #tpu.memory_space<vmem>>, vector<1x16xf32>,
        %swap3A_1233 = vector.shape_cast %swap3A_1232 : vector<1x16xf32> to vector<16xf32>
        %swap3A_1234 = vector.shape_cast %add3A_1229 : vector<16xf32> to vector<1x16xf32>
        tpu.vector_store %arg14[%swap3A_1230, %swap3A_1231], %swap3A_1234 {strides = array<i32>} : memref<128x128xf32, #tpu.memory_space<vmem>>, vector<1x16xf32>,
        %add3A_1235 = arith.constant 16 : i32
        %add3A_1236 = arith.addi %mul3A_1212, %add3A_1235 : i32
        %get3A_1237 = arith.index_cast %add3A_1205 : i32 to index
        %get3A_1238 = arith.index_cast %add3A_1236 : i32 to index
        %get3A_1239 = tpu.vector_load %arg13[%get3A_1237, %get3A_1238] {strides = array<i32>} : memref<256x128xf32, #tpu.memory_space<vmem>>, vector<1x16xf32>,
        %get3A_1240 = vector.shape_cast %get3A_1239 : vector<1x16xf32> to vector<16xf32>
        %add3A_1241 = arith.addf %get3A_1240, %add3A_242 : vector<16xf32>
        %mul3A_1242 = arith.mulf %broadcast_in_dim3A_1216, %sub3A_39 : vector<16xf32>
        %add3A_1243 = arith.addf %add3A_1241, %mul3A_1242 : vector<16xf32>
        %swap3A_1244 = arith.index_cast %add3A_1220 : i32 to index
        %swap3A_1245 = arith.constant 16 : index
        %swap3A_1246 = tpu.vector_load %arg14[%swap3A_1244, %swap3A_1245] {strides = array<i32>} : memref<128x128xf32, #tpu.memory_space<vmem>>, vector<1x16xf32>,
        %swap3A_1247 = vector.shape_cast %swap3A_1246 : vector<1x16xf32> to vector<16xf32>
        %swap3A_1248 = vector.shape_cast %add3A_1243 : vector<16xf32> to vector<1x16xf32>
        tpu.vector_store %arg14[%swap3A_1244, %swap3A_1245], %swap3A_1248 {strides = array<i32>} : memref<128x128xf32, #tpu.memory_space<vmem>>, vector<1x16xf32>,
        %add3A_1249 = arith.constant 32 : i32
        %add3A_1250 = arith.addi %mul3A_1212, %add3A_1249 : i32
        %get3A_1251 = arith.index_cast %add3A_1205 : i32 to index
        %get3A_1252 = arith.index_cast %add3A_1250 : i32 to index
        %get3A_1253 = tpu.vector_load %arg13[%get3A_1251, %get3A_1252] {strides = array<i32>} : memref<256x128xf32, #tpu.memory_space<vmem>>, vector<1x16xf32>,
        %get3A_1254 = vector.shape_cast %get3A_1253 : vector<1x16xf32> to vector<16xf32>
        %add3A_1255 = arith.addf %get3A_1254, %add3A_250 : vector<16xf32>
        %mul3A_1256 = arith.mulf %broadcast_in_dim3A_1216, %sub3A_45 : vector<16xf32>
        %add3A_1257 = arith.addf %add3A_1255, %mul3A_1256 : vector<16xf32>
        %swap3A_1258 = arith.index_cast %add3A_1220 : i32 to index
        %swap3A_1259 = arith.constant 32 : index
        %swap3A_1260 = tpu.vector_load %arg14[%swap3A_1258, %swap3A_1259] {strides = array<i32>} : memref<128x128xf32, #tpu.memory_space<vmem>>, vector<1x16xf32>,
        %swap3A_1261 = vector.shape_cast %swap3A_1260 : vector<1x16xf32> to vector<16xf32>
        %swap3A_1262 = vector.shape_cast %add3A_1257 : vector<16xf32> to vector<1x16xf32>
        tpu.vector_store %arg14[%swap3A_1258, %swap3A_1259], %swap3A_1262 {strides = array<i32>} : memref<128x128xf32, #tpu.memory_space<vmem>>, vector<1x16xf32>,
        %add3A_1263 = arith.constant 48 : i32
        %add3A_1264 = arith.addi %mul3A_1212, %add3A_1263 : i32
        %get3A_1265 = arith.index_cast %add3A_1205 : i32 to index
        %get3A_1266 = arith.index_cast %add3A_1264 : i32 to index
        %get3A_1267 = tpu.vector_load %arg13[%get3A_1265, %get3A_1266] {strides = array<i32>} : memref<256x128xf32, #tpu.memory_space<vmem>>, vector<1x16xf32>,
        %get3A_1268 = vector.shape_cast %get3A_1267 : vector<1x16xf32> to vector<16xf32>
        %add3A_1269 = arith.addf %get3A_1268, %add3A_258 : vector<16xf32>
        %mul3A_1270 = arith.mulf %broadcast_in_dim3A_1216, %sub3A_51 : vector<16xf32>
        %add3A_1271 = arith.addf %add3A_1269, %mul3A_1270 : vector<16xf32>
        %swap3A_1272 = arith.index_cast %add3A_1220 : i32 to index
        %swap3A_1273 = arith.constant 48 : index
        %swap3A_1274 = tpu.vector_load %arg14[%swap3A_1272, %swap3A_1273] {strides = array<i32>} : memref<128x128xf32, #tpu.memory_space<vmem>>, vector<1x16xf32>,
        %swap3A_1275 = vector.shape_cast %swap3A_1274 : vector<1x16xf32> to vector<16xf32>
        %swap3A_1276 = vector.shape_cast %add3A_1271 : vector<16xf32> to vector<1x16xf32>
        tpu.vector_store %arg14[%swap3A_1272, %swap3A_1273], %swap3A_1276 {strides = array<i32>} : memref<128x128xf32, #tpu.memory_space<vmem>>, vector<1x16xf32>,
        %mul3A_1277 = arith.constant 16 : i32
        %mul3A_1278 = arith.muli %scan3A_292, %mul3A_1277 : i32
        %add3A_1279 = arith.constant 13 : i32
        %add3A_1280 = arith.addi %mul3A_1278, %add3A_1279 : i32
        %slice3A_1281 = vector.extract_strided_slice %get3A_302 {offsets = [13], sizes = [1], strides = [1]} : vector<16xi32> to vector<1xi32>
        %squeeze3A_1282 = vector.extract %slice3A_1281[0] : i32 from vector<1xi32>
        %ge3A_1283 = arith.constant 512000 : i32
        %ge3A_1284 = arith.cmpi sge, %squeeze3A_1282, %ge3A_1283 : i32
        %convert_element_type3A_1285 = arith.extui %ge3A_1284 : i1 to i32
        %mul3A_1286 = arith.constant 64 : i32
        %mul3A_1287 = arith.muli %convert_element_type3A_1285, %mul3A_1286 : i32
        %slice3A_1288 = vector.extract_strided_slice %get3A_307 {offsets = [13], sizes = [1], strides = [1]} : vector<16xi32> to vector<1xi32>
        %squeeze3A_1289 = vector.extract %slice3A_1288[0] : i32 from vector<1xi32>
        %convert_element_type3A_1290 = arith.sitofp %squeeze3A_1289 : i32 to f32
        %broadcast_in_dim3A_1291 = vector.broadcast %convert_element_type3A_1290 : f32 to vector<16xf32>
        %mul3A_1292 = arith.constant 8 : i32
        %mul3A_1293 = arith.muli %scan3A_292, %mul3A_1292 : i32
        %add3A_1294 = arith.constant 6 : i32
        %add3A_1295 = arith.addi %mul3A_1293, %add3A_1294 : i32
        %add3A_1296 = arith.constant 0 : i32
        %add3A_1297 = arith.addi %mul3A_1287, %add3A_1296 : i32
        %get3A_1298 = arith.index_cast %add3A_1280 : i32 to index
        %get3A_1299 = arith.index_cast %add3A_1297 : i32 to index
        %get3A_1300 = tpu.vector_load %arg13[%get3A_1298, %get3A_1299] {strides = array<i32>} : memref<256x128xf32, #tpu.memory_space<vmem>>, vector<1x16xf32>,
        %get3A_1301 = vector.shape_cast %get3A_1300 : vector<1x16xf32> to vector<16xf32>
        %add3A_1302 = arith.addf %get3A_1301, %add3A_234 : vector<16xf32>
        %mul3A_1303 = arith.mulf %broadcast_in_dim3A_1291, %sub3A : vector<16xf32>
        %add3A_1304 = arith.addf %add3A_1302, %mul3A_1303 : vector<16xf32>
        %swap3A_1305 = arith.index_cast %add3A_1295 : i32 to index
        %swap3A_1306 = arith.constant 64 : index
        %swap3A_1307 = tpu.vector_load %arg14[%swap3A_1305, %swap3A_1306] {strides = array<i32>} : memref<128x128xf32, #tpu.memory_space<vmem>>, vector<1x16xf32>,
        %swap3A_1308 = vector.shape_cast %swap3A_1307 : vector<1x16xf32> to vector<16xf32>
        %swap3A_1309 = vector.shape_cast %add3A_1304 : vector<16xf32> to vector<1x16xf32>
        tpu.vector_store %arg14[%swap3A_1305, %swap3A_1306], %swap3A_1309 {strides = array<i32>} : memref<128x128xf32, #tpu.memory_space<vmem>>, vector<1x16xf32>,
        %add3A_1310 = arith.constant 16 : i32
        %add3A_1311 = arith.addi %mul3A_1287, %add3A_1310 : i32
        %get3A_1312 = arith.index_cast %add3A_1280 : i32 to index
        %get3A_1313 = arith.index_cast %add3A_1311 : i32 to index
        %get3A_1314 = tpu.vector_load %arg13[%get3A_1312, %get3A_1313] {strides = array<i32>} : memref<256x128xf32, #tpu.memory_space<vmem>>, vector<1x16xf32>,
        %get3A_1315 = vector.shape_cast %get3A_1314 : vector<1x16xf32> to vector<16xf32>
        %add3A_1316 = arith.addf %get3A_1315, %add3A_242 : vector<16xf32>
        %mul3A_1317 = arith.mulf %broadcast_in_dim3A_1291, %sub3A_39 : vector<16xf32>
        %add3A_1318 = arith.addf %add3A_1316, %mul3A_1317 : vector<16xf32>
        %swap3A_1319 = arith.index_cast %add3A_1295 : i32 to index
        %swap3A_1320 = arith.constant 80 : index
        %swap3A_1321 = tpu.vector_load %arg14[%swap3A_1319, %swap3A_1320] {strides = array<i32>} : memref<128x128xf32, #tpu.memory_space<vmem>>, vector<1x16xf32>,
        %swap3A_1322 = vector.shape_cast %swap3A_1321 : vector<1x16xf32> to vector<16xf32>
        %swap3A_1323 = vector.shape_cast %add3A_1318 : vector<16xf32> to vector<1x16xf32>
        tpu.vector_store %arg14[%swap3A_1319, %swap3A_1320], %swap3A_1323 {strides = array<i32>} : memref<128x128xf32, #tpu.memory_space<vmem>>, vector<1x16xf32>,
        %add3A_1324 = arith.constant 32 : i32
        %add3A_1325 = arith.addi %mul3A_1287, %add3A_1324 : i32
        %get3A_1326 = arith.index_cast %add3A_1280 : i32 to index
        %get3A_1327 = arith.index_cast %add3A_1325 : i32 to index
        %get3A_1328 = tpu.vector_load %arg13[%get3A_1326, %get3A_1327] {strides = array<i32>} : memref<256x128xf32, #tpu.memory_space<vmem>>, vector<1x16xf32>,
        %get3A_1329 = vector.shape_cast %get3A_1328 : vector<1x16xf32> to vector<16xf32>
        %add3A_1330 = arith.addf %get3A_1329, %add3A_250 : vector<16xf32>
        %mul3A_1331 = arith.mulf %broadcast_in_dim3A_1291, %sub3A_45 : vector<16xf32>
        %add3A_1332 = arith.addf %add3A_1330, %mul3A_1331 : vector<16xf32>
        %swap3A_1333 = arith.index_cast %add3A_1295 : i32 to index
        %swap3A_1334 = arith.constant 96 : index
        %swap3A_1335 = tpu.vector_load %arg14[%swap3A_1333, %swap3A_1334] {strides = array<i32>} : memref<128x128xf32, #tpu.memory_space<vmem>>, vector<1x16xf32>,
        %swap3A_1336 = vector.shape_cast %swap3A_1335 : vector<1x16xf32> to vector<16xf32>
        %swap3A_1337 = vector.shape_cast %add3A_1332 : vector<16xf32> to vector<1x16xf32>
        tpu.vector_store %arg14[%swap3A_1333, %swap3A_1334], %swap3A_1337 {strides = array<i32>} : memref<128x128xf32, #tpu.memory_space<vmem>>, vector<1x16xf32>,
        %add3A_1338 = arith.constant 48 : i32
        %add3A_1339 = arith.addi %mul3A_1287, %add3A_1338 : i32
        %get3A_1340 = arith.index_cast %add3A_1280 : i32 to index
        %get3A_1341 = arith.index_cast %add3A_1339 : i32 to index
        %get3A_1342 = tpu.vector_load %arg13[%get3A_1340, %get3A_1341] {strides = array<i32>} : memref<256x128xf32, #tpu.memory_space<vmem>>, vector<1x16xf32>,
        %get3A_1343 = vector.shape_cast %get3A_1342 : vector<1x16xf32> to vector<16xf32>
        %add3A_1344 = arith.addf %get3A_1343, %add3A_258 : vector<16xf32>
        %mul3A_1345 = arith.mulf %broadcast_in_dim3A_1291, %sub3A_51 : vector<16xf32>
        %add3A_1346 = arith.addf %add3A_1344, %mul3A_1345 : vector<16xf32>
        %swap3A_1347 = arith.index_cast %add3A_1295 : i32 to index
        %swap3A_1348 = arith.constant 112 : index
        %swap3A_1349 = tpu.vector_load %arg14[%swap3A_1347, %swap3A_1348] {strides = array<i32>} : memref<128x128xf32, #tpu.memory_space<vmem>>, vector<1x16xf32>,
        %swap3A_1350 = vector.shape_cast %swap3A_1349 : vector<1x16xf32> to vector<16xf32>
        %swap3A_1351 = vector.shape_cast %add3A_1346 : vector<16xf32> to vector<1x16xf32>
        tpu.vector_store %arg14[%swap3A_1347, %swap3A_1348], %swap3A_1351 {strides = array<i32>} : memref<128x128xf32, #tpu.memory_space<vmem>>, vector<1x16xf32>,
        %mul3A_1352 = arith.constant 16 : i32
        %mul3A_1353 = arith.muli %scan3A_292, %mul3A_1352 : i32
        %add3A_1354 = arith.constant 14 : i32
        %add3A_1355 = arith.addi %mul3A_1353, %add3A_1354 : i32
        %slice3A_1356 = vector.extract_strided_slice %get3A_302 {offsets = [14], sizes = [1], strides = [1]} : vector<16xi32> to vector<1xi32>
        %squeeze3A_1357 = vector.extract %slice3A_1356[0] : i32 from vector<1xi32>
        %ge3A_1358 = arith.constant 512000 : i32
        %ge3A_1359 = arith.cmpi sge, %squeeze3A_1357, %ge3A_1358 : i32
        %convert_element_type3A_1360 = arith.extui %ge3A_1359 : i1 to i32
        %mul3A_1361 = arith.constant 64 : i32
        %mul3A_1362 = arith.muli %convert_element_type3A_1360, %mul3A_1361 : i32
        %slice3A_1363 = vector.extract_strided_slice %get3A_307 {offsets = [14], sizes = [1], strides = [1]} : vector<16xi32> to vector<1xi32>
        %squeeze3A_1364 = vector.extract %slice3A_1363[0] : i32 from vector<1xi32>
        %convert_element_type3A_1365 = arith.sitofp %squeeze3A_1364 : i32 to f32
        %broadcast_in_dim3A_1366 = vector.broadcast %convert_element_type3A_1365 : f32 to vector<16xf32>
        %mul3A_1367 = arith.constant 8 : i32
        %mul3A_1368 = arith.muli %scan3A_292, %mul3A_1367 : i32
        %add3A_1369 = arith.constant 7 : i32
        %add3A_1370 = arith.addi %mul3A_1368, %add3A_1369 : i32
        %add3A_1371 = arith.constant 0 : i32
        %add3A_1372 = arith.addi %mul3A_1362, %add3A_1371 : i32
        %get3A_1373 = arith.index_cast %add3A_1355 : i32 to index
        %get3A_1374 = arith.index_cast %add3A_1372 : i32 to index
        %get3A_1375 = tpu.vector_load %arg13[%get3A_1373, %get3A_1374] {strides = array<i32>} : memref<256x128xf32, #tpu.memory_space<vmem>>, vector<1x16xf32>,
        %get3A_1376 = vector.shape_cast %get3A_1375 : vector<1x16xf32> to vector<16xf32>
        %add3A_1377 = arith.addf %get3A_1376, %add3A_234 : vector<16xf32>
        %mul3A_1378 = arith.mulf %broadcast_in_dim3A_1366, %sub3A : vector<16xf32>
        %add3A_1379 = arith.addf %add3A_1377, %mul3A_1378 : vector<16xf32>
        %swap3A_1380 = arith.index_cast %add3A_1370 : i32 to index
        %swap3A_1381 = arith.constant 0 : index
        %swap3A_1382 = tpu.vector_load %arg14[%swap3A_1380, %swap3A_1381] {strides = array<i32>} : memref<128x128xf32, #tpu.memory_space<vmem>>, vector<1x16xf32>,
        %swap3A_1383 = vector.shape_cast %swap3A_1382 : vector<1x16xf32> to vector<16xf32>
        %swap3A_1384 = vector.shape_cast %add3A_1379 : vector<16xf32> to vector<1x16xf32>
        tpu.vector_store %arg14[%swap3A_1380, %swap3A_1381], %swap3A_1384 {strides = array<i32>} : memref<128x128xf32, #tpu.memory_space<vmem>>, vector<1x16xf32>,
        %add3A_1385 = arith.constant 16 : i32
        %add3A_1386 = arith.addi %mul3A_1362, %add3A_1385 : i32
        %get3A_1387 = arith.index_cast %add3A_1355 : i32 to index
        %get3A_1388 = arith.index_cast %add3A_1386 : i32 to index
        %get3A_1389 = tpu.vector_load %arg13[%get3A_1387, %get3A_1388] {strides = array<i32>} : memref<256x128xf32, #tpu.memory_space<vmem>>, vector<1x16xf32>,
        %get3A_1390 = vector.shape_cast %get3A_1389 : vector<1x16xf32> to vector<16xf32>
        %add3A_1391 = arith.addf %get3A_1390, %add3A_242 : vector<16xf32>
        %mul3A_1392 = arith.mulf %broadcast_in_dim3A_1366, %sub3A_39 : vector<16xf32>
        %add3A_1393 = arith.addf %add3A_1391, %mul3A_1392 : vector<16xf32>
        %swap3A_1394 = arith.index_cast %add3A_1370 : i32 to index
        %swap3A_1395 = arith.constant 16 : index
        %swap3A_1396 = tpu.vector_load %arg14[%swap3A_1394, %swap3A_1395] {strides = array<i32>} : memref<128x128xf32, #tpu.memory_space<vmem>>, vector<1x16xf32>,
        %swap3A_1397 = vector.shape_cast %swap3A_1396 : vector<1x16xf32> to vector<16xf32>
        %swap3A_1398 = vector.shape_cast %add3A_1393 : vector<16xf32> to vector<1x16xf32>
        tpu.vector_store %arg14[%swap3A_1394, %swap3A_1395], %swap3A_1398 {strides = array<i32>} : memref<128x128xf32, #tpu.memory_space<vmem>>, vector<1x16xf32>,
        %add3A_1399 = arith.constant 32 : i32
        %add3A_1400 = arith.addi %mul3A_1362, %add3A_1399 : i32
        %get3A_1401 = arith.index_cast %add3A_1355 : i32 to index
        %get3A_1402 = arith.index_cast %add3A_1400 : i32 to index
        %get3A_1403 = tpu.vector_load %arg13[%get3A_1401, %get3A_1402] {strides = array<i32>} : memref<256x128xf32, #tpu.memory_space<vmem>>, vector<1x16xf32>,
        %get3A_1404 = vector.shape_cast %get3A_1403 : vector<1x16xf32> to vector<16xf32>
        %add3A_1405 = arith.addf %get3A_1404, %add3A_250 : vector<16xf32>
        %mul3A_1406 = arith.mulf %broadcast_in_dim3A_1366, %sub3A_45 : vector<16xf32>
        %add3A_1407 = arith.addf %add3A_1405, %mul3A_1406 : vector<16xf32>
        %swap3A_1408 = arith.index_cast %add3A_1370 : i32 to index
        %swap3A_1409 = arith.constant 32 : index
        %swap3A_1410 = tpu.vector_load %arg14[%swap3A_1408, %swap3A_1409] {strides = array<i32>} : memref<128x128xf32, #tpu.memory_space<vmem>>, vector<1x16xf32>,
        %swap3A_1411 = vector.shape_cast %swap3A_1410 : vector<1x16xf32> to vector<16xf32>
        %swap3A_1412 = vector.shape_cast %add3A_1407 : vector<16xf32> to vector<1x16xf32>
        tpu.vector_store %arg14[%swap3A_1408, %swap3A_1409], %swap3A_1412 {strides = array<i32>} : memref<128x128xf32, #tpu.memory_space<vmem>>, vector<1x16xf32>,
        %add3A_1413 = arith.constant 48 : i32
        %add3A_1414 = arith.addi %mul3A_1362, %add3A_1413 : i32
        %get3A_1415 = arith.index_cast %add3A_1355 : i32 to index
        %get3A_1416 = arith.index_cast %add3A_1414 : i32 to index
        %get3A_1417 = tpu.vector_load %arg13[%get3A_1415, %get3A_1416] {strides = array<i32>} : memref<256x128xf32, #tpu.memory_space<vmem>>, vector<1x16xf32>,
        %get3A_1418 = vector.shape_cast %get3A_1417 : vector<1x16xf32> to vector<16xf32>
        %add3A_1419 = arith.addf %get3A_1418, %add3A_258 : vector<16xf32>
        %mul3A_1420 = arith.mulf %broadcast_in_dim3A_1366, %sub3A_51 : vector<16xf32>
        %add3A_1421 = arith.addf %add3A_1419, %mul3A_1420 : vector<16xf32>
        %swap3A_1422 = arith.index_cast %add3A_1370 : i32 to index
        %swap3A_1423 = arith.constant 48 : index
        %swap3A_1424 = tpu.vector_load %arg14[%swap3A_1422, %swap3A_1423] {strides = array<i32>} : memref<128x128xf32, #tpu.memory_space<vmem>>, vector<1x16xf32>,
        %swap3A_1425 = vector.shape_cast %swap3A_1424 : vector<1x16xf32> to vector<16xf32>
        %swap3A_1426 = vector.shape_cast %add3A_1421 : vector<16xf32> to vector<1x16xf32>
        tpu.vector_store %arg14[%swap3A_1422, %swap3A_1423], %swap3A_1426 {strides = array<i32>} : memref<128x128xf32, #tpu.memory_space<vmem>>, vector<1x16xf32>,
        %mul3A_1427 = arith.constant 16 : i32
        %mul3A_1428 = arith.muli %scan3A_292, %mul3A_1427 : i32
        %add3A_1429 = arith.constant 15 : i32
        %add3A_1430 = arith.addi %mul3A_1428, %add3A_1429 : i32
        %slice3A_1431 = vector.extract_strided_slice %get3A_302 {offsets = [15], sizes = [1], strides = [1]} : vector<16xi32> to vector<1xi32>
        %squeeze3A_1432 = vector.extract %slice3A_1431[0] : i32 from vector<1xi32>
        %ge3A_1433 = arith.constant 512000 : i32
        %ge3A_1434 = arith.cmpi sge, %squeeze3A_1432, %ge3A_1433 : i32
        %convert_element_type3A_1435 = arith.extui %ge3A_1434 : i1 to i32
        %mul3A_1436 = arith.constant 64 : i32
        %mul3A_1437 = arith.muli %convert_element_type3A_1435, %mul3A_1436 : i32
        %slice3A_1438 = vector.extract_strided_slice %get3A_307 {offsets = [15], sizes = [1], strides = [1]} : vector<16xi32> to vector<1xi32>
        %squeeze3A_1439 = vector.extract %slice3A_1438[0] : i32 from vector<1xi32>
        %convert_element_type3A_1440 = arith.sitofp %squeeze3A_1439 : i32 to f32
        %broadcast_in_dim3A_1441 = vector.broadcast %convert_element_type3A_1440 : f32 to vector<16xf32>
        %mul3A_1442 = arith.constant 8 : i32
        %mul3A_1443 = arith.muli %scan3A_292, %mul3A_1442 : i32
        %add3A_1444 = arith.constant 7 : i32
        %add3A_1445 = arith.addi %mul3A_1443, %add3A_1444 : i32
        %add3A_1446 = arith.constant 0 : i32
        %add3A_1447 = arith.addi %mul3A_1437, %add3A_1446 : i32
        %get3A_1448 = arith.index_cast %add3A_1430 : i32 to index
        %get3A_1449 = arith.index_cast %add3A_1447 : i32 to index
        %get3A_1450 = tpu.vector_load %arg13[%get3A_1448, %get3A_1449] {strides = array<i32>} : memref<256x128xf32, #tpu.memory_space<vmem>>, vector<1x16xf32>,
        %get3A_1451 = vector.shape_cast %get3A_1450 : vector<1x16xf32> to vector<16xf32>
        %add3A_1452 = arith.addf %get3A_1451, %add3A_234 : vector<16xf32>
        %mul3A_1453 = arith.mulf %broadcast_in_dim3A_1441, %sub3A : vector<16xf32>
        %add3A_1454 = arith.addf %add3A_1452, %mul3A_1453 : vector<16xf32>
        %swap3A_1455 = arith.index_cast %add3A_1445 : i32 to index
        %swap3A_1456 = arith.constant 64 : index
        %swap3A_1457 = tpu.vector_load %arg14[%swap3A_1455, %swap3A_1456] {strides = array<i32>} : memref<128x128xf32, #tpu.memory_space<vmem>>, vector<1x16xf32>,
        %swap3A_1458 = vector.shape_cast %swap3A_1457 : vector<1x16xf32> to vector<16xf32>
        %swap3A_1459 = vector.shape_cast %add3A_1454 : vector<16xf32> to vector<1x16xf32>
        tpu.vector_store %arg14[%swap3A_1455, %swap3A_1456], %swap3A_1459 {strides = array<i32>} : memref<128x128xf32, #tpu.memory_space<vmem>>, vector<1x16xf32>,
        %add3A_1460 = arith.constant 16 : i32
        %add3A_1461 = arith.addi %mul3A_1437, %add3A_1460 : i32
        %get3A_1462 = arith.index_cast %add3A_1430 : i32 to index
        %get3A_1463 = arith.index_cast %add3A_1461 : i32 to index
        %get3A_1464 = tpu.vector_load %arg13[%get3A_1462, %get3A_1463] {strides = array<i32>} : memref<256x128xf32, #tpu.memory_space<vmem>>, vector<1x16xf32>,
        %get3A_1465 = vector.shape_cast %get3A_1464 : vector<1x16xf32> to vector<16xf32>
        %add3A_1466 = arith.addf %get3A_1465, %add3A_242 : vector<16xf32>
        %mul3A_1467 = arith.mulf %broadcast_in_dim3A_1441, %sub3A_39 : vector<16xf32>
        %add3A_1468 = arith.addf %add3A_1466, %mul3A_1467 : vector<16xf32>
        %swap3A_1469 = arith.index_cast %add3A_1445 : i32 to index
        %swap3A_1470 = arith.constant 80 : index
        %swap3A_1471 = tpu.vector_load %arg14[%swap3A_1469, %swap3A_1470] {strides = array<i32>} : memref<128x128xf32, #tpu.memory_space<vmem>>, vector<1x16xf32>,
        %swap3A_1472 = vector.shape_cast %swap3A_1471 : vector<1x16xf32> to vector<16xf32>
        %swap3A_1473 = vector.shape_cast %add3A_1468 : vector<16xf32> to vector<1x16xf32>
        tpu.vector_store %arg14[%swap3A_1469, %swap3A_1470], %swap3A_1473 {strides = array<i32>} : memref<128x128xf32, #tpu.memory_space<vmem>>, vector<1x16xf32>,
        %add3A_1474 = arith.constant 32 : i32
        %add3A_1475 = arith.addi %mul3A_1437, %add3A_1474 : i32
        %get3A_1476 = arith.index_cast %add3A_1430 : i32 to index
        %get3A_1477 = arith.index_cast %add3A_1475 : i32 to index
        %get3A_1478 = tpu.vector_load %arg13[%get3A_1476, %get3A_1477] {strides = array<i32>} : memref<256x128xf32, #tpu.memory_space<vmem>>, vector<1x16xf32>,
        %get3A_1479 = vector.shape_cast %get3A_1478 : vector<1x16xf32> to vector<16xf32>
        %add3A_1480 = arith.addf %get3A_1479, %add3A_250 : vector<16xf32>
        %mul3A_1481 = arith.mulf %broadcast_in_dim3A_1441, %sub3A_45 : vector<16xf32>
        %add3A_1482 = arith.addf %add3A_1480, %mul3A_1481 : vector<16xf32>
        %swap3A_1483 = arith.index_cast %add3A_1445 : i32 to index
        %swap3A_1484 = arith.constant 96 : index
        %swap3A_1485 = tpu.vector_load %arg14[%swap3A_1483, %swap3A_1484] {strides = array<i32>} : memref<128x128xf32, #tpu.memory_space<vmem>>, vector<1x16xf32>,
        %swap3A_1486 = vector.shape_cast %swap3A_1485 : vector<1x16xf32> to vector<16xf32>
        %swap3A_1487 = vector.shape_cast %add3A_1482 : vector<16xf32> to vector<1x16xf32>
        tpu.vector_store %arg14[%swap3A_1483, %swap3A_1484], %swap3A_1487 {strides = array<i32>} : memref<128x128xf32, #tpu.memory_space<vmem>>, vector<1x16xf32>,
        %add3A_1488 = arith.constant 48 : i32
        %add3A_1489 = arith.addi %mul3A_1437, %add3A_1488 : i32
        %get3A_1490 = arith.index_cast %add3A_1430 : i32 to index
        %get3A_1491 = arith.index_cast %add3A_1489 : i32 to index
        %get3A_1492 = tpu.vector_load %arg13[%get3A_1490, %get3A_1491] {strides = array<i32>} : memref<256x128xf32, #tpu.memory_space<vmem>>, vector<1x16xf32>,
        %get3A_1493 = vector.shape_cast %get3A_1492 : vector<1x16xf32> to vector<16xf32>
        %add3A_1494 = arith.addf %get3A_1493, %add3A_258 : vector<16xf32>
        %mul3A_1495 = arith.mulf %broadcast_in_dim3A_1441, %sub3A_51 : vector<16xf32>
        %add3A_1496 = arith.addf %add3A_1494, %mul3A_1495 : vector<16xf32>
        %swap3A_1497 = arith.index_cast %add3A_1445 : i32 to index
        %swap3A_1498 = arith.constant 112 : index
        %swap3A_1499 = tpu.vector_load %arg14[%swap3A_1497, %swap3A_1498] {strides = array<i32>} : memref<128x128xf32, #tpu.memory_space<vmem>>, vector<1x16xf32>,
        %swap3A_1500 = vector.shape_cast %swap3A_1499 : vector<1x16xf32> to vector<16xf32>
        %swap3A_1501 = vector.shape_cast %add3A_1496 : vector<16xf32> to vector<1x16xf32>
        tpu.vector_store %arg14[%swap3A_1497, %swap3A_1498], %swap3A_1501 {strides = array<i32>} : memref<128x128xf32, #tpu.memory_space<vmem>>, vector<1x16xf32>,
      }
      %scan3A_263 = arith.constant 16 : i32
      %mul3A_264 = arith.constant 256 : i32
      %mul3A_265 = arith.muli %add3A_222, %mul3A_264 : i32
      %add3A_266 = arith.addi %mul3A_2, %mul3A_265 : i32
      %jit3A_267 = arith.constant 2 : i32
      %div3A_268 = arith.divsi %add3A_266, %jit3A_267 : i32
      %sign3A_269 = arith.constant 0 : i32
      %sign3A_270 = arith.cmpi sgt, %add3A_266, %sign3A_269 : i32
      %sign3A_271 = arith.extui %sign3A_270 : i1 to i32
      %sign3A_272 = arith.constant 0 : i32
      %sign3A_273 = arith.cmpi slt, %add3A_266, %sign3A_272 : i32
      %sign3A_274 = arith.extui %sign3A_273 : i1 to i32
      %sign3A_275 = arith.subi %sign3A_271, %sign3A_274 : i32
      %sign3A_276 = arith.constant 0 : i32
      %sign3A_277 = arith.cmpi sgt, %jit3A_267, %sign3A_276 : i32
      %sign3A_278 = arith.extui %sign3A_277 : i1 to i32
      %sign3A_279 = arith.constant 0 : i32
      %sign3A_280 = arith.cmpi slt, %jit3A_267, %sign3A_279 : i32
      %sign3A_281 = arith.extui %sign3A_280 : i1 to i32
      %sign3A_282 = arith.subi %sign3A_278, %sign3A_281 : i32
      %ne3A_283 = arith.cmpi ne, %sign3A_275, %sign3A_282 : i32
      %rem3A_284 = arith.remsi %add3A_266, %jit3A_267 : i32
      %ne3A_285 = arith.constant 0 : i32
      %ne3A_286 = arith.cmpi ne, %rem3A_284, %ne3A_285 : i32
      %and3A_287 = arith.andi %ne3A_283, %ne3A_286 : i1
      %sub3A_288 = arith.constant 1 : i32
      %sub3A_289 = arith.subi %div3A_268, %sub3A_288 : i32
      %select_n3A_290 = arith.select %and3A_287, %sub3A_289, %div3A_268 : i32
      %multiple_of3A_291 = tpu.assume_multiple %select_n3A_290, 128 : i32
      "tpu.region"() ({
        %run_scoped3A = tpu.sem_alloc : memref<!tpu.dma_semaphore, #tpu.memory_space<semaphore_mem>>
        %dma_start3A_292 = arith.constant 0 : i32
        %dma_start3A_293 = tpu.memref_slice %arg7[%multiple_of3A_291, %dma_start3A_292] : memref<131072x128xf32, #tpu.memory_space<hbm>> -> memref<128x128xf32, #tpu.memory_space<hbm>>
        %dma_start3A_294 = arith.constant 0 : i32
        %dma_start3A_295 = tpu.memref_slice %arg7[%multiple_of3A_291, %dma_start3A_294] : memref<131072x128xf32, #tpu.memory_space<hbm>> -> memref<128x128xf32, #tpu.memory_space<hbm>>
        tpu.enqueue_dma source(%arg14 : memref<128x128xf32, #tpu.memory_space<vmem>>) target(%dma_start3A_295 : memref<128x128xf32, #tpu.memory_space<hbm>>) target_semaphore(%run_scoped3A : memref<!tpu.dma_semaphore, #tpu.memory_space<semaphore_mem>>)
        %dma_wait3A_296 = arith.constant 0 : i32
        %dma_wait3A_297 = tpu.memref_slice %arg7[%multiple_of3A_291, %dma_wait3A_296] : memref<131072x128xf32, #tpu.memory_space<hbm>> -> memref<128x128xf32, #tpu.memory_space<hbm>>
        %dma_wait3A_298 = arith.constant 0 : i32
        %dma_wait3A_299 = tpu.memref_slice %arg7[%multiple_of3A_291, %dma_wait3A_298] : memref<131072x128xf32, #tpu.memory_space<hbm>> -> memref<128x128xf32, #tpu.memory_space<hbm>>
        tpu.wait_dma2 semaphore(%run_scoped3A : memref<!tpu.dma_semaphore, #tpu.memory_space<semaphore_mem>>) src(%arg14 : memref<128x128xf32, #tpu.memory_space<vmem>>) dst(%dma_wait3A_299 : memref<128x128xf32, #tpu.memory_space<hbm>>)
        tpu.yield
      }) : () -> ()
    }
    %scan3A_55 = arith.constant 16 : i32
    return
  }
}

module attributes {stable_mosaic.version = 14 : i64} {
  func.func @_tp_body(%arg0: i32, %arg1: memref<64x4096xf32, #tpu.memory_space<vmem>>, %arg2: memref<64x4096xf32, #tpu.memory_space<vmem>>, %arg3: memref<4096x128xf32, #tpu.memory_space<vmem>>) attributes {dimension_semantics = [#tpu.dimension_semantics<arbitrary>], iteration_bounds = array<i64: 125>, scalar_prefetch = 0 : i64, scratch_operands = 0 : i64, tpu.core_type = #tpu.core_type<tc>, window_params = [{transform_indices = @transform_0, window_bounds = array<i64: 64, 4096>}, {transform_indices = @transform_1, window_bounds = array<i64: 64, 4096>}, {transform_indices = @transform_2, window_bounds = array<i64: 4096, 128>}]} {
    %get3A = arith.constant 0 : index
    %get3A_0 = arith.constant 0 : index
    %get3A_1 = vector.load %arg1[%get3A, %get3A_0] : memref<64x4096xf32, #tpu.memory_space<vmem>>, vector<64x4096xf32>
    %transpose3A = tpu.transpose %get3A_1, [1, 0] : vector<64x4096xf32> -> vector<4096x64xf32>
    %swap3A = arith.constant 0 : index
    %swap3A_2 = arith.constant 0 : index
    %swap3A_3 = vector.load %arg3[%swap3A, %swap3A_2] : memref<4096x128xf32, #tpu.memory_space<vmem>>, vector<4096x64xf32>
    tpu.vector_store %arg3[%swap3A, %swap3A_2], %transpose3A {strides = array<i32>} : memref<4096x128xf32, #tpu.memory_space<vmem>>, vector<4096x64xf32>,
    %get3A_4 = arith.constant 0 : index
    %get3A_5 = arith.constant 0 : index
    %get3A_6 = vector.load %arg2[%get3A_4, %get3A_5] : memref<64x4096xf32, #tpu.memory_space<vmem>>, vector<64x4096xf32>
    %transpose3A_7 = tpu.transpose %get3A_6, [1, 0] : vector<64x4096xf32> -> vector<4096x64xf32>
    %swap3A_8 = arith.constant 0 : index
    %swap3A_9 = arith.constant 64 : index
    %swap3A_10 = vector.load %arg3[%swap3A_8, %swap3A_9] : memref<4096x128xf32, #tpu.memory_space<vmem>>, vector<4096x64xf32>
    tpu.vector_store %arg3[%swap3A_8, %swap3A_9], %transpose3A_7 {strides = array<i32>} : memref<4096x128xf32, #tpu.memory_space<vmem>>, vector<4096x64xf32>,
    return
  }
  func.func @transform_0(%arg0: i32) -> (i32, i32) {
    %c0_i32 = arith.constant 0 : i32
    %c0_i32_0 = arith.constant 0 : i32
    return %c0_i32, %arg0 : i32, i32
  }
  func.func @transform_1(%arg0: i32) -> (i32, i32) {
    %c0_i32 = arith.constant 0 : i32
    %c0_i32_0 = arith.constant 0 : i32
    return %c0_i32, %arg0 : i32, i32
  }
  func.func @transform_2(%arg0: i32) -> (i32, i32) {
    %c0_i32 = arith.constant 0 : i32
    %c0_i32_0 = arith.constant 0 : i32
    return %arg0, %c0_i32 : i32, i32
  }
}

</mosaic_0001>

<sc_bundles>
// kernel: kernel.4.cloned.1.call-start
scs
__scs_entry_jumppad:
0x0: {  	(pc) =	sbr.rel $0x88, $3  }
0x1: {  	(tag) =	ssettag $0x0;
	lr =	simm.s32 $0x1  }
0x2: {  	[smem:$0x3F9C] =	sst lr;
	_ =	strace $0xD0000000  }
0x3: {  	_ = 	snop  }
0x4: {  	_ = 	snop  }
0x5: {  	_ = 	snop  }
0x6: {  	_ = 	snop  }
0x7: {  	_ = 	snop  }
__scs_overlays_trampoline_lowered:
0x8: {  	[smem:$0x3FAB] =	sst s0  }
0x9: {  	[smem:$0x3FAC] =	sst s1  }
0xa: {  	[smem:$0x3FAD] =	sst s2  }
0xb: {  	[smem:$0x3FAE] =	sst s3  }
0xc: {  	[smem:$0x3FAF] =	sst s4  }
0xd: {  	[smem:$0x3FB0] =	sst s5  }
0xe: {  	[smem:$0x3FB1] =	sst s6  }
0xf: {  	[smem:$0x3FB2] =	sst s7  }
0x10: {  	[smem:$0x3FB3] =	sst s8  }
0x11: {  	[smem:$0x3FB4] =	sst s9;
	s0 =	simm.s32 @!p0 $0x0  }
0x12: {  	s1 =	sld [smem:$0x3F9A];
	s0 =	simm.s32 @p0 $0x1  }
0x13: {  	[smem:$0x3FB5] =	sst s0;
	s0 =	simm.s32 @!p1 $0x0  }
0x14: {  	s2 =	sld [smem:$0x3F99];
	s0 =	simm.s32 @p1 $0x1  }
0x15: {  	[smem:$0x3FB6] =	sst s0;
	s0 =	simm.s32 @!p2 $0x0  }
0x16: {  	s3 =	sld [smem:$0x3FDB];
	s0 =	simm.s32 @p2 $0x1  }
0x17: {  	s4 =	simm.s32 $0x1BF5;
	[smem:$0x3FB8] =	sst s0  }
0x18: {  	s0 =	sld [smem:$0x3F9B];
	_ =	swait.ge [sflag:s4], $0x0  }
0x19: {  	s7 =	sld [smem:$0x3F9C]  }
0x1a: {  	s8 =	sadd.s32 $0xFFFFE003, lr  }
0x1b: {  	s9 =	sadd.s32 $0xFFFFFEF7, lr;
	s5 =	simm.s32 $0xFFFFFFFF;
	p2 =	slt.u32 s8, $0xFFFFF086  }
0x1c: {  	p1 =	slt.u32 s9, $0xF7A;
	s5 =	simm.s32 @!p2 $0x0  }
0x1d: {  	s5 =	simm.s32 @p1 $0x1;
	p0 =	seq.s32 s7, s2  }
0x1e: {  	s7 =	smul.u32 @!p0 $0xF7A, s2;
	p2 =	seq.s32 @!p0 s5, $0x0  }
0x1f: {  	s9 =	smul.u32 $0xF7A, s1;
	s8 =	simm.s32 @!p0 $0x1BF5;
	p2 =	por !p2, p0  }
0x20: {  	[sflag:s8] =	ssyncset.s32 @!p0 $0xFFFFF086;
	s6 =	sadd.s32 @!p0 s3, s7;
	s7 =	simm.s32 @!p0 $0x108  }
0x21: {  	s3 =	sadd.s32 s3, s9;
	s6 =	sadd.s32 @!p0 $0x88, s6;
	s7 =	simm.s32 @p2 $0x1082  }
0x22: {  	[simem:s7], [sflag:s8] =	dma.local @!p0 [hbm:s6], $0xF7A  }
0x23: {  	s9 =	sor.u32 $0xD0000000, s2;
	s6 =	simm.s32 $0x108;
	_ =	swait.ge @!p0 [sflag:s8], $0x0  }
0x24: {  	s3 =	sadd.s32 $0x88, s3;
	s6 =	simm.s32 @!p1 $0x1082;
	[sflag:s4] =	ssyncset.s32 $0xFFFFF086  }
0x25: {  	[simem:s6], [sflag:s4] =	dma.local [hbm:s3], $0xF7A  }
0x26: {  	[smem:$0x3F9C] =	sst s1;
	(tag) =	ssettag s2;
	_ =	strace s9  }
0x27: {  	s1 =	sld [smem:$0x3FAC]  }
0x28: {  	s2 =	sld [smem:$0x3FAD]  }
0x29: {  	s4 =	sld [smem:$0x3FAF]  }
0x2a: {  	p0 =	seq.s32 s5, $0x0;
	s5 =	sld [smem:$0x3FB0]  }
0x2b: {  	s6 =	sld [smem:$0x3FB1]  }
0x2c: {  	s7 =	sld [smem:$0x3FB2]  }
0x2d: {  	s3 =	simm.s32 $0x108;
	s8 =	sld [smem:$0x3FB3]  }
0x2e: {  	s3 =	simm.s32 @!p0 $0x1082;
	s9 =	sld [smem:$0x3FB4]  }
0x2f: {  	lr =	sadd.s32 s0, s3;
	s0 =	sld [smem:$0x3FAB]  }
0x30: {  	s3 =	sld [smem:$0x3FAE]  }
0x31: {  	[smem:$0x3FB7] =	sst s10  }
0x32: {  	s10 =	sld [smem:$0x3FB5];
	_ =	sdelay $0x3  }
0x33: {  	p0 =	seq.s32 s10, $0x1;
	s10 =	sld [smem:$0x3FB7];
	_ =	sdelay $0x3  }
0x34: {  	[smem:$0x3FB7] =	sst s10  }
0x35: {  	s10 =	sld [smem:$0x3FB6];
	_ =	sdelay $0x3  }
0x36: {  	p1 =	seq.s32 s10, $0x1;
	s10 =	sld [smem:$0x3FB7];
	_ =	sdelay $0x3  }
0x37: {  	[smem:$0x3FB7] =	sst s10  }
0x38: {  	s10 =	sld [smem:$0x3FB8]  }
0x39: {  	_ = 	snop;
	(pc) =	sbr.ind lr, $3  }
0x3a: {  	_ = 	snop  }
0x3b: {  	_ = 	snop  }
0x3c: {  	p2 =	seq.s32 s10, $0x1;
	s10 =	sld [smem:$0x3FB7]  }
0x3d: {  	_ =	shalt  }
0x3e: {  	_ =	shalt  }
0x3f: {  	_ =	shalt  }
0x40: {  	_ =	shalt  }
0x41: {  	_ =	shalt  }
0x42: {  	_ =	shalt  }
0x43: {  	_ =	shalt  }
0x44: {  	_ =	shalt  }
0x45: {  	_ =	shalt  }
0x46: {  	_ =	shalt  }
0x47: {  	_ =	shalt  }
0x48: {  	_ =	shalt  }
0x49: {  	_ =	shalt  }
0x4a: {  	_ =	shalt  }
0x4b: {  	_ =	shalt  }
0x4c: {  	_ =	shalt  }
0x4d: {  	_ =	shalt  }
0x4e: {  	_ =	shalt  }
0x4f: {  	_ =	shalt  }
0x50: {  	_ =	shalt  }
0x51: {  	_ =	shalt  }
0x52: {  	_ =	shalt  }
0x53: {  	_ =	shalt  }
0x54: {  	_ =	shalt  }
0x55: {  	_ =	shalt  }
0x56: {  	_ =	shalt  }
0x57: {  	_ =	shalt  }
0x58: {  	_ =	shalt  }
0x59: {  	_ =	shalt  }
0x5a: {  	_ =	shalt  }
0x5b: {  	_ =	shalt  }
0x5c: {  	_ =	shalt  }
0x5d: {  	_ =	shalt  }
0x5e: {  	_ =	shalt  }
0x5f: {  	_ =	shalt  }
0x60: {  	_ =	shalt  }
0x61: {  	_ =	shalt  }
0x62: {  	_ =	shalt  }
0x63: {  	_ =	shalt  }
0x64: {  	_ =	shalt  }
0x65: {  	_ =	shalt  }
0x66: {  	_ =	shalt  }
0x67: {  	_ =	shalt  }
0x68: {  	_ =	shalt  }
0x69: {  	_ =	shalt  }
0x6a: {  	_ =	shalt  }
0x6b: {  	_ =	shalt  }
0x6c: {  	_ =	shalt  }
0x6d: {  	_ =	shalt  }
0x6e: {  	_ =	shalt  }
0x6f: {  	_ =	shalt  }
0x70: {  	_ =	shalt  }
0x71: {  	_ =	shalt  }
0x72: {  	_ =	shalt  }
0x73: {  	_ =	shalt  }
0x74: {  	_ =	shalt  }
0x75: {  	_ =	shalt  }
0x76: {  	_ =	shalt  }
0x77: {  	_ =	shalt  }
0x78: {  	_ =	shalt  }
0x79: {  	_ =	shalt  }
0x7a: {  	_ =	shalt  }
0x7b: {  	_ =	shalt  }
0x7c: {  	_ =	shalt  }
0x7d: {  	_ =	shalt  }
0x7e: {  	_ =	shalt  }
0x7f: {  	_ =	shalt  }
0x80: {  	_ =	shalt  }
0x81: {  	_ =	shalt  }
0x82: {  	_ =	shalt  }
0x83: {  	_ =	shalt  }
0x84: {  	_ =	shalt  }
0x85: {  	_ =	shalt  }
0x86: {  	_ =	shalt  }
0x87: {  	_ =	shalt  }
.Lfunc_end0:
.L_simem_size_0:
called_computation.1_lowered:
.L_overlay_start_0:
0x88: {  	s2 =	sld [smem:$0x3FD9]  }
0x89: {  	s3 =	sld [smem:$0x3FFE];
	_ =	sdelay $0x1  }
0x8a: {  	s1 =	srdreg.scid  }
0x8b: {  	s0 =	sand.u32 $0x1, s1  }
0x8c: {  	s17 =	sshll.u32 s0, $0xA;
	s2 =	sadd.s32 s3, s2  }
0x8d: {  	s2 =	sadd.s32 s2, s17  }
0x8e: {  	[smem:$0x3FC3] =	sst s2  }
0x8f: {  	_ = 	snop  }
0x90: {  	s2 =	sld [smem:$0x3FD0];
	(tm) =	ssettm $0x1  }
0x91: {  	s18 =	sld [smem:$0x3FFB];
	_ =	sdelay $0x3  }
0x92: {  	_ =	strace s18  }
0x93: {  	s3 =	sld [smem:$0x3FFC];
	_ =	sdelay $0x3  }
0x94: {  	_ =	strace s3  }
0x95: {  	s3 =	sld [smem:$0x3FFD];
	_ =	sdelay $0x3  }
0x96: {  	_ =	strace s3  }
0x97: {  	_ =	strace $0x8FFFFFFF  }
0x98: {  	s19 =	sld [smem:$0x3FDB];
	_ =	sdelay $0x1  }
0x99: {  	s4 =	simm.s32 $_scs_section_size  }
0x9a: {  	s5 =	simm.s32 $_size__tile_overlayer_lowered;
	s6 =	simm.s32 $_tile_overlayer_lowered  }
0x9b: {  	s22 =	simm.s32 $0x1BFF;
	s21 =	sshll.u32 s6, $0x1;
	s3 =	sadd.s32 s4, s19  }
0x9c: {  	s7 =	simm.s32 $0x0;
	s20 =	sshll.u32 s5, $0x1;
	s5 =	sadd.s32 s21, s3  }
0x9d: {  	[timem:s7], [sflag:s22] =	dma.local [hbm:s5], s20  }
0x9e: {  	_ =	swait.ge [sflag:s22], s20  }
0x9f: {  	s4 =	ssub.s32 $0x0, s20;
	[sflag:s22] =	ssyncset.done $0x0  }
0xa0: {  	[sflag:s22] =	ssyncadd.s32 s4;
	_ =	sdelay $0x1  }
0xa1: {  	s23 =	simm.s32 $0x1B8B  }
0xa2: {  	_ =	swait.ge [sflag:s23], $0x1  }
0xa3: {  	[sflag:s23] =	ssyncset.done $0x0  }
0xa4: {  	s25 =	simm.s32 $0x1B8E;
	s24 =	sld [smem:$0x3FFE];
	[sflag:s23] =	ssyncadd.s32 $0xFFFFFFFF  }
0xa5: {  	s26 =	simm.s32 $execute0_lowered;
	[smem:$0x3FD2] =	sst s25  }
0xa6: {  	s5 =	sshll.u32 s26, $0x1;
	_ =	strace $0x80000046;
	[dreg:$0x1] =	wrdreg $0xFFFFFFFF  }
0xa7: {  	s28 =	simm.s32 $_size_execute0_lowered;
	s3 =	sadd.s32 s3, s5;
	[dreg:$0x0] =	wrdreg $0x0  }
0xa8: {  	s5 =	sshll.u32 s28, $0x1;
	[dreg:$0x2] =	wrdreg s3  }
0xa9: {  	[dreg:$0x3] =	wrdreg s5  }
0xaa: {  	[dreg:$0x4] =	wrdreg $0xC0  }
0xab: {  	_ =	task [dreg:s7], $0x5FFFF  }
0xac: {  	[dreg:$0x1] =	wrdreg $0xFFFFFFFF  }
0xad: {  	[dreg:$0x0] =	wrdreg $0x60  }
0xae: {  	[dreg:$0x2] =	wrdreg s24  }
0xaf: {  	[dreg:$0x3] =	wrdreg s2  }
0xb0: {  	[dreg:$0x4] =	wrdreg $0x9  }
0xb1: {  	_ =	task.clear_ibuf [dreg:s7], $0x5FFFF;
	_ =	strace $0x90000046  }
0xb2: {  	s29 =	simm.s32 $0x9;
	_ =	strace $0x80000048  }
0xb3: {  	_ =	swait.ge [sflag:s29], $0x1  }
0xb4: {  	[sflag:s29] =	ssyncadd.s32 $0xFFFFFFFF  }
0xb5: {  	_ =	strace $0x90000048  }
0xb6: {  	_ =	sfence  }
0xb7: {  	s30 =	sld [smem:$0x0];
	_ =	sdelay $0x2  }
0xb8: {  	s31 =	sshll.u32 s1, $0xD;
	s1 =	sshrl.u32 s1, $0x2  }
0xb9: {  	s3 =	sand.u32 $0x4000, s31;
	s1 =	sadd.s32 s1, s30  }
0xba: {  	s0 =	sor.u32 s3, s0;
	s1 =	sshll.u32 s1, $0x11  }
0xbb: {  	s0 =	sor.u32 s1, s0  }
0xbc: {  	s0 =	sadd.s32 $0x8F2B, s0  }
0xbd: {  	[sflag:s0] =	ssyncadd.remote.s32 $0x1  }
0xbe: {  	_ =	sfence.sel $0xFFFF  }
0xbf: {  	[dreg:$0x0] =	wrdreg $0xFFFFFFFF;
	(pc) =	sbr.abs _section_cstart, $3  }
0xc0: {  	[dreg:$0x1] =	wrdreg $0xFFFFFFFF  }
0xc1: {  	_ =	task.clear_ibuf [dreg:s7], $0x2FFFF;
	_ =	strace $0x9FFFFFFF  }
0xc2: {  	(tm) =	ssettm $0x7FFFFFFF  }
0xc3: {  	_ =	shalt  }
tec
execute0_lowered:
.L_overlay_start_1:
0x0: {  	(tag) =	ssettag $0x1  }
0x1: {  	s0 =	rddreg [dreg:$0x0]  }
0x2: {  	s1 =	rddreg [dreg:$0x1]  }
0x3: {  	s2 =	srdreg.scid;
	s5 =	stileid.u32;
	s10 =	simm.s32 $0x3  }
0x4: {  	s13 =	simm.s32 $0x80;
	s14 =	simm.s32 $0x4000;
	s15 =	simm.s32 $0x4200  }
0x5: {  	s16 =	simm.s32 $0x4080;
	s17 =	simm.s32 $0x8200;
	s18 =	simm.s32 $0x4100  }
0x6: {  	s19 =	simm.s32 $0xC200;
	s20 =	simm.s32 $0x4180;
	s21 =	simm.s32 $0x10200  }
0x7: {  	s22 =	simm.s32 $0x1;
	s23 =	simm.s32 $0x14200;
	s3 =	sand.u32 $0x1, s2  }
0x8: {  	s24 =	simm.s32 $0x2;
	s2 =	simm.s32 $0x0;
	s4 =	sshll.u32 s3, $0x4  }
0x9: {  	[smem:$0x7FF] =	sst s2;
	s7 =	ssub.s32 $0x2, s3;
	s4 =	sor.u32 s5, s4  }
0xa: {  	s3 =	sadd.s32 $0x3E9000, s0;
	s5 =	sshll.u32 s4, $0xA;
	s6 =	sshll.u32 s4, $0x4  }
0xb: {  	s5 =	sadd.s32 s5, s0;
	s6 =	sadd.s32 s6, s0;
	s0 =	sadd.s32 $0x11200, s0  }
0xc: {  	_ =	strace $0x80000047;
	[dreg:$0x3] =	wrdreg s0;
	s30 =	sadd.s32 $0x1000, s5  }
0xd: {  	s8 =	sshrl.u32 s7, $0x1;
	s5 =	sadd.s32 $0x9000, s5;
	[dreg:$0x4] =	wrdreg s30  }
0xe: {  	s29 =	ssub.s32 s7, s8;
	s31 =	sadd.s32 $0x11000, s6;
	[dreg:$0x5] =	wrdreg s5  }
0xf: {  	s4 =	sshll.u32 s4, $0x10;
	s0 =	smax.u32 s29, $0x1;
	[dreg:$0x6] =	wrdreg s31  }
0x10: {  	s8 =	sadd.s32 s1, s4;
	s1 =	simm.s32 $0x0;
	[dreg:$0x7] =	wrdreg s0  }
.LBB2_1:
0x11: {  	[dreg:$0x8] =	wrdreg s1  }
0x12: {  	s0 =	rddreg [dreg:$0x4]  }
0x13: {  	[tilespmem:s2], [sflag:$0x3] =	stream.linear.gather [hbm4b:s0+s2], $0x2000, $0x38;
	[tilespmem:$0x18300] =	vst v63  }
0x14: {  	_ =	swait.ge [sflag:s10], $0x2000  }
0x15: {  	[sflag:s10] =	ssyncset.done $0x0  }
0x16: {  	s5 =	simm.s32 $0x2000;
	s9 =	rddreg [dreg:$0x5];
	[sflag:s10] =	ssyncadd.s32 $0xFFFFE000  }
0x17: {  	[tilespmem:s5], [sflag:$0x3] =	stream.linear.gather [hbm4b:s9+s2], $0x2000, $0x38;
	[tilespmem:$0x18300] =	vst v63  }
0x18: {  	_ =	swait.ge [sflag:s10], $0x2000  }
0x19: {  	[sflag:s10] =	ssyncset.done $0x0  }
0x1a: {  	s12 =	simm.s32 $0x18200;
	s11 =	rddreg [dreg:$0x6];
	[sflag:s10] =	ssyncadd.s32 $0xFFFFE000  }
0x1b: {  	[tilespmem:s12], [sflag:$0x3] =	stream.linear.gather [hbm4b:s11+s2], $0x80, $0x38;
	[tilespmem:$0x18300] =	vst v63  }
0x1c: {  	_ =	swait.ge [sflag:s10], $0x80  }
0x1d: {  	[sflag:s10] =	ssyncset.done $0x0  }
0x1e: {  	s26 =	simm.s32 $0x18280;
	s25 =	rddreg [dreg:$0x3];
	[sflag:s10] =	ssyncadd.s32 $0xFFFFFF80  }
0x1f: {  	[tilespmem:s26], [sflag:$0x3] =	stream.linear.gather [hbm4b:s25+s2], $0x80, $0x38;
	[tilespmem:$0x18300] =	vst v63  }
0x20: {  	_ =	swait.ge [sflag:s10], $0x80  }
0x21: {  	[sflag:s10] =	ssyncset.done $0x0  }
0x22: {  	[sflag:s10] =	ssyncadd.s32 $0xFFFFFF80  }
0x23: {  	v0 =	vld [tilespmem:$0x18280]  }
0x24: {  	v1 =	vld [tilespmem:$0x18290]  }
0x25: {  	v2 =	vld [tilespmem:$0x182A0]  }
0x26: {  	v3 =	vld [tilespmem:$0x182B0]  }
0x27: {  	v4 =	vld [tilespmem:$0x182C0]  }
0x28: {  	v5 =	vld [tilespmem:$0x182D0]  }
0x29: {  	v6 =	vld [tilespmem:$0x182E0]  }
0x2a: {  	v7 =	vld [tilespmem:$0x182F0];
	_ =	sdelay $0x3  }
0x2b: {  	s28 =	simm.s32 $0x100;
	v4 =	vsub.f32 v4, v0;
	v5 =	vsub.f32 v5, v1  }
0x2c: {  	s29 =	simm.s32 $0x2100;
	s30 =	simm.s32 $0x0;
	s31 =	simm.s32 $0x0;
	v6 =	vsub.f32 v6, v2;
	v7 =	vsub.f32 v7, v3  }
.LBB2_2:
0x2d: {  	s0 =	sshll.u32 s31, $0x9  }
0x2e: {  	s0 =	sand.u32 $0x3FFFFE00, s0  }
0x2f: {  	v8 =	vld [tilespmem:s0+$0x0];
	_ =	sdelay $0x4  }
0x30: {  	vm0 =	vgt.s32 v8, $0x7CFFF;
	v9 =	vadd.s32 $0xFFF88DC0, v8  }
0x31: {  	v8 =	vsel vm0, v9, v8  }
0x32: {  	[tilespmem:$0x4000] =	vst v8  }
0x33: {  	v8 =	vld [tilespmem:s0+$0x10];
	_ =	sdelay $0x4  }
0x34: {  	vm9 =	vgt.s32 v8, $0x7CFFF;
	v9 =	vadd.s32 $0xFFF88DC0, v8  }
0x35: {  	v8 =	vsel vm9, v9, v8  }
0x36: {  	[tilespmem:$0x4010] =	vst v8  }
0x37: {  	v8 =	vld [tilespmem:s0+$0x20];
	_ =	sdelay $0x4  }
0x38: {  	vm10 =	vgt.s32 v8, $0x7CFFF;
	v9 =	vadd.s32 $0xFFF88DC0, v8  }
0x39: {  	v8 =	vsel vm10, v9, v8  }
0x3a: {  	[tilespmem:$0x4020] =	vst v8  }
0x3b: {  	v8 =	vld [tilespmem:s0+$0x30];
	_ =	sdelay $0x4  }
0x3c: {  	vm11 =	vgt.s32 v8, $0x7CFFF;
	v9 =	vadd.s32 $0xFFF88DC0, v8  }
0x3d: {  	v8 =	vsel vm11, v9, v8  }
0x3e: {  	[tilespmem:$0x4030] =	vst v8  }
0x3f: {  	v8 =	vld [tilespmem:s0+$0x40];
	_ =	sdelay $0x4  }
0x40: {  	vm12 =	vgt.s32 v8, $0x7CFFF;
	v9 =	vadd.s32 $0xFFF88DC0, v8  }
0x41: {  	v8 =	vsel vm12, v9, v8  }
0x42: {  	[tilespmem:$0x4040] =	vst v8  }
0x43: {  	v8 =	vld [tilespmem:s0+$0x50];
	_ =	sdelay $0x4  }
0x44: {  	vm13 =	vgt.s32 v8, $0x7CFFF;
	v9 =	vadd.s32 $0xFFF88DC0, v8  }
0x45: {  	v8 =	vsel vm13, v9, v8  }
0x46: {  	[tilespmem:$0x4050] =	vst v8  }
0x47: {  	v8 =	vld [tilespmem:s0+$0x60];
	_ =	sdelay $0x4  }
0x48: {  	vm14 =	vgt.s32 v8, $0x7CFFF;
	v9 =	vadd.s32 $0xFFF88DC0, v8  }
0x49: {  	v8 =	vsel vm14, v9, v8  }
0x4a: {  	[tilespmem:$0x4060] =	vst v8  }
0x4b: {  	v8 =	vld [tilespmem:s0+$0x70];
	_ =	sdelay $0x4  }
0x4c: {  	vm15 =	vgt.s32 v8, $0x7CFFF;
	v9 =	vadd.s32 $0xFFF88DC0, v8  }
0x4d: {  	v8 =	vsel vm15, v9, v8  }
0x4e: {  	[tilespmem:$0x4070] =	vst v8  }
0x4f: {  	v8 =	vld [tilespmem:s0+$0x80];
	_ =	sdelay $0x4  }
0x50: {  	vm4 =	vgt.s32 v8, $0x7CFFF;
	v9 =	vadd.s32 $0xFFF88DC0, v8  }
0x51: {  	v8 =	vsel vm4, v9, v8  }
0x52: {  	[tilespmem:$0x4080] =	vst v8  }
0x53: {  	v8 =	vld [tilespmem:s0+$0x90];
	_ =	sdelay $0x4  }
0x54: {  	vm5 =	vgt.s32 v8, $0x7CFFF;
	v9 =	vadd.s32 $0xFFF88DC0, v8  }
0x55: {  	v8 =	vsel vm5, v9, v8  }
0x56: {  	[tilespmem:$0x4090] =	vst v8  }
0x57: {  	v8 =	vld [tilespmem:s0+$0xA0];
	_ =	sdelay $0x4  }
0x58: {  	vm6 =	vgt.s32 v8, $0x7CFFF;
	v9 =	vadd.s32 $0xFFF88DC0, v8  }
0x59: {  	v8 =	vsel vm6, v9, v8  }
0x5a: {  	[tilespmem:$0x40A0] =	vst v8  }
0x5b: {  	v8 =	vld [tilespmem:s0+$0xB0];
	_ =	sdelay $0x4  }
0x5c: {  	vm7 =	vgt.s32 v8, $0x7CFFF;
	v9 =	vadd.s32 $0xFFF88DC0, v8  }
0x5d: {  	v8 =	vsel vm7, v9, v8  }
0x5e: {  	[tilespmem:$0x40B0] =	vst v8  }
0x5f: {  	v8 =	vld [tilespmem:s0+$0xC0];
	_ =	sdelay $0x4  }
0x60: {  	vm8 =	vgt.s32 v8, $0x7CFFF;
	v9 =	vadd.s32 $0xFFF88DC0, v8  }
0x61: {  	v8 =	vsel vm8, v9, v8  }
0x62: {  	[tilespmem:$0x40C0] =	vst v8  }
0x63: {  	v8 =	vld [tilespmem:s0+$0xD0];
	_ =	sdelay $0x4  }
0x64: {  	vm9 =	vgt.s32 v8, $0x7CFFF;
	v9 =	vadd.s32 $0xFFF88DC0, v8  }
0x65: {  	v8 =	vsel vm9, v9, v8  }
0x66: {  	[tilespmem:$0x40D0] =	vst v8  }
0x67: {  	v8 =	vld [tilespmem:s0+$0xE0];
	_ =	sdelay $0x4  }
0x68: {  	vm10 =	vgt.s32 v8, $0x7CFFF;
	v9 =	vadd.s32 $0xFFF88DC0, v8  }
0x69: {  	v8 =	vsel vm10, v9, v8  }
0x6a: {  	[tilespmem:$0x40E0] =	vst v8  }
0x6b: {  	v8 =	vld [tilespmem:s0+$0xF0];
	_ =	sdelay $0x4  }
0x6c: {  	vm11 =	vgt.s32 v8, $0x7CFFF;
	v9 =	vadd.s32 $0xFFF88DC0, v8  }
0x6d: {  	s0 =	sshllo.u32 s31, $0x1;
	v8 =	vsel vm11, v9, v8  }
0x6e: {  	s1 =	sshll.u32 s0, $0x8;
	[tilespmem:$0x40F0] =	vst v8  }
0x6f: {  	[tilespmem:s15], [sflag:$0x1] =	stream.indirect.gather [hbm4b:s3+s13], $0x80, s14, s13, $0xb8;
	[tilespmem:$0x18300] =	vst v63  }
0x70: {  	s1 =	sand.u32 $0x3FFFFF00, s1  }
0x71: {  	[tilespmem:s17], [sflag:$0x1] =	stream.indirect.gather [hbm4b:s3+s13], $0x80, s16, s13, $0xb8;
	[tilespmem:$0x18300] =	vst v63  }
0x72: {  	v8 =	vld [tilespmem:s1+$0x0];
	_ =	sdelay $0x4  }
0x73: {  	vm12 =	vgt.s32 v8, $0x7CFFF;
	v9 =	vadd.s32 $0xFFF88DC0, v8  }
0x74: {  	v8 =	vsel vm12, v9, v8  }
0x75: {  	[tilespmem:$0x4100] =	vst v8  }
0x76: {  	v8 =	vld [tilespmem:s1+$0x10];
	_ =	sdelay $0x4  }
0x77: {  	vm13 =	vgt.s32 v8, $0x7CFFF;
	v9 =	vadd.s32 $0xFFF88DC0, v8  }
0x78: {  	v8 =	vsel vm13, v9, v8  }
0x79: {  	[tilespmem:$0x4110] =	vst v8  }
0x7a: {  	v8 =	vld [tilespmem:s1+$0x20];
	_ =	sdelay $0x4  }
0x7b: {  	vm14 =	vgt.s32 v8, $0x7CFFF;
	v9 =	vadd.s32 $0xFFF88DC0, v8  }
0x7c: {  	v8 =	vsel vm14, v9, v8  }
0x7d: {  	[tilespmem:$0x4120] =	vst v8  }
0x7e: {  	v8 =	vld [tilespmem:s1+$0x30];
	_ =	sdelay $0x4  }
0x7f: {  	vm15 =	vgt.s32 v8, $0x7CFFF;
	v9 =	vadd.s32 $0xFFF88DC0, v8  }
0x80: {  	v8 =	vsel vm15, v9, v8  }
0x81: {  	[tilespmem:$0x4130] =	vst v8  }
0x82: {  	v8 =	vld [tilespmem:s1+$0x40];
	_ =	sdelay $0x4  }
0x83: {  	vm4 =	vgt.s32 v8, $0x7CFFF;
	v9 =	vadd.s32 $0xFFF88DC0, v8  }
0x84: {  	v8 =	vsel vm4, v9, v8  }
0x85: {  	[tilespmem:$0x4140] =	vst v8  }
0x86: {  	v8 =	vld [tilespmem:s1+$0x50];
	_ =	sdelay $0x4  }
0x87: {  	vm5 =	vgt.s32 v8, $0x7CFFF;
	v9 =	vadd.s32 $0xFFF88DC0, v8  }
0x88: {  	v8 =	vsel vm5, v9, v8  }
0x89: {  	[tilespmem:$0x4150] =	vst v8  }
0x8a: {  	v8 =	vld [tilespmem:s1+$0x60];
	_ =	sdelay $0x4  }
0x8b: {  	vm6 =	vgt.s32 v8, $0x7CFFF;
	v9 =	vadd.s32 $0xFFF88DC0, v8  }
0x8c: {  	v8 =	vsel vm6, v9, v8  }
0x8d: {  	[tilespmem:$0x4160] =	vst v8  }
0x8e: {  	v8 =	vld [tilespmem:s1+$0x70];
	_ =	sdelay $0x4  }
0x8f: {  	vm7 =	vgt.s32 v8, $0x7CFFF;
	v9 =	vadd.s32 $0xFFF88DC0, v8  }
0x90: {  	v8 =	vsel vm7, v9, v8  }
0x91: {  	[tilespmem:$0x4170] =	vst v8  }
0x92: {  	v8 =	vld [tilespmem:s1+$0x80];
	_ =	sdelay $0x4  }
0x93: {  	vm8 =	vgt.s32 v8, $0x7CFFF;
	v9 =	vadd.s32 $0xFFF88DC0, v8  }
0x94: {  	v8 =	vsel vm8, v9, v8  }
0x95: {  	[tilespmem:$0x4180] =	vst v8  }
0x96: {  	v8 =	vld [tilespmem:s1+$0x90];
	_ =	sdelay $0x4  }
0x97: {  	vm9 =	vgt.s32 v8, $0x7CFFF;
	v9 =	vadd.s32 $0xFFF88DC0, v8  }
0x98: {  	v8 =	vsel vm9, v9, v8  }
0x99: {  	[tilespmem:$0x4190] =	vst v8  }
0x9a: {  	v8 =	vld [tilespmem:s1+$0xA0];
	_ =	sdelay $0x4  }
0x9b: {  	vm10 =	vgt.s32 v8, $0x7CFFF;
	v9 =	vadd.s32 $0xFFF88DC0, v8  }
0x9c: {  	v8 =	vsel vm10, v9, v8  }
0x9d: {  	[tilespmem:$0x41A0] =	vst v8  }
0x9e: {  	v8 =	vld [tilespmem:s1+$0xB0];
	_ =	sdelay $0x4  }
0x9f: {  	vm11 =	vgt.s32 v8, $0x7CFFF;
	v9 =	vadd.s32 $0xFFF88DC0, v8  }
0xa0: {  	v8 =	vsel vm11, v9, v8  }
0xa1: {  	[tilespmem:$0x41B0] =	vst v8  }
0xa2: {  	v8 =	vld [tilespmem:s1+$0xC0];
	_ =	sdelay $0x4  }
0xa3: {  	vm12 =	vgt.s32 v8, $0x7CFFF;
	v9 =	vadd.s32 $0xFFF88DC0, v8  }
0xa4: {  	v8 =	vsel vm12, v9, v8  }
0xa5: {  	[tilespmem:$0x41C0] =	vst v8  }
0xa6: {  	v8 =	vld [tilespmem:s1+$0xD0];
	_ =	sdelay $0x4  }
0xa7: {  	vm13 =	vgt.s32 v8, $0x7CFFF;
	v9 =	vadd.s32 $0xFFF88DC0, v8  }
0xa8: {  	v8 =	vsel vm13, v9, v8  }
0xa9: {  	[tilespmem:$0x41D0] =	vst v8  }
0xaa: {  	v8 =	vld [tilespmem:s1+$0xE0];
	_ =	sdelay $0x4  }
0xab: {  	vm14 =	vgt.s32 v8, $0x7CFFF;
	v9 =	vadd.s32 $0xFFF88DC0, v8  }
0xac: {  	v8 =	vsel vm14, v9, v8  }
0xad: {  	[tilespmem:$0x41E0] =	vst v8  }
0xae: {  	v8 =	vld [tilespmem:s1+$0xF0];
	_ =	sdelay $0x4  }
0xaf: {  	vm15 =	vgt.s32 v8, $0x7CFFF;
	v9 =	vadd.s32 $0xFFF88DC0, v8  }
0xb0: {  	v8 =	vsel vm15, v9, v8  }
0xb1: {  	[tilespmem:$0x41F0] =	vst v8  }
0xb2: {  	[tilespmem:s19], [sflag:$0x2] =	stream.indirect.gather [hbm4b:s3+s13], $0x80, s18, s13, $0xb8;
	[tilespmem:$0x18300] =	vst v63  }
0xb3: {  	_ = 	snop  }
0xb4: {  	[tilespmem:s21], [sflag:$0x2] =	stream.indirect.gather [hbm4b:s3+s13], $0x80, s20, s13, $0xb8;
	[tilespmem:$0x18300] =	vst v63  }
0xb5: {  	_ =	swait.ge [sflag:s22], $0x4000  }
0xb6: {  	[sflag:s22] =	ssyncset.done $0x0  }
0xb7: {  	[sflag:s22] =	ssyncadd.s32 $0xFFFFC000  }
0xb8: {  	_ =	swait.ge [sflag:s22], $0x4000  }
0xb9: {  	[sflag:s22] =	ssyncset.done $0x0  }
0xba: {  	[sflag:s22] =	ssyncadd.s32 $0xFFFFC000  }
0xbb: {  	v13 =	vld [tilespmem:s30+$0x0];
	_ =	sdelay $0x4  }
0xbc: {  	(v2sf) =	vpush v13, $0x0  }
0xbd: {  	v12 =	vld [tilespmem:s5+$0x0];
	_ =	sdelay $0x4  }
0xbe: {  	(v2sf) =	vpush v12, $0x0;
	_ =	sdelay $0x8  }
0xbf: {  	s26 =	sshll.u32 s31, $0x3;
	s4 =	spop (v2sf)  }
0xc0: {  	s1 =	sand.u32 $0x40, s26;
	p0 =	sgt.s32 s4, $0x7CFFF;
	s4 =	simm.s32 $0x40  }
0xc1: {  	v8 =	vld [tilespmem:s1+$0x18200];
	s4 =	simm.s32 @!p0 $0x0  }
0xc2: {  	s4 =	sadd.s32 $0x0, s4  }
0xc3: {  	v9 =	vld [tilespmem:s4+$0x4200];
	_ =	sdelay $0x1  }
0xc4: {  	s6 =	spop (v2sf)  }
0xc5: {  	v8 =	vadd.f32 v8, v0;
	s6 =	scvt.s32.f32 s6;
	_ =	sdelay $0x1  }
0xc6: {  	v10 =	vmul.f32 s6, v4;
	v9 =	vadd.f32 v9, v8;
	_ =	sdelay $0x1  }
0xc7: {  	v11 =	vld [tilespmem:s1+$0x18210];
	v9 =	vadd.f32 v10, v9  }
0xc8: {  	s11 =	simm.s32 $0x14400;
	v14 =	vld [tilespmem:s1+$0x18220]  }
0xc9: {  	v15 =	vld [tilespmem:s1+$0x18230];
	[tilespmem:s11+$0xFFFFFE00] =	vst v9  }
0xca: {  	v10 =	vld [tilespmem:s4+$0x4210];
	_ =	sdelay $0x2  }
0xcb: {  	v9 =	vadd.f32 v11, v1;
	_ =	sdelay $0x1  }
0xcc: {  	v11 =	vmul.f32 s6, v5;
	v10 =	vadd.f32 v10, v9;
	_ =	sdelay $0x1  }
0xcd: {  	v10 =	vadd.f32 v11, v10;
	_ =	sdelay $0x1  }
0xce: {  	[tilespmem:s11+$0xFFFFFE10] =	vst v10  }
0xcf: {  	v11 =	vld [tilespmem:s4+$0x4220]  }
0xd0: {  	(v2sf) =	vpush v13, $0x1;
	_ =	sdelay $0x1  }
0xd1: {  	v10 =	vadd.f32 v14, v2;
	_ =	sdelay $0x1  }
0xd2: {  	v14 =	vmul.f32 s6, v6;
	v11 =	vadd.f32 v11, v10;
	_ =	sdelay $0x1  }
0xd3: {  	(v2sf) =	vpush v12, $0x1;
	v11 =	vadd.f32 v11, v14;
	_ =	sdelay $0x1  }
0xd4: {  	[tilespmem:s11+$0xFFFFFE20] =	vst v11  }
0xd5: {  	v14 =	vld [tilespmem:s4+$0x4230];
	_ =	sdelay $0x2  }
0xd6: {  	v11 =	vadd.f32 v15, v3;
	_ =	sdelay $0x1  }
0xd7: {  	v15 =	vmul.f32 s6, v7;
	v14 =	vadd.f32 v14, v11  }
0xd8: {  	s6 =	spop (v2sf)  }
0xd9: {  	p0 =	sgt.s32 s6, $0x7CFFF;
	s4 =	simm.s32 $0x40;
	v14 =	vadd.f32 v14, v15  }
0xda: {  	s4 =	simm.s32 @!p0 $0x0  }
0xdb: {  	s4 =	sadd.s32 $0x0, s4;
	[tilespmem:s11+$0xFFFFFE30] =	vst v14  }
0xdc: {  	v14 =	vld [tilespmem:s4+$0x4280];
	_ =	sdelay $0x1  }
0xdd: {  	s7 =	spop (v2sf)  }
0xde: {  	s6 =	scvt.s32.f32 s7;
	_ =	sdelay $0x1  }
0xdf: {  	v15 =	vmul.f32 s6, v4;
	v14 =	vadd.f32 v14, v8;
	_ =	sdelay $0x1  }
0xe0: {  	v14 =	vadd.f32 v14, v15;
	_ =	sdelay $0x1  }
0xe1: {  	[tilespmem:s11+$0xFFFFFE40] =	vst v14  }
0xe2: {  	v14 =	vld [tilespmem:s4+$0x4290];
	_ =	sdelay $0x4  }
0xe3: {  	v15 =	vmul.f32 s6, v5;
	v14 =	vadd.f32 v14, v9;
	_ =	sdelay $0x1  }
0xe4: {  	v14 =	vadd.f32 v14, v15;
	_ =	sdelay $0x1  }
0xe5: {  	[tilespmem:s11+$0xFFFFFE50] =	vst v14  }
0xe6: {  	v14 =	vld [tilespmem:s4+$0x42A0]  }
0xe7: {  	(v2sf) =	vpush v13, $0x2;
	_ =	sdelay $0x3  }
0xe8: {  	v15 =	vmul.f32 s6, v6;
	v14 =	vadd.f32 v14, v10;
	_ =	sdelay $0x1  }
0xe9: {  	(v2sf) =	vpush v12, $0x2;
	v14 =	vadd.f32 v14, v15;
	_ =	sdelay $0x1  }
0xea: {  	[tilespmem:s11+$0xFFFFFE60] =	vst v14  }
0xeb: {  	v14 =	vld [tilespmem:s4+$0x42B0];
	_ =	sdelay $0x4  }
0xec: {  	v15 =	vmul.f32 s6, v7;
	v14 =	vadd.f32 v14, v11  }
0xed: {  	s9 =	spop (v2sf)  }
0xee: {  	p0 =	sgt.s32 s9, $0x7CFFF;
	s4 =	simm.s32 $0x40;
	v14 =	vadd.f32 v14, v15  }
0xef: {  	s4 =	simm.s32 @!p0 $0x0  }
0xf0: {  	s4 =	sadd.s32 $0x0, s4;
	[tilespmem:s11+$0xFFFFFE70] =	vst v14  }
0xf1: {  	v14 =	vld [tilespmem:s4+$0x4300];
	_ =	sdelay $0x1  }
0xf2: {  	s12 =	spop (v2sf)  }
0xf3: {  	s6 =	scvt.s32.f32 s12;
	_ =	sdelay $0x1  }
0xf4: {  	v15 =	vmul.f32 s6, v4;
	v14 =	vadd.f32 v14, v8;
	_ =	sdelay $0x1  }
0xf5: {  	v14 =	vadd.f32 v14, v15;
	_ =	sdelay $0x1  }
0xf6: {  	[tilespmem:s11+$0xFFFFFE80] =	vst v14  }
0xf7: {  	v14 =	vld [tilespmem:s4+$0x4310];
	_ =	sdelay $0x4  }
0xf8: {  	v15 =	vmul.f32 s6, v5;
	v14 =	vadd.f32 v14, v9;
	_ =	sdelay $0x1  }
0xf9: {  	v14 =	vadd.f32 v14, v15;
	_ =	sdelay $0x1  }
0xfa: {  	[tilespmem:s11+$0xFFFFFE90] =	vst v14  }
0xfb: {  	v14 =	vld [tilespmem:s4+$0x4320]  }
0xfc: {  	(v2sf) =	vpush v13, $0x3;
	_ =	sdelay $0x3  }
0xfd: {  	v15 =	vmul.f32 s6, v6;
	v14 =	vadd.f32 v14, v10;
	_ =	sdelay $0x1  }
0xfe: {  	(v2sf) =	vpush v12, $0x3;
	v14 =	vadd.f32 v14, v15;
	_ =	sdelay $0x1  }
0xff: {  	[tilespmem:s11+$0xFFFFFEA0] =	vst v14  }
0x100: {  	v14 =	vld [tilespmem:s4+$0x4330];
	_ =	sdelay $0x4  }
0x101: {  	v15 =	vmul.f32 s6, v7;
	v14 =	vadd.f32 v14, v11  }
0x102: {  	s25 =	spop (v2sf)  }
0x103: {  	p0 =	sgt.s32 s25, $0x7CFFF;
	s4 =	simm.s32 $0x40;
	v14 =	vadd.f32 v14, v15  }
0x104: {  	s4 =	simm.s32 @!p0 $0x0  }
0x105: {  	s4 =	sadd.s32 $0x0, s4;
	[tilespmem:s11+$0xFFFFFEB0] =	vst v14  }
0x106: {  	v14 =	vld [tilespmem:s4+$0x4380];
	_ =	sdelay $0x1  }
0x107: {  	s26 =	spop (v2sf)  }
0x108: {  	s6 =	scvt.s32.f32 s26;
	_ =	sdelay $0x1  }
0x109: {  	v15 =	vmul.f32 s6, v4;
	v14 =	vadd.f32 v14, v8;
	_ =	sdelay $0x1  }
0x10a: {  	v14 =	vadd.f32 v14, v15;
	_ =	sdelay $0x1  }
0x10b: {  	[tilespmem:s11+$0xFFFFFEC0] =	vst v14  }
0x10c: {  	v14 =	vld [tilespmem:s4+$0x4390];
	_ =	sdelay $0x4  }
0x10d: {  	v15 =	vmul.f32 s6, v5;
	v14 =	vadd.f32 v14, v9;
	_ =	sdelay $0x1  }
0x10e: {  	v14 =	vadd.f32 v14, v15;
	_ =	sdelay $0x1  }
0x10f: {  	[tilespmem:s11+$0xFFFFFED0] =	vst v14  }
0x110: {  	v14 =	vld [tilespmem:s4+$0x43A0]  }
0x111: {  	(v2sf) =	vpush v13, $0x4;
	_ =	sdelay $0x3  }
0x112: {  	v15 =	vmul.f32 s6, v6;
	v14 =	vadd.f32 v14, v10;
	_ =	sdelay $0x1  }
0x113: {  	(v2sf) =	vpush v12, $0x4;
	v14 =	vadd.f32 v14, v15;
	_ =	sdelay $0x1  }
0x114: {  	[tilespmem:s11+$0xFFFFFEE0] =	vst v14  }
0x115: {  	v14 =	vld [tilespmem:s4+$0x43B0];
	_ =	sdelay $0x4  }
0x116: {  	v15 =	vmul.f32 s6, v7;
	v14 =	vadd.f32 v14, v11  }
0x117: {  	s6 =	spop (v2sf)  }
0x118: {  	p0 =	sgt.s32 s6, $0x7CFFF;
	s4 =	simm.s32 $0x40;
	v14 =	vadd.f32 v14, v15  }
0x119: {  	s4 =	simm.s32 @!p0 $0x0  }
0x11a: {  	s4 =	sadd.s32 $0x0, s4;
	[tilespmem:s11+$0xFFFFFEF0] =	vst v14  }
0x11b: {  	v14 =	vld [tilespmem:s4+$0x4400];
	_ =	sdelay $0x1  }
0x11c: {  	s7 =	spop (v2sf)  }
0x11d: {  	s6 =	scvt.s32.f32 s7;
	_ =	sdelay $0x1  }
0x11e: {  	v15 =	vmul.f32 s6, v4;
	v14 =	vadd.f32 v14, v8;
	_ =	sdelay $0x1  }
0x11f: {  	v14 =	vadd.f32 v14, v15;
	_ =	sdelay $0x1  }
0x120: {  	[tilespmem:s11+$0xFFFFFF00] =	vst v14  }
0x121: {  	v14 =	vld [tilespmem:s4+$0x4410];
	_ =	sdelay $0x4  }
0x122: {  	v15 =	vmul.f32 s6, v5;
	v14 =	vadd.f32 v14, v9;
	_ =	sdelay $0x1  }
0x123: {  	v14 =	vadd.f32 v14, v15;
	_ =	sdelay $0x1  }
0x124: {  	[tilespmem:s11+$0xFFFFFF10] =	vst v14  }
0x125: {  	v14 =	vld [tilespmem:s4+$0x4420]  }
0x126: {  	(v2sf) =	vpush v13, $0x5;
	_ =	sdelay $0x3  }
0x127: {  	v15 =	vmul.f32 s6, v6;
	v14 =	vadd.f32 v14, v10;
	_ =	sdelay $0x1  }
0x128: {  	(v2sf) =	vpush v12, $0x5;
	v14 =	vadd.f32 v14, v15;
	_ =	sdelay $0x1  }
0x129: {  	[tilespmem:s11+$0xFFFFFF20] =	vst v14  }
0x12a: {  	v14 =	vld [tilespmem:s4+$0x4430];
	_ =	sdelay $0x4  }
0x12b: {  	v15 =	vmul.f32 s6, v7;
	v14 =	vadd.f32 v14, v11  }
0x12c: {  	s9 =	spop (v2sf)  }
0x12d: {  	p0 =	sgt.s32 s9, $0x7CFFF;
	s4 =	simm.s32 $0x40;
	v14 =	vadd.f32 v14, v15  }
0x12e: {  	s4 =	simm.s32 @!p0 $0x0  }
0x12f: {  	s4 =	sadd.s32 $0x0, s4;
	[tilespmem:s11+$0xFFFFFF30] =	vst v14  }
0x130: {  	v14 =	vld [tilespmem:s4+$0x4480];
	_ =	sdelay $0x1  }
0x131: {  	s12 =	spop (v2sf)  }
0x132: {  	s6 =	scvt.s32.f32 s12;
	_ =	sdelay $0x1  }
0x133: {  	v15 =	vmul.f32 s6, v4;
	v14 =	vadd.f32 v14, v8;
	_ =	sdelay $0x1  }
0x134: {  	v14 =	vadd.f32 v14, v15;
	_ =	sdelay $0x1  }
0x135: {  	[tilespmem:s11+$0xFFFFFF40] =	vst v14  }
0x136: {  	v14 =	vld [tilespmem:s4+$0x4490];
	_ =	sdelay $0x4  }
0x137: {  	v15 =	vmul.f32 s6, v5;
	v14 =	vadd.f32 v14, v9;
	_ =	sdelay $0x1  }
0x138: {  	v14 =	vadd.f32 v14, v15;
	_ =	sdelay $0x1  }
0x139: {  	[tilespmem:s11+$0xFFFFFF50] =	vst v14  }
0x13a: {  	v14 =	vld [tilespmem:s4+$0x44A0]  }
0x13b: {  	(v2sf) =	vpush v13, $0x6;
	_ =	sdelay $0x3  }
0x13c: {  	v15 =	vmul.f32 s6, v6;
	v14 =	vadd.f32 v14, v10;
	_ =	sdelay $0x1  }
0x13d: {  	(v2sf) =	vpush v12, $0x6;
	v14 =	vadd.f32 v14, v15;
	_ =	sdelay $0x1  }
0x13e: {  	[tilespmem:s11+$0xFFFFFF60] =	vst v14  }
0x13f: {  	v14 =	vld [tilespmem:s4+$0x44B0];
	_ =	sdelay $0x4  }
0x140: {  	v15 =	vmul.f32 s6, v7;
	v14 =	vadd.f32 v14, v11  }
0x141: {  	s25 =	spop (v2sf)  }
0x142: {  	p0 =	sgt.s32 s25, $0x7CFFF;
	s4 =	simm.s32 $0x40;
	v14 =	vadd.f32 v14, v15  }
0x143: {  	s4 =	simm.s32 @!p0 $0x0  }
0x144: {  	s4 =	sadd.s32 $0x0, s4;
	[tilespmem:s11+$0xFFFFFF70] =	vst v14  }
0x145: {  	v14 =	vld [tilespmem:s4+$0x4500];
	_ =	sdelay $0x1  }
0x146: {  	s26 =	spop (v2sf)  }
0x147: {  	s6 =	scvt.s32.f32 s26;
	_ =	sdelay $0x1  }
0x148: {  	v15 =	vmul.f32 s6, v4;
	v14 =	vadd.f32 v14, v8;
	_ =	sdelay $0x1  }
0x149: {  	v14 =	vadd.f32 v14, v15;
	_ =	sdelay $0x1  }
0x14a: {  	[tilespmem:s11+$0xFFFFFF80] =	vst v14  }
0x14b: {  	v14 =	vld [tilespmem:s4+$0x4510];
	_ =	sdelay $0x4  }
0x14c: {  	v15 =	vmul.f32 s6, v5;
	v14 =	vadd.f32 v14, v9;
	_ =	sdelay $0x1  }
0x14d: {  	v14 =	vadd.f32 v14, v15;
	_ =	sdelay $0x1  }
0x14e: {  	[tilespmem:s11+$0xFFFFFF90] =	vst v14  }
0x14f: {  	v14 =	vld [tilespmem:s4+$0x4520]  }
0x150: {  	(v2sf) =	vpush v13, $0x7;
	_ =	sdelay $0x3  }
0x151: {  	v15 =	vmul.f32 s6, v6;
	v14 =	vadd.f32 v14, v10;
	_ =	sdelay $0x1  }
0x152: {  	(v2sf) =	vpush v12, $0x7;
	v14 =	vadd.f32 v14, v15;
	_ =	sdelay $0x1  }
0x153: {  	[tilespmem:s11+$0xFFFFFFA0] =	vst v14  }
0x154: {  	v14 =	vld [tilespmem:s4+$0x4530];
	_ =	sdelay $0x4  }
0x155: {  	v15 =	vmul.f32 s6, v7;
	v14 =	vadd.f32 v14, v11  }
0x156: {  	s6 =	spop (v2sf)  }
0x157: {  	p0 =	sgt.s32 s6, $0x7CFFF;
	s4 =	simm.s32 $0x40;
	v14 =	vadd.f32 v14, v15  }
0x158: {  	s4 =	simm.s32 @!p0 $0x0  }
0x159: {  	s4 =	sadd.s32 $0x0, s4;
	[tilespmem:s11+$0xFFFFFFB0] =	vst v14  }
0x15a: {  	v14 =	vld [tilespmem:s4+$0x4580];
	_ =	sdelay $0x1  }
0x15b: {  	s7 =	spop (v2sf)  }
0x15c: {  	s6 =	scvt.s32.f32 s7;
	_ =	sdelay $0x1  }
0x15d: {  	v15 =	vmul.f32 s6, v4;
	v14 =	vadd.f32 v14, v8;
	_ =	sdelay $0x1  }
0x15e: {  	v14 =	vadd.f32 v14, v15;
	_ =	sdelay $0x1  }
0x15f: {  	[tilespmem:s11+$0xFFFFFFC0] =	vst v14  }
0x160: {  	v14 =	vld [tilespmem:s4+$0x4590];
	_ =	sdelay $0x4  }
0x161: {  	v15 =	vmul.f32 s6, v5;
	v14 =	vadd.f32 v14, v9;
	_ =	sdelay $0x1  }
0x162: {  	v14 =	vadd.f32 v14, v15;
	_ =	sdelay $0x1  }
0x163: {  	[tilespmem:s11+$0xFFFFFFD0] =	vst v14  }
0x164: {  	v14 =	vld [tilespmem:s4+$0x45A0]  }
0x165: {  	(v2sf) =	vpush v13, $0x8;
	_ =	sdelay $0x3  }
0x166: {  	v15 =	vmul.f32 s6, v6;
	v14 =	vadd.f32 v14, v10;
	_ =	sdelay $0x1  }
0x167: {  	(v2sf) =	vpush v12, $0x8;
	v14 =	vadd.f32 v14, v15;
	_ =	sdelay $0x1  }
0x168: {  	[tilespmem:s11+$0xFFFFFFE0] =	vst v14  }
0x169: {  	v14 =	vld [tilespmem:s4+$0x45B0];
	_ =	sdelay $0x4  }
0x16a: {  	v15 =	vmul.f32 s6, v7;
	v14 =	vadd.f32 v14, v11  }
0x16b: {  	s9 =	spop (v2sf)  }
0x16c: {  	p0 =	sgt.s32 s9, $0x7CFFF;
	s4 =	simm.s32 $0x40;
	v14 =	vadd.f32 v14, v15  }
0x16d: {  	s4 =	simm.s32 @!p0 $0x0  }
0x16e: {  	s4 =	sadd.s32 $0x0, s4;
	[tilespmem:s11+$0xFFFFFFF0] =	vst v14  }
0x16f: {  	v14 =	vld [tilespmem:s4+$0x4600];
	_ =	sdelay $0x1  }
0x170: {  	s12 =	spop (v2sf)  }
0x171: {  	s6 =	scvt.s32.f32 s12;
	_ =	sdelay $0x1  }
0x172: {  	v15 =	vmul.f32 s6, v4;
	v14 =	vadd.f32 v14, v8;
	_ =	sdelay $0x1  }
0x173: {  	v14 =	vadd.f32 v14, v15;
	_ =	sdelay $0x1  }
0x174: {  	[tilespmem:s11+$0x0] =	vst v14  }
0x175: {  	v14 =	vld [tilespmem:s4+$0x4610];
	_ =	sdelay $0x4  }
0x176: {  	v15 =	vmul.f32 s6, v5;
	v14 =	vadd.f32 v14, v9;
	_ =	sdelay $0x1  }
0x177: {  	v14 =	vadd.f32 v14, v15;
	_ =	sdelay $0x1  }
0x178: {  	[tilespmem:s11+$0x10] =	vst v14  }
0x179: {  	v14 =	vld [tilespmem:s4+$0x4620]  }
0x17a: {  	(v2sf) =	vpush v13, $0x9;
	_ =	sdelay $0x3  }
0x17b: {  	v15 =	vmul.f32 s6, v6;
	v14 =	vadd.f32 v14, v10;
	_ =	sdelay $0x1  }
0x17c: {  	(v2sf) =	vpush v12, $0x9;
	v14 =	vadd.f32 v14, v15;
	_ =	sdelay $0x1  }
0x17d: {  	[tilespmem:s11+$0x20] =	vst v14  }
0x17e: {  	v14 =	vld [tilespmem:s4+$0x4630];
	_ =	sdelay $0x4  }
0x17f: {  	v15 =	vmul.f32 s6, v7;
	v14 =	vadd.f32 v14, v11  }
0x180: {  	s25 =	spop (v2sf)  }
0x181: {  	p0 =	sgt.s32 s25, $0x7CFFF;
	s4 =	simm.s32 $0x40;
	v14 =	vadd.f32 v14, v15  }
0x182: {  	s4 =	simm.s32 @!p0 $0x0  }
0x183: {  	s4 =	sadd.s32 $0x0, s4;
	[tilespmem:s11+$0x30] =	vst v14  }
0x184: {  	v14 =	vld [tilespmem:s4+$0x4680];
	_ =	sdelay $0x1  }
0x185: {  	s26 =	spop (v2sf)  }
0x186: {  	s6 =	scvt.s32.f32 s26;
	_ =	sdelay $0x1  }
0x187: {  	v15 =	vmul.f32 s6, v4;
	v14 =	vadd.f32 v14, v8;
	_ =	sdelay $0x1  }
0x188: {  	v14 =	vadd.f32 v14, v15;
	_ =	sdelay $0x1  }
0x189: {  	[tilespmem:s11+$0x40] =	vst v14  }
0x18a: {  	v14 =	vld [tilespmem:s4+$0x4690];
	_ =	sdelay $0x4  }
0x18b: {  	v15 =	vmul.f32 s6, v5;
	v14 =	vadd.f32 v14, v9;
	_ =	sdelay $0x1  }
0x18c: {  	v14 =	vadd.f32 v14, v15;
	_ =	sdelay $0x1  }
0x18d: {  	[tilespmem:s11+$0x50] =	vst v14  }
0x18e: {  	v14 =	vld [tilespmem:s4+$0x46A0]  }
0x18f: {  	(v2sf) =	vpush v13, $0xA;
	_ =	sdelay $0x3  }
0x190: {  	v15 =	vmul.f32 s6, v6;
	v14 =	vadd.f32 v14, v10;
	_ =	sdelay $0x1  }
0x191: {  	(v2sf) =	vpush v12, $0xA;
	v14 =	vadd.f32 v14, v15;
	_ =	sdelay $0x1  }
0x192: {  	[tilespmem:s11+$0x60] =	vst v14  }
0x193: {  	v14 =	vld [tilespmem:s4+$0x46B0];
	_ =	sdelay $0x4  }
0x194: {  	v15 =	vmul.f32 s6, v7;
	v14 =	vadd.f32 v14, v11  }
0x195: {  	s6 =	spop (v2sf)  }
0x196: {  	p0 =	sgt.s32 s6, $0x7CFFF;
	s4 =	simm.s32 $0x40;
	v14 =	vadd.f32 v14, v15  }
0x197: {  	s4 =	simm.s32 @!p0 $0x0  }
0x198: {  	s4 =	sadd.s32 $0x0, s4;
	[tilespmem:s11+$0x70] =	vst v14  }
0x199: {  	v14 =	vld [tilespmem:s4+$0x4700];
	_ =	sdelay $0x1  }
0x19a: {  	s7 =	spop (v2sf)  }
0x19b: {  	s6 =	scvt.s32.f32 s7;
	_ =	sdelay $0x1  }
0x19c: {  	v15 =	vmul.f32 s6, v4;
	v14 =	vadd.f32 v14, v8;
	_ =	sdelay $0x1  }
0x19d: {  	v14 =	vadd.f32 v14, v15;
	_ =	sdelay $0x1  }
0x19e: {  	[tilespmem:s11+$0x80] =	vst v14  }
0x19f: {  	v14 =	vld [tilespmem:s4+$0x4710];
	_ =	sdelay $0x4  }
0x1a0: {  	v15 =	vmul.f32 s6, v5;
	v14 =	vadd.f32 v14, v9;
	_ =	sdelay $0x1  }
0x1a1: {  	v14 =	vadd.f32 v14, v15;
	_ =	sdelay $0x1  }
0x1a2: {  	[tilespmem:s11+$0x90] =	vst v14  }
0x1a3: {  	v14 =	vld [tilespmem:s4+$0x4720]  }
0x1a4: {  	(v2sf) =	vpush v13, $0xB;
	_ =	sdelay $0x3  }
0x1a5: {  	v15 =	vmul.f32 s6, v6;
	v14 =	vadd.f32 v14, v10;
	_ =	sdelay $0x1  }
0x1a6: {  	(v2sf) =	vpush v12, $0xB;
	v14 =	vadd.f32 v14, v15;
	_ =	sdelay $0x1  }
0x1a7: {  	[tilespmem:s11+$0xA0] =	vst v14  }
0x1a8: {  	v14 =	vld [tilespmem:s4+$0x4730];
	_ =	sdelay $0x4  }
0x1a9: {  	v15 =	vmul.f32 s6, v7;
	v14 =	vadd.f32 v14, v11  }
0x1aa: {  	s9 =	spop (v2sf)  }
0x1ab: {  	p0 =	sgt.s32 s9, $0x7CFFF;
	s4 =	simm.s32 $0x40;
	v14 =	vadd.f32 v14, v15  }
0x1ac: {  	s4 =	simm.s32 @!p0 $0x0  }
0x1ad: {  	s4 =	sadd.s32 $0x0, s4;
	[tilespmem:s11+$0xB0] =	vst v14  }
0x1ae: {  	v14 =	vld [tilespmem:s4+$0x4780];
	_ =	sdelay $0x1  }
0x1af: {  	s12 =	spop (v2sf)  }
0x1b0: {  	s6 =	scvt.s32.f32 s12;
	_ =	sdelay $0x1  }
0x1b1: {  	v15 =	vmul.f32 s6, v4;
	v14 =	vadd.f32 v14, v8;
	_ =	sdelay $0x1  }
0x1b2: {  	v14 =	vadd.f32 v14, v15;
	_ =	sdelay $0x1  }
0x1b3: {  	[tilespmem:s11+$0xC0] =	vst v14  }
0x1b4: {  	v14 =	vld [tilespmem:s4+$0x4790];
	_ =	sdelay $0x4  }
0x1b5: {  	v15 =	vmul.f32 s6, v5;
	v14 =	vadd.f32 v14, v9;
	_ =	sdelay $0x1  }
0x1b6: {  	v14 =	vadd.f32 v14, v15;
	_ =	sdelay $0x1  }
0x1b7: {  	[tilespmem:s11+$0xD0] =	vst v14  }
0x1b8: {  	v14 =	vld [tilespmem:s4+$0x47A0]  }
0x1b9: {  	(v2sf) =	vpush v13, $0xC;
	_ =	sdelay $0x3  }
0x1ba: {  	v15 =	vmul.f32 s6, v6;
	v14 =	vadd.f32 v14, v10;
	_ =	sdelay $0x1  }
0x1bb: {  	(v2sf) =	vpush v12, $0xC;
	v14 =	vadd.f32 v14, v15;
	_ =	sdelay $0x1  }
0x1bc: {  	[tilespmem:s11+$0xE0] =	vst v14  }
0x1bd: {  	v14 =	vld [tilespmem:s4+$0x47B0];
	_ =	sdelay $0x4  }
0x1be: {  	v15 =	vmul.f32 s6, v7;
	v14 =	vadd.f32 v14, v11  }
0x1bf: {  	s25 =	spop (v2sf)  }
0x1c0: {  	p0 =	sgt.s32 s25, $0x7CFFF;
	s4 =	simm.s32 $0x40;
	v14 =	vadd.f32 v14, v15  }
0x1c1: {  	s4 =	simm.s32 @!p0 $0x0  }
0x1c2: {  	s4 =	sadd.s32 $0x0, s4;
	[tilespmem:s11+$0xF0] =	vst v14  }
0x1c3: {  	v14 =	vld [tilespmem:s4+$0x4800];
	_ =	sdelay $0x1  }
0x1c4: {  	s26 =	spop (v2sf)  }
0x1c5: {  	s6 =	scvt.s32.f32 s26;
	_ =	sdelay $0x1  }
0x1c6: {  	v15 =	vmul.f32 s6, v4;
	v14 =	vadd.f32 v14, v8;
	_ =	sdelay $0x1  }
0x1c7: {  	v14 =	vadd.f32 v14, v15;
	_ =	sdelay $0x1  }
0x1c8: {  	[tilespmem:s11+$0x100] =	vst v14  }
0x1c9: {  	v14 =	vld [tilespmem:s4+$0x4810];
	_ =	sdelay $0x4  }
0x1ca: {  	v15 =	vmul.f32 s6, v5;
	v14 =	vadd.f32 v14, v9;
	_ =	sdelay $0x1  }
0x1cb: {  	v14 =	vadd.f32 v14, v15;
	_ =	sdelay $0x1  }
0x1cc: {  	[tilespmem:s11+$0x110] =	vst v14  }
0x1cd: {  	v14 =	vld [tilespmem:s4+$0x4820]  }
0x1ce: {  	(v2sf) =	vpush v13, $0xD;
	_ =	sdelay $0x3  }
0x1cf: {  	v15 =	vmul.f32 s6, v6;
	v14 =	vadd.f32 v14, v10;
	_ =	sdelay $0x1  }
0x1d0: {  	(v2sf) =	vpush v12, $0xD;
	v14 =	vadd.f32 v14, v15;
	_ =	sdelay $0x1  }
0x1d1: {  	[tilespmem:s11+$0x120] =	vst v14  }
0x1d2: {  	v14 =	vld [tilespmem:s4+$0x4830];
	_ =	sdelay $0x4  }
0x1d3: {  	v15 =	vmul.f32 s6, v7;
	v14 =	vadd.f32 v14, v11  }
0x1d4: {  	s6 =	spop (v2sf)  }
0x1d5: {  	p0 =	sgt.s32 s6, $0x7CFFF;
	s4 =	simm.s32 $0x40;
	v14 =	vadd.f32 v14, v15  }
0x1d6: {  	s4 =	simm.s32 @!p0 $0x0  }
0x1d7: {  	s4 =	sadd.s32 $0x0, s4;
	[tilespmem:s11+$0x130] =	vst v14  }
0x1d8: {  	v14 =	vld [tilespmem:s4+$0x4880];
	_ =	sdelay $0x1  }
0x1d9: {  	s7 =	spop (v2sf)  }
0x1da: {  	s6 =	scvt.s32.f32 s7;
	_ =	sdelay $0x1  }
0x1db: {  	v15 =	vmul.f32 s6, v4;
	v14 =	vadd.f32 v14, v8;
	_ =	sdelay $0x1  }
0x1dc: {  	v14 =	vadd.f32 v14, v15;
	_ =	sdelay $0x1  }
0x1dd: {  	[tilespmem:s11+$0x140] =	vst v14  }
0x1de: {  	v14 =	vld [tilespmem:s4+$0x4890];
	_ =	sdelay $0x4  }
0x1df: {  	v15 =	vmul.f32 s6, v5;
	v14 =	vadd.f32 v14, v9;
	_ =	sdelay $0x1  }
0x1e0: {  	v14 =	vadd.f32 v14, v15;
	_ =	sdelay $0x1  }
0x1e1: {  	[tilespmem:s11+$0x150] =	vst v14  }
0x1e2: {  	v14 =	vld [tilespmem:s4+$0x48A0]  }
0x1e3: {  	(v2sf) =	vpush v13, $0xE;
	_ =	sdelay $0x3  }
0x1e4: {  	v15 =	vmul.f32 s6, v6;
	v14 =	vadd.f32 v14, v10;
	_ =	sdelay $0x1  }
0x1e5: {  	(v2sf) =	vpush v12, $0xE;
	v14 =	vadd.f32 v14, v15;
	_ =	sdelay $0x1  }
0x1e6: {  	[tilespmem:s11+$0x160] =	vst v14  }
0x1e7: {  	v14 =	vld [tilespmem:s4+$0x48B0];
	_ =	sdelay $0x4  }
0x1e8: {  	v15 =	vmul.f32 s6, v7;
	v14 =	vadd.f32 v14, v11  }
0x1e9: {  	s9 =	spop (v2sf)  }
0x1ea: {  	p0 =	sgt.s32 s9, $0x7CFFF;
	s4 =	simm.s32 $0x40;
	v14 =	vadd.f32 v14, v15  }
0x1eb: {  	s4 =	simm.s32 @!p0 $0x0  }
0x1ec: {  	s4 =	sadd.s32 $0x0, s4;
	[tilespmem:s11+$0x170] =	vst v14  }
0x1ed: {  	v14 =	vld [tilespmem:s4+$0x4900];
	_ =	sdelay $0x1  }
0x1ee: {  	s12 =	spop (v2sf)  }
0x1ef: {  	s6 =	scvt.s32.f32 s12;
	_ =	sdelay $0x1  }
0x1f0: {  	v15 =	vmul.f32 s6, v4;
	v14 =	vadd.f32 v14, v8;
	_ =	sdelay $0x1  }
0x1f1: {  	v14 =	vadd.f32 v14, v15;
	_ =	sdelay $0x1  }
0x1f2: {  	[tilespmem:s11+$0x180] =	vst v14  }
0x1f3: {  	v14 =	vld [tilespmem:s4+$0x4910];
	_ =	sdelay $0x4  }
0x1f4: {  	v15 =	vmul.f32 s6, v5;
	v14 =	vadd.f32 v14, v9;
	_ =	sdelay $0x1  }
0x1f5: {  	v14 =	vadd.f32 v14, v15;
	_ =	sdelay $0x1  }
0x1f6: {  	[tilespmem:s11+$0x190] =	vst v14  }
0x1f7: {  	v14 =	vld [tilespmem:s4+$0x4920]  }
0x1f8: {  	(v2sf) =	vpush v13, $0xF;
	_ =	sdelay $0x3  }
0x1f9: {  	v13 =	vadd.f32 v14, v10;
	v14 =	vmul.f32 s6, v6;
	_ =	sdelay $0x1  }
0x1fa: {  	(v2sf) =	vpush v12, $0xF;
	v13 =	vadd.f32 v13, v14;
	_ =	sdelay $0x1  }
0x1fb: {  	[tilespmem:s11+$0x1A0] =	vst v13  }
0x1fc: {  	v12 =	vld [tilespmem:s4+$0x4930];
	_ =	sdelay $0x4  }
0x1fd: {  	v13 =	vmul.f32 s6, v7;
	v12 =	vadd.f32 v12, v11  }
0x1fe: {  	s25 =	spop (v2sf)  }
0x1ff: {  	p0 =	sgt.s32 s25, $0x7CFFF;
	s4 =	simm.s32 $0x40;
	v12 =	vadd.f32 v12, v13  }
0x200: {  	s4 =	simm.s32 @!p0 $0x0  }
0x201: {  	s4 =	sadd.s32 $0x0, s4;
	[tilespmem:s11+$0x1B0] =	vst v12  }
0x202: {  	v12 =	vld [tilespmem:s4+$0x4980];
	_ =	sdelay $0x1  }
0x203: {  	s26 =	spop (v2sf)  }
0x204: {  	s6 =	scvt.s32.f32 s26;
	_ =	sdelay $0x1  }
0x205: {  	v13 =	vmul.f32 s6, v4;
	v12 =	vadd.f32 v12, v8;
	_ =	sdelay $0x1  }
0x206: {  	v12 =	vadd.f32 v12, v13;
	_ =	sdelay $0x1  }
0x207: {  	[tilespmem:s11+$0x1C0] =	vst v12  }
0x208: {  	v12 =	vld [tilespmem:s4+$0x4990];
	_ =	sdelay $0x4  }
0x209: {  	v13 =	vmul.f32 s6, v5;
	v12 =	vadd.f32 v12, v9;
	_ =	sdelay $0x1  }
0x20a: {  	v12 =	vadd.f32 v12, v13;
	_ =	sdelay $0x1  }
0x20b: {  	[tilespmem:s11+$0x1D0] =	vst v12  }
0x20c: {  	v12 =	vld [tilespmem:s4+$0x49A0];
	_ =	sdelay $0x4  }
0x20d: {  	v13 =	vmul.f32 s6, v6;
	v12 =	vadd.f32 v12, v10;
	_ =	sdelay $0x1  }
0x20e: {  	v12 =	vadd.f32 v12, v13;
	_ =	sdelay $0x1  }
0x20f: {  	[tilespmem:s11+$0x1E0] =	vst v12  }
0x210: {  	v12 =	vld [tilespmem:s4+$0x49B0];
	_ =	sdelay $0x4  }
0x211: {  	v13 =	vmul.f32 s6, v7;
	v12 =	vadd.f32 v12, v11;
	_ =	sdelay $0x1  }
0x212: {  	v12 =	vadd.f32 v12, v13;
	_ =	sdelay $0x1  }
0x213: {  	s4 =	sadd.s32 $0x10, s30;
	[tilespmem:s11+$0x1F0] =	vst v12  }
0x214: {  	s12 =	simm.s32 $0x2000;
	s26 =	smov.u32 s5;
	s6 =	simm.s32 $0x4000;
	v12 =	vld [tilespmem:s4+$0x0]  }
.LBB2_3:
0x215: {  	p0 =	sne.s32 s6, $0x1E000;
	_ =	sdelay $0x3  }
0x216: {  	s26 =	sadd.s32 $0x10, s26;
	(v2sf) =	vpush v12, $0x0  }
0x217: {  	v13 =	vld [tilespmem:s26+$0x0];
	_ =	sdelay $0x4  }
0x218: {  	(v2sf) =	vpush v13, $0x0;
	_ =	sdelay $0x8  }
0x219: {  	s7 =	spop (v2sf)  }
0x21a: {  	s9 =	simm.s32 $0x40;
	p1 =	sgt.s32 s7, $0x7CFFF  }
0x21b: {  	s7 =	sshra.s32 s12, $0x2;
	s12 =	smov.u32 s6;
	s9 =	simm.s32 @!p1 $0x0  }
0x21c: {  	s9 =	sadd.s32 s7, s9  }
0x21d: {  	v14 =	vld [tilespmem:s9+$0x4200];
	_ =	sdelay $0x1  }
0x21e: {  	s25 =	spop (v2sf)  }
0x21f: {  	s25 =	scvt.s32.f32 s25;
	_ =	sdelay $0x1  }
0x220: {  	v14 =	vadd.f32 v14, v8;
	v15 =	vmul.f32 s25, v4;
	_ =	sdelay $0x1  }
0x221: {  	v14 =	vadd.f32 v15, v14  }
0x222: {  	s11 =	sadd.s32 $0x400, s11  }
0x223: {  	[tilespmem:s11+$0xFFFFFE00] =	vst v14  }
0x224: {  	v14 =	vld [tilespmem:s9+$0x4210];
	_ =	sdelay $0x4  }
0x225: {  	v15 =	vmul.f32 s25, v5;
	v14 =	vadd.f32 v14, v9;
	_ =	sdelay $0x1  }
0x226: {  	v14 =	vadd.f32 v15, v14;
	_ =	sdelay $0x1  }
0x227: {  	[tilespmem:s11+$0xFFFFFE10] =	vst v14  }
0x228: {  	v14 =	vld [tilespmem:s9+$0x4220]  }
0x229: {  	(v2sf) =	vpush v12, $0x1;
	_ =	sdelay $0x3  }
0x22a: {  	v15 =	vmul.f32 s25, v6;
	v14 =	vadd.f32 v14, v10;
	_ =	sdelay $0x1  }
0x22b: {  	v14 =	vadd.f32 v14, v15;
	(v2sf) =	vpush v13, $0x1;
	_ =	sdelay $0x1  }
0x22c: {  	[tilespmem:s11+$0xFFFFFE20] =	vst v14  }
0x22d: {  	v14 =	vld [tilespmem:s9+$0x4230];
	_ =	sdelay $0x4  }
0x22e: {  	v15 =	vmul.f32 s25, v7;
	v14 =	vadd.f32 v14, v11  }
0x22f: {  	s9 =	spop (v2sf)  }
0x230: {  	v14 =	vadd.f32 v14, v15;
	p1 =	sgt.s32 s9, $0x7CFFF;
	s9 =	simm.s32 $0x40  }
0x231: {  	s9 =	simm.s32 @!p1 $0x0  }
0x232: {  	[tilespmem:s11+$0xFFFFFE30] =	vst v14;
	s9 =	sadd.s32 s7, s9  }
0x233: {  	v14 =	vld [tilespmem:s9+$0x4280];
	_ =	sdelay $0x1  }
0x234: {  	s25 =	spop (v2sf)  }
0x235: {  	s25 =	scvt.s32.f32 s25;
	_ =	sdelay $0x1  }
0x236: {  	v14 =	vadd.f32 v14, v8;
	v15 =	vmul.f32 s25, v4;
	_ =	sdelay $0x1  }
0x237: {  	v14 =	vadd.f32 v14, v15;
	_ =	sdelay $0x1  }
0x238: {  	[tilespmem:s11+$0xFFFFFE40] =	vst v14  }
0x239: {  	v14 =	vld [tilespmem:s9+$0x4290];
	_ =	sdelay $0x4  }
0x23a: {  	v15 =	vmul.f32 s25, v5;
	v14 =	vadd.f32 v14, v9;
	_ =	sdelay $0x1  }
0x23b: {  	v14 =	vadd.f32 v14, v15;
	_ =	sdelay $0x1  }
0x23c: {  	[tilespmem:s11+$0xFFFFFE50] =	vst v14  }
0x23d: {  	v14 =	vld [tilespmem:s9+$0x42A0]  }
0x23e: {  	(v2sf) =	vpush v12, $0x2;
	_ =	sdelay $0x3  }
0x23f: {  	v15 =	vmul.f32 s25, v6;
	v14 =	vadd.f32 v14, v10;
	_ =	sdelay $0x1  }
0x240: {  	v14 =	vadd.f32 v14, v15;
	(v2sf) =	vpush v13, $0x2;
	_ =	sdelay $0x1  }
0x241: {  	[tilespmem:s11+$0xFFFFFE60] =	vst v14  }
0x242: {  	v14 =	vld [tilespmem:s9+$0x42B0];
	_ =	sdelay $0x4  }
0x243: {  	v15 =	vmul.f32 s25, v7;
	v14 =	vadd.f32 v14, v11  }
0x244: {  	s9 =	spop (v2sf)  }
0x245: {  	v14 =	vadd.f32 v14, v15;
	p1 =	sgt.s32 s9, $0x7CFFF;
	s9 =	simm.s32 $0x40  }
0x246: {  	s9 =	simm.s32 @!p1 $0x0  }
0x247: {  	[tilespmem:s11+$0xFFFFFE70] =	vst v14;
	s9 =	sadd.s32 s7, s9  }
0x248: {  	v14 =	vld [tilespmem:s9+$0x4300];
	_ =	sdelay $0x1  }
0x249: {  	s25 =	spop (v2sf)  }
0x24a: {  	s25 =	scvt.s32.f32 s25;
	_ =	sdelay $0x1  }
0x24b: {  	v14 =	vadd.f32 v14, v8;
	v15 =	vmul.f32 s25, v4;
	_ =	sdelay $0x1  }
0x24c: {  	v14 =	vadd.f32 v14, v15;
	_ =	sdelay $0x1  }
0x24d: {  	[tilespmem:s11+$0xFFFFFE80] =	vst v14  }
0x24e: {  	v14 =	vld [tilespmem:s9+$0x4310];
	_ =	sdelay $0x4  }
0x24f: {  	v15 =	vmul.f32 s25, v5;
	v14 =	vadd.f32 v14, v9;
	_ =	sdelay $0x1  }
0x250: {  	v14 =	vadd.f32 v14, v15;
	_ =	sdelay $0x1  }
0x251: {  	[tilespmem:s11+$0xFFFFFE90] =	vst v14  }
0x252: {  	v14 =	vld [tilespmem:s9+$0x4320]  }
0x253: {  	(v2sf) =	vpush v12, $0x3;
	_ =	sdelay $0x3  }
0x254: {  	v15 =	vmul.f32 s25, v6;
	v14 =	vadd.f32 v14, v10;
	_ =	sdelay $0x1  }
0x255: {  	v14 =	vadd.f32 v14, v15;
	(v2sf) =	vpush v13, $0x3;
	_ =	sdelay $0x1  }
0x256: {  	[tilespmem:s11+$0xFFFFFEA0] =	vst v14  }
0x257: {  	v14 =	vld [tilespmem:s9+$0x4330];
	_ =	sdelay $0x4  }
0x258: {  	v15 =	vmul.f32 s25, v7;
	v14 =	vadd.f32 v14, v11  }
0x259: {  	s9 =	spop (v2sf)  }
0x25a: {  	v14 =	vadd.f32 v14, v15;
	p1 =	sgt.s32 s9, $0x7CFFF;
	s9 =	simm.s32 $0x40  }
0x25b: {  	s9 =	simm.s32 @!p1 $0x0  }
0x25c: {  	[tilespmem:s11+$0xFFFFFEB0] =	vst v14;
	s9 =	sadd.s32 s7, s9  }
0x25d: {  	v14 =	vld [tilespmem:s9+$0x4380];
	_ =	sdelay $0x1  }
0x25e: {  	s25 =	spop (v2sf)  }
0x25f: {  	s25 =	scvt.s32.f32 s25;
	_ =	sdelay $0x1  }
0x260: {  	v14 =	vadd.f32 v14, v8;
	v15 =	vmul.f32 s25, v4;
	_ =	sdelay $0x1  }
0x261: {  	v14 =	vadd.f32 v14, v15;
	_ =	sdelay $0x1  }
0x262: {  	[tilespmem:s11+$0xFFFFFEC0] =	vst v14  }
0x263: {  	v14 =	vld [tilespmem:s9+$0x4390];
	_ =	sdelay $0x4  }
0x264: {  	v15 =	vmul.f32 s25, v5;
	v14 =	vadd.f32 v14, v9;
	_ =	sdelay $0x1  }
0x265: {  	v14 =	vadd.f32 v14, v15;
	_ =	sdelay $0x1  }
0x266: {  	[tilespmem:s11+$0xFFFFFED0] =	vst v14  }
0x267: {  	v14 =	vld [tilespmem:s9+$0x43A0]  }
0x268: {  	(v2sf) =	vpush v12, $0x4;
	_ =	sdelay $0x3  }
0x269: {  	v15 =	vmul.f32 s25, v6;
	v14 =	vadd.f32 v14, v10;
	_ =	sdelay $0x1  }
0x26a: {  	v14 =	vadd.f32 v14, v15;
	(v2sf) =	vpush v13, $0x4;
	_ =	sdelay $0x1  }
0x26b: {  	[tilespmem:s11+$0xFFFFFEE0] =	vst v14  }
0x26c: {  	v14 =	vld [tilespmem:s9+$0x43B0];
	_ =	sdelay $0x4  }
0x26d: {  	v15 =	vmul.f32 s25, v7;
	v14 =	vadd.f32 v14, v11  }
0x26e: {  	s9 =	spop (v2sf)  }
0x26f: {  	v14 =	vadd.f32 v14, v15;
	p1 =	sgt.s32 s9, $0x7CFFF;
	s9 =	simm.s32 $0x40  }
0x270: {  	s9 =	simm.s32 @!p1 $0x0  }
0x271: {  	[tilespmem:s11+$0xFFFFFEF0] =	vst v14;
	s9 =	sadd.s32 s7, s9  }
0x272: {  	v14 =	vld [tilespmem:s9+$0x4400];
	_ =	sdelay $0x1  }
0x273: {  	s25 =	spop (v2sf)  }
0x274: {  	s25 =	scvt.s32.f32 s25;
	_ =	sdelay $0x1  }
0x275: {  	v14 =	vadd.f32 v14, v8;
	v15 =	vmul.f32 s25, v4;
	_ =	sdelay $0x1  }
0x276: {  	v14 =	vadd.f32 v14, v15;
	_ =	sdelay $0x1  }
0x277: {  	[tilespmem:s11+$0xFFFFFF00] =	vst v14  }
0x278: {  	v14 =	vld [tilespmem:s9+$0x4410];
	_ =	sdelay $0x4  }
0x279: {  	v15 =	vmul.f32 s25, v5;
	v14 =	vadd.f32 v14, v9;
	_ =	sdelay $0x1  }
0x27a: {  	v14 =	vadd.f32 v14, v15;
	_ =	sdelay $0x1  }
0x27b: {  	[tilespmem:s11+$0xFFFFFF10] =	vst v14  }
0x27c: {  	v14 =	vld [tilespmem:s9+$0x4420]  }
0x27d: {  	(v2sf) =	vpush v12, $0x5;
	_ =	sdelay $0x3  }
0x27e: {  	v15 =	vmul.f32 s25, v6;
	v14 =	vadd.f32 v14, v10;
	_ =	sdelay $0x1  }
0x27f: {  	v14 =	vadd.f32 v14, v15;
	(v2sf) =	vpush v13, $0x5;
	_ =	sdelay $0x1  }
0x280: {  	[tilespmem:s11+$0xFFFFFF20] =	vst v14  }
0x281: {  	v14 =	vld [tilespmem:s9+$0x4430];
	_ =	sdelay $0x4  }
0x282: {  	v15 =	vmul.f32 s25, v7;
	v14 =	vadd.f32 v14, v11  }
0x283: {  	s9 =	spop (v2sf)  }
0x284: {  	v14 =	vadd.f32 v14, v15;
	p1 =	sgt.s32 s9, $0x7CFFF;
	s9 =	simm.s32 $0x40  }
0x285: {  	s9 =	simm.s32 @!p1 $0x0  }
0x286: {  	[tilespmem:s11+$0xFFFFFF30] =	vst v14;
	s9 =	sadd.s32 s7, s9  }
0x287: {  	v14 =	vld [tilespmem:s9+$0x4480];
	_ =	sdelay $0x1  }
0x288: {  	s25 =	spop (v2sf)  }
0x289: {  	s25 =	scvt.s32.f32 s25;
	_ =	sdelay $0x1  }
0x28a: {  	v14 =	vadd.f32 v14, v8;
	v15 =	vmul.f32 s25, v4;
	_ =	sdelay $0x1  }
0x28b: {  	v14 =	vadd.f32 v14, v15;
	_ =	sdelay $0x1  }
0x28c: {  	[tilespmem:s11+$0xFFFFFF40] =	vst v14  }
0x28d: {  	v14 =	vld [tilespmem:s9+$0x4490];
	_ =	sdelay $0x4  }
0x28e: {  	v15 =	vmul.f32 s25, v5;
	v14 =	vadd.f32 v14, v9;
	_ =	sdelay $0x1  }
0x28f: {  	v14 =	vadd.f32 v14, v15;
	_ =	sdelay $0x1  }
0x290: {  	[tilespmem:s11+$0xFFFFFF50] =	vst v14  }
0x291: {  	v14 =	vld [tilespmem:s9+$0x44A0]  }
0x292: {  	(v2sf) =	vpush v12, $0x6;
	_ =	sdelay $0x3  }
0x293: {  	v15 =	vmul.f32 s25, v6;
	v14 =	vadd.f32 v14, v10;
	_ =	sdelay $0x1  }
0x294: {  	v14 =	vadd.f32 v14, v15;
	(v2sf) =	vpush v13, $0x6;
	_ =	sdelay $0x1  }
0x295: {  	[tilespmem:s11+$0xFFFFFF60] =	vst v14  }
0x296: {  	v14 =	vld [tilespmem:s9+$0x44B0];
	_ =	sdelay $0x4  }
0x297: {  	v15 =	vmul.f32 s25, v7;
	v14 =	vadd.f32 v14, v11  }
0x298: {  	s9 =	spop (v2sf)  }
0x299: {  	v14 =	vadd.f32 v14, v15;
	p1 =	sgt.s32 s9, $0x7CFFF;
	s9 =	simm.s32 $0x40  }
0x29a: {  	s9 =	simm.s32 @!p1 $0x0  }
0x29b: {  	[tilespmem:s11+$0xFFFFFF70] =	vst v14;
	s9 =	sadd.s32 s7, s9  }
0x29c: {  	v14 =	vld [tilespmem:s9+$0x4500];
	_ =	sdelay $0x1  }
0x29d: {  	s25 =	spop (v2sf)  }
0x29e: {  	s25 =	scvt.s32.f32 s25;
	_ =	sdelay $0x1  }
0x29f: {  	v14 =	vadd.f32 v14, v8;
	v15 =	vmul.f32 s25, v4;
	_ =	sdelay $0x1  }
0x2a0: {  	v14 =	vadd.f32 v14, v15;
	_ =	sdelay $0x1  }
0x2a1: {  	[tilespmem:s11+$0xFFFFFF80] =	vst v14  }
0x2a2: {  	v14 =	vld [tilespmem:s9+$0x4510];
	_ =	sdelay $0x4  }
0x2a3: {  	v15 =	vmul.f32 s25, v5;
	v14 =	vadd.f32 v14, v9;
	_ =	sdelay $0x1  }
0x2a4: {  	v14 =	vadd.f32 v14, v15;
	_ =	sdelay $0x1  }
0x2a5: {  	[tilespmem:s11+$0xFFFFFF90] =	vst v14  }
0x2a6: {  	v14 =	vld [tilespmem:s9+$0x4520]  }
0x2a7: {  	(v2sf) =	vpush v12, $0x7;
	_ =	sdelay $0x3  }
0x2a8: {  	v15 =	vmul.f32 s25, v6;
	v14 =	vadd.f32 v14, v10;
	_ =	sdelay $0x1  }
0x2a9: {  	v14 =	vadd.f32 v14, v15;
	(v2sf) =	vpush v13, $0x7;
	_ =	sdelay $0x1  }
0x2aa: {  	[tilespmem:s11+$0xFFFFFFA0] =	vst v14  }
0x2ab: {  	v14 =	vld [tilespmem:s9+$0x4530];
	_ =	sdelay $0x4  }
0x2ac: {  	v15 =	vmul.f32 s25, v7;
	v14 =	vadd.f32 v14, v11  }
0x2ad: {  	s9 =	spop (v2sf)  }
0x2ae: {  	v14 =	vadd.f32 v14, v15;
	p1 =	sgt.s32 s9, $0x7CFFF;
	s9 =	simm.s32 $0x40  }
0x2af: {  	s9 =	simm.s32 @!p1 $0x0  }
0x2b0: {  	[tilespmem:s11+$0xFFFFFFB0] =	vst v14;
	s9 =	sadd.s32 s7, s9  }
0x2b1: {  	v14 =	vld [tilespmem:s9+$0x4580];
	_ =	sdelay $0x1  }
0x2b2: {  	s25 =	spop (v2sf)  }
0x2b3: {  	s25 =	scvt.s32.f32 s25;
	_ =	sdelay $0x1  }
0x2b4: {  	v14 =	vadd.f32 v14, v8;
	v15 =	vmul.f32 s25, v4;
	_ =	sdelay $0x1  }
0x2b5: {  	v14 =	vadd.f32 v14, v15;
	_ =	sdelay $0x1  }
0x2b6: {  	[tilespmem:s11+$0xFFFFFFC0] =	vst v14  }
0x2b7: {  	v14 =	vld [tilespmem:s9+$0x4590];
	_ =	sdelay $0x4  }
0x2b8: {  	v15 =	vmul.f32 s25, v5;
	v14 =	vadd.f32 v14, v9;
	_ =	sdelay $0x1  }
0x2b9: {  	v14 =	vadd.f32 v14, v15;
	_ =	sdelay $0x1  }
0x2ba: {  	[tilespmem:s11+$0xFFFFFFD0] =	vst v14  }
0x2bb: {  	v14 =	vld [tilespmem:s9+$0x45A0]  }
0x2bc: {  	(v2sf) =	vpush v12, $0x8;
	_ =	sdelay $0x3  }
0x2bd: {  	v15 =	vmul.f32 s25, v6;
	v14 =	vadd.f32 v14, v10;
	_ =	sdelay $0x1  }
0x2be: {  	v14 =	vadd.f32 v14, v15;
	(v2sf) =	vpush v13, $0x8;
	_ =	sdelay $0x1  }
0x2bf: {  	[tilespmem:s11+$0xFFFFFFE0] =	vst v14  }
0x2c0: {  	v14 =	vld [tilespmem:s9+$0x45B0];
	_ =	sdelay $0x4  }
0x2c1: {  	v15 =	vmul.f32 s25, v7;
	v14 =	vadd.f32 v14, v11  }
0x2c2: {  	s9 =	spop (v2sf)  }
0x2c3: {  	v14 =	vadd.f32 v14, v15;
	p1 =	sgt.s32 s9, $0x7CFFF;
	s9 =	simm.s32 $0x40  }
0x2c4: {  	s9 =	simm.s32 @!p1 $0x0  }
0x2c5: {  	[tilespmem:s11+$0xFFFFFFF0] =	vst v14;
	s9 =	sadd.s32 s7, s9  }
0x2c6: {  	v14 =	vld [tilespmem:s9+$0x4600];
	_ =	sdelay $0x1  }
0x2c7: {  	s25 =	spop (v2sf)  }
0x2c8: {  	s25 =	scvt.s32.f32 s25;
	_ =	sdelay $0x1  }
0x2c9: {  	v14 =	vadd.f32 v14, v8;
	v15 =	vmul.f32 s25, v4;
	_ =	sdelay $0x1  }
0x2ca: {  	v14 =	vadd.f32 v14, v15;
	_ =	sdelay $0x1  }
0x2cb: {  	[tilespmem:s11+$0x0] =	vst v14  }
0x2cc: {  	v14 =	vld [tilespmem:s9+$0x4610];
	_ =	sdelay $0x4  }
0x2cd: {  	v15 =	vmul.f32 s25, v5;
	v14 =	vadd.f32 v14, v9;
	_ =	sdelay $0x1  }
0x2ce: {  	v14 =	vadd.f32 v14, v15;
	_ =	sdelay $0x1  }
0x2cf: {  	[tilespmem:s11+$0x10] =	vst v14  }
0x2d0: {  	v14 =	vld [tilespmem:s9+$0x4620]  }
0x2d1: {  	(v2sf) =	vpush v12, $0x9;
	_ =	sdelay $0x3  }
0x2d2: {  	v15 =	vmul.f32 s25, v6;
	v14 =	vadd.f32 v14, v10;
	_ =	sdelay $0x1  }
0x2d3: {  	v14 =	vadd.f32 v14, v15;
	(v2sf) =	vpush v13, $0x9;
	_ =	sdelay $0x1  }
0x2d4: {  	[tilespmem:s11+$0x20] =	vst v14  }
0x2d5: {  	v14 =	vld [tilespmem:s9+$0x4630];
	_ =	sdelay $0x4  }
0x2d6: {  	v15 =	vmul.f32 s25, v7;
	v14 =	vadd.f32 v14, v11  }
0x2d7: {  	s9 =	spop (v2sf)  }
0x2d8: {  	v14 =	vadd.f32 v14, v15;
	p1 =	sgt.s32 s9, $0x7CFFF;
	s9 =	simm.s32 $0x40  }
0x2d9: {  	s9 =	simm.s32 @!p1 $0x0  }
0x2da: {  	[tilespmem:s11+$0x30] =	vst v14;
	s9 =	sadd.s32 s7, s9  }
0x2db: {  	v14 =	vld [tilespmem:s9+$0x4680];
	_ =	sdelay $0x1  }
0x2dc: {  	s25 =	spop (v2sf)  }
0x2dd: {  	s25 =	scvt.s32.f32 s25;
	_ =	sdelay $0x1  }
0x2de: {  	v14 =	vadd.f32 v14, v8;
	v15 =	vmul.f32 s25, v4;
	_ =	sdelay $0x1  }
0x2df: {  	v14 =	vadd.f32 v14, v15;
	_ =	sdelay $0x1  }
0x2e0: {  	[tilespmem:s11+$0x40] =	vst v14  }
0x2e1: {  	v14 =	vld [tilespmem:s9+$0x4690];
	_ =	sdelay $0x4  }
0x2e2: {  	v15 =	vmul.f32 s25, v5;
	v14 =	vadd.f32 v14, v9;
	_ =	sdelay $0x1  }
0x2e3: {  	v14 =	vadd.f32 v14, v15;
	_ =	sdelay $0x1  }
0x2e4: {  	[tilespmem:s11+$0x50] =	vst v14  }
0x2e5: {  	v14 =	vld [tilespmem:s9+$0x46A0]  }
0x2e6: {  	(v2sf) =	vpush v12, $0xA;
	_ =	sdelay $0x3  }
0x2e7: {  	v15 =	vmul.f32 s25, v6;
	v14 =	vadd.f32 v14, v10;
	_ =	sdelay $0x1  }
0x2e8: {  	v14 =	vadd.f32 v14, v15;
	(v2sf) =	vpush v13, $0xA;
	_ =	sdelay $0x1  }
0x2e9: {  	[tilespmem:s11+$0x60] =	vst v14  }
0x2ea: {  	v14 =	vld [tilespmem:s9+$0x46B0];
	_ =	sdelay $0x4  }
0x2eb: {  	v15 =	vmul.f32 s25, v7;
	v14 =	vadd.f32 v14, v11  }
0x2ec: {  	s9 =	spop (v2sf)  }
0x2ed: {  	v14 =	vadd.f32 v14, v15;
	p1 =	sgt.s32 s9, $0x7CFFF;
	s9 =	simm.s32 $0x40  }
0x2ee: {  	s9 =	simm.s32 @!p1 $0x0  }
0x2ef: {  	[tilespmem:s11+$0x70] =	vst v14;
	s9 =	sadd.s32 s7, s9  }
0x2f0: {  	v14 =	vld [tilespmem:s9+$0x4700];
	_ =	sdelay $0x1  }
0x2f1: {  	s25 =	spop (v2sf)  }
0x2f2: {  	s25 =	scvt.s32.f32 s25;
	_ =	sdelay $0x1  }
0x2f3: {  	v14 =	vadd.f32 v14, v8;
	v15 =	vmul.f32 s25, v4;
	_ =	sdelay $0x1  }
0x2f4: {  	v14 =	vadd.f32 v14, v15;
	_ =	sdelay $0x1  }
0x2f5: {  	[tilespmem:s11+$0x80] =	vst v14  }
0x2f6: {  	v14 =	vld [tilespmem:s9+$0x4710];
	_ =	sdelay $0x4  }
0x2f7: {  	v15 =	vmul.f32 s25, v5;
	v14 =	vadd.f32 v14, v9;
	_ =	sdelay $0x1  }
0x2f8: {  	v14 =	vadd.f32 v14, v15;
	_ =	sdelay $0x1  }
0x2f9: {  	[tilespmem:s11+$0x90] =	vst v14  }
0x2fa: {  	v14 =	vld [tilespmem:s9+$0x4720]  }
0x2fb: {  	(v2sf) =	vpush v12, $0xB;
	_ =	sdelay $0x3  }
0x2fc: {  	v15 =	vmul.f32 s25, v6;
	v14 =	vadd.f32 v14, v10;
	_ =	sdelay $0x1  }
0x2fd: {  	v14 =	vadd.f32 v14, v15;
	(v2sf) =	vpush v13, $0xB;
	_ =	sdelay $0x1  }
0x2fe: {  	[tilespmem:s11+$0xA0] =	vst v14  }
0x2ff: {  	v14 =	vld [tilespmem:s9+$0x4730];
	_ =	sdelay $0x4  }
0x300: {  	v15 =	vmul.f32 s25, v7;
	v14 =	vadd.f32 v14, v11  }
0x301: {  	s9 =	spop (v2sf)  }
0x302: {  	v14 =	vadd.f32 v14, v15;
	p1 =	sgt.s32 s9, $0x7CFFF;
	s9 =	simm.s32 $0x40  }
0x303: {  	s9 =	simm.s32 @!p1 $0x0  }
0x304: {  	[tilespmem:s11+$0xB0] =	vst v14;
	s9 =	sadd.s32 s7, s9  }
0x305: {  	v14 =	vld [tilespmem:s9+$0x4780];
	_ =	sdelay $0x1  }
0x306: {  	s25 =	spop (v2sf)  }
0x307: {  	s25 =	scvt.s32.f32 s25;
	_ =	sdelay $0x1  }
0x308: {  	v14 =	vadd.f32 v14, v8;
	v15 =	vmul.f32 s25, v4;
	_ =	sdelay $0x1  }
0x309: {  	v14 =	vadd.f32 v14, v15;
	_ =	sdelay $0x1  }
0x30a: {  	[tilespmem:s11+$0xC0] =	vst v14  }
0x30b: {  	v14 =	vld [tilespmem:s9+$0x4790];
	_ =	sdelay $0x4  }
0x30c: {  	v15 =	vmul.f32 s25, v5;
	v14 =	vadd.f32 v14, v9;
	_ =	sdelay $0x1  }
0x30d: {  	v14 =	vadd.f32 v14, v15;
	_ =	sdelay $0x1  }
0x30e: {  	[tilespmem:s11+$0xD0] =	vst v14  }
0x30f: {  	v14 =	vld [tilespmem:s9+$0x47A0]  }
0x310: {  	(v2sf) =	vpush v12, $0xC;
	_ =	sdelay $0x3  }
0x311: {  	v15 =	vmul.f32 s25, v6;
	v14 =	vadd.f32 v14, v10;
	_ =	sdelay $0x1  }
0x312: {  	v14 =	vadd.f32 v14, v15;
	(v2sf) =	vpush v13, $0xC;
	_ =	sdelay $0x1  }
0x313: {  	[tilespmem:s11+$0xE0] =	vst v14  }
0x314: {  	v14 =	vld [tilespmem:s9+$0x47B0];
	_ =	sdelay $0x4  }
0x315: {  	v15 =	vmul.f32 s25, v7;
	v14 =	vadd.f32 v14, v11  }
0x316: {  	s9 =	spop (v2sf)  }
0x317: {  	v14 =	vadd.f32 v14, v15;
	p1 =	sgt.s32 s9, $0x7CFFF;
	s9 =	simm.s32 $0x40  }
0x318: {  	s9 =	simm.s32 @!p1 $0x0  }
0x319: {  	[tilespmem:s11+$0xF0] =	vst v14;
	s9 =	sadd.s32 s7, s9  }
0x31a: {  	v14 =	vld [tilespmem:s9+$0x4800];
	_ =	sdelay $0x1  }
0x31b: {  	s25 =	spop (v2sf)  }
0x31c: {  	s25 =	scvt.s32.f32 s25;
	_ =	sdelay $0x1  }
0x31d: {  	v14 =	vadd.f32 v14, v8;
	v15 =	vmul.f32 s25, v4;
	_ =	sdelay $0x1  }
0x31e: {  	v14 =	vadd.f32 v14, v15;
	_ =	sdelay $0x1  }
0x31f: {  	[tilespmem:s11+$0x100] =	vst v14  }
0x320: {  	v14 =	vld [tilespmem:s9+$0x4810];
	_ =	sdelay $0x4  }
0x321: {  	v15 =	vmul.f32 s25, v5;
	v14 =	vadd.f32 v14, v9;
	_ =	sdelay $0x1  }
0x322: {  	v14 =	vadd.f32 v14, v15;
	_ =	sdelay $0x1  }
0x323: {  	[tilespmem:s11+$0x110] =	vst v14  }
0x324: {  	v14 =	vld [tilespmem:s9+$0x4820]  }
0x325: {  	(v2sf) =	vpush v12, $0xD;
	_ =	sdelay $0x3  }
0x326: {  	v15 =	vmul.f32 s25, v6;
	v14 =	vadd.f32 v14, v10;
	_ =	sdelay $0x1  }
0x327: {  	v14 =	vadd.f32 v14, v15;
	(v2sf) =	vpush v13, $0xD;
	_ =	sdelay $0x1  }
0x328: {  	[tilespmem:s11+$0x120] =	vst v14  }
0x329: {  	v14 =	vld [tilespmem:s9+$0x4830];
	_ =	sdelay $0x4  }
0x32a: {  	v15 =	vmul.f32 s25, v7;
	v14 =	vadd.f32 v14, v11  }
0x32b: {  	s9 =	spop (v2sf)  }
0x32c: {  	v14 =	vadd.f32 v14, v15;
	p1 =	sgt.s32 s9, $0x7CFFF;
	s9 =	simm.s32 $0x40  }
0x32d: {  	s9 =	simm.s32 @!p1 $0x0  }
0x32e: {  	[tilespmem:s11+$0x130] =	vst v14;
	s9 =	sadd.s32 s7, s9  }
0x32f: {  	v14 =	vld [tilespmem:s9+$0x4880];
	_ =	sdelay $0x1  }
0x330: {  	s25 =	spop (v2sf)  }
0x331: {  	s25 =	scvt.s32.f32 s25;
	_ =	sdelay $0x1  }
0x332: {  	v14 =	vadd.f32 v14, v8;
	v15 =	vmul.f32 s25, v4;
	_ =	sdelay $0x1  }
0x333: {  	v14 =	vadd.f32 v14, v15;
	_ =	sdelay $0x1  }
0x334: {  	[tilespmem:s11+$0x140] =	vst v14  }
0x335: {  	v14 =	vld [tilespmem:s9+$0x4890];
	_ =	sdelay $0x4  }
0x336: {  	v15 =	vmul.f32 s25, v5;
	v14 =	vadd.f32 v14, v9;
	_ =	sdelay $0x1  }
0x337: {  	v14 =	vadd.f32 v14, v15;
	_ =	sdelay $0x1  }
0x338: {  	[tilespmem:s11+$0x150] =	vst v14  }
0x339: {  	v14 =	vld [tilespmem:s9+$0x48A0]  }
0x33a: {  	(v2sf) =	vpush v12, $0xE;
	_ =	sdelay $0x3  }
0x33b: {  	v15 =	vmul.f32 s25, v6;
	v14 =	vadd.f32 v14, v10;
	_ =	sdelay $0x1  }
0x33c: {  	v14 =	vadd.f32 v14, v15;
	(v2sf) =	vpush v13, $0xE;
	_ =	sdelay $0x1  }
0x33d: {  	[tilespmem:s11+$0x160] =	vst v14  }
0x33e: {  	v14 =	vld [tilespmem:s9+$0x48B0];
	_ =	sdelay $0x4  }
0x33f: {  	v15 =	vmul.f32 s25, v7;
	v14 =	vadd.f32 v14, v11  }
0x340: {  	s9 =	spop (v2sf)  }
0x341: {  	v14 =	vadd.f32 v14, v15;
	p1 =	sgt.s32 s9, $0x7CFFF;
	s9 =	simm.s32 $0x40  }
0x342: {  	s9 =	simm.s32 @!p1 $0x0  }
0x343: {  	[tilespmem:s11+$0x170] =	vst v14;
	s9 =	sadd.s32 s7, s9  }
0x344: {  	v14 =	vld [tilespmem:s9+$0x4900];
	_ =	sdelay $0x1  }
0x345: {  	s25 =	spop (v2sf)  }
0x346: {  	s25 =	scvt.s32.f32 s25;
	_ =	sdelay $0x1  }
0x347: {  	v14 =	vadd.f32 v14, v8;
	v15 =	vmul.f32 s25, v4;
	_ =	sdelay $0x1  }
0x348: {  	v14 =	vadd.f32 v14, v15;
	_ =	sdelay $0x1  }
0x349: {  	[tilespmem:s11+$0x180] =	vst v14  }
0x34a: {  	v14 =	vld [tilespmem:s9+$0x4910];
	_ =	sdelay $0x4  }
0x34b: {  	v15 =	vmul.f32 s25, v5;
	v14 =	vadd.f32 v14, v9;
	_ =	sdelay $0x1  }
0x34c: {  	v14 =	vadd.f32 v14, v15;
	_ =	sdelay $0x1  }
0x34d: {  	[tilespmem:s11+$0x190] =	vst v14  }
0x34e: {  	v14 =	vld [tilespmem:s9+$0x4920]  }
0x34f: {  	(v2sf) =	vpush v12, $0xF;
	_ =	sdelay $0x3  }
0x350: {  	v12 =	vadd.f32 v14, v10;
	v14 =	vmul.f32 s25, v6;
	_ =	sdelay $0x1  }
0x351: {  	v12 =	vadd.f32 v12, v14;
	(v2sf) =	vpush v13, $0xF;
	_ =	sdelay $0x1  }
0x352: {  	[tilespmem:s11+$0x1A0] =	vst v12  }
0x353: {  	v12 =	vld [tilespmem:s9+$0x4930];
	_ =	sdelay $0x4  }
0x354: {  	v13 =	vmul.f32 s25, v7;
	v12 =	vadd.f32 v12, v11  }
0x355: {  	s9 =	spop (v2sf)  }
0x356: {  	v12 =	vadd.f32 v12, v13;
	p1 =	sgt.s32 s9, $0x7CFFF;
	s9 =	simm.s32 $0x40  }
0x357: {  	s9 =	simm.s32 @!p1 $0x0  }
0x358: {  	[tilespmem:s11+$0x1B0] =	vst v12;
	s7 =	sadd.s32 s7, s9  }
0x359: {  	v12 =	vld [tilespmem:s7+$0x4980];
	_ =	sdelay $0x1  }
0x35a: {  	s9 =	spop (v2sf)  }
0x35b: {  	s9 =	scvt.s32.f32 s9;
	_ =	sdelay $0x1  }
0x35c: {  	v12 =	vadd.f32 v12, v8;
	v13 =	vmul.f32 s9, v4;
	v14 =	vmul.f32 s9, v6  }
0x35d: {  	v15 =	vmul.f32 s9, v7  }
0x35e: {  	v12 =	vadd.f32 v12, v13;
	_ =	sdelay $0x1  }
0x35f: {  	[tilespmem:s11+$0x1C0] =	vst v12  }
0x360: {  	v12 =	vld [tilespmem:s7+$0x4990];
	_ =	sdelay $0x4  }
0x361: {  	v13 =	vmul.f32 s9, v5;
	v12 =	vadd.f32 v12, v9;
	_ =	sdelay $0x1  }
0x362: {  	v12 =	vadd.f32 v12, v13;
	_ =	sdelay $0x1  }
0x363: {  	[tilespmem:s11+$0x1D0] =	vst v12  }
0x364: {  	v12 =	vld [tilespmem:s7+$0x49A0];
	_ =	sdelay $0x4  }
0x365: {  	v12 =	vadd.f32 v12, v10;
	_ =	sdelay $0x1  }
0x366: {  	v12 =	vadd.f32 v12, v14;
	_ =	sdelay $0x1  }
0x367: {  	[tilespmem:s11+$0x1E0] =	vst v12  }
0x368: {  	v12 =	vld [tilespmem:s7+$0x49B0];
	_ =	sdelay $0x4  }
0x369: {  	v12 =	vadd.f32 v12, v11  }
.Ltmp0:
0x36a: {  	(pc) =	sbr.rel @p0 .LBB2_3-.Ltmp0, $3  }
0x36b: {  	v12 =	vadd.f32 v12, v15;
	_ =	sdelay $0x1  }
0x36c: {  	s4 =	sadd.s32 $0x10, s4;
	[tilespmem:s11+$0x1F0] =	vst v12  }
0x36d: {  	s6 =	sadd.s32 $0x2000, s6;
	v12 =	vld [tilespmem:s4+$0x0]  }
0x36e: {  	_ =	sdelay $0x3  }
0x36f: {  	s4 =	sadd.s32 $0x10, s26;
	(v2sf) =	vpush v12, $0x0  }
0x370: {  	v13 =	vld [tilespmem:s4+$0x0];
	_ =	sdelay $0x4  }
0x371: {  	(v2sf) =	vpush v13, $0x0;
	_ =	sdelay $0x8  }
0x372: {  	s9 =	spop (v2sf)  }
0x373: {  	s4 =	simm.s32 $0x40;
	p0 =	sgt.s32 s9, $0x7CFFF  }
0x374: {  	s6 =	sshra.s32 s12, $0x2;
	s4 =	simm.s32 @!p0 $0x0  }
0x375: {  	s7 =	sadd.s32 s6, s4  }
0x376: {  	v14 =	vld [tilespmem:s7+$0x4200];
	_ =	sdelay $0x1  }
0x377: {  	s12 =	spop (v2sf)  }
0x378: {  	s9 =	scvt.s32.f32 s12;
	_ =	sdelay $0x1  }
0x379: {  	v15 =	vmul.f32 s9, v4;
	v14 =	vadd.f32 v14, v8;
	_ =	sdelay $0x1  }
0x37a: {  	v14 =	vadd.f32 v15, v14  }
0x37b: {  	s4 =	sadd.s32 $0x400, s11  }
0x37c: {  	[tilespmem:s4+$0xFFFFFE00] =	vst v14  }
0x37d: {  	v14 =	vld [tilespmem:s7+$0x4210];
	_ =	sdelay $0x4  }
0x37e: {  	v15 =	vmul.f32 s9, v5;
	v14 =	vadd.f32 v14, v9;
	_ =	sdelay $0x1  }
0x37f: {  	v14 =	vadd.f32 v15, v14;
	_ =	sdelay $0x1  }
0x380: {  	[tilespmem:s4+$0xFFFFFE10] =	vst v14  }
0x381: {  	v14 =	vld [tilespmem:s7+$0x4220]  }
0x382: {  	(v2sf) =	vpush v12, $0x1;
	_ =	sdelay $0x3  }
0x383: {  	v15 =	vmul.f32 s9, v6;
	v14 =	vadd.f32 v14, v10;
	_ =	sdelay $0x1  }
0x384: {  	(v2sf) =	vpush v13, $0x1;
	v14 =	vadd.f32 v14, v15;
	_ =	sdelay $0x1  }
0x385: {  	[tilespmem:s4+$0xFFFFFE20] =	vst v14  }
0x386: {  	v14 =	vld [tilespmem:s7+$0x4230];
	_ =	sdelay $0x4  }
0x387: {  	v15 =	vmul.f32 s9, v7;
	v14 =	vadd.f32 v14, v11  }
0x388: {  	s25 =	spop (v2sf)  }
0x389: {  	p0 =	sgt.s32 s25, $0x7CFFF;
	s7 =	simm.s32 $0x40;
	v14 =	vadd.f32 v14, v15  }
0x38a: {  	s7 =	simm.s32 @!p0 $0x0  }
0x38b: {  	s7 =	sadd.s32 s6, s7;
	[tilespmem:s4+$0xFFFFFE30] =	vst v14  }
0x38c: {  	v14 =	vld [tilespmem:s7+$0x4280];
	_ =	sdelay $0x1  }
0x38d: {  	s26 =	spop (v2sf)  }
0x38e: {  	s9 =	scvt.s32.f32 s26;
	_ =	sdelay $0x1  }
0x38f: {  	v15 =	vmul.f32 s9, v4;
	v14 =	vadd.f32 v14, v8;
	_ =	sdelay $0x1  }
0x390: {  	v14 =	vadd.f32 v14, v15;
	_ =	sdelay $0x1  }
0x391: {  	[tilespmem:s4+$0xFFFFFE40] =	vst v14  }
0x392: {  	v14 =	vld [tilespmem:s7+$0x4290];
	_ =	sdelay $0x4  }
0x393: {  	v15 =	vmul.f32 s9, v5;
	v14 =	vadd.f32 v14, v9;
	_ =	sdelay $0x1  }
0x394: {  	v14 =	vadd.f32 v14, v15;
	_ =	sdelay $0x1  }
0x395: {  	[tilespmem:s4+$0xFFFFFE50] =	vst v14  }
0x396: {  	v14 =	vld [tilespmem:s7+$0x42A0]  }
0x397: {  	(v2sf) =	vpush v12, $0x2;
	_ =	sdelay $0x3  }
0x398: {  	v15 =	vmul.f32 s9, v6;
	v14 =	vadd.f32 v14, v10;
	_ =	sdelay $0x1  }
0x399: {  	(v2sf) =	vpush v13, $0x2;
	v14 =	vadd.f32 v14, v15;
	_ =	sdelay $0x1  }
0x39a: {  	[tilespmem:s4+$0xFFFFFE60] =	vst v14  }
0x39b: {  	v14 =	vld [tilespmem:s7+$0x42B0];
	_ =	sdelay $0x4  }
0x39c: {  	v15 =	vmul.f32 s9, v7;
	v14 =	vadd.f32 v14, v11  }
0x39d: {  	s11 =	spop (v2sf)  }
0x39e: {  	p0 =	sgt.s32 s11, $0x7CFFF;
	s7 =	simm.s32 $0x40;
	v14 =	vadd.f32 v14, v15  }
0x39f: {  	s7 =	simm.s32 @!p0 $0x0  }
0x3a0: {  	s7 =	sadd.s32 s6, s7;
	[tilespmem:s4+$0xFFFFFE70] =	vst v14  }
0x3a1: {  	v14 =	vld [tilespmem:s7+$0x4300];
	_ =	sdelay $0x1  }
0x3a2: {  	s12 =	spop (v2sf)  }
0x3a3: {  	s9 =	scvt.s32.f32 s12;
	_ =	sdelay $0x1  }
0x3a4: {  	v15 =	vmul.f32 s9, v4;
	v14 =	vadd.f32 v14, v8;
	_ =	sdelay $0x1  }
0x3a5: {  	v14 =	vadd.f32 v14, v15;
	_ =	sdelay $0x1  }
0x3a6: {  	[tilespmem:s4+$0xFFFFFE80] =	vst v14  }
0x3a7: {  	v14 =	vld [tilespmem:s7+$0x4310];
	_ =	sdelay $0x4  }
0x3a8: {  	v15 =	vmul.f32 s9, v5;
	v14 =	vadd.f32 v14, v9;
	_ =	sdelay $0x1  }
0x3a9: {  	v14 =	vadd.f32 v14, v15;
	_ =	sdelay $0x1  }
0x3aa: {  	[tilespmem:s4+$0xFFFFFE90] =	vst v14  }
0x3ab: {  	v14 =	vld [tilespmem:s7+$0x4320]  }
0x3ac: {  	(v2sf) =	vpush v12, $0x3;
	_ =	sdelay $0x3  }
0x3ad: {  	v15 =	vmul.f32 s9, v6;
	v14 =	vadd.f32 v14, v10;
	_ =	sdelay $0x1  }
0x3ae: {  	(v2sf) =	vpush v13, $0x3;
	v14 =	vadd.f32 v14, v15;
	_ =	sdelay $0x1  }
0x3af: {  	[tilespmem:s4+$0xFFFFFEA0] =	vst v14  }
0x3b0: {  	v14 =	vld [tilespmem:s7+$0x4330];
	_ =	sdelay $0x4  }
0x3b1: {  	v15 =	vmul.f32 s9, v7;
	v14 =	vadd.f32 v14, v11  }
0x3b2: {  	s25 =	spop (v2sf)  }
0x3b3: {  	p0 =	sgt.s32 s25, $0x7CFFF;
	s7 =	simm.s32 $0x40;
	v14 =	vadd.f32 v14, v15  }
0x3b4: {  	s7 =	simm.s32 @!p0 $0x0  }
0x3b5: {  	s7 =	sadd.s32 s6, s7;
	[tilespmem:s4+$0xFFFFFEB0] =	vst v14  }
0x3b6: {  	v14 =	vld [tilespmem:s7+$0x4380];
	_ =	sdelay $0x1  }
0x3b7: {  	s26 =	spop (v2sf)  }
0x3b8: {  	s9 =	scvt.s32.f32 s26;
	_ =	sdelay $0x1  }
0x3b9: {  	v15 =	vmul.f32 s9, v4;
	v14 =	vadd.f32 v14, v8;
	_ =	sdelay $0x1  }
0x3ba: {  	v14 =	vadd.f32 v14, v15;
	_ =	sdelay $0x1  }
0x3bb: {  	[tilespmem:s4+$0xFFFFFEC0] =	vst v14  }
0x3bc: {  	v14 =	vld [tilespmem:s7+$0x4390];
	_ =	sdelay $0x4  }
0x3bd: {  	v15 =	vmul.f32 s9, v5;
	v14 =	vadd.f32 v14, v9;
	_ =	sdelay $0x1  }
0x3be: {  	v14 =	vadd.f32 v14, v15;
	_ =	sdelay $0x1  }
0x3bf: {  	[tilespmem:s4+$0xFFFFFED0] =	vst v14  }
0x3c0: {  	v14 =	vld [tilespmem:s7+$0x43A0]  }
0x3c1: {  	(v2sf) =	vpush v12, $0x4;
	_ =	sdelay $0x3  }
0x3c2: {  	v15 =	vmul.f32 s9, v6;
	v14 =	vadd.f32 v14, v10;
	_ =	sdelay $0x1  }
0x3c3: {  	(v2sf) =	vpush v13, $0x4;
	v14 =	vadd.f32 v14, v15;
	_ =	sdelay $0x1  }
0x3c4: {  	[tilespmem:s4+$0xFFFFFEE0] =	vst v14  }
0x3c5: {  	v14 =	vld [tilespmem:s7+$0x43B0];
	_ =	sdelay $0x4  }
0x3c6: {  	v15 =	vmul.f32 s9, v7;
	v14 =	vadd.f32 v14, v11  }
0x3c7: {  	s11 =	spop (v2sf)  }
0x3c8: {  	p0 =	sgt.s32 s11, $0x7CFFF;
	s7 =	simm.s32 $0x40;
	v14 =	vadd.f32 v14, v15  }
0x3c9: {  	s7 =	simm.s32 @!p0 $0x0  }
0x3ca: {  	s7 =	sadd.s32 s6, s7;
	[tilespmem:s4+$0xFFFFFEF0] =	vst v14  }
0x3cb: {  	v14 =	vld [tilespmem:s7+$0x4400];
	_ =	sdelay $0x1  }
0x3cc: {  	s12 =	spop (v2sf)  }
0x3cd: {  	s9 =	scvt.s32.f32 s12;
	_ =	sdelay $0x1  }
0x3ce: {  	v15 =	vmul.f32 s9, v4;
	v14 =	vadd.f32 v14, v8;
	_ =	sdelay $0x1  }
0x3cf: {  	v14 =	vadd.f32 v14, v15;
	_ =	sdelay $0x1  }
0x3d0: {  	[tilespmem:s4+$0xFFFFFF00] =	vst v14  }
0x3d1: {  	v14 =	vld [tilespmem:s7+$0x4410];
	_ =	sdelay $0x4  }
0x3d2: {  	v15 =	vmul.f32 s9, v5;
	v14 =	vadd.f32 v14, v9;
	_ =	sdelay $0x1  }
0x3d3: {  	v14 =	vadd.f32 v14, v15;
	_ =	sdelay $0x1  }
0x3d4: {  	[tilespmem:s4+$0xFFFFFF10] =	vst v14  }
0x3d5: {  	v14 =	vld [tilespmem:s7+$0x4420]  }
0x3d6: {  	(v2sf) =	vpush v12, $0x5;
	_ =	sdelay $0x3  }
0x3d7: {  	v15 =	vmul.f32 s9, v6;
	v14 =	vadd.f32 v14, v10;
	_ =	sdelay $0x1  }
0x3d8: {  	(v2sf) =	vpush v13, $0x5;
	v14 =	vadd.f32 v14, v15;
	_ =	sdelay $0x1  }
0x3d9: {  	[tilespmem:s4+$0xFFFFFF20] =	vst v14  }
0x3da: {  	v14 =	vld [tilespmem:s7+$0x4430];
	_ =	sdelay $0x4  }
0x3db: {  	v15 =	vmul.f32 s9, v7;
	v14 =	vadd.f32 v14, v11  }
0x3dc: {  	s25 =	spop (v2sf)  }
0x3dd: {  	p0 =	sgt.s32 s25, $0x7CFFF;
	s7 =	simm.s32 $0x40;
	v14 =	vadd.f32 v14, v15  }
0x3de: {  	s7 =	simm.s32 @!p0 $0x0  }
0x3df: {  	s7 =	sadd.s32 s6, s7;
	[tilespmem:s4+$0xFFFFFF30] =	vst v14  }
0x3e0: {  	v14 =	vld [tilespmem:s7+$0x4480];
	_ =	sdelay $0x1  }
0x3e1: {  	s26 =	spop (v2sf)  }
0x3e2: {  	s9 =	scvt.s32.f32 s26;
	_ =	sdelay $0x1  }
0x3e3: {  	v15 =	vmul.f32 s9, v4;
	v14 =	vadd.f32 v14, v8;
	_ =	sdelay $0x1  }
0x3e4: {  	v14 =	vadd.f32 v14, v15;
	_ =	sdelay $0x1  }
0x3e5: {  	[tilespmem:s4+$0xFFFFFF40] =	vst v14  }
0x3e6: {  	v14 =	vld [tilespmem:s7+$0x4490];
	_ =	sdelay $0x4  }
0x3e7: {  	v15 =	vmul.f32 s9, v5;
	v14 =	vadd.f32 v14, v9;
	_ =	sdelay $0x1  }
0x3e8: {  	v14 =	vadd.f32 v14, v15;
	_ =	sdelay $0x1  }
0x3e9: {  	[tilespmem:s4+$0xFFFFFF50] =	vst v14  }
0x3ea: {  	v14 =	vld [tilespmem:s7+$0x44A0]  }
0x3eb: {  	(v2sf) =	vpush v12, $0x6;
	_ =	sdelay $0x3  }
0x3ec: {  	v15 =	vmul.f32 s9, v6;
	v14 =	vadd.f32 v14, v10;
	_ =	sdelay $0x1  }
0x3ed: {  	(v2sf) =	vpush v13, $0x6;
	v14 =	vadd.f32 v14, v15;
	_ =	sdelay $0x1  }
0x3ee: {  	[tilespmem:s4+$0xFFFFFF60] =	vst v14  }
0x3ef: {  	v14 =	vld [tilespmem:s7+$0x44B0];
	_ =	sdelay $0x4  }
0x3f0: {  	v15 =	vmul.f32 s9, v7;
	v14 =	vadd.f32 v14, v11  }
0x3f1: {  	s11 =	spop (v2sf)  }
0x3f2: {  	p0 =	sgt.s32 s11, $0x7CFFF;
	s7 =	simm.s32 $0x40;
	v14 =	vadd.f32 v14, v15  }
0x3f3: {  	s7 =	simm.s32 @!p0 $0x0  }
0x3f4: {  	s7 =	sadd.s32 s6, s7;
	[tilespmem:s4+$0xFFFFFF70] =	vst v14  }
0x3f5: {  	v14 =	vld [tilespmem:s7+$0x4500];
	_ =	sdelay $0x1  }
0x3f6: {  	s12 =	spop (v2sf)  }
0x3f7: {  	s9 =	scvt.s32.f32 s12;
	_ =	sdelay $0x1  }
0x3f8: {  	v15 =	vmul.f32 s9, v4;
	v14 =	vadd.f32 v14, v8;
	_ =	sdelay $0x1  }
0x3f9: {  	v14 =	vadd.f32 v14, v15;
	_ =	sdelay $0x1  }
0x3fa: {  	[tilespmem:s4+$0xFFFFFF80] =	vst v14  }
0x3fb: {  	v14 =	vld [tilespmem:s7+$0x4510];
	_ =	sdelay $0x4  }
0x3fc: {  	v15 =	vmul.f32 s9, v5;
	v14 =	vadd.f32 v14, v9;
	_ =	sdelay $0x1  }
0x3fd: {  	v14 =	vadd.f32 v14, v15;
	_ =	sdelay $0x1  }
0x3fe: {  	[tilespmem:s4+$0xFFFFFF90] =	vst v14  }
0x3ff: {  	v14 =	vld [tilespmem:s7+$0x4520]  }
0x400: {  	(v2sf) =	vpush v12, $0x7;
	_ =	sdelay $0x3  }
0x401: {  	v15 =	vmul.f32 s9, v6;
	v14 =	vadd.f32 v14, v10;
	_ =	sdelay $0x1  }
0x402: {  	(v2sf) =	vpush v13, $0x7;
	v14 =	vadd.f32 v14, v15;
	_ =	sdelay $0x1  }
0x403: {  	[tilespmem:s4+$0xFFFFFFA0] =	vst v14  }
0x404: {  	v14 =	vld [tilespmem:s7+$0x4530];
	_ =	sdelay $0x4  }
0x405: {  	v15 =	vmul.f32 s9, v7;
	v14 =	vadd.f32 v14, v11  }
0x406: {  	s25 =	spop (v2sf)  }
0x407: {  	p0 =	sgt.s32 s25, $0x7CFFF;
	s7 =	simm.s32 $0x40;
	v14 =	vadd.f32 v14, v15  }
0x408: {  	s7 =	simm.s32 @!p0 $0x0  }
0x409: {  	s7 =	sadd.s32 s6, s7;
	[tilespmem:s4+$0xFFFFFFB0] =	vst v14  }
0x40a: {  	v14 =	vld [tilespmem:s7+$0x4580];
	_ =	sdelay $0x1  }
0x40b: {  	s26 =	spop (v2sf)  }
0x40c: {  	s9 =	scvt.s32.f32 s26;
	_ =	sdelay $0x1  }
0x40d: {  	v15 =	vmul.f32 s9, v4;
	v14 =	vadd.f32 v14, v8;
	_ =	sdelay $0x1  }
0x40e: {  	v14 =	vadd.f32 v14, v15;
	_ =	sdelay $0x1  }
0x40f: {  	[tilespmem:s4+$0xFFFFFFC0] =	vst v14  }
0x410: {  	v14 =	vld [tilespmem:s7+$0x4590];
	_ =	sdelay $0x4  }
0x411: {  	v15 =	vmul.f32 s9, v5;
	v14 =	vadd.f32 v14, v9;
	_ =	sdelay $0x1  }
0x412: {  	v14 =	vadd.f32 v14, v15;
	_ =	sdelay $0x1  }
0x413: {  	[tilespmem:s4+$0xFFFFFFD0] =	vst v14  }
0x414: {  	v14 =	vld [tilespmem:s7+$0x45A0]  }
0x415: {  	(v2sf) =	vpush v12, $0x8;
	_ =	sdelay $0x3  }
0x416: {  	v15 =	vmul.f32 s9, v6;
	v14 =	vadd.f32 v14, v10;
	_ =	sdelay $0x1  }
0x417: {  	(v2sf) =	vpush v13, $0x8;
	v14 =	vadd.f32 v14, v15;
	_ =	sdelay $0x1  }
0x418: {  	[tilespmem:s4+$0xFFFFFFE0] =	vst v14  }
0x419: {  	v14 =	vld [tilespmem:s7+$0x45B0];
	_ =	sdelay $0x4  }
0x41a: {  	v15 =	vmul.f32 s9, v7;
	v14 =	vadd.f32 v14, v11  }
0x41b: {  	s11 =	spop (v2sf)  }
0x41c: {  	p0 =	sgt.s32 s11, $0x7CFFF;
	s7 =	simm.s32 $0x40;
	v14 =	vadd.f32 v14, v15  }
0x41d: {  	s7 =	simm.s32 @!p0 $0x0  }
0x41e: {  	s7 =	sadd.s32 s6, s7;
	[tilespmem:s4+$0xFFFFFFF0] =	vst v14  }
0x41f: {  	v14 =	vld [tilespmem:s7+$0x4600];
	_ =	sdelay $0x1  }
0x420: {  	s12 =	spop (v2sf)  }
0x421: {  	s9 =	scvt.s32.f32 s12;
	_ =	sdelay $0x1  }
0x422: {  	v15 =	vmul.f32 s9, v4;
	v14 =	vadd.f32 v14, v8;
	_ =	sdelay $0x1  }
0x423: {  	v14 =	vadd.f32 v14, v15;
	_ =	sdelay $0x1  }
0x424: {  	[tilespmem:s4+$0x0] =	vst v14  }
0x425: {  	v14 =	vld [tilespmem:s7+$0x4610];
	_ =	sdelay $0x4  }
0x426: {  	v15 =	vmul.f32 s9, v5;
	v14 =	vadd.f32 v14, v9;
	_ =	sdelay $0x1  }
0x427: {  	v14 =	vadd.f32 v14, v15;
	_ =	sdelay $0x1  }
0x428: {  	[tilespmem:s4+$0x10] =	vst v14  }
0x429: {  	v14 =	vld [tilespmem:s7+$0x4620]  }
0x42a: {  	(v2sf) =	vpush v12, $0x9;
	_ =	sdelay $0x3  }
0x42b: {  	v15 =	vmul.f32 s9, v6;
	v14 =	vadd.f32 v14, v10;
	_ =	sdelay $0x1  }
0x42c: {  	(v2sf) =	vpush v13, $0x9;
	v14 =	vadd.f32 v14, v15;
	_ =	sdelay $0x1  }
0x42d: {  	[tilespmem:s4+$0x20] =	vst v14  }
0x42e: {  	v14 =	vld [tilespmem:s7+$0x4630];
	_ =	sdelay $0x4  }
0x42f: {  	v15 =	vmul.f32 s9, v7;
	v14 =	vadd.f32 v14, v11  }
0x430: {  	s25 =	spop (v2sf)  }
0x431: {  	p0 =	sgt.s32 s25, $0x7CFFF;
	s7 =	simm.s32 $0x40;
	v14 =	vadd.f32 v14, v15  }
0x432: {  	s7 =	simm.s32 @!p0 $0x0  }
0x433: {  	s7 =	sadd.s32 s6, s7;
	[tilespmem:s4+$0x30] =	vst v14  }
0x434: {  	v14 =	vld [tilespmem:s7+$0x4680];
	_ =	sdelay $0x1  }
0x435: {  	s26 =	spop (v2sf)  }
0x436: {  	s9 =	scvt.s32.f32 s26;
	_ =	sdelay $0x1  }
0x437: {  	v15 =	vmul.f32 s9, v4;
	v14 =	vadd.f32 v14, v8;
	_ =	sdelay $0x1  }
0x438: {  	v14 =	vadd.f32 v14, v15;
	_ =	sdelay $0x1  }
0x439: {  	[tilespmem:s4+$0x40] =	vst v14  }
0x43a: {  	v14 =	vld [tilespmem:s7+$0x4690];
	_ =	sdelay $0x4  }
0x43b: {  	v15 =	vmul.f32 s9, v5;
	v14 =	vadd.f32 v14, v9;
	_ =	sdelay $0x1  }
0x43c: {  	v14 =	vadd.f32 v14, v15;
	_ =	sdelay $0x1  }
0x43d: {  	[tilespmem:s4+$0x50] =	vst v14  }
0x43e: {  	v14 =	vld [tilespmem:s7+$0x46A0]  }
0x43f: {  	(v2sf) =	vpush v12, $0xA;
	_ =	sdelay $0x3  }
0x440: {  	v15 =	vmul.f32 s9, v6;
	v14 =	vadd.f32 v14, v10;
	_ =	sdelay $0x1  }
0x441: {  	(v2sf) =	vpush v13, $0xA;
	v14 =	vadd.f32 v14, v15;
	_ =	sdelay $0x1  }
0x442: {  	[tilespmem:s4+$0x60] =	vst v14  }
0x443: {  	v14 =	vld [tilespmem:s7+$0x46B0];
	_ =	sdelay $0x4  }
0x444: {  	v15 =	vmul.f32 s9, v7;
	v14 =	vadd.f32 v14, v11  }
0x445: {  	s11 =	spop (v2sf)  }
0x446: {  	p0 =	sgt.s32 s11, $0x7CFFF;
	s7 =	simm.s32 $0x40;
	v14 =	vadd.f32 v14, v15  }
0x447: {  	s7 =	simm.s32 @!p0 $0x0  }
0x448: {  	s7 =	sadd.s32 s6, s7;
	[tilespmem:s4+$0x70] =	vst v14  }
0x449: {  	v14 =	vld [tilespmem:s7+$0x4700];
	_ =	sdelay $0x1  }
0x44a: {  	s12 =	spop (v2sf)  }
0x44b: {  	s9 =	scvt.s32.f32 s12;
	_ =	sdelay $0x1  }
0x44c: {  	v15 =	vmul.f32 s9, v4;
	v14 =	vadd.f32 v14, v8;
	_ =	sdelay $0x1  }
0x44d: {  	v14 =	vadd.f32 v14, v15;
	_ =	sdelay $0x1  }
0x44e: {  	[tilespmem:s4+$0x80] =	vst v14  }
0x44f: {  	v14 =	vld [tilespmem:s7+$0x4710];
	_ =	sdelay $0x4  }
0x450: {  	v15 =	vmul.f32 s9, v5;
	v14 =	vadd.f32 v14, v9;
	_ =	sdelay $0x1  }
0x451: {  	v14 =	vadd.f32 v14, v15;
	_ =	sdelay $0x1  }
0x452: {  	[tilespmem:s4+$0x90] =	vst v14  }
0x453: {  	v14 =	vld [tilespmem:s7+$0x4720]  }
0x454: {  	(v2sf) =	vpush v12, $0xB;
	_ =	sdelay $0x3  }
0x455: {  	v15 =	vmul.f32 s9, v6;
	v14 =	vadd.f32 v14, v10;
	_ =	sdelay $0x1  }
0x456: {  	(v2sf) =	vpush v13, $0xB;
	v14 =	vadd.f32 v14, v15;
	_ =	sdelay $0x1  }
0x457: {  	[tilespmem:s4+$0xA0] =	vst v14  }
0x458: {  	v14 =	vld [tilespmem:s7+$0x4730];
	_ =	sdelay $0x4  }
0x459: {  	v15 =	vmul.f32 s9, v7;
	v14 =	vadd.f32 v14, v11  }
0x45a: {  	s25 =	spop (v2sf)  }
0x45b: {  	p0 =	sgt.s32 s25, $0x7CFFF;
	s7 =	simm.s32 $0x40;
	v14 =	vadd.f32 v14, v15  }
0x45c: {  	s7 =	simm.s32 @!p0 $0x0  }
0x45d: {  	s7 =	sadd.s32 s6, s7;
	[tilespmem:s4+$0xB0] =	vst v14  }
0x45e: {  	v14 =	vld [tilespmem:s7+$0x4780];
	_ =	sdelay $0x1  }
0x45f: {  	s26 =	spop (v2sf)  }
0x460: {  	s9 =	scvt.s32.f32 s26;
	_ =	sdelay $0x1  }
0x461: {  	v15 =	vmul.f32 s9, v4;
	v14 =	vadd.f32 v14, v8;
	_ =	sdelay $0x1  }
0x462: {  	v14 =	vadd.f32 v14, v15;
	_ =	sdelay $0x1  }
0x463: {  	[tilespmem:s4+$0xC0] =	vst v14  }
0x464: {  	v14 =	vld [tilespmem:s7+$0x4790];
	_ =	sdelay $0x4  }
0x465: {  	v15 =	vmul.f32 s9, v5;
	v14 =	vadd.f32 v14, v9;
	_ =	sdelay $0x1  }
0x466: {  	v14 =	vadd.f32 v14, v15;
	_ =	sdelay $0x1  }
0x467: {  	[tilespmem:s4+$0xD0] =	vst v14  }
0x468: {  	v14 =	vld [tilespmem:s7+$0x47A0]  }
0x469: {  	(v2sf) =	vpush v12, $0xC;
	_ =	sdelay $0x3  }
0x46a: {  	v15 =	vmul.f32 s9, v6;
	v14 =	vadd.f32 v14, v10;
	_ =	sdelay $0x1  }
0x46b: {  	(v2sf) =	vpush v13, $0xC;
	v14 =	vadd.f32 v14, v15;
	_ =	sdelay $0x1  }
0x46c: {  	[tilespmem:s4+$0xE0] =	vst v14  }
0x46d: {  	v14 =	vld [tilespmem:s7+$0x47B0];
	_ =	sdelay $0x4  }
0x46e: {  	v15 =	vmul.f32 s9, v7;
	v14 =	vadd.f32 v14, v11  }
0x46f: {  	s11 =	spop (v2sf)  }
0x470: {  	p0 =	sgt.s32 s11, $0x7CFFF;
	s7 =	simm.s32 $0x40;
	v14 =	vadd.f32 v14, v15  }
0x471: {  	s7 =	simm.s32 @!p0 $0x0  }
0x472: {  	s7 =	sadd.s32 s6, s7;
	[tilespmem:s4+$0xF0] =	vst v14  }
0x473: {  	v14 =	vld [tilespmem:s7+$0x4800];
	_ =	sdelay $0x1  }
0x474: {  	s12 =	spop (v2sf)  }
0x475: {  	s9 =	scvt.s32.f32 s12;
	_ =	sdelay $0x1  }
0x476: {  	v15 =	vmul.f32 s9, v4;
	v14 =	vadd.f32 v14, v8;
	_ =	sdelay $0x1  }
0x477: {  	v14 =	vadd.f32 v14, v15;
	_ =	sdelay $0x1  }
0x478: {  	[tilespmem:s4+$0x100] =	vst v14  }
0x479: {  	v14 =	vld [tilespmem:s7+$0x4810];
	_ =	sdelay $0x4  }
0x47a: {  	v15 =	vmul.f32 s9, v5;
	v14 =	vadd.f32 v14, v9;
	_ =	sdelay $0x1  }
0x47b: {  	v14 =	vadd.f32 v14, v15;
	_ =	sdelay $0x1  }
0x47c: {  	[tilespmem:s4+$0x110] =	vst v14  }
0x47d: {  	v14 =	vld [tilespmem:s7+$0x4820]  }
0x47e: {  	(v2sf) =	vpush v12, $0xD;
	_ =	sdelay $0x3  }
0x47f: {  	v15 =	vmul.f32 s9, v6;
	v14 =	vadd.f32 v14, v10;
	_ =	sdelay $0x1  }
0x480: {  	(v2sf) =	vpush v13, $0xD;
	v14 =	vadd.f32 v14, v15;
	_ =	sdelay $0x1  }
0x481: {  	[tilespmem:s4+$0x120] =	vst v14  }
0x482: {  	v14 =	vld [tilespmem:s7+$0x4830];
	_ =	sdelay $0x4  }
0x483: {  	v15 =	vmul.f32 s9, v7;
	v14 =	vadd.f32 v14, v11  }
0x484: {  	s25 =	spop (v2sf)  }
0x485: {  	p0 =	sgt.s32 s25, $0x7CFFF;
	s7 =	simm.s32 $0x40;
	v14 =	vadd.f32 v14, v15  }
0x486: {  	s7 =	simm.s32 @!p0 $0x0  }
0x487: {  	s7 =	sadd.s32 s6, s7;
	[tilespmem:s4+$0x130] =	vst v14  }
0x488: {  	v14 =	vld [tilespmem:s7+$0x4880];
	_ =	sdelay $0x1  }
0x489: {  	s26 =	spop (v2sf)  }
0x48a: {  	s9 =	scvt.s32.f32 s26;
	_ =	sdelay $0x1  }
0x48b: {  	v15 =	vmul.f32 s9, v4;
	v14 =	vadd.f32 v14, v8;
	_ =	sdelay $0x1  }
0x48c: {  	v14 =	vadd.f32 v14, v15;
	_ =	sdelay $0x1  }
0x48d: {  	[tilespmem:s4+$0x140] =	vst v14  }
0x48e: {  	v14 =	vld [tilespmem:s7+$0x4890];
	_ =	sdelay $0x4  }
0x48f: {  	v15 =	vmul.f32 s9, v5;
	v14 =	vadd.f32 v14, v9;
	_ =	sdelay $0x1  }
0x490: {  	v14 =	vadd.f32 v14, v15;
	_ =	sdelay $0x1  }
0x491: {  	[tilespmem:s4+$0x150] =	vst v14  }
0x492: {  	v14 =	vld [tilespmem:s7+$0x48A0]  }
0x493: {  	(v2sf) =	vpush v12, $0xE;
	_ =	sdelay $0x3  }
0x494: {  	v15 =	vmul.f32 s9, v6;
	v14 =	vadd.f32 v14, v10;
	_ =	sdelay $0x1  }
0x495: {  	(v2sf) =	vpush v13, $0xE;
	v14 =	vadd.f32 v14, v15;
	_ =	sdelay $0x1  }
0x496: {  	[tilespmem:s4+$0x160] =	vst v14  }
0x497: {  	v14 =	vld [tilespmem:s7+$0x48B0];
	_ =	sdelay $0x4  }
0x498: {  	v15 =	vmul.f32 s9, v7;
	v14 =	vadd.f32 v14, v11  }
0x499: {  	s11 =	spop (v2sf)  }
0x49a: {  	p0 =	sgt.s32 s11, $0x7CFFF;
	s7 =	simm.s32 $0x40;
	v14 =	vadd.f32 v14, v15  }
0x49b: {  	s7 =	simm.s32 @!p0 $0x0  }
0x49c: {  	s7 =	sadd.s32 s6, s7;
	[tilespmem:s4+$0x170] =	vst v14  }
0x49d: {  	v14 =	vld [tilespmem:s7+$0x4900];
	_ =	sdelay $0x1  }
0x49e: {  	s12 =	spop (v2sf)  }
0x49f: {  	s9 =	scvt.s32.f32 s12;
	_ =	sdelay $0x1  }
0x4a0: {  	v15 =	vmul.f32 s9, v4;
	v14 =	vadd.f32 v14, v8;
	_ =	sdelay $0x1  }
0x4a1: {  	v14 =	vadd.f32 v14, v15;
	_ =	sdelay $0x1  }
0x4a2: {  	[tilespmem:s4+$0x180] =	vst v14  }
0x4a3: {  	v14 =	vld [tilespmem:s7+$0x4910];
	_ =	sdelay $0x4  }
0x4a4: {  	v15 =	vmul.f32 s9, v5;
	v14 =	vadd.f32 v14, v9;
	_ =	sdelay $0x1  }
0x4a5: {  	v14 =	vadd.f32 v14, v15;
	_ =	sdelay $0x1  }
0x4a6: {  	[tilespmem:s4+$0x190] =	vst v14  }
0x4a7: {  	v14 =	vld [tilespmem:s7+$0x4920]  }
0x4a8: {  	(v2sf) =	vpush v12, $0xF;
	_ =	sdelay $0x3  }
0x4a9: {  	v12 =	vadd.f32 v14, v10;
	v14 =	vmul.f32 s9, v6;
	_ =	sdelay $0x1  }
0x4aa: {  	(v2sf) =	vpush v13, $0xF;
	v12 =	vadd.f32 v12, v14;
	_ =	sdelay $0x1  }
0x4ab: {  	[tilespmem:s4+$0x1A0] =	vst v12  }
0x4ac: {  	v12 =	vld [tilespmem:s7+$0x4930];
	_ =	sdelay $0x4  }
0x4ad: {  	v13 =	vmul.f32 s9, v7;
	v12 =	vadd.f32 v12, v11  }
0x4ae: {  	s25 =	spop (v2sf)  }
0x4af: {  	p0 =	sgt.s32 s25, $0x7CFFF;
	s7 =	simm.s32 $0x40;
	v12 =	vadd.f32 v12, v13  }
0x4b0: {  	s7 =	simm.s32 @!p0 $0x0  }
0x4b1: {  	s6 =	sadd.s32 s6, s7;
	[tilespmem:s4+$0x1B0] =	vst v12  }
0x4b2: {  	v12 =	vld [tilespmem:s6+$0x4980];
	_ =	sdelay $0x1  }
0x4b3: {  	s26 =	spop (v2sf)  }
0x4b4: {  	s7 =	scvt.s32.f32 s26;
	_ =	sdelay $0x1  }
0x4b5: {  	v8 =	vadd.f32 v12, v8;
	v12 =	vmul.f32 s7, v4;
	_ =	sdelay $0x1  }
0x4b6: {  	v8 =	vadd.f32 v8, v12;
	_ =	sdelay $0x1  }
0x4b7: {  	[tilespmem:s4+$0x1C0] =	vst v8  }
0x4b8: {  	v8 =	vld [tilespmem:s6+$0x4990];
	_ =	sdelay $0x4  }
0x4b9: {  	v8 =	vadd.f32 v8, v9;
	v9 =	vmul.f32 s7, v5;
	_ =	sdelay $0x1  }
0x4ba: {  	v8 =	vadd.f32 v8, v9;
	_ =	sdelay $0x1  }
0x4bb: {  	[tilespmem:s4+$0x1D0] =	vst v8  }
0x4bc: {  	v8 =	vld [tilespmem:s6+$0x49A0];
	_ =	sdelay $0x4  }
0x4bd: {  	v9 =	vmul.f32 s7, v6;
	v8 =	vadd.f32 v8, v10;
	_ =	sdelay $0x1  }
0x4be: {  	v8 =	vadd.f32 v8, v9;
	_ =	sdelay $0x1  }
0x4bf: {  	[tilespmem:s4+$0x1E0] =	vst v8  }
0x4c0: {  	v8 =	vld [tilespmem:s6+$0x49B0];
	_ =	sdelay $0x4  }
0x4c1: {  	v9 =	vmul.f32 s7, v7;
	v8 =	vadd.f32 v8, v11;
	_ =	sdelay $0x1  }
0x4c2: {  	v8 =	vadd.f32 v8, v9  }
0x4c3: {  	s9 =	sshll.u32 s31, $0xC  }
0x4c4: {  	s12 =	simm.s32 $0x0;
	s11 =	sadd.s32 s9, s8;
	[tilespmem:s4+$0x1F0] =	vst v8  }
0x4c5: {  	[hbm4b:s11+s12] =	stream.linear.scatter [tilespmem:s23], [sflag:$0x3], $0x4000, $0x38;
	[tilespmem:$0x18300] =	vst v63  }
0x4c6: {  	_ =	swait.ge [sflag:s10], $0x4000  }
0x4c7: {  	[sflag:s10] =	ssyncset.done $0x0  }
0x4c8: {  	[sflag:s10] =	ssyncadd.s32 $0xFFFFC000  }
0x4c9: {  	_ =	swait.ge [sflag:s24], $0x4000  }
0x4ca: {  	[sflag:s24] =	ssyncset.done $0x0  }
0x4cb: {  	[sflag:s24] =	ssyncadd.s32 $0xFFFFC000  }
0x4cc: {  	_ =	swait.ge [sflag:s24], $0x4000  }
0x4cd: {  	[sflag:s24] =	ssyncset.done $0x0  }
0x4ce: {  	[sflag:s24] =	ssyncadd.s32 $0xFFFFC000  }
0x4cf: {  	v13 =	vld [tilespmem:s28+$0x0];
	_ =	sdelay $0x4  }
0x4d0: {  	(v2sf) =	vpush v13, $0x0  }
0x4d1: {  	v12 =	vld [tilespmem:s29+$0x0];
	_ =	sdelay $0x4  }
0x4d2: {  	(v2sf) =	vpush v12, $0x0;
	_ =	sdelay $0x8  }
0x4d3: {  	s25 =	spop (v2sf)  }
0x4d4: {  	s4 =	simm.s32 $0x40;
	p0 =	sgt.s32 s25, $0x7CFFF  }
0x4d5: {  	v8 =	vld [tilespmem:s1+$0x18200];
	s4 =	simm.s32 @!p0 $0x0  }
0x4d6: {  	s4 =	sadd.s32 $0x0, s4  }
0x4d7: {  	v9 =	vld [tilespmem:s4+$0xC200];
	_ =	sdelay $0x1  }
0x4d8: {  	s26 =	spop (v2sf)  }
0x4d9: {  	v8 =	vadd.f32 v8, v0;
	s6 =	scvt.s32.f32 s26;
	_ =	sdelay $0x1  }
0x4da: {  	v10 =	vmul.f32 s6, v4;
	v9 =	vadd.f32 v9, v8  }
0x4db: {  	v11 =	vld [tilespmem:s1+$0x18210]  }
0x4dc: {  	v14 =	vld [tilespmem:s1+$0x18220];
	v9 =	vadd.f32 v10, v9  }
0x4dd: {  	v15 =	vld [tilespmem:s1+$0x18230];
	s1 =	simm.s32 $0x14400  }
0x4de: {  	[tilespmem:s1+$0xFFFFFE00] =	vst v9  }
0x4df: {  	v10 =	vld [tilespmem:s4+$0xC210];
	_ =	sdelay $0x2  }
0x4e0: {  	v9 =	vadd.f32 v11, v1;
	_ =	sdelay $0x1  }
0x4e1: {  	v11 =	vmul.f32 s6, v5;
	v10 =	vadd.f32 v10, v9;
	_ =	sdelay $0x1  }
0x4e2: {  	v10 =	vadd.f32 v11, v10;
	_ =	sdelay $0x1  }
0x4e3: {  	[tilespmem:s1+$0xFFFFFE10] =	vst v10  }
0x4e4: {  	v11 =	vld [tilespmem:s4+$0xC220]  }
0x4e5: {  	(v2sf) =	vpush v13, $0x1;
	_ =	sdelay $0x1  }
0x4e6: {  	v10 =	vadd.f32 v14, v2;
	_ =	sdelay $0x1  }
0x4e7: {  	v14 =	vmul.f32 s6, v6;
	v11 =	vadd.f32 v11, v10;
	_ =	sdelay $0x1  }
0x4e8: {  	(v2sf) =	vpush v12, $0x1;
	v11 =	vadd.f32 v11, v14;
	_ =	sdelay $0x1  }
0x4e9: {  	[tilespmem:s1+$0xFFFFFE20] =	vst v11  }
0x4ea: {  	v14 =	vld [tilespmem:s4+$0xC230];
	_ =	sdelay $0x2  }
0x4eb: {  	v11 =	vadd.f32 v15, v3;
	_ =	sdelay $0x1  }
0x4ec: {  	v15 =	vmul.f32 s6, v7;
	v14 =	vadd.f32 v14, v11  }
0x4ed: {  	s7 =	spop (v2sf)  }
0x4ee: {  	p0 =	sgt.s32 s7, $0x7CFFF;
	s4 =	simm.s32 $0x40;
	v14 =	vadd.f32 v14, v15  }
0x4ef: {  	s4 =	simm.s32 @!p0 $0x0  }
0x4f0: {  	s4 =	sadd.s32 $0x0, s4;
	[tilespmem:s1+$0xFFFFFE30] =	vst v14  }
0x4f1: {  	v14 =	vld [tilespmem:s4+$0xC280];
	_ =	sdelay $0x1  }
0x4f2: {  	s9 =	spop (v2sf)  }
0x4f3: {  	s6 =	scvt.s32.f32 s9;
	_ =	sdelay $0x1  }
0x4f4: {  	v15 =	vmul.f32 s6, v4;
	v14 =	vadd.f32 v14, v8;
	_ =	sdelay $0x1  }
0x4f5: {  	v14 =	vadd.f32 v14, v15;
	_ =	sdelay $0x1  }
0x4f6: {  	[tilespmem:s1+$0xFFFFFE40] =	vst v14  }
0x4f7: {  	v14 =	vld [tilespmem:s4+$0xC290];
	_ =	sdelay $0x4  }
0x4f8: {  	v15 =	vmul.f32 s6, v5;
	v14 =	vadd.f32 v14, v9;
	_ =	sdelay $0x1  }
0x4f9: {  	v14 =	vadd.f32 v14, v15;
	_ =	sdelay $0x1  }
0x4fa: {  	[tilespmem:s1+$0xFFFFFE50] =	vst v14  }
0x4fb: {  	v14 =	vld [tilespmem:s4+$0xC2A0]  }
0x4fc: {  	(v2sf) =	vpush v13, $0x2;
	_ =	sdelay $0x3  }
0x4fd: {  	v15 =	vmul.f32 s6, v6;
	v14 =	vadd.f32 v14, v10;
	_ =	sdelay $0x1  }
0x4fe: {  	(v2sf) =	vpush v12, $0x2;
	v14 =	vadd.f32 v14, v15;
	_ =	sdelay $0x1  }
0x4ff: {  	[tilespmem:s1+$0xFFFFFE60] =	vst v14  }
0x500: {  	v14 =	vld [tilespmem:s4+$0xC2B0];
	_ =	sdelay $0x4  }
0x501: {  	v15 =	vmul.f32 s6, v7;
	v14 =	vadd.f32 v14, v11  }
0x502: {  	s11 =	spop (v2sf)  }
0x503: {  	p0 =	sgt.s32 s11, $0x7CFFF;
	s4 =	simm.s32 $0x40;
	v14 =	vadd.f32 v14, v15  }
0x504: {  	s4 =	simm.s32 @!p0 $0x0  }
0x505: {  	s4 =	sadd.s32 $0x0, s4;
	[tilespmem:s1+$0xFFFFFE70] =	vst v14  }
0x506: {  	v14 =	vld [tilespmem:s4+$0xC300];
	_ =	sdelay $0x1  }
0x507: {  	s12 =	spop (v2sf)  }
0x508: {  	s6 =	scvt.s32.f32 s12;
	_ =	sdelay $0x1  }
0x509: {  	v15 =	vmul.f32 s6, v4;
	v14 =	vadd.f32 v14, v8;
	_ =	sdelay $0x1  }
0x50a: {  	v14 =	vadd.f32 v14, v15;
	_ =	sdelay $0x1  }
0x50b: {  	[tilespmem:s1+$0xFFFFFE80] =	vst v14  }
0x50c: {  	v14 =	vld [tilespmem:s4+$0xC310];
	_ =	sdelay $0x4  }
0x50d: {  	v15 =	vmul.f32 s6, v5;
	v14 =	vadd.f32 v14, v9;
	_ =	sdelay $0x1  }
0x50e: {  	v14 =	vadd.f32 v14, v15;
	_ =	sdelay $0x1  }
0x50f: {  	[tilespmem:s1+$0xFFFFFE90] =	vst v14  }
0x510: {  	v14 =	vld [tilespmem:s4+$0xC320]  }
0x511: {  	(v2sf) =	vpush v13, $0x3;
	_ =	sdelay $0x3  }
0x512: {  	v15 =	vmul.f32 s6, v6;
	v14 =	vadd.f32 v14, v10;
	_ =	sdelay $0x1  }
0x513: {  	(v2sf) =	vpush v12, $0x3;
	v14 =	vadd.f32 v14, v15;
	_ =	sdelay $0x1  }
0x514: {  	[tilespmem:s1+$0xFFFFFEA0] =	vst v14  }
0x515: {  	v14 =	vld [tilespmem:s4+$0xC330];
	_ =	sdelay $0x4  }
0x516: {  	v15 =	vmul.f32 s6, v7;
	v14 =	vadd.f32 v14, v11  }
0x517: {  	s25 =	spop (v2sf)  }
0x518: {  	p0 =	sgt.s32 s25, $0x7CFFF;
	s4 =	simm.s32 $0x40;
	v14 =	vadd.f32 v14, v15  }
0x519: {  	s4 =	simm.s32 @!p0 $0x0  }
0x51a: {  	s4 =	sadd.s32 $0x0, s4;
	[tilespmem:s1+$0xFFFFFEB0] =	vst v14  }
0x51b: {  	v14 =	vld [tilespmem:s4+$0xC380];
	_ =	sdelay $0x1  }
0x51c: {  	s26 =	spop (v2sf)  }
0x51d: {  	s6 =	scvt.s32.f32 s26;
	_ =	sdelay $0x1  }
0x51e: {  	v15 =	vmul.f32 s6, v4;
	v14 =	vadd.f32 v14, v8;
	_ =	sdelay $0x1  }
0x51f: {  	v14 =	vadd.f32 v14, v15;
	_ =	sdelay $0x1  }
0x520: {  	[tilespmem:s1+$0xFFFFFEC0] =	vst v14  }
0x521: {  	v14 =	vld [tilespmem:s4+$0xC390];
	_ =	sdelay $0x4  }
0x522: {  	v15 =	vmul.f32 s6, v5;
	v14 =	vadd.f32 v14, v9;
	_ =	sdelay $0x1  }
0x523: {  	v14 =	vadd.f32 v14, v15;
	_ =	sdelay $0x1  }
0x524: {  	[tilespmem:s1+$0xFFFFFED0] =	vst v14  }
0x525: {  	v14 =	vld [tilespmem:s4+$0xC3A0]  }
0x526: {  	(v2sf) =	vpush v13, $0x4;
	_ =	sdelay $0x3  }
0x527: {  	v15 =	vmul.f32 s6, v6;
	v14 =	vadd.f32 v14, v10;
	_ =	sdelay $0x1  }
0x528: {  	(v2sf) =	vpush v12, $0x4;
	v14 =	vadd.f32 v14, v15;
	_ =	sdelay $0x1  }
0x529: {  	[tilespmem:s1+$0xFFFFFEE0] =	vst v14  }
0x52a: {  	v14 =	vld [tilespmem:s4+$0xC3B0];
	_ =	sdelay $0x4  }
0x52b: {  	v15 =	vmul.f32 s6, v7;
	v14 =	vadd.f32 v14, v11  }
0x52c: {  	s7 =	spop (v2sf)  }
0x52d: {  	p0 =	sgt.s32 s7, $0x7CFFF;
	s4 =	simm.s32 $0x40;
	v14 =	vadd.f32 v14, v15  }
0x52e: {  	s4 =	simm.s32 @!p0 $0x0  }
0x52f: {  	s4 =	sadd.s32 $0x0, s4;
	[tilespmem:s1+$0xFFFFFEF0] =	vst v14  }
0x530: {  	v14 =	vld [tilespmem:s4+$0xC400];
	_ =	sdelay $0x1  }
0x531: {  	s9 =	spop (v2sf)  }
0x532: {  	s6 =	scvt.s32.f32 s9;
	_ =	sdelay $0x1  }
0x533: {  	v15 =	vmul.f32 s6, v4;
	v14 =	vadd.f32 v14, v8;
	_ =	sdelay $0x1  }
0x534: {  	v14 =	vadd.f32 v14, v15;
	_ =	sdelay $0x1  }
0x535: {  	[tilespmem:s1+$0xFFFFFF00] =	vst v14  }
0x536: {  	v14 =	vld [tilespmem:s4+$0xC410];
	_ =	sdelay $0x4  }
0x537: {  	v15 =	vmul.f32 s6, v5;
	v14 =	vadd.f32 v14, v9;
	_ =	sdelay $0x1  }
0x538: {  	v14 =	vadd.f32 v14, v15;
	_ =	sdelay $0x1  }
0x539: {  	[tilespmem:s1+$0xFFFFFF10] =	vst v14  }
0x53a: {  	v14 =	vld [tilespmem:s4+$0xC420]  }
0x53b: {  	(v2sf) =	vpush v13, $0x5;
	_ =	sdelay $0x3  }
0x53c: {  	v15 =	vmul.f32 s6, v6;
	v14 =	vadd.f32 v14, v10;
	_ =	sdelay $0x1  }
0x53d: {  	(v2sf) =	vpush v12, $0x5;
	v14 =	vadd.f32 v14, v15;
	_ =	sdelay $0x1  }
0x53e: {  	[tilespmem:s1+$0xFFFFFF20] =	vst v14  }
0x53f: {  	v14 =	vld [tilespmem:s4+$0xC430];
	_ =	sdelay $0x4  }
0x540: {  	v15 =	vmul.f32 s6, v7;
	v14 =	vadd.f32 v14, v11  }
0x541: {  	s11 =	spop (v2sf)  }
0x542: {  	p0 =	sgt.s32 s11, $0x7CFFF;
	s4 =	simm.s32 $0x40;
	v14 =	vadd.f32 v14, v15  }
0x543: {  	s4 =	simm.s32 @!p0 $0x0  }
0x544: {  	s4 =	sadd.s32 $0x0, s4;
	[tilespmem:s1+$0xFFFFFF30] =	vst v14  }
0x545: {  	v14 =	vld [tilespmem:s4+$0xC480];
	_ =	sdelay $0x1  }
0x546: {  	s12 =	spop (v2sf)  }
0x547: {  	s6 =	scvt.s32.f32 s12;
	_ =	sdelay $0x1  }
0x548: {  	v15 =	vmul.f32 s6, v4;
	v14 =	vadd.f32 v14, v8;
	_ =	sdelay $0x1  }
0x549: {  	v14 =	vadd.f32 v14, v15;
	_ =	sdelay $0x1  }
0x54a: {  	[tilespmem:s1+$0xFFFFFF40] =	vst v14  }
0x54b: {  	v14 =	vld [tilespmem:s4+$0xC490];
	_ =	sdelay $0x4  }
0x54c: {  	v15 =	vmul.f32 s6, v5;
	v14 =	vadd.f32 v14, v9;
	_ =	sdelay $0x1  }
0x54d: {  	v14 =	vadd.f32 v14, v15;
	_ =	sdelay $0x1  }
0x54e: {  	[tilespmem:s1+$0xFFFFFF50] =	vst v14  }
0x54f: {  	v14 =	vld [tilespmem:s4+$0xC4A0]  }
0x550: {  	(v2sf) =	vpush v13, $0x6;
	_ =	sdelay $0x3  }
0x551: {  	v15 =	vmul.f32 s6, v6;
	v14 =	vadd.f32 v14, v10;
	_ =	sdelay $0x1  }
0x552: {  	(v2sf) =	vpush v12, $0x6;
	v14 =	vadd.f32 v14, v15;
	_ =	sdelay $0x1  }
0x553: {  	[tilespmem:s1+$0xFFFFFF60] =	vst v14  }
0x554: {  	v14 =	vld [tilespmem:s4+$0xC4B0];
	_ =	sdelay $0x4  }
0x555: {  	v15 =	vmul.f32 s6, v7;
	v14 =	vadd.f32 v14, v11  }
0x556: {  	s25 =	spop (v2sf)  }
0x557: {  	p0 =	sgt.s32 s25, $0x7CFFF;
	s4 =	simm.s32 $0x40;
	v14 =	vadd.f32 v14, v15  }
0x558: {  	s4 =	simm.s32 @!p0 $0x0  }
0x559: {  	s4 =	sadd.s32 $0x0, s4;
	[tilespmem:s1+$0xFFFFFF70] =	vst v14  }
0x55a: {  	v14 =	vld [tilespmem:s4+$0xC500];
	_ =	sdelay $0x1  }
0x55b: {  	s26 =	spop (v2sf)  }
0x55c: {  	s6 =	scvt.s32.f32 s26;
	_ =	sdelay $0x1  }
0x55d: {  	v15 =	vmul.f32 s6, v4;
	v14 =	vadd.f32 v14, v8;
	_ =	sdelay $0x1  }
0x55e: {  	v14 =	vadd.f32 v14, v15;
	_ =	sdelay $0x1  }
0x55f: {  	[tilespmem:s1+$0xFFFFFF80] =	vst v14  }
0x560: {  	v14 =	vld [tilespmem:s4+$0xC510];
	_ =	sdelay $0x4  }
0x561: {  	v15 =	vmul.f32 s6, v5;
	v14 =	vadd.f32 v14, v9;
	_ =	sdelay $0x1  }
0x562: {  	v14 =	vadd.f32 v14, v15;
	_ =	sdelay $0x1  }
0x563: {  	[tilespmem:s1+$0xFFFFFF90] =	vst v14  }
0x564: {  	v14 =	vld [tilespmem:s4+$0xC520]  }
0x565: {  	(v2sf) =	vpush v13, $0x7;
	_ =	sdelay $0x3  }
0x566: {  	v15 =	vmul.f32 s6, v6;
	v14 =	vadd.f32 v14, v10;
	_ =	sdelay $0x1  }
0x567: {  	(v2sf) =	vpush v12, $0x7;
	v14 =	vadd.f32 v14, v15;
	_ =	sdelay $0x1  }
0x568: {  	[tilespmem:s1+$0xFFFFFFA0] =	vst v14  }
0x569: {  	v14 =	vld [tilespmem:s4+$0xC530];
	_ =	sdelay $0x4  }
0x56a: {  	v15 =	vmul.f32 s6, v7;
	v14 =	vadd.f32 v14, v11  }
0x56b: {  	s7 =	spop (v2sf)  }
0x56c: {  	p0 =	sgt.s32 s7, $0x7CFFF;
	s4 =	simm.s32 $0x40;
	v14 =	vadd.f32 v14, v15  }
0x56d: {  	s4 =	simm.s32 @!p0 $0x0  }
0x56e: {  	s4 =	sadd.s32 $0x0, s4;
	[tilespmem:s1+$0xFFFFFFB0] =	vst v14  }
0x56f: {  	v14 =	vld [tilespmem:s4+$0xC580];
	_ =	sdelay $0x1  }
0x570: {  	s9 =	spop (v2sf)  }
0x571: {  	s6 =	scvt.s32.f32 s9;
	_ =	sdelay $0x1  }
0x572: {  	v15 =	vmul.f32 s6, v4;
	v14 =	vadd.f32 v14, v8;
	_ =	sdelay $0x1  }
0x573: {  	v14 =	vadd.f32 v14, v15;
	_ =	sdelay $0x1  }
0x574: {  	[tilespmem:s1+$0xFFFFFFC0] =	vst v14  }
0x575: {  	v14 =	vld [tilespmem:s4+$0xC590];
	_ =	sdelay $0x4  }
0x576: {  	v15 =	vmul.f32 s6, v5;
	v14 =	vadd.f32 v14, v9;
	_ =	sdelay $0x1  }
0x577: {  	v14 =	vadd.f32 v14, v15;
	_ =	sdelay $0x1  }
0x578: {  	[tilespmem:s1+$0xFFFFFFD0] =	vst v14  }
0x579: {  	v14 =	vld [tilespmem:s4+$0xC5A0]  }
0x57a: {  	(v2sf) =	vpush v13, $0x8;
	_ =	sdelay $0x3  }
0x57b: {  	v15 =	vmul.f32 s6, v6;
	v14 =	vadd.f32 v14, v10;
	_ =	sdelay $0x1  }
0x57c: {  	(v2sf) =	vpush v12, $0x8;
	v14 =	vadd.f32 v14, v15;
	_ =	sdelay $0x1  }
0x57d: {  	[tilespmem:s1+$0xFFFFFFE0] =	vst v14  }
0x57e: {  	v14 =	vld [tilespmem:s4+$0xC5B0];
	_ =	sdelay $0x4  }
0x57f: {  	v15 =	vmul.f32 s6, v7;
	v14 =	vadd.f32 v14, v11  }
0x580: {  	s11 =	spop (v2sf)  }
0x581: {  	p0 =	sgt.s32 s11, $0x7CFFF;
	s4 =	simm.s32 $0x40;
	v14 =	vadd.f32 v14, v15  }
0x582: {  	s4 =	simm.s32 @!p0 $0x0  }
0x583: {  	s4 =	sadd.s32 $0x0, s4;
	[tilespmem:s1+$0xFFFFFFF0] =	vst v14  }
0x584: {  	v14 =	vld [tilespmem:s4+$0xC600];
	_ =	sdelay $0x1  }
0x585: {  	s12 =	spop (v2sf)  }
0x586: {  	s6 =	scvt.s32.f32 s12;
	_ =	sdelay $0x1  }
0x587: {  	v15 =	vmul.f32 s6, v4;
	v14 =	vadd.f32 v14, v8;
	_ =	sdelay $0x1  }
0x588: {  	v14 =	vadd.f32 v14, v15;
	_ =	sdelay $0x1  }
0x589: {  	[tilespmem:s1+$0x0] =	vst v14  }
0x58a: {  	v14 =	vld [tilespmem:s4+$0xC610];
	_ =	sdelay $0x4  }
0x58b: {  	v15 =	vmul.f32 s6, v5;
	v14 =	vadd.f32 v14, v9;
	_ =	sdelay $0x1  }
0x58c: {  	v14 =	vadd.f32 v14, v15;
	_ =	sdelay $0x1  }
0x58d: {  	[tilespmem:s1+$0x10] =	vst v14  }
0x58e: {  	v14 =	vld [tilespmem:s4+$0xC620]  }
0x58f: {  	(v2sf) =	vpush v13, $0x9;
	_ =	sdelay $0x3  }
0x590: {  	v15 =	vmul.f32 s6, v6;
	v14 =	vadd.f32 v14, v10;
	_ =	sdelay $0x1  }
0x591: {  	(v2sf) =	vpush v12, $0x9;
	v14 =	vadd.f32 v14, v15;
	_ =	sdelay $0x1  }
0x592: {  	[tilespmem:s1+$0x20] =	vst v14  }
0x593: {  	v14 =	vld [tilespmem:s4+$0xC630];
	_ =	sdelay $0x4  }
0x594: {  	v15 =	vmul.f32 s6, v7;
	v14 =	vadd.f32 v14, v11  }
0x595: {  	s25 =	spop (v2sf)  }
0x596: {  	p0 =	sgt.s32 s25, $0x7CFFF;
	s4 =	simm.s32 $0x40;
	v14 =	vadd.f32 v14, v15  }
0x597: {  	s4 =	simm.s32 @!p0 $0x0  }
0x598: {  	s4 =	sadd.s32 $0x0, s4;
	[tilespmem:s1+$0x30] =	vst v14  }
0x599: {  	v14 =	vld [tilespmem:s4+$0xC680];
	_ =	sdelay $0x1  }
0x59a: {  	s26 =	spop (v2sf)  }
0x59b: {  	s6 =	scvt.s32.f32 s26;
	_ =	sdelay $0x1  }
0x59c: {  	v15 =	vmul.f32 s6, v4;
	v14 =	vadd.f32 v14, v8;
	_ =	sdelay $0x1  }
0x59d: {  	v14 =	vadd.f32 v14, v15;
	_ =	sdelay $0x1  }
0x59e: {  	[tilespmem:s1+$0x40] =	vst v14  }
0x59f: {  	v14 =	vld [tilespmem:s4+$0xC690];
	_ =	sdelay $0x4  }
0x5a0: {  	v15 =	vmul.f32 s6, v5;
	v14 =	vadd.f32 v14, v9;
	_ =	sdelay $0x1  }
0x5a1: {  	v14 =	vadd.f32 v14, v15;
	_ =	sdelay $0x1  }
0x5a2: {  	[tilespmem:s1+$0x50] =	vst v14  }
0x5a3: {  	v14 =	vld [tilespmem:s4+$0xC6A0]  }
0x5a4: {  	(v2sf) =	vpush v13, $0xA;
	_ =	sdelay $0x3  }
0x5a5: {  	v15 =	vmul.f32 s6, v6;
	v14 =	vadd.f32 v14, v10;
	_ =	sdelay $0x1  }
0x5a6: {  	(v2sf) =	vpush v12, $0xA;
	v14 =	vadd.f32 v14, v15;
	_ =	sdelay $0x1  }
0x5a7: {  	[tilespmem:s1+$0x60] =	vst v14  }
0x5a8: {  	v14 =	vld [tilespmem:s4+$0xC6B0];
	_ =	sdelay $0x4  }
0x5a9: {  	v15 =	vmul.f32 s6, v7;
	v14 =	vadd.f32 v14, v11  }
0x5aa: {  	s7 =	spop (v2sf)  }
0x5ab: {  	p0 =	sgt.s32 s7, $0x7CFFF;
	s4 =	simm.s32 $0x40;
	v14 =	vadd.f32 v14, v15  }
0x5ac: {  	s4 =	simm.s32 @!p0 $0x0  }
0x5ad: {  	s4 =	sadd.s32 $0x0, s4;
	[tilespmem:s1+$0x70] =	vst v14  }
0x5ae: {  	v14 =	vld [tilespmem:s4+$0xC700];
	_ =	sdelay $0x1  }
0x5af: {  	s9 =	spop (v2sf)  }
0x5b0: {  	s6 =	scvt.s32.f32 s9;
	_ =	sdelay $0x1  }
0x5b1: {  	v15 =	vmul.f32 s6, v4;
	v14 =	vadd.f32 v14, v8;
	_ =	sdelay $0x1  }
0x5b2: {  	v14 =	vadd.f32 v14, v15;
	_ =	sdelay $0x1  }
0x5b3: {  	[tilespmem:s1+$0x80] =	vst v14  }
0x5b4: {  	v14 =	vld [tilespmem:s4+$0xC710];
	_ =	sdelay $0x4  }
0x5b5: {  	v15 =	vmul.f32 s6, v5;
	v14 =	vadd.f32 v14, v9;
	_ =	sdelay $0x1  }
0x5b6: {  	v14 =	vadd.f32 v14, v15;
	_ =	sdelay $0x1  }
0x5b7: {  	[tilespmem:s1+$0x90] =	vst v14  }
0x5b8: {  	v14 =	vld [tilespmem:s4+$0xC720]  }
0x5b9: {  	(v2sf) =	vpush v13, $0xB;
	_ =	sdelay $0x3  }
0x5ba: {  	v15 =	vmul.f32 s6, v6;
	v14 =	vadd.f32 v14, v10;
	_ =	sdelay $0x1  }
0x5bb: {  	(v2sf) =	vpush v12, $0xB;
	v14 =	vadd.f32 v14, v15;
	_ =	sdelay $0x1  }
0x5bc: {  	[tilespmem:s1+$0xA0] =	vst v14  }
0x5bd: {  	v14 =	vld [tilespmem:s4+$0xC730];
	_ =	sdelay $0x4  }
0x5be: {  	v15 =	vmul.f32 s6, v7;
	v14 =	vadd.f32 v14, v11  }
0x5bf: {  	s11 =	spop (v2sf)  }
0x5c0: {  	p0 =	sgt.s32 s11, $0x7CFFF;
	s4 =	simm.s32 $0x40;
	v14 =	vadd.f32 v14, v15  }
0x5c1: {  	s4 =	simm.s32 @!p0 $0x0  }
0x5c2: {  	s4 =	sadd.s32 $0x0, s4;
	[tilespmem:s1+$0xB0] =	vst v14  }
0x5c3: {  	v14 =	vld [tilespmem:s4+$0xC780];
	_ =	sdelay $0x1  }
0x5c4: {  	s12 =	spop (v2sf)  }
0x5c5: {  	s6 =	scvt.s32.f32 s12;
	_ =	sdelay $0x1  }
0x5c6: {  	v15 =	vmul.f32 s6, v4;
	v14 =	vadd.f32 v14, v8;
	_ =	sdelay $0x1  }
0x5c7: {  	v14 =	vadd.f32 v14, v15;
	_ =	sdelay $0x1  }
0x5c8: {  	[tilespmem:s1+$0xC0] =	vst v14  }
0x5c9: {  	v14 =	vld [tilespmem:s4+$0xC790];
	_ =	sdelay $0x4  }
0x5ca: {  	v15 =	vmul.f32 s6, v5;
	v14 =	vadd.f32 v14, v9;
	_ =	sdelay $0x1  }
0x5cb: {  	v14 =	vadd.f32 v14, v15;
	_ =	sdelay $0x1  }
0x5cc: {  	[tilespmem:s1+$0xD0] =	vst v14  }
0x5cd: {  	v14 =	vld [tilespmem:s4+$0xC7A0]  }
0x5ce: {  	(v2sf) =	vpush v13, $0xC;
	_ =	sdelay $0x3  }
0x5cf: {  	v15 =	vmul.f32 s6, v6;
	v14 =	vadd.f32 v14, v10;
	_ =	sdelay $0x1  }
0x5d0: {  	(v2sf) =	vpush v12, $0xC;
	v14 =	vadd.f32 v14, v15;
	_ =	sdelay $0x1  }
0x5d1: {  	[tilespmem:s1+$0xE0] =	vst v14  }
0x5d2: {  	v14 =	vld [tilespmem:s4+$0xC7B0];
	_ =	sdelay $0x4  }
0x5d3: {  	v15 =	vmul.f32 s6, v7;
	v14 =	vadd.f32 v14, v11  }
0x5d4: {  	s25 =	spop (v2sf)  }
0x5d5: {  	p0 =	sgt.s32 s25, $0x7CFFF;
	s4 =	simm.s32 $0x40;
	v14 =	vadd.f32 v14, v15  }
0x5d6: {  	s4 =	simm.s32 @!p0 $0x0  }
0x5d7: {  	s4 =	sadd.s32 $0x0, s4;
	[tilespmem:s1+$0xF0] =	vst v14  }
0x5d8: {  	v14 =	vld [tilespmem:s4+$0xC800];
	_ =	sdelay $0x1  }
0x5d9: {  	s26 =	spop (v2sf)  }
0x5da: {  	s6 =	scvt.s32.f32 s26;
	_ =	sdelay $0x1  }
0x5db: {  	v15 =	vmul.f32 s6, v4;
	v14 =	vadd.f32 v14, v8;
	_ =	sdelay $0x1  }
0x5dc: {  	v14 =	vadd.f32 v14, v15;
	_ =	sdelay $0x1  }
0x5dd: {  	[tilespmem:s1+$0x100] =	vst v14  }
0x5de: {  	v14 =	vld [tilespmem:s4+$0xC810];
	_ =	sdelay $0x4  }
0x5df: {  	v15 =	vmul.f32 s6, v5;
	v14 =	vadd.f32 v14, v9;
	_ =	sdelay $0x1  }
0x5e0: {  	v14 =	vadd.f32 v14, v15;
	_ =	sdelay $0x1  }
0x5e1: {  	[tilespmem:s1+$0x110] =	vst v14  }
0x5e2: {  	v14 =	vld [tilespmem:s4+$0xC820]  }
0x5e3: {  	(v2sf) =	vpush v13, $0xD;
	_ =	sdelay $0x3  }
0x5e4: {  	v15 =	vmul.f32 s6, v6;
	v14 =	vadd.f32 v14, v10;
	_ =	sdelay $0x1  }
0x5e5: {  	(v2sf) =	vpush v12, $0xD;
	v14 =	vadd.f32 v14, v15;
	_ =	sdelay $0x1  }
0x5e6: {  	[tilespmem:s1+$0x120] =	vst v14  }
0x5e7: {  	v14 =	vld [tilespmem:s4+$0xC830];
	_ =	sdelay $0x4  }
0x5e8: {  	v15 =	vmul.f32 s6, v7;
	v14 =	vadd.f32 v14, v11  }
0x5e9: {  	s7 =	spop (v2sf)  }
0x5ea: {  	p0 =	sgt.s32 s7, $0x7CFFF;
	s4 =	simm.s32 $0x40;
	v14 =	vadd.f32 v14, v15  }
0x5eb: {  	s4 =	simm.s32 @!p0 $0x0  }
0x5ec: {  	s4 =	sadd.s32 $0x0, s4;
	[tilespmem:s1+$0x130] =	vst v14  }
0x5ed: {  	v14 =	vld [tilespmem:s4+$0xC880];
	_ =	sdelay $0x1  }
0x5ee: {  	s9 =	spop (v2sf)  }
0x5ef: {  	s6 =	scvt.s32.f32 s9;
	_ =	sdelay $0x1  }
0x5f0: {  	v15 =	vmul.f32 s6, v4;
	v14 =	vadd.f32 v14, v8;
	_ =	sdelay $0x1  }
0x5f1: {  	v14 =	vadd.f32 v14, v15;
	_ =	sdelay $0x1  }
0x5f2: {  	[tilespmem:s1+$0x140] =	vst v14  }
0x5f3: {  	v14 =	vld [tilespmem:s4+$0xC890];
	_ =	sdelay $0x4  }
0x5f4: {  	v15 =	vmul.f32 s6, v5;
	v14 =	vadd.f32 v14, v9;
	_ =	sdelay $0x1  }
0x5f5: {  	v14 =	vadd.f32 v14, v15;
	_ =	sdelay $0x1  }
0x5f6: {  	[tilespmem:s1+$0x150] =	vst v14  }
0x5f7: {  	v14 =	vld [tilespmem:s4+$0xC8A0]  }
0x5f8: {  	(v2sf) =	vpush v13, $0xE;
	_ =	sdelay $0x3  }
0x5f9: {  	v15 =	vmul.f32 s6, v6;
	v14 =	vadd.f32 v14, v10;
	_ =	sdelay $0x1  }
0x5fa: {  	(v2sf) =	vpush v12, $0xE;
	v14 =	vadd.f32 v14, v15;
	_ =	sdelay $0x1  }
0x5fb: {  	[tilespmem:s1+$0x160] =	vst v14  }
0x5fc: {  	v14 =	vld [tilespmem:s4+$0xC8B0];
	_ =	sdelay $0x4  }
0x5fd: {  	v15 =	vmul.f32 s6, v7;
	v14 =	vadd.f32 v14, v11  }
0x5fe: {  	s11 =	spop (v2sf)  }
0x5ff: {  	p0 =	sgt.s32 s11, $0x7CFFF;
	s4 =	simm.s32 $0x40;
	v14 =	vadd.f32 v14, v15  }
0x600: {  	s4 =	simm.s32 @!p0 $0x0  }
0x601: {  	s4 =	sadd.s32 $0x0, s4;
	[tilespmem:s1+$0x170] =	vst v14  }
0x602: {  	v14 =	vld [tilespmem:s4+$0xC900];
	_ =	sdelay $0x1  }
0x603: {  	s12 =	spop (v2sf)  }
0x604: {  	s6 =	scvt.s32.f32 s12;
	_ =	sdelay $0x1  }
0x605: {  	v15 =	vmul.f32 s6, v4;
	v14 =	vadd.f32 v14, v8;
	_ =	sdelay $0x1  }
0x606: {  	v14 =	vadd.f32 v14, v15;
	_ =	sdelay $0x1  }
0x607: {  	[tilespmem:s1+$0x180] =	vst v14  }
0x608: {  	v14 =	vld [tilespmem:s4+$0xC910];
	_ =	sdelay $0x4  }
0x609: {  	v15 =	vmul.f32 s6, v5;
	v14 =	vadd.f32 v14, v9;
	_ =	sdelay $0x1  }
0x60a: {  	v14 =	vadd.f32 v14, v15;
	_ =	sdelay $0x1  }
0x60b: {  	[tilespmem:s1+$0x190] =	vst v14  }
0x60c: {  	v14 =	vld [tilespmem:s4+$0xC920]  }
0x60d: {  	(v2sf) =	vpush v13, $0xF;
	_ =	sdelay $0x3  }
0x60e: {  	v13 =	vadd.f32 v14, v10;
	v14 =	vmul.f32 s6, v6;
	_ =	sdelay $0x1  }
0x60f: {  	(v2sf) =	vpush v12, $0xF;
	v13 =	vadd.f32 v13, v14;
	_ =	sdelay $0x1  }
0x610: {  	[tilespmem:s1+$0x1A0] =	vst v13  }
0x611: {  	v12 =	vld [tilespmem:s4+$0xC930];
	_ =	sdelay $0x4  }
0x612: {  	v13 =	vmul.f32 s6, v7;
	v12 =	vadd.f32 v12, v11  }
0x613: {  	s25 =	spop (v2sf)  }
0x614: {  	p0 =	sgt.s32 s25, $0x7CFFF;
	s4 =	simm.s32 $0x40;
	v12 =	vadd.f32 v12, v13  }
0x615: {  	s4 =	simm.s32 @!p0 $0x0  }
0x616: {  	s4 =	sadd.s32 $0x0, s4;
	[tilespmem:s1+$0x1B0] =	vst v12  }
0x617: {  	v12 =	vld [tilespmem:s4+$0xC980];
	_ =	sdelay $0x1  }
0x618: {  	s26 =	spop (v2sf)  }
0x619: {  	s6 =	scvt.s32.f32 s26;
	_ =	sdelay $0x1  }
0x61a: {  	v13 =	vmul.f32 s6, v4;
	v12 =	vadd.f32 v12, v8;
	_ =	sdelay $0x1  }
0x61b: {  	v12 =	vadd.f32 v12, v13;
	_ =	sdelay $0x1  }
0x61c: {  	[tilespmem:s1+$0x1C0] =	vst v12  }
0x61d: {  	v12 =	vld [tilespmem:s4+$0xC990];
	_ =	sdelay $0x4  }
0x61e: {  	v13 =	vmul.f32 s6, v5;
	v12 =	vadd.f32 v12, v9;
	_ =	sdelay $0x1  }
0x61f: {  	v12 =	vadd.f32 v12, v13;
	_ =	sdelay $0x1  }
0x620: {  	[tilespmem:s1+$0x1D0] =	vst v12  }
0x621: {  	v12 =	vld [tilespmem:s4+$0xC9A0];
	_ =	sdelay $0x4  }
0x622: {  	v13 =	vmul.f32 s6, v6;
	v12 =	vadd.f32 v12, v10;
	_ =	sdelay $0x1  }
0x623: {  	v12 =	vadd.f32 v12, v13;
	_ =	sdelay $0x1  }
0x624: {  	[tilespmem:s1+$0x1E0] =	vst v12  }
0x625: {  	v12 =	vld [tilespmem:s4+$0xC9B0];
	_ =	sdelay $0x4  }
0x626: {  	v13 =	vmul.f32 s6, v7;
	v12 =	vadd.f32 v12, v11;
	_ =	sdelay $0x1  }
0x627: {  	v12 =	vadd.f32 v12, v13;
	_ =	sdelay $0x1  }
0x628: {  	s4 =	sadd.s32 $0x10, s28;
	[tilespmem:s1+$0x1F0] =	vst v12  }
0x629: {  	s11 =	simm.s32 $0x2000;
	s12 =	smov.u32 s29;
	s6 =	simm.s32 $0x4000;
	v12 =	vld [tilespmem:s4+$0x0]  }
.LBB2_5:
0x62a: {  	p0 =	sne.s32 s6, $0x1E000;
	_ =	sdelay $0x3  }
0x62b: {  	s12 =	sadd.s32 $0x10, s12;
	(v2sf) =	vpush v12, $0x0  }
0x62c: {  	v13 =	vld [tilespmem:s12+$0x0];
	_ =	sdelay $0x4  }
0x62d: {  	(v2sf) =	vpush v13, $0x0;
	_ =	sdelay $0x8  }
0x62e: {  	s7 =	spop (v2sf)  }
0x62f: {  	s9 =	simm.s32 $0x40;
	p1 =	sgt.s32 s7, $0x7CFFF  }
0x630: {  	s7 =	sshra.s32 s11, $0x2;
	s11 =	smov.u32 s6;
	s9 =	simm.s32 @!p1 $0x0  }
0x631: {  	s9 =	sadd.s32 s7, s9  }
0x632: {  	v14 =	vld [tilespmem:s9+$0xC200];
	_ =	sdelay $0x1  }
0x633: {  	s25 =	spop (v2sf)  }
0x634: {  	s25 =	scvt.s32.f32 s25;
	_ =	sdelay $0x1  }
0x635: {  	v14 =	vadd.f32 v14, v8;
	v15 =	vmul.f32 s25, v4;
	_ =	sdelay $0x1  }
0x636: {  	v14 =	vadd.f32 v15, v14  }
0x637: {  	s1 =	sadd.s32 $0x400, s1  }
0x638: {  	[tilespmem:s1+$0xFFFFFE00] =	vst v14  }
0x639: {  	v14 =	vld [tilespmem:s9+$0xC210];
	_ =	sdelay $0x4  }
0x63a: {  	v15 =	vmul.f32 s25, v5;
	v14 =	vadd.f32 v14, v9;
	_ =	sdelay $0x1  }
0x63b: {  	v14 =	vadd.f32 v15, v14;
	_ =	sdelay $0x1  }
0x63c: {  	[tilespmem:s1+$0xFFFFFE10] =	vst v14  }
0x63d: {  	v14 =	vld [tilespmem:s9+$0xC220]  }
0x63e: {  	(v2sf) =	vpush v12, $0x1;
	_ =	sdelay $0x3  }
0x63f: {  	v15 =	vmul.f32 s25, v6;
	v14 =	vadd.f32 v14, v10;
	_ =	sdelay $0x1  }
0x640: {  	v14 =	vadd.f32 v14, v15;
	(v2sf) =	vpush v13, $0x1;
	_ =	sdelay $0x1  }
0x641: {  	[tilespmem:s1+$0xFFFFFE20] =	vst v14  }
0x642: {  	v14 =	vld [tilespmem:s9+$0xC230];
	_ =	sdelay $0x4  }
0x643: {  	v15 =	vmul.f32 s25, v7;
	v14 =	vadd.f32 v14, v11  }
0x644: {  	s9 =	spop (v2sf)  }
0x645: {  	v14 =	vadd.f32 v14, v15;
	p1 =	sgt.s32 s9, $0x7CFFF;
	s9 =	simm.s32 $0x40  }
0x646: {  	s9 =	simm.s32 @!p1 $0x0  }
0x647: {  	[tilespmem:s1+$0xFFFFFE30] =	vst v14;
	s9 =	sadd.s32 s7, s9  }
0x648: {  	v14 =	vld [tilespmem:s9+$0xC280];
	_ =	sdelay $0x1  }
0x649: {  	s25 =	spop (v2sf)  }
0x64a: {  	s25 =	scvt.s32.f32 s25;
	_ =	sdelay $0x1  }
0x64b: {  	v14 =	vadd.f32 v14, v8;
	v15 =	vmul.f32 s25, v4;
	_ =	sdelay $0x1  }
0x64c: {  	v14 =	vadd.f32 v14, v15;
	_ =	sdelay $0x1  }
0x64d: {  	[tilespmem:s1+$0xFFFFFE40] =	vst v14  }
0x64e: {  	v14 =	vld [tilespmem:s9+$0xC290];
	_ =	sdelay $0x4  }
0x64f: {  	v15 =	vmul.f32 s25, v5;
	v14 =	vadd.f32 v14, v9;
	_ =	sdelay $0x1  }
0x650: {  	v14 =	vadd.f32 v14, v15;
	_ =	sdelay $0x1  }
0x651: {  	[tilespmem:s1+$0xFFFFFE50] =	vst v14  }
0x652: {  	v14 =	vld [tilespmem:s9+$0xC2A0]  }
0x653: {  	(v2sf) =	vpush v12, $0x2;
	_ =	sdelay $0x3  }
0x654: {  	v15 =	vmul.f32 s25, v6;
	v14 =	vadd.f32 v14, v10;
	_ =	sdelay $0x1  }
0x655: {  	v14 =	vadd.f32 v14, v15;
	(v2sf) =	vpush v13, $0x2;
	_ =	sdelay $0x1  }
0x656: {  	[tilespmem:s1+$0xFFFFFE60] =	vst v14  }
0x657: {  	v14 =	vld [tilespmem:s9+$0xC2B0];
	_ =	sdelay $0x4  }
0x658: {  	v15 =	vmul.f32 s25, v7;
	v14 =	vadd.f32 v14, v11  }
0x659: {  	s9 =	spop (v2sf)  }
0x65a: {  	v14 =	vadd.f32 v14, v15;
	p1 =	sgt.s32 s9, $0x7CFFF;
	s9 =	simm.s32 $0x40  }
0x65b: {  	s9 =	simm.s32 @!p1 $0x0  }
0x65c: {  	[tilespmem:s1+$0xFFFFFE70] =	vst v14;
	s9 =	sadd.s32 s7, s9  }
0x65d: {  	v14 =	vld [tilespmem:s9+$0xC300];
	_ =	sdelay $0x1  }
0x65e: {  	s25 =	spop (v2sf)  }
0x65f: {  	s25 =	scvt.s32.f32 s25;
	_ =	sdelay $0x1  }
0x660: {  	v14 =	vadd.f32 v14, v8;
	v15 =	vmul.f32 s25, v4;
	_ =	sdelay $0x1  }
0x661: {  	v14 =	vadd.f32 v14, v15;
	_ =	sdelay $0x1  }
0x662: {  	[tilespmem:s1+$0xFFFFFE80] =	vst v14  }
0x663: {  	v14 =	vld [tilespmem:s9+$0xC310];
	_ =	sdelay $0x4  }
0x664: {  	v15 =	vmul.f32 s25, v5;
	v14 =	vadd.f32 v14, v9;
	_ =	sdelay $0x1  }
0x665: {  	v14 =	vadd.f32 v14, v15;
	_ =	sdelay $0x1  }
0x666: {  	[tilespmem:s1+$0xFFFFFE90] =	vst v14  }
0x667: {  	v14 =	vld [tilespmem:s9+$0xC320]  }
0x668: {  	(v2sf) =	vpush v12, $0x3;
	_ =	sdelay $0x3  }
0x669: {  	v15 =	vmul.f32 s25, v6;
	v14 =	vadd.f32 v14, v10;
	_ =	sdelay $0x1  }
0x66a: {  	v14 =	vadd.f32 v14, v15;
	(v2sf) =	vpush v13, $0x3;
	_ =	sdelay $0x1  }
0x66b: {  	[tilespmem:s1+$0xFFFFFEA0] =	vst v14  }
0x66c: {  	v14 =	vld [tilespmem:s9+$0xC330];
	_ =	sdelay $0x4  }
0x66d: {  	v15 =	vmul.f32 s25, v7;
	v14 =	vadd.f32 v14, v11  }
0x66e: {  	s9 =	spop (v2sf)  }
0x66f: {  	v14 =	vadd.f32 v14, v15;
	p1 =	sgt.s32 s9, $0x7CFFF;
	s9 =	simm.s32 $0x40  }
0x670: {  	s9 =	simm.s32 @!p1 $0x0  }
0x671: {  	[tilespmem:s1+$0xFFFFFEB0] =	vst v14;
	s9 =	sadd.s32 s7, s9  }
0x672: {  	v14 =	vld [tilespmem:s9+$0xC380];
	_ =	sdelay $0x1  }
0x673: {  	s25 =	spop (v2sf)  }
0x674: {  	s25 =	scvt.s32.f32 s25;
	_ =	sdelay $0x1  }
0x675: {  	v14 =	vadd.f32 v14, v8;
	v15 =	vmul.f32 s25, v4;
	_ =	sdelay $0x1  }
0x676: {  	v14 =	vadd.f32 v14, v15;
	_ =	sdelay $0x1  }
0x677: {  	[tilespmem:s1+$0xFFFFFEC0] =	vst v14  }
0x678: {  	v14 =	vld [tilespmem:s9+$0xC390];
	_ =	sdelay $0x4  }
0x679: {  	v15 =	vmul.f32 s25, v5;
	v14 =	vadd.f32 v14, v9;
	_ =	sdelay $0x1  }
0x67a: {  	v14 =	vadd.f32 v14, v15;
	_ =	sdelay $0x1  }
0x67b: {  	[tilespmem:s1+$0xFFFFFED0] =	vst v14  }
0x67c: {  	v14 =	vld [tilespmem:s9+$0xC3A0]  }
0x67d: {  	(v2sf) =	vpush v12, $0x4;
	_ =	sdelay $0x3  }
0x67e: {  	v15 =	vmul.f32 s25, v6;
	v14 =	vadd.f32 v14, v10;
	_ =	sdelay $0x1  }
0x67f: {  	v14 =	vadd.f32 v14, v15;
	(v2sf) =	vpush v13, $0x4;
	_ =	sdelay $0x1  }
0x680: {  	[tilespmem:s1+$0xFFFFFEE0] =	vst v14  }
0x681: {  	v14 =	vld [tilespmem:s9+$0xC3B0];
	_ =	sdelay $0x4  }
0x682: {  	v15 =	vmul.f32 s25, v7;
	v14 =	vadd.f32 v14, v11  }
0x683: {  	s9 =	spop (v2sf)  }
0x684: {  	v14 =	vadd.f32 v14, v15;
	p1 =	sgt.s32 s9, $0x7CFFF;
	s9 =	simm.s32 $0x40  }
0x685: {  	s9 =	simm.s32 @!p1 $0x0  }
0x686: {  	[tilespmem:s1+$0xFFFFFEF0] =	vst v14;
	s9 =	sadd.s32 s7, s9  }
0x687: {  	v14 =	vld [tilespmem:s9+$0xC400];
	_ =	sdelay $0x1  }
0x688: {  	s25 =	spop (v2sf)  }
0x689: {  	s25 =	scvt.s32.f32 s25;
	_ =	sdelay $0x1  }
0x68a: {  	v14 =	vadd.f32 v14, v8;
	v15 =	vmul.f32 s25, v4;
	_ =	sdelay $0x1  }
0x68b: {  	v14 =	vadd.f32 v14, v15;
	_ =	sdelay $0x1  }
0x68c: {  	[tilespmem:s1+$0xFFFFFF00] =	vst v14  }
0x68d: {  	v14 =	vld [tilespmem:s9+$0xC410];
	_ =	sdelay $0x4  }
0x68e: {  	v15 =	vmul.f32 s25, v5;
	v14 =	vadd.f32 v14, v9;
	_ =	sdelay $0x1  }
0x68f: {  	v14 =	vadd.f32 v14, v15;
	_ =	sdelay $0x1  }
0x690: {  	[tilespmem:s1+$0xFFFFFF10] =	vst v14  }
0x691: {  	v14 =	vld [tilespmem:s9+$0xC420]  }
0x692: {  	(v2sf) =	vpush v12, $0x5;
	_ =	sdelay $0x3  }
0x693: {  	v15 =	vmul.f32 s25, v6;
	v14 =	vadd.f32 v14, v10;
	_ =	sdelay $0x1  }
0x694: {  	v14 =	vadd.f32 v14, v15;
	(v2sf) =	vpush v13, $0x5;
	_ =	sdelay $0x1  }
0x695: {  	[tilespmem:s1+$0xFFFFFF20] =	vst v14  }
0x696: {  	v14 =	vld [tilespmem:s9+$0xC430];
	_ =	sdelay $0x4  }
0x697: {  	v15 =	vmul.f32 s25, v7;
	v14 =	vadd.f32 v14, v11  }
0x698: {  	s9 =	spop (v2sf)  }
0x699: {  	v14 =	vadd.f32 v14, v15;
	p1 =	sgt.s32 s9, $0x7CFFF;
	s9 =	simm.s32 $0x40  }
0x69a: {  	s9 =	simm.s32 @!p1 $0x0  }
0x69b: {  	[tilespmem:s1+$0xFFFFFF30] =	vst v14;
	s9 =	sadd.s32 s7, s9  }
0x69c: {  	v14 =	vld [tilespmem:s9+$0xC480];
	_ =	sdelay $0x1  }
0x69d: {  	s25 =	spop (v2sf)  }
0x69e: {  	s25 =	scvt.s32.f32 s25;
	_ =	sdelay $0x1  }
0x69f: {  	v14 =	vadd.f32 v14, v8;
	v15 =	vmul.f32 s25, v4;
	_ =	sdelay $0x1  }
0x6a0: {  	v14 =	vadd.f32 v14, v15;
	_ =	sdelay $0x1  }
0x6a1: {  	[tilespmem:s1+$0xFFFFFF40] =	vst v14  }
0x6a2: {  	v14 =	vld [tilespmem:s9+$0xC490];
	_ =	sdelay $0x4  }
0x6a3: {  	v15 =	vmul.f32 s25, v5;
	v14 =	vadd.f32 v14, v9;
	_ =	sdelay $0x1  }
0x6a4: {  	v14 =	vadd.f32 v14, v15;
	_ =	sdelay $0x1  }
0x6a5: {  	[tilespmem:s1+$0xFFFFFF50] =	vst v14  }
0x6a6: {  	v14 =	vld [tilespmem:s9+$0xC4A0]  }
0x6a7: {  	(v2sf) =	vpush v12, $0x6;
	_ =	sdelay $0x3  }
0x6a8: {  	v15 =	vmul.f32 s25, v6;
	v14 =	vadd.f32 v14, v10;
	_ =	sdelay $0x1  }
0x6a9: {  	v14 =	vadd.f32 v14, v15;
	(v2sf) =	vpush v13, $0x6;
	_ =	sdelay $0x1  }
0x6aa: {  	[tilespmem:s1+$0xFFFFFF60] =	vst v14  }
0x6ab: {  	v14 =	vld [tilespmem:s9+$0xC4B0];
	_ =	sdelay $0x4  }
0x6ac: {  	v15 =	vmul.f32 s25, v7;
	v14 =	vadd.f32 v14, v11  }
0x6ad: {  	s9 =	spop (v2sf)  }
0x6ae: {  	v14 =	vadd.f32 v14, v15;
	p1 =	sgt.s32 s9, $0x7CFFF;
	s9 =	simm.s32 $0x40  }
0x6af: {  	s9 =	simm.s32 @!p1 $0x0  }
0x6b0: {  	[tilespmem:s1+$0xFFFFFF70] =	vst v14;
	s9 =	sadd.s32 s7, s9  }
0x6b1: {  	v14 =	vld [tilespmem:s9+$0xC500];
	_ =	sdelay $0x1  }
0x6b2: {  	s25 =	spop (v2sf)  }
0x6b3: {  	s25 =	scvt.s32.f32 s25;
	_ =	sdelay $0x1  }
0x6b4: {  	v14 =	vadd.f32 v14, v8;
	v15 =	vmul.f32 s25, v4;
	_ =	sdelay $0x1  }
0x6b5: {  	v14 =	vadd.f32 v14, v15;
	_ =	sdelay $0x1  }
0x6b6: {  	[tilespmem:s1+$0xFFFFFF80] =	vst v14  }
0x6b7: {  	v14 =	vld [tilespmem:s9+$0xC510];
	_ =	sdelay $0x4  }
0x6b8: {  	v15 =	vmul.f32 s25, v5;
	v14 =	vadd.f32 v14, v9;
	_ =	sdelay $0x1  }
0x6b9: {  	v14 =	vadd.f32 v14, v15;
	_ =	sdelay $0x1  }
0x6ba: {  	[tilespmem:s1+$0xFFFFFF90] =	vst v14  }
0x6bb: {  	v14 =	vld [tilespmem:s9+$0xC520]  }
0x6bc: {  	(v2sf) =	vpush v12, $0x7;
	_ =	sdelay $0x3  }
0x6bd: {  	v15 =	vmul.f32 s25, v6;
	v14 =	vadd.f32 v14, v10;
	_ =	sdelay $0x1  }
0x6be: {  	v14 =	vadd.f32 v14, v15;
	(v2sf) =	vpush v13, $0x7;
	_ =	sdelay $0x1  }
0x6bf: {  	[tilespmem:s1+$0xFFFFFFA0] =	vst v14  }
0x6c0: {  	v14 =	vld [tilespmem:s9+$0xC530];
	_ =	sdelay $0x4  }
0x6c1: {  	v15 =	vmul.f32 s25, v7;
	v14 =	vadd.f32 v14, v11  }
0x6c2: {  	s9 =	spop (v2sf)  }
0x6c3: {  	v14 =	vadd.f32 v14, v15;
	p1 =	sgt.s32 s9, $0x7CFFF;
	s9 =	simm.s32 $0x40  }
0x6c4: {  	s9 =	simm.s32 @!p1 $0x0  }
0x6c5: {  	[tilespmem:s1+$0xFFFFFFB0] =	vst v14;
	s9 =	sadd.s32 s7, s9  }
0x6c6: {  	v14 =	vld [tilespmem:s9+$0xC580];
	_ =	sdelay $0x1  }
0x6c7: {  	s25 =	spop (v2sf)  }
0x6c8: {  	s25 =	scvt.s32.f32 s25;
	_ =	sdelay $0x1  }
0x6c9: {  	v14 =	vadd.f32 v14, v8;
	v15 =	vmul.f32 s25, v4;
	_ =	sdelay $0x1  }
0x6ca: {  	v14 =	vadd.f32 v14, v15;
	_ =	sdelay $0x1  }
0x6cb: {  	[tilespmem:s1+$0xFFFFFFC0] =	vst v14  }
0x6cc: {  	v14 =	vld [tilespmem:s9+$0xC590];
	_ =	sdelay $0x4  }
0x6cd: {  	v15 =	vmul.f32 s25, v5;
	v14 =	vadd.f32 v14, v9;
	_ =	sdelay $0x1  }
0x6ce: {  	v14 =	vadd.f32 v14, v15;
	_ =	sdelay $0x1  }
0x6cf: {  	[tilespmem:s1+$0xFFFFFFD0] =	vst v14  }
0x6d0: {  	v14 =	vld [tilespmem:s9+$0xC5A0]  }
0x6d1: {  	(v2sf) =	vpush v12, $0x8;
	_ =	sdelay $0x3  }
0x6d2: {  	v15 =	vmul.f32 s25, v6;
	v14 =	vadd.f32 v14, v10;
	_ =	sdelay $0x1  }
0x6d3: {  	v14 =	vadd.f32 v14, v15;
	(v2sf) =	vpush v13, $0x8;
	_ =	sdelay $0x1  }
0x6d4: {  	[tilespmem:s1+$0xFFFFFFE0] =	vst v14  }
0x6d5: {  	v14 =	vld [tilespmem:s9+$0xC5B0];
	_ =	sdelay $0x4  }
0x6d6: {  	v15 =	vmul.f32 s25, v7;
	v14 =	vadd.f32 v14, v11  }
0x6d7: {  	s9 =	spop (v2sf)  }
0x6d8: {  	v14 =	vadd.f32 v14, v15;
	p1 =	sgt.s32 s9, $0x7CFFF;
	s9 =	simm.s32 $0x40  }
0x6d9: {  	s9 =	simm.s32 @!p1 $0x0  }
0x6da: {  	[tilespmem:s1+$0xFFFFFFF0] =	vst v14;
	s9 =	sadd.s32 s7, s9  }
0x6db: {  	v14 =	vld [tilespmem:s9+$0xC600];
	_ =	sdelay $0x1  }
0x6dc: {  	s25 =	spop (v2sf)  }
0x6dd: {  	s25 =	scvt.s32.f32 s25;
	_ =	sdelay $0x1  }
0x6de: {  	v14 =	vadd.f32 v14, v8;
	v15 =	vmul.f32 s25, v4;
	_ =	sdelay $0x1  }
0x6df: {  	v14 =	vadd.f32 v14, v15;
	_ =	sdelay $0x1  }
0x6e0: {  	[tilespmem:s1+$0x0] =	vst v14  }
0x6e1: {  	v14 =	vld [tilespmem:s9+$0xC610];
	_ =	sdelay $0x4  }
0x6e2: {  	v15 =	vmul.f32 s25, v5;
	v14 =	vadd.f32 v14, v9;
	_ =	sdelay $0x1  }
0x6e3: {  	v14 =	vadd.f32 v14, v15;
	_ =	sdelay $0x1  }
0x6e4: {  	[tilespmem:s1+$0x10] =	vst v14  }
0x6e5: {  	v14 =	vld [tilespmem:s9+$0xC620]  }
0x6e6: {  	(v2sf) =	vpush v12, $0x9;
	_ =	sdelay $0x3  }
0x6e7: {  	v15 =	vmul.f32 s25, v6;
	v14 =	vadd.f32 v14, v10;
	_ =	sdelay $0x1  }
0x6e8: {  	v14 =	vadd.f32 v14, v15;
	(v2sf) =	vpush v13, $0x9;
	_ =	sdelay $0x1  }
0x6e9: {  	[tilespmem:s1+$0x20] =	vst v14  }
0x6ea: {  	v14 =	vld [tilespmem:s9+$0xC630];
	_ =	sdelay $0x4  }
0x6eb: {  	v15 =	vmul.f32 s25, v7;
	v14 =	vadd.f32 v14, v11  }
0x6ec: {  	s9 =	spop (v2sf)  }
0x6ed: {  	v14 =	vadd.f32 v14, v15;
	p1 =	sgt.s32 s9, $0x7CFFF;
	s9 =	simm.s32 $0x40  }
0x6ee: {  	s9 =	simm.s32 @!p1 $0x0  }
0x6ef: {  	[tilespmem:s1+$0x30] =	vst v14;
	s9 =	sadd.s32 s7, s9  }
0x6f0: {  	v14 =	vld [tilespmem:s9+$0xC680];
	_ =	sdelay $0x1  }
0x6f1: {  	s25 =	spop (v2sf)  }
0x6f2: {  	s25 =	scvt.s32.f32 s25;
	_ =	sdelay $0x1  }
0x6f3: {  	v14 =	vadd.f32 v14, v8;
	v15 =	vmul.f32 s25, v4;
	_ =	sdelay $0x1  }
0x6f4: {  	v14 =	vadd.f32 v14, v15;
	_ =	sdelay $0x1  }
0x6f5: {  	[tilespmem:s1+$0x40] =	vst v14  }
0x6f6: {  	v14 =	vld [tilespmem:s9+$0xC690];
	_ =	sdelay $0x4  }
0x6f7: {  	v15 =	vmul.f32 s25, v5;
	v14 =	vadd.f32 v14, v9;
	_ =	sdelay $0x1  }
0x6f8: {  	v14 =	vadd.f32 v14, v15;
	_ =	sdelay $0x1  }
0x6f9: {  	[tilespmem:s1+$0x50] =	vst v14  }
0x6fa: {  	v14 =	vld [tilespmem:s9+$0xC6A0]  }
0x6fb: {  	(v2sf) =	vpush v12, $0xA;
	_ =	sdelay $0x3  }
0x6fc: {  	v15 =	vmul.f32 s25, v6;
	v14 =	vadd.f32 v14, v10;
	_ =	sdelay $0x1  }
0x6fd: {  	v14 =	vadd.f32 v14, v15;
	(v2sf) =	vpush v13, $0xA;
	_ =	sdelay $0x1  }
0x6fe: {  	[tilespmem:s1+$0x60] =	vst v14  }
0x6ff: {  	v14 =	vld [tilespmem:s9+$0xC6B0];
	_ =	sdelay $0x4  }
0x700: {  	v15 =	vmul.f32 s25, v7;
	v14 =	vadd.f32 v14, v11  }
0x701: {  	s9 =	spop (v2sf)  }
0x702: {  	v14 =	vadd.f32 v14, v15;
	p1 =	sgt.s32 s9, $0x7CFFF;
	s9 =	simm.s32 $0x40  }
0x703: {  	s9 =	simm.s32 @!p1 $0x0  }
0x704: {  	[tilespmem:s1+$0x70] =	vst v14;
	s9 =	sadd.s32 s7, s9  }
0x705: {  	v14 =	vld [tilespmem:s9+$0xC700];
	_ =	sdelay $0x1  }
0x706: {  	s25 =	spop (v2sf)  }
0x707: {  	s25 =	scvt.s32.f32 s25;
	_ =	sdelay $0x1  }
0x708: {  	v14 =	vadd.f32 v14, v8;
	v15 =	vmul.f32 s25, v4;
	_ =	sdelay $0x1  }
0x709: {  	v14 =	vadd.f32 v14, v15;
	_ =	sdelay $0x1  }
0x70a: {  	[tilespmem:s1+$0x80] =	vst v14  }
0x70b: {  	v14 =	vld [tilespmem:s9+$0xC710];
	_ =	sdelay $0x4  }
0x70c: {  	v15 =	vmul.f32 s25, v5;
	v14 =	vadd.f32 v14, v9;
	_ =	sdelay $0x1  }
0x70d: {  	v14 =	vadd.f32 v14, v15;
	_ =	sdelay $0x1  }
0x70e: {  	[tilespmem:s1+$0x90] =	vst v14  }
0x70f: {  	v14 =	vld [tilespmem:s9+$0xC720]  }
0x710: {  	(v2sf) =	vpush v12, $0xB;
	_ =	sdelay $0x3  }
0x711: {  	v15 =	vmul.f32 s25, v6;
	v14 =	vadd.f32 v14, v10;
	_ =	sdelay $0x1  }
0x712: {  	v14 =	vadd.f32 v14, v15;
	(v2sf) =	vpush v13, $0xB;
	_ =	sdelay $0x1  }
0x713: {  	[tilespmem:s1+$0xA0] =	vst v14  }
0x714: {  	v14 =	vld [tilespmem:s9+$0xC730];
	_ =	sdelay $0x4  }
0x715: {  	v15 =	vmul.f32 s25, v7;
	v14 =	vadd.f32 v14, v11  }
0x716: {  	s9 =	spop (v2sf)  }
0x717: {  	v14 =	vadd.f32 v14, v15;
	p1 =	sgt.s32 s9, $0x7CFFF;
	s9 =	simm.s32 $0x40  }
0x718: {  	s9 =	simm.s32 @!p1 $0x0  }
0x719: {  	[tilespmem:s1+$0xB0] =	vst v14;
	s9 =	sadd.s32 s7, s9  }
0x71a: {  	v14 =	vld [tilespmem:s9+$0xC780];
	_ =	sdelay $0x1  }
0x71b: {  	s25 =	spop (v2sf)  }
0x71c: {  	s25 =	scvt.s32.f32 s25;
	_ =	sdelay $0x1  }
0x71d: {  	v14 =	vadd.f32 v14, v8;
	v15 =	vmul.f32 s25, v4;
	_ =	sdelay $0x1  }
0x71e: {  	v14 =	vadd.f32 v14, v15;
	_ =	sdelay $0x1  }
0x71f: {  	[tilespmem:s1+$0xC0] =	vst v14  }
0x720: {  	v14 =	vld [tilespmem:s9+$0xC790];
	_ =	sdelay $0x4  }
0x721: {  	v15 =	vmul.f32 s25, v5;
	v14 =	vadd.f32 v14, v9;
	_ =	sdelay $0x1  }
0x722: {  	v14 =	vadd.f32 v14, v15;
	_ =	sdelay $0x1  }
0x723: {  	[tilespmem:s1+$0xD0] =	vst v14  }
0x724: {  	v14 =	vld [tilespmem:s9+$0xC7A0]  }
0x725: {  	(v2sf) =	vpush v12, $0xC;
	_ =	sdelay $0x3  }
0x726: {  	v15 =	vmul.f32 s25, v6;
	v14 =	vadd.f32 v14, v10;
	_ =	sdelay $0x1  }
0x727: {  	v14 =	vadd.f32 v14, v15;
	(v2sf) =	vpush v13, $0xC;
	_ =	sdelay $0x1  }
0x728: {  	[tilespmem:s1+$0xE0] =	vst v14  }
0x729: {  	v14 =	vld [tilespmem:s9+$0xC7B0];
	_ =	sdelay $0x4  }
0x72a: {  	v15 =	vmul.f32 s25, v7;
	v14 =	vadd.f32 v14, v11  }
0x72b: {  	s9 =	spop (v2sf)  }
0x72c: {  	v14 =	vadd.f32 v14, v15;
	p1 =	sgt.s32 s9, $0x7CFFF;
	s9 =	simm.s32 $0x40  }
0x72d: {  	s9 =	simm.s32 @!p1 $0x0  }
0x72e: {  	[tilespmem:s1+$0xF0] =	vst v14;
	s9 =	sadd.s32 s7, s9  }
0x72f: {  	v14 =	vld [tilespmem:s9+$0xC800];
	_ =	sdelay $0x1  }
0x730: {  	s25 =	spop (v2sf)  }
0x731: {  	s25 =	scvt.s32.f32 s25;
	_ =	sdelay $0x1  }
0x732: {  	v14 =	vadd.f32 v14, v8;
	v15 =	vmul.f32 s25, v4;
	_ =	sdelay $0x1  }
0x733: {  	v14 =	vadd.f32 v14, v15;
	_ =	sdelay $0x1  }
0x734: {  	[tilespmem:s1+$0x100] =	vst v14  }
0x735: {  	v14 =	vld [tilespmem:s9+$0xC810];
	_ =	sdelay $0x4  }
0x736: {  	v15 =	vmul.f32 s25, v5;
	v14 =	vadd.f32 v14, v9;
	_ =	sdelay $0x1  }
0x737: {  	v14 =	vadd.f32 v14, v15;
	_ =	sdelay $0x1  }
0x738: {  	[tilespmem:s1+$0x110] =	vst v14  }
0x739: {  	v14 =	vld [tilespmem:s9+$0xC820]  }
0x73a: {  	(v2sf) =	vpush v12, $0xD;
	_ =	sdelay $0x3  }
0x73b: {  	v15 =	vmul.f32 s25, v6;
	v14 =	vadd.f32 v14, v10;
	_ =	sdelay $0x1  }
0x73c: {  	v14 =	vadd.f32 v14, v15;
	(v2sf) =	vpush v13, $0xD;
	_ =	sdelay $0x1  }
0x73d: {  	[tilespmem:s1+$0x120] =	vst v14  }
0x73e: {  	v14 =	vld [tilespmem:s9+$0xC830];
	_ =	sdelay $0x4  }
0x73f: {  	v15 =	vmul.f32 s25, v7;
	v14 =	vadd.f32 v14, v11  }
0x740: {  	s9 =	spop (v2sf)  }
0x741: {  	v14 =	vadd.f32 v14, v15;
	p1 =	sgt.s32 s9, $0x7CFFF;
	s9 =	simm.s32 $0x40  }
0x742: {  	s9 =	simm.s32 @!p1 $0x0  }
0x743: {  	[tilespmem:s1+$0x130] =	vst v14;
	s9 =	sadd.s32 s7, s9  }
0x744: {  	v14 =	vld [tilespmem:s9+$0xC880];
	_ =	sdelay $0x1  }
0x745: {  	s25 =	spop (v2sf)  }
0x746: {  	s25 =	scvt.s32.f32 s25;
	_ =	sdelay $0x1  }
0x747: {  	v14 =	vadd.f32 v14, v8;
	v15 =	vmul.f32 s25, v4;
	_ =	sdelay $0x1  }
0x748: {  	v14 =	vadd.f32 v14, v15;
	_ =	sdelay $0x1  }
0x749: {  	[tilespmem:s1+$0x140] =	vst v14  }
0x74a: {  	v14 =	vld [tilespmem:s9+$0xC890];
	_ =	sdelay $0x4  }
0x74b: {  	v15 =	vmul.f32 s25, v5;
	v14 =	vadd.f32 v14, v9;
	_ =	sdelay $0x1  }
0x74c: {  	v14 =	vadd.f32 v14, v15;
	_ =	sdelay $0x1  }
0x74d: {  	[tilespmem:s1+$0x150] =	vst v14  }
0x74e: {  	v14 =	vld [tilespmem:s9+$0xC8A0]  }
0x74f: {  	(v2sf) =	vpush v12, $0xE;
	_ =	sdelay $0x3  }
0x750: {  	v15 =	vmul.f32 s25, v6;
	v14 =	vadd.f32 v14, v10;
	_ =	sdelay $0x1  }
0x751: {  	v14 =	vadd.f32 v14, v15;
	(v2sf) =	vpush v13, $0xE;
	_ =	sdelay $0x1  }
0x752: {  	[tilespmem:s1+$0x160] =	vst v14  }
0x753: {  	v14 =	vld [tilespmem:s9+$0xC8B0];
	_ =	sdelay $0x4  }
0x754: {  	v15 =	vmul.f32 s25, v7;
	v14 =	vadd.f32 v14, v11  }
0x755: {  	s9 =	spop (v2sf)  }
0x756: {  	v14 =	vadd.f32 v14, v15;
	p1 =	sgt.s32 s9, $0x7CFFF;
	s9 =	simm.s32 $0x40  }
0x757: {  	s9 =	simm.s32 @!p1 $0x0  }
0x758: {  	[tilespmem:s1+$0x170] =	vst v14;
	s9 =	sadd.s32 s7, s9  }
0x759: {  	v14 =	vld [tilespmem:s9+$0xC900];
	_ =	sdelay $0x1  }
0x75a: {  	s25 =	spop (v2sf)  }
0x75b: {  	s25 =	scvt.s32.f32 s25;
	_ =	sdelay $0x1  }
0x75c: {  	v14 =	vadd.f32 v14, v8;
	v15 =	vmul.f32 s25, v4;
	_ =	sdelay $0x1  }
0x75d: {  	v14 =	vadd.f32 v14, v15;
	_ =	sdelay $0x1  }
0x75e: {  	[tilespmem:s1+$0x180] =	vst v14  }
0x75f: {  	v14 =	vld [tilespmem:s9+$0xC910];
	_ =	sdelay $0x4  }
0x760: {  	v15 =	vmul.f32 s25, v5;
	v14 =	vadd.f32 v14, v9;
	_ =	sdelay $0x1  }
0x761: {  	v14 =	vadd.f32 v14, v15;
	_ =	sdelay $0x1  }
0x762: {  	[tilespmem:s1+$0x190] =	vst v14  }
0x763: {  	v14 =	vld [tilespmem:s9+$0xC920]  }
0x764: {  	(v2sf) =	vpush v12, $0xF;
	_ =	sdelay $0x3  }
0x765: {  	v12 =	vadd.f32 v14, v10;
	v14 =	vmul.f32 s25, v6;
	_ =	sdelay $0x1  }
0x766: {  	v12 =	vadd.f32 v12, v14;
	(v2sf) =	vpush v13, $0xF;
	_ =	sdelay $0x1  }
0x767: {  	[tilespmem:s1+$0x1A0] =	vst v12  }
0x768: {  	v12 =	vld [tilespmem:s9+$0xC930];
	_ =	sdelay $0x4  }
0x769: {  	v13 =	vmul.f32 s25, v7;
	v12 =	vadd.f32 v12, v11  }
0x76a: {  	s9 =	spop (v2sf)  }
0x76b: {  	v12 =	vadd.f32 v12, v13;
	p1 =	sgt.s32 s9, $0x7CFFF;
	s9 =	simm.s32 $0x40  }
0x76c: {  	s9 =	simm.s32 @!p1 $0x0  }
0x76d: {  	[tilespmem:s1+$0x1B0] =	vst v12;
	s7 =	sadd.s32 s7, s9  }
0x76e: {  	v12 =	vld [tilespmem:s7+$0xC980];
	_ =	sdelay $0x1  }
0x76f: {  	s9 =	spop (v2sf)  }
0x770: {  	s9 =	scvt.s32.f32 s9;
	_ =	sdelay $0x1  }
0x771: {  	v12 =	vadd.f32 v12, v8;
	v13 =	vmul.f32 s9, v4;
	v14 =	vmul.f32 s9, v6  }
0x772: {  	v15 =	vmul.f32 s9, v7  }
0x773: {  	v12 =	vadd.f32 v12, v13;
	_ =	sdelay $0x1  }
0x774: {  	[tilespmem:s1+$0x1C0] =	vst v12  }
0x775: {  	v12 =	vld [tilespmem:s7+$0xC990];
	_ =	sdelay $0x4  }
0x776: {  	v13 =	vmul.f32 s9, v5;
	v12 =	vadd.f32 v12, v9;
	_ =	sdelay $0x1  }
0x777: {  	v12 =	vadd.f32 v12, v13;
	_ =	sdelay $0x1  }
0x778: {  	[tilespmem:s1+$0x1D0] =	vst v12  }
0x779: {  	v12 =	vld [tilespmem:s7+$0xC9A0];
	_ =	sdelay $0x4  }
0x77a: {  	v12 =	vadd.f32 v12, v10;
	_ =	sdelay $0x1  }
0x77b: {  	v12 =	vadd.f32 v12, v14;
	_ =	sdelay $0x1  }
0x77c: {  	[tilespmem:s1+$0x1E0] =	vst v12  }
0x77d: {  	v12 =	vld [tilespmem:s7+$0xC9B0];
	_ =	sdelay $0x4  }
0x77e: {  	v12 =	vadd.f32 v12, v11  }
.Ltmp1:
0x77f: {  	(pc) =	sbr.rel @p0 .LBB2_5-.Ltmp1, $3  }
0x780: {  	v12 =	vadd.f32 v12, v15;
	_ =	sdelay $0x1  }
0x781: {  	s4 =	sadd.s32 $0x10, s4;
	[tilespmem:s1+$0x1F0] =	vst v12  }
0x782: {  	s6 =	sadd.s32 $0x2000, s6;
	v12 =	vld [tilespmem:s4+$0x0]  }
0x783: {  	_ =	sdelay $0x3  }
0x784: {  	s4 =	sadd.s32 $0x10, s12;
	(v2sf) =	vpush v12, $0x0  }
0x785: {  	v13 =	vld [tilespmem:s4+$0x0];
	_ =	sdelay $0x4  }
0x786: {  	(v2sf) =	vpush v13, $0x0;
	_ =	sdelay $0x8  }
0x787: {  	s6 =	spop (v2sf)  }
0x788: {  	p0 =	sgt.s32 s6, $0x7CFFF;
	s6 =	simm.s32 $0x40  }
0x789: {  	s4 =	sshra.s32 s11, $0x2;
	s6 =	simm.s32 @!p0 $0x0  }
0x78a: {  	s6 =	sadd.s32 s4, s6  }
0x78b: {  	v14 =	vld [tilespmem:s6+$0xC200];
	_ =	sdelay $0x1  }
0x78c: {  	s7 =	spop (v2sf)  }
0x78d: {  	s7 =	scvt.s32.f32 s7;
	_ =	sdelay $0x1  }
0x78e: {  	v15 =	vmul.f32 s7, v4;
	v14 =	vadd.f32 v14, v8;
	_ =	sdelay $0x1  }
0x78f: {  	v14 =	vadd.f32 v15, v14  }
0x790: {  	s1 =	sadd.s32 $0x400, s1  }
0x791: {  	[tilespmem:s1+$0xFFFFFE00] =	vst v14  }
0x792: {  	v14 =	vld [tilespmem:s6+$0xC210];
	_ =	sdelay $0x4  }
0x793: {  	v46 =	vmul.f32 s7, v5;
	v14 =	vadd.f32 v14, v9;
	_ =	sdelay $0x1  }
0x794: {  	v14 =	vadd.f32 v46, v14;
	_ =	sdelay $0x1  }
0x795: {  	[tilespmem:s1+$0xFFFFFE10] =	vst v14  }
0x796: {  	v14 =	vld [tilespmem:s6+$0xC220]  }
0x797: {  	(v2sf) =	vpush v12, $0x1;
	_ =	sdelay $0x3  }
0x798: {  	v47 =	vmul.f32 s7, v6;
	v14 =	vadd.f32 v14, v10;
	_ =	sdelay $0x1  }
0x799: {  	(v2sf) =	vpush v13, $0x1;
	v14 =	vadd.f32 v14, v47;
	_ =	sdelay $0x1  }
0x79a: {  	[tilespmem:s1+$0xFFFFFE20] =	vst v14  }
0x79b: {  	v14 =	vld [tilespmem:s6+$0xC230];
	_ =	sdelay $0x4  }
0x79c: {  	v48 =	vmul.f32 s7, v7;
	v14 =	vadd.f32 v14, v11  }
0x79d: {  	s7 =	spop (v2sf)  }
0x79e: {  	p0 =	sgt.s32 s7, $0x7CFFF;
	s6 =	simm.s32 $0x40;
	v14 =	vadd.f32 v14, v48  }
0x79f: {  	s6 =	simm.s32 @!p0 $0x0  }
0x7a0: {  	s6 =	sadd.s32 s4, s6;
	[tilespmem:s1+$0xFFFFFE30] =	vst v14  }
0x7a1: {  	v14 =	vld [tilespmem:s6+$0xC280];
	_ =	sdelay $0x1  }
0x7a2: {  	s9 =	spop (v2sf)  }
0x7a3: {  	s7 =	scvt.s32.f32 s9;
	_ =	sdelay $0x1  }
0x7a4: {  	v49 =	vmul.f32 s7, v4;
	v14 =	vadd.f32 v14, v8;
	_ =	sdelay $0x1  }
0x7a5: {  	v14 =	vadd.f32 v14, v49;
	_ =	sdelay $0x1  }
0x7a6: {  	[tilespmem:s1+$0xFFFFFE40] =	vst v14  }
0x7a7: {  	v14 =	vld [tilespmem:s6+$0xC290];
	_ =	sdelay $0x4  }
0x7a8: {  	v50 =	vmul.f32 s7, v5;
	v14 =	vadd.f32 v14, v9;
	_ =	sdelay $0x1  }
0x7a9: {  	v14 =	vadd.f32 v14, v50;
	_ =	sdelay $0x1  }
0x7aa: {  	[tilespmem:s1+$0xFFFFFE50] =	vst v14  }
0x7ab: {  	v14 =	vld [tilespmem:s6+$0xC2A0]  }
0x7ac: {  	(v2sf) =	vpush v12, $0x2;
	_ =	sdelay $0x3  }
0x7ad: {  	v51 =	vmul.f32 s7, v6;
	v14 =	vadd.f32 v14, v10;
	_ =	sdelay $0x1  }
0x7ae: {  	(v2sf) =	vpush v13, $0x2;
	v14 =	vadd.f32 v14, v51;
	_ =	sdelay $0x1  }
0x7af: {  	[tilespmem:s1+$0xFFFFFE60] =	vst v14  }
0x7b0: {  	v14 =	vld [tilespmem:s6+$0xC2B0];
	_ =	sdelay $0x4  }
0x7b1: {  	v52 =	vmul.f32 s7, v7;
	v14 =	vadd.f32 v14, v11  }
0x7b2: {  	s11 =	spop (v2sf)  }
0x7b3: {  	p0 =	sgt.s32 s11, $0x7CFFF;
	s6 =	simm.s32 $0x40;
	v14 =	vadd.f32 v14, v52  }
0x7b4: {  	s6 =	simm.s32 @!p0 $0x0  }
0x7b5: {  	s6 =	sadd.s32 s4, s6;
	[tilespmem:s1+$0xFFFFFE70] =	vst v14  }
0x7b6: {  	v14 =	vld [tilespmem:s6+$0xC300];
	_ =	sdelay $0x1  }
0x7b7: {  	s12 =	spop (v2sf)  }
0x7b8: {  	s7 =	scvt.s32.f32 s12;
	_ =	sdelay $0x1  }
0x7b9: {  	v53 =	vmul.f32 s7, v4;
	v14 =	vadd.f32 v14, v8;
	_ =	sdelay $0x1  }
0x7ba: {  	v14 =	vadd.f32 v14, v53;
	_ =	sdelay $0x1  }
0x7bb: {  	[tilespmem:s1+$0xFFFFFE80] =	vst v14  }
0x7bc: {  	v14 =	vld [tilespmem:s6+$0xC310];
	_ =	sdelay $0x4  }
0x7bd: {  	v54 =	vmul.f32 s7, v5;
	v14 =	vadd.f32 v14, v9;
	_ =	sdelay $0x1  }
0x7be: {  	v14 =	vadd.f32 v14, v54;
	_ =	sdelay $0x1  }
0x7bf: {  	[tilespmem:s1+$0xFFFFFE90] =	vst v14  }
0x7c0: {  	v14 =	vld [tilespmem:s6+$0xC320]  }
0x7c1: {  	(v2sf) =	vpush v12, $0x3;
	_ =	sdelay $0x3  }
0x7c2: {  	v55 =	vmul.f32 s7, v6;
	v14 =	vadd.f32 v14, v10;
	_ =	sdelay $0x1  }
0x7c3: {  	(v2sf) =	vpush v13, $0x3;
	v14 =	vadd.f32 v14, v55;
	_ =	sdelay $0x1  }
0x7c4: {  	[tilespmem:s1+$0xFFFFFEA0] =	vst v14  }
0x7c5: {  	v14 =	vld [tilespmem:s6+$0xC330];
	_ =	sdelay $0x4  }
0x7c6: {  	v56 =	vmul.f32 s7, v7;
	v14 =	vadd.f32 v14, v11  }
0x7c7: {  	s25 =	spop (v2sf)  }
0x7c8: {  	p0 =	sgt.s32 s25, $0x7CFFF;
	s6 =	simm.s32 $0x40;
	v14 =	vadd.f32 v14, v56  }
0x7c9: {  	s6 =	simm.s32 @!p0 $0x0  }
0x7ca: {  	s6 =	sadd.s32 s4, s6;
	[tilespmem:s1+$0xFFFFFEB0] =	vst v14  }
0x7cb: {  	v14 =	vld [tilespmem:s6+$0xC380];
	_ =	sdelay $0x1  }
0x7cc: {  	s26 =	spop (v2sf)  }
0x7cd: {  	s7 =	scvt.s32.f32 s26;
	_ =	sdelay $0x1  }
0x7ce: {  	v57 =	vmul.f32 s7, v4;
	v14 =	vadd.f32 v14, v8;
	_ =	sdelay $0x1  }
0x7cf: {  	v14 =	vadd.f32 v14, v57;
	_ =	sdelay $0x1  }
0x7d0: {  	[tilespmem:s1+$0xFFFFFEC0] =	vst v14  }
0x7d1: {  	v14 =	vld [tilespmem:s6+$0xC390];
	_ =	sdelay $0x4  }
0x7d2: {  	v58 =	vmul.f32 s7, v5;
	v14 =	vadd.f32 v14, v9;
	_ =	sdelay $0x1  }
0x7d3: {  	v14 =	vadd.f32 v14, v58;
	_ =	sdelay $0x1  }
0x7d4: {  	[tilespmem:s1+$0xFFFFFED0] =	vst v14  }
0x7d5: {  	v14 =	vld [tilespmem:s6+$0xC3A0]  }
0x7d6: {  	(v2sf) =	vpush v12, $0x4;
	_ =	sdelay $0x3  }
0x7d7: {  	v59 =	vmul.f32 s7, v6;
	v14 =	vadd.f32 v14, v10;
	_ =	sdelay $0x1  }
0x7d8: {  	(v2sf) =	vpush v13, $0x4;
	v14 =	vadd.f32 v14, v59;
	_ =	sdelay $0x1  }
0x7d9: {  	[tilespmem:s1+$0xFFFFFEE0] =	vst v14  }
0x7da: {  	v14 =	vld [tilespmem:s6+$0xC3B0];
	_ =	sdelay $0x4  }
0x7db: {  	v60 =	vmul.f32 s7, v7;
	v14 =	vadd.f32 v14, v11  }
0x7dc: {  	s7 =	spop (v2sf)  }
0x7dd: {  	p0 =	sgt.s32 s7, $0x7CFFF;
	s6 =	simm.s32 $0x40;
	v14 =	vadd.f32 v14, v60  }
0x7de: {  	s6 =	simm.s32 @!p0 $0x0  }
0x7df: {  	s6 =	sadd.s32 s4, s6;
	[tilespmem:s1+$0xFFFFFEF0] =	vst v14  }
0x7e0: {  	v14 =	vld [tilespmem:s6+$0xC400];
	_ =	sdelay $0x1  }
0x7e1: {  	s9 =	spop (v2sf)  }
0x7e2: {  	s7 =	scvt.s32.f32 s9;
	_ =	sdelay $0x1  }
0x7e3: {  	v61 =	vmul.f32 s7, v4;
	v14 =	vadd.f32 v14, v8;
	_ =	sdelay $0x1  }
0x7e4: {  	v14 =	vadd.f32 v14, v61;
	_ =	sdelay $0x1  }
0x7e5: {  	[tilespmem:s1+$0xFFFFFF00] =	vst v14  }
0x7e6: {  	v14 =	vld [tilespmem:s6+$0xC410];
	_ =	sdelay $0x4  }
0x7e7: {  	v62 =	vmul.f32 s7, v5;
	v14 =	vadd.f32 v14, v9;
	_ =	sdelay $0x1  }
0x7e8: {  	v14 =	vadd.f32 v14, v62;
	_ =	sdelay $0x1  }
0x7e9: {  	[tilespmem:s1+$0xFFFFFF10] =	vst v14  }
0x7ea: {  	v14 =	vld [tilespmem:s6+$0xC420]  }
0x7eb: {  	(v2sf) =	vpush v12, $0x5;
	_ =	sdelay $0x3  }
0x7ec: {  	v63 =	vmul.f32 s7, v6;
	v14 =	vadd.f32 v14, v10;
	_ =	sdelay $0x1  }
0x7ed: {  	(v2sf) =	vpush v13, $0x5;
	v14 =	vadd.f32 v14, v63;
	_ =	sdelay $0x1  }
0x7ee: {  	[tilespmem:s1+$0xFFFFFF20] =	vst v14  }
0x7ef: {  	v14 =	vld [tilespmem:s6+$0xC430];
	_ =	sdelay $0x4  }
0x7f0: {  	v18 =	vmul.f32 s7, v7;
	v14 =	vadd.f32 v14, v11  }
0x7f1: {  	s11 =	spop (v2sf)  }
0x7f2: {  	p0 =	sgt.s32 s11, $0x7CFFF;
	s6 =	simm.s32 $0x40;
	v14 =	vadd.f32 v14, v18  }
0x7f3: {  	s6 =	simm.s32 @!p0 $0x0  }
0x7f4: {  	s6 =	sadd.s32 s4, s6;
	[tilespmem:s1+$0xFFFFFF30] =	vst v14  }
0x7f5: {  	v14 =	vld [tilespmem:s6+$0xC480];
	_ =	sdelay $0x1  }
0x7f6: {  	s12 =	spop (v2sf)  }
0x7f7: {  	s7 =	scvt.s32.f32 s12;
	_ =	sdelay $0x1  }
0x7f8: {  	v19 =	vmul.f32 s7, v4;
	v14 =	vadd.f32 v14, v8;
	_ =	sdelay $0x1  }
0x7f9: {  	v14 =	vadd.f32 v14, v19;
	_ =	sdelay $0x1  }
0x7fa: {  	[tilespmem:s1+$0xFFFFFF40] =	vst v14  }
0x7fb: {  	v14 =	vld [tilespmem:s6+$0xC490];
	_ =	sdelay $0x4  }
0x7fc: {  	v20 =	vmul.f32 s7, v5;
	v14 =	vadd.f32 v14, v9;
	_ =	sdelay $0x1  }
0x7fd: {  	v14 =	vadd.f32 v14, v20;
	_ =	sdelay $0x1  }
0x7fe: {  	[tilespmem:s1+$0xFFFFFF50] =	vst v14  }
0x7ff: {  	v14 =	vld [tilespmem:s6+$0xC4A0]  }
0x800: {  	(v2sf) =	vpush v12, $0x6;
	_ =	sdelay $0x3  }
0x801: {  	v21 =	vmul.f32 s7, v6;
	v14 =	vadd.f32 v14, v10;
	_ =	sdelay $0x1  }
0x802: {  	(v2sf) =	vpush v13, $0x6;
	v14 =	vadd.f32 v14, v21;
	_ =	sdelay $0x1  }
0x803: {  	[tilespmem:s1+$0xFFFFFF60] =	vst v14  }
0x804: {  	v14 =	vld [tilespmem:s6+$0xC4B0];
	_ =	sdelay $0x4  }
0x805: {  	v22 =	vmul.f32 s7, v7;
	v14 =	vadd.f32 v14, v11  }
0x806: {  	s25 =	spop (v2sf)  }
0x807: {  	p0 =	sgt.s32 s25, $0x7CFFF;
	s6 =	simm.s32 $0x40;
	v14 =	vadd.f32 v14, v22  }
0x808: {  	s6 =	simm.s32 @!p0 $0x0  }
0x809: {  	s6 =	sadd.s32 s4, s6;
	[tilespmem:s1+$0xFFFFFF70] =	vst v14  }
0x80a: {  	v14 =	vld [tilespmem:s6+$0xC500];
	_ =	sdelay $0x1  }
0x80b: {  	s26 =	spop (v2sf)  }
0x80c: {  	s7 =	scvt.s32.f32 s26;
	_ =	sdelay $0x1  }
0x80d: {  	v23 =	vmul.f32 s7, v4;
	v14 =	vadd.f32 v14, v8;
	_ =	sdelay $0x1  }
0x80e: {  	v14 =	vadd.f32 v14, v23;
	_ =	sdelay $0x1  }
0x80f: {  	[tilespmem:s1+$0xFFFFFF80] =	vst v14  }
0x810: {  	v14 =	vld [tilespmem:s6+$0xC510];
	_ =	sdelay $0x4  }
0x811: {  	v24 =	vmul.f32 s7, v5;
	v14 =	vadd.f32 v14, v9;
	_ =	sdelay $0x1  }
0x812: {  	v14 =	vadd.f32 v14, v24;
	_ =	sdelay $0x1  }
0x813: {  	[tilespmem:s1+$0xFFFFFF90] =	vst v14  }
0x814: {  	v14 =	vld [tilespmem:s6+$0xC520]  }
0x815: {  	(v2sf) =	vpush v12, $0x7;
	_ =	sdelay $0x3  }
0x816: {  	v25 =	vmul.f32 s7, v6;
	v14 =	vadd.f32 v14, v10;
	_ =	sdelay $0x1  }
0x817: {  	(v2sf) =	vpush v13, $0x7;
	v14 =	vadd.f32 v14, v25;
	_ =	sdelay $0x1  }
0x818: {  	[tilespmem:s1+$0xFFFFFFA0] =	vst v14  }
0x819: {  	v14 =	vld [tilespmem:s6+$0xC530];
	_ =	sdelay $0x4  }
0x81a: {  	v26 =	vmul.f32 s7, v7;
	v14 =	vadd.f32 v14, v11  }
0x81b: {  	s7 =	spop (v2sf)  }
0x81c: {  	p0 =	sgt.s32 s7, $0x7CFFF;
	s6 =	simm.s32 $0x40;
	v14 =	vadd.f32 v14, v26  }
0x81d: {  	s6 =	simm.s32 @!p0 $0x0  }
0x81e: {  	s6 =	sadd.s32 s4, s6;
	[tilespmem:s1+$0xFFFFFFB0] =	vst v14  }
0x81f: {  	v14 =	vld [tilespmem:s6+$0xC580];
	_ =	sdelay $0x1  }
0x820: {  	s9 =	spop (v2sf)  }
0x821: {  	s7 =	scvt.s32.f32 s9;
	_ =	sdelay $0x1  }
0x822: {  	v27 =	vmul.f32 s7, v4;
	v14 =	vadd.f32 v14, v8;
	_ =	sdelay $0x1  }
0x823: {  	v14 =	vadd.f32 v14, v27;
	_ =	sdelay $0x1  }
0x824: {  	[tilespmem:s1+$0xFFFFFFC0] =	vst v14  }
0x825: {  	v14 =	vld [tilespmem:s6+$0xC590];
	_ =	sdelay $0x4  }
0x826: {  	v28 =	vmul.f32 s7, v5;
	v14 =	vadd.f32 v14, v9;
	_ =	sdelay $0x1  }
0x827: {  	v14 =	vadd.f32 v14, v28;
	_ =	sdelay $0x1  }
0x828: {  	[tilespmem:s1+$0xFFFFFFD0] =	vst v14  }
0x829: {  	v14 =	vld [tilespmem:s6+$0xC5A0]  }
0x82a: {  	(v2sf) =	vpush v12, $0x8;
	_ =	sdelay $0x3  }
0x82b: {  	v29 =	vmul.f32 s7, v6;
	v14 =	vadd.f32 v14, v10;
	_ =	sdelay $0x1  }
0x82c: {  	(v2sf) =	vpush v13, $0x8;
	v14 =	vadd.f32 v14, v29;
	_ =	sdelay $0x1  }
0x82d: {  	[tilespmem:s1+$0xFFFFFFE0] =	vst v14  }
0x82e: {  	v14 =	vld [tilespmem:s6+$0xC5B0];
	_ =	sdelay $0x4  }
0x82f: {  	v30 =	vmul.f32 s7, v7;
	v14 =	vadd.f32 v14, v11  }
0x830: {  	s11 =	spop (v2sf)  }
0x831: {  	p0 =	sgt.s32 s11, $0x7CFFF;
	s6 =	simm.s32 $0x40;
	v14 =	vadd.f32 v14, v30  }
0x832: {  	s6 =	simm.s32 @!p0 $0x0  }
0x833: {  	s6 =	sadd.s32 s4, s6;
	[tilespmem:s1+$0xFFFFFFF0] =	vst v14  }
0x834: {  	v14 =	vld [tilespmem:s6+$0xC600];
	_ =	sdelay $0x1  }
0x835: {  	s12 =	spop (v2sf)  }
0x836: {  	s7 =	scvt.s32.f32 s12;
	_ =	sdelay $0x1  }
0x837: {  	v31 =	vmul.f32 s7, v4;
	v14 =	vadd.f32 v14, v8;
	_ =	sdelay $0x1  }
0x838: {  	v14 =	vadd.f32 v14, v31;
	_ =	sdelay $0x1  }
0x839: {  	[tilespmem:s1+$0x0] =	vst v14  }
0x83a: {  	v14 =	vld [tilespmem:s6+$0xC610];
	_ =	sdelay $0x4  }
0x83b: {  	v32 =	vmul.f32 s7, v5;
	v14 =	vadd.f32 v14, v9;
	_ =	sdelay $0x1  }
0x83c: {  	v14 =	vadd.f32 v14, v32;
	_ =	sdelay $0x1  }
0x83d: {  	[tilespmem:s1+$0x10] =	vst v14  }
0x83e: {  	v14 =	vld [tilespmem:s6+$0xC620]  }
0x83f: {  	(v2sf) =	vpush v12, $0x9;
	_ =	sdelay $0x3  }
0x840: {  	v33 =	vmul.f32 s7, v6;
	v14 =	vadd.f32 v14, v10;
	_ =	sdelay $0x1  }
0x841: {  	(v2sf) =	vpush v13, $0x9;
	v14 =	vadd.f32 v14, v33;
	_ =	sdelay $0x1  }
0x842: {  	[tilespmem:s1+$0x20] =	vst v14  }
0x843: {  	v14 =	vld [tilespmem:s6+$0xC630];
	_ =	sdelay $0x4  }
0x844: {  	v34 =	vmul.f32 s7, v7;
	v14 =	vadd.f32 v14, v11  }
0x845: {  	s25 =	spop (v2sf)  }
0x846: {  	p0 =	sgt.s32 s25, $0x7CFFF;
	s6 =	simm.s32 $0x40;
	v14 =	vadd.f32 v14, v34  }
0x847: {  	s6 =	simm.s32 @!p0 $0x0  }
0x848: {  	s6 =	sadd.s32 s4, s6;
	[tilespmem:s1+$0x30] =	vst v14  }
0x849: {  	v14 =	vld [tilespmem:s6+$0xC680];
	_ =	sdelay $0x1  }
0x84a: {  	s26 =	spop (v2sf)  }
0x84b: {  	s7 =	scvt.s32.f32 s26;
	_ =	sdelay $0x1  }
0x84c: {  	v35 =	vmul.f32 s7, v4;
	v14 =	vadd.f32 v14, v8;
	_ =	sdelay $0x1  }
0x84d: {  	v14 =	vadd.f32 v14, v35;
	_ =	sdelay $0x1  }
0x84e: {  	[tilespmem:s1+$0x40] =	vst v14  }
0x84f: {  	v14 =	vld [tilespmem:s6+$0xC690];
	_ =	sdelay $0x4  }
0x850: {  	v36 =	vmul.f32 s7, v5;
	v14 =	vadd.f32 v14, v9;
	_ =	sdelay $0x1  }
0x851: {  	v14 =	vadd.f32 v14, v36;
	_ =	sdelay $0x1  }
0x852: {  	[tilespmem:s1+$0x50] =	vst v14  }
0x853: {  	v14 =	vld [tilespmem:s6+$0xC6A0]  }
0x854: {  	(v2sf) =	vpush v12, $0xA;
	_ =	sdelay $0x3  }
0x855: {  	v37 =	vmul.f32 s7, v6;
	v14 =	vadd.f32 v14, v10;
	_ =	sdelay $0x1  }
0x856: {  	(v2sf) =	vpush v13, $0xA;
	v14 =	vadd.f32 v14, v37;
	_ =	sdelay $0x1  }
0x857: {  	[tilespmem:s1+$0x60] =	vst v14  }
0x858: {  	v14 =	vld [tilespmem:s6+$0xC6B0];
	_ =	sdelay $0x4  }
0x859: {  	v38 =	vmul.f32 s7, v7;
	v14 =	vadd.f32 v14, v11  }
0x85a: {  	s7 =	spop (v2sf)  }
0x85b: {  	p0 =	sgt.s32 s7, $0x7CFFF;
	s6 =	simm.s32 $0x40;
	v14 =	vadd.f32 v14, v38  }
0x85c: {  	s6 =	simm.s32 @!p0 $0x0  }
0x85d: {  	s6 =	sadd.s32 s4, s6;
	[tilespmem:s1+$0x70] =	vst v14  }
0x85e: {  	v14 =	vld [tilespmem:s6+$0xC700];
	_ =	sdelay $0x1  }
0x85f: {  	s9 =	spop (v2sf)  }
0x860: {  	s7 =	scvt.s32.f32 s9;
	_ =	sdelay $0x1  }
0x861: {  	v39 =	vmul.f32 s7, v4;
	v14 =	vadd.f32 v14, v8;
	_ =	sdelay $0x1  }
0x862: {  	v14 =	vadd.f32 v14, v39;
	_ =	sdelay $0x1  }
0x863: {  	[tilespmem:s1+$0x80] =	vst v14  }
0x864: {  	v14 =	vld [tilespmem:s6+$0xC710];
	_ =	sdelay $0x4  }
0x865: {  	v40 =	vmul.f32 s7, v5;
	v14 =	vadd.f32 v14, v9;
	_ =	sdelay $0x1  }
0x866: {  	v14 =	vadd.f32 v14, v40;
	_ =	sdelay $0x1  }
0x867: {  	[tilespmem:s1+$0x90] =	vst v14  }
0x868: {  	v14 =	vld [tilespmem:s6+$0xC720]  }
0x869: {  	(v2sf) =	vpush v12, $0xB;
	_ =	sdelay $0x3  }
0x86a: {  	v41 =	vmul.f32 s7, v6;
	v14 =	vadd.f32 v14, v10;
	_ =	sdelay $0x1  }
0x86b: {  	(v2sf) =	vpush v13, $0xB;
	v14 =	vadd.f32 v14, v41;
	_ =	sdelay $0x1  }
0x86c: {  	[tilespmem:s1+$0xA0] =	vst v14  }
0x86d: {  	v14 =	vld [tilespmem:s6+$0xC730];
	_ =	sdelay $0x4  }
0x86e: {  	v42 =	vmul.f32 s7, v7;
	v14 =	vadd.f32 v14, v11  }
0x86f: {  	s11 =	spop (v2sf)  }
0x870: {  	p0 =	sgt.s32 s11, $0x7CFFF;
	s6 =	simm.s32 $0x40;
	v14 =	vadd.f32 v14, v42  }
0x871: {  	s6 =	simm.s32 @!p0 $0x0  }
0x872: {  	s6 =	sadd.s32 s4, s6;
	[tilespmem:s1+$0xB0] =	vst v14  }
0x873: {  	v14 =	vld [tilespmem:s6+$0xC780];
	_ =	sdelay $0x1  }
0x874: {  	s12 =	spop (v2sf)  }
0x875: {  	s7 =	scvt.s32.f32 s12;
	_ =	sdelay $0x1  }
0x876: {  	v43 =	vmul.f32 s7, v4;
	v14 =	vadd.f32 v14, v8;
	_ =	sdelay $0x1  }
0x877: {  	v14 =	vadd.f32 v14, v43;
	_ =	sdelay $0x1  }
0x878: {  	[tilespmem:s1+$0xC0] =	vst v14  }
0x879: {  	v14 =	vld [tilespmem:s6+$0xC790];
	_ =	sdelay $0x4  }
0x87a: {  	v44 =	vmul.f32 s7, v5;
	v14 =	vadd.f32 v14, v9;
	_ =	sdelay $0x1  }
0x87b: {  	v14 =	vadd.f32 v14, v44;
	_ =	sdelay $0x1  }
0x87c: {  	[tilespmem:s1+$0xD0] =	vst v14  }
0x87d: {  	v14 =	vld [tilespmem:s6+$0xC7A0]  }
0x87e: {  	(v2sf) =	vpush v12, $0xC;
	_ =	sdelay $0x3  }
0x87f: {  	v45 =	vmul.f32 s7, v6;
	v14 =	vadd.f32 v14, v10;
	_ =	sdelay $0x1  }
0x880: {  	(v2sf) =	vpush v13, $0xC;
	v14 =	vadd.f32 v14, v45;
	_ =	sdelay $0x1  }
0x881: {  	[tilespmem:s1+$0xE0] =	vst v14  }
0x882: {  	v14 =	vld [tilespmem:s6+$0xC7B0];
	_ =	sdelay $0x4  }
0x883: {  	v46 =	vmul.f32 s7, v7;
	v14 =	vadd.f32 v14, v11  }
0x884: {  	s25 =	spop (v2sf)  }
0x885: {  	p0 =	sgt.s32 s25, $0x7CFFF;
	s6 =	simm.s32 $0x40;
	v14 =	vadd.f32 v14, v46  }
0x886: {  	s6 =	simm.s32 @!p0 $0x0  }
0x887: {  	s6 =	sadd.s32 s4, s6;
	[tilespmem:s1+$0xF0] =	vst v14  }
0x888: {  	v14 =	vld [tilespmem:s6+$0xC800];
	_ =	sdelay $0x1  }
0x889: {  	s26 =	spop (v2sf)  }
0x88a: {  	s7 =	scvt.s32.f32 s26;
	_ =	sdelay $0x1  }
0x88b: {  	v47 =	vmul.f32 s7, v4;
	v14 =	vadd.f32 v14, v8;
	_ =	sdelay $0x1  }
0x88c: {  	v14 =	vadd.f32 v14, v47;
	_ =	sdelay $0x1  }
0x88d: {  	[tilespmem:s1+$0x100] =	vst v14  }
0x88e: {  	v14 =	vld [tilespmem:s6+$0xC810];
	_ =	sdelay $0x4  }
0x88f: {  	v48 =	vmul.f32 s7, v5;
	v14 =	vadd.f32 v14, v9;
	_ =	sdelay $0x1  }
0x890: {  	v14 =	vadd.f32 v14, v48;
	_ =	sdelay $0x1  }
0x891: {  	[tilespmem:s1+$0x110] =	vst v14  }
0x892: {  	v14 =	vld [tilespmem:s6+$0xC820]  }
0x893: {  	(v2sf) =	vpush v12, $0xD;
	_ =	sdelay $0x3  }
0x894: {  	v49 =	vmul.f32 s7, v6;
	v14 =	vadd.f32 v14, v10;
	_ =	sdelay $0x1  }
0x895: {  	(v2sf) =	vpush v13, $0xD;
	v14 =	vadd.f32 v14, v49;
	_ =	sdelay $0x1  }
0x896: {  	[tilespmem:s1+$0x120] =	vst v14  }
0x897: {  	v14 =	vld [tilespmem:s6+$0xC830];
	_ =	sdelay $0x4  }
0x898: {  	v50 =	vmul.f32 s7, v7;
	v14 =	vadd.f32 v14, v11  }
0x899: {  	s7 =	spop (v2sf)  }
0x89a: {  	p0 =	sgt.s32 s7, $0x7CFFF;
	s6 =	simm.s32 $0x40;
	v14 =	vadd.f32 v14, v50  }
0x89b: {  	s6 =	simm.s32 @!p0 $0x0  }
0x89c: {  	s6 =	sadd.s32 s4, s6;
	[tilespmem:s1+$0x130] =	vst v14  }
0x89d: {  	v14 =	vld [tilespmem:s6+$0xC880];
	_ =	sdelay $0x1  }
0x89e: {  	s9 =	spop (v2sf)  }
0x89f: {  	s7 =	scvt.s32.f32 s9;
	_ =	sdelay $0x1  }
0x8a0: {  	v51 =	vmul.f32 s7, v4;
	v14 =	vadd.f32 v14, v8;
	_ =	sdelay $0x1  }
0x8a1: {  	v14 =	vadd.f32 v14, v51;
	_ =	sdelay $0x1  }
0x8a2: {  	[tilespmem:s1+$0x140] =	vst v14  }
0x8a3: {  	v14 =	vld [tilespmem:s6+$0xC890];
	_ =	sdelay $0x4  }
0x8a4: {  	v52 =	vmul.f32 s7, v5;
	v14 =	vadd.f32 v14, v9;
	_ =	sdelay $0x1  }
0x8a5: {  	v14 =	vadd.f32 v14, v52;
	_ =	sdelay $0x1  }
0x8a6: {  	[tilespmem:s1+$0x150] =	vst v14  }
0x8a7: {  	v14 =	vld [tilespmem:s6+$0xC8A0]  }
0x8a8: {  	(v2sf) =	vpush v12, $0xE;
	_ =	sdelay $0x3  }
0x8a9: {  	v53 =	vmul.f32 s7, v6;
	v14 =	vadd.f32 v14, v10;
	_ =	sdelay $0x1  }
0x8aa: {  	(v2sf) =	vpush v13, $0xE;
	v14 =	vadd.f32 v14, v53;
	_ =	sdelay $0x1  }
0x8ab: {  	[tilespmem:s1+$0x160] =	vst v14  }
0x8ac: {  	v14 =	vld [tilespmem:s6+$0xC8B0];
	_ =	sdelay $0x4  }
0x8ad: {  	v54 =	vmul.f32 s7, v7;
	v14 =	vadd.f32 v14, v11  }
0x8ae: {  	s11 =	spop (v2sf)  }
0x8af: {  	p0 =	sgt.s32 s11, $0x7CFFF;
	s6 =	simm.s32 $0x40;
	v14 =	vadd.f32 v14, v54  }
0x8b0: {  	s6 =	simm.s32 @!p0 $0x0  }
0x8b1: {  	s6 =	sadd.s32 s4, s6;
	[tilespmem:s1+$0x170] =	vst v14  }
0x8b2: {  	v14 =	vld [tilespmem:s6+$0xC900];
	_ =	sdelay $0x1  }
0x8b3: {  	s12 =	spop (v2sf)  }
0x8b4: {  	s7 =	scvt.s32.f32 s12;
	_ =	sdelay $0x1  }
0x8b5: {  	v55 =	vmul.f32 s7, v4;
	v14 =	vadd.f32 v14, v8;
	_ =	sdelay $0x1  }
0x8b6: {  	v14 =	vadd.f32 v14, v55;
	_ =	sdelay $0x1  }
0x8b7: {  	[tilespmem:s1+$0x180] =	vst v14  }
0x8b8: {  	v14 =	vld [tilespmem:s6+$0xC910];
	_ =	sdelay $0x4  }
0x8b9: {  	v56 =	vmul.f32 s7, v5;
	v14 =	vadd.f32 v14, v9;
	_ =	sdelay $0x1  }
0x8ba: {  	v14 =	vadd.f32 v14, v56;
	_ =	sdelay $0x1  }
0x8bb: {  	[tilespmem:s1+$0x190] =	vst v14  }
0x8bc: {  	v14 =	vld [tilespmem:s6+$0xC920]  }
0x8bd: {  	(v2sf) =	vpush v12, $0xF;
	_ =	sdelay $0x3  }
0x8be: {  	v58 =	vmul.f32 s7, v6;
	v57 =	vadd.f32 v14, v10;
	_ =	sdelay $0x1  }
0x8bf: {  	(v2sf) =	vpush v13, $0xF;
	v12 =	vadd.f32 v57, v58;
	_ =	sdelay $0x1  }
0x8c0: {  	[tilespmem:s1+$0x1A0] =	vst v12  }
0x8c1: {  	v12 =	vld [tilespmem:s6+$0xC930];
	_ =	sdelay $0x4  }
0x8c2: {  	v59 =	vmul.f32 s7, v7;
	v12 =	vadd.f32 v12, v11  }
0x8c3: {  	s25 =	spop (v2sf)  }
0x8c4: {  	p0 =	sgt.s32 s25, $0x7CFFF;
	s6 =	simm.s32 $0x40;
	v12 =	vadd.f32 v12, v59  }
0x8c5: {  	s6 =	simm.s32 @!p0 $0x0  }
0x8c6: {  	s4 =	sadd.s32 s4, s6;
	[tilespmem:s1+$0x1B0] =	vst v12  }
0x8c7: {  	v12 =	vld [tilespmem:s4+$0xC980];
	_ =	sdelay $0x1  }
0x8c8: {  	s26 =	spop (v2sf)  }
0x8c9: {  	s6 =	scvt.s32.f32 s26;
	_ =	sdelay $0x1  }
0x8ca: {  	v60 =	vmul.f32 s6, v4;
	v8 =	vadd.f32 v12, v8;
	_ =	sdelay $0x1  }
0x8cb: {  	v8 =	vadd.f32 v8, v60;
	_ =	sdelay $0x1  }
0x8cc: {  	[tilespmem:s1+$0x1C0] =	vst v8  }
0x8cd: {  	v8 =	vld [tilespmem:s4+$0xC990];
	_ =	sdelay $0x4  }
0x8ce: {  	v61 =	vmul.f32 s6, v5;
	v8 =	vadd.f32 v8, v9;
	_ =	sdelay $0x1  }
0x8cf: {  	v8 =	vadd.f32 v8, v61;
	_ =	sdelay $0x1  }
0x8d0: {  	[tilespmem:s1+$0x1D0] =	vst v8  }
0x8d1: {  	v8 =	vld [tilespmem:s4+$0xC9A0];
	_ =	sdelay $0x4  }
0x8d2: {  	v62 =	vmul.f32 s6, v6;
	v8 =	vadd.f32 v8, v10;
	_ =	sdelay $0x1  }
0x8d3: {  	v8 =	vadd.f32 v8, v62;
	_ =	sdelay $0x1  }
0x8d4: {  	[tilespmem:s1+$0x1E0] =	vst v8  }
0x8d5: {  	v8 =	vld [tilespmem:s4+$0xC9B0];
	_ =	sdelay $0x4  }
0x8d6: {  	v63 =	vmul.f32 s6, v7;
	v8 =	vadd.f32 v8, v11;
	_ =	sdelay $0x1  }
0x8d7: {  	s31 =	sadd.s32 $0x1, s31;
	v8 =	vadd.f32 v8, v63  }
0x8d8: {  	s0 =	sshll.u32 s0, $0xB;
	p0 =	sne.s32 s31, $0x10  }
.Ltmp2:
0x8d9: {  	s0 =	sadd.s32 s0, s8;
	[tilespmem:s1+$0x1F0] =	vst v8;
	(pc) =	sbr.rel @p0 .LBB2_2-.Ltmp2, $4  }
0x8da: {  	[hbm4b:s0+s2] =	stream.linear.scatter [tilespmem:s23], [sflag:$0x3], $0x4000, $0x38;
	[tilespmem:$0x18300] =	vst v63  }
0x8db: {  	_ =	swait.ge [sflag:s10], $0x4000  }
0x8dc: {  	s30 =	sadd.s32 $0x200, s30;
	s5 =	sadd.s32 $0x200, s5;
	[sflag:s10] =	ssyncset.done $0x0  }
0x8dd: {  	s28 =	sadd.s32 $0x200, s28;
	s29 =	sadd.s32 $0x200, s29;
	[sflag:s10] =	ssyncadd.s32 $0xFFFFC000  }
0x8de: {  	s1 =	rddreg [dreg:$0x8]  }
0x8df: {  	s0 =	rddreg [dreg:$0x7];
	s1 =	sadd.s32 $0x1, s1  }
0x8e0: {  	p0 =	sne.s32 s1, s0  }
.Ltmp3:
0x8e1: {  	_ = 	snop;
	(pc) =	sbr.rel @p0 .LBB2_1-.Ltmp3, $1  }
0x8e2: {  	_ =	sdelay $0x3  }
0x8e3: {  	_ =	sfence.sel $0x180000  }
0x8e4: {  	[bflag:$0x0] =	sbarrier.arrive $0xFFFF  }
0x8e5: {  	_ =	strace $0x90000047  }
0x8e6: {  	s0 =	stileid.u32;
	[bflag:$0x2] =	sbarrier.arrive $0xFFFF  }
0x8e7: {  	p0 =	sne.s32 s0, $0x0;
	s0 =	rddreg [dreg:$0x2]  }
0x8e8: {  	s0 =	sadd.s32 @!p0 $0x100000, s0  }
0x8e9: {  	[sflag:s0] =	ssyncadd.tile.s32 @!p0 $0x1;
	_ =	shalt  }
.Lfunc_end2:
_tile_overlayer_lowered:
.L_overlay_start_2:
0x8ea: {  	(tag) =	ssettag $0x2  }
0x8eb: {  	s0 =	rddreg [dreg:$0x0];
	s2 =	stileid.u32  }
0x8ec: {  	s1 =	rddreg [dreg:$0x1];
	p0 =	sne.s32 s2, $0x0  }
0x8ed: {  	s3 =	rddreg [dreg:$0x2];
	[bflag:$0x3] =	sbarrier.arrive $0xFFFF;
	s2 =	simm.s32 @!p0 $0x1C03  }
0x8ee: {  	[timem:s3], [sflag:s2] =	dma.local @!p0 [hbm:s0], s1  }
0x8ef: {  	s0 =	simm.s32 @!p0 $0x3  }
0x8f0: {  	_ =	swait.ge @!p0 [sflag:s0], s1  }
0x8f1: {  	s1 =	ssub.s32 @!p0 $0x0, s1;
	[sflag:s0] =	ssyncset.done @!p0 $0x0  }
0x8f2: {  	[sflag:s0] =	ssyncadd.s32 @!p0 s1  }
0x8f3: {  	[bflag:$0x3] =	sbarrier.arrive $0xFFFF  }
0x8f4: {  	_ =	shalt  }

// kernel: sparse-core-data-format-call.cloned.1.call-start
scs
called_computation_lowered:
.L_overlay_start_0:
0x0: {  	s2 =	sld [smem:$0x3FD9]  }
0x1: {  	s3 =	sld [smem:$0x3FFE];
	_ =	sdelay $0x1  }
0x2: {  	s1 =	srdreg.scid  }
0x3: {  	s0 =	sand.u32 $0x1, s1  }
0x4: {  	s18 =	sshll.u32 s0, $0xA;
	s2 =	sadd.s32 s3, s2  }
0x5: {  	s2 =	sadd.s32 s2, s18  }
0x6: {  	[smem:$0x3FC3] =	sst s2  }
0x7: {  	_ = 	snop  }
0x8: {  	s2 =	sld [smem:$0x3FD0];
	(tm) =	ssettm $0x1  }
0x9: {  	s19 =	sld [smem:$0x3FFB];
	_ =	sdelay $0x3  }
0xa: {  	_ =	strace s19  }
0xb: {  	s3 =	sld [smem:$0x3FFC];
	_ =	sdelay $0x3  }
0xc: {  	_ =	strace s3  }
0xd: {  	s3 =	sld [smem:$0x3FFD];
	_ =	sdelay $0x3  }
0xe: {  	_ =	strace s3  }
0xf: {  	_ =	strace $0x8FFFFFFF  }
0x10: {  	s20 =	sld [smem:$0x3FDB];
	_ =	sdelay $0x1  }
0x11: {  	s4 =	simm.s32 $_scs_section_size  }
0x12: {  	s5 =	simm.s32 $_size__tile_overlayer_lowered;
	s6 =	simm.s32 $_tile_overlayer_lowered  }
0x13: {  	s23 =	simm.s32 $0x1BFF;
	s22 =	sshll.u32 s6, $0x1;
	s3 =	sadd.s32 s4, s20  }
0x14: {  	s7 =	simm.s32 $0x0;
	s21 =	sshll.u32 s5, $0x1;
	s5 =	sadd.s32 s22, s3  }
0x15: {  	[timem:s7], [sflag:s23] =	dma.local [hbm:s5], s21  }
0x16: {  	_ =	swait.ge [sflag:s23], s21  }
0x17: {  	s4 =	ssub.s32 $0x0, s21;
	[sflag:s23] =	ssyncset.done $0x0  }
0x18: {  	[sflag:s23] =	ssyncadd.s32 s4;
	_ =	sdelay $0x1  }
0x19: {  	s24 =	simm.s32 $0x1B8B  }
0x1a: {  	_ =	swait.ge [sflag:s24], $0x1  }
0x1b: {  	[sflag:s24] =	ssyncset.done $0x0  }
0x1c: {  	s26 =	simm.s32 $0x1B8E;
	s25 =	sld [smem:$0x3FFE];
	[sflag:s24] =	ssyncadd.s32 $0xFFFFFFFF  }
0x1d: {  	s27 =	simm.s32 $execute0_lowered;
	[smem:$0x3FD2] =	sst s26  }
0x1e: {  	s5 =	sshll.u32 s27, $0x1;
	_ =	strace $0x80000049;
	[dreg:$0x1] =	wrdreg $0xFFFFFFFF  }
0x1f: {  	s28 =	simm.s32 $_size_execute0_lowered;
	s3 =	sadd.s32 s3, s5;
	[dreg:$0x0] =	wrdreg $0x0  }
0x20: {  	s5 =	sshll.u32 s28, $0x1;
	[dreg:$0x2] =	wrdreg s3  }
0x21: {  	[dreg:$0x3] =	wrdreg s5  }
0x22: {  	[dreg:$0x4] =	wrdreg $0xC0  }
0x23: {  	_ =	task [dreg:s7], $0x5FFFF  }
0x24: {  	[dreg:$0x1] =	wrdreg $0xFFFFFFFF  }
0x25: {  	[dreg:$0x0] =	wrdreg $0x60  }
0x26: {  	[dreg:$0x2] =	wrdreg s25  }
0x27: {  	[dreg:$0x3] =	wrdreg s2  }
0x28: {  	[dreg:$0x4] =	wrdreg $0x9  }
0x29: {  	_ =	task.clear_ibuf [dreg:s7], $0x5FFFF;
	_ =	strace $0x90000049  }
0x2a: {  	s29 =	simm.s32 $0x9;
	_ =	strace $0x8000004B  }
0x2b: {  	_ =	swait.ge [sflag:s29], $0x1  }
0x2c: {  	[sflag:s29] =	ssyncadd.s32 $0xFFFFFFFF  }
0x2d: {  	_ =	strace $0x9000004B  }
0x2e: {  	_ =	sfence  }
0x2f: {  	s30 =	sld [smem:$0x0];
	_ =	sdelay $0x2  }
0x30: {  	s31 =	sshll.u32 s1, $0xD;
	s1 =	sshrl.u32 s1, $0x2  }
0x31: {  	s3 =	sand.u32 $0x4000, s31;
	s1 =	sadd.s32 s1, s30  }
0x32: {  	s0 =	sor.u32 s3, s0;
	s1 =	sshll.u32 s1, $0x11  }
0x33: {  	s0 =	sor.u32 s1, s0  }
0x34: {  	s0 =	sadd.s32 $0x8F2B, s0  }
0x35: {  	[sflag:s0] =	ssyncadd.remote.s32 $0x1  }
0x36: {  	_ =	sfence.sel $0xFFFF  }
0x37: {  	[dreg:$0x0] =	wrdreg $0xFFFFFFFF;
	(pc) =	sbr.abs _section_cstart, $3  }
0x38: {  	[dreg:$0x1] =	wrdreg $0xFFFFFFFF  }
0x39: {  	_ =	task.clear_ibuf [dreg:s7], $0x2FFFF;
	_ =	strace $0x9FFFFFFF  }
0x3a: {  	(tm) =	ssettm $0x7FFFFFFF  }
0x3b: {  	_ =	shalt  }
tec
execute0_lowered:
.L_overlay_start_1:
0x0: {  	(tag) =	ssettag $0x1  }
0x1: {  	s0 =	srdreg.scid  }
0x2: {  	s7 =	rddreg [dreg:$0x0];
	s1 =	sshll.u32 s0, $0x4  }
0x3: {  	s3 =	rddreg [dreg:$0x1];
	s0 =	stileid.u32;
	s1 =	sand.u32 $0x10, s1  }
0x4: {  	s6 =	simm.s32 $0x1;
	s31 =	simm.s32 $0x2;
	s1 =	sor.u32 s0, s1  }
0x5: {  	s13 =	simm.s32 $0x0;
	s9 =	simm.s32 $0x8000;
	s2 =	sshll.u32 s1, $0x1  }
0x6: {  	s14 =	simm.s32 $0x0;
	s10 =	simm.s32 $0x0;
	s4 =	ssub.s32 $0x40, s2  }
0x7: {  	s12 =	simm.s32 $0x0;
	s1 =	rddreg [dreg:$0x2];
	s5 =	sand.u32 $0x3E, s4  }
.Ltmp0:
0x8: {  	_ =	strace $0x8000004A;
	p0 =	sne.s32 s5, $0x0;
	(pc) =	sbr.rel .LBB1_1-.Ltmp0, $4  }
0x9: {  	s11 =	smov.u32 s2;
	s8 =	sshrl.u32 s4, $0x6;
	s6 =	simm.s32 @!p0 $0x0  }
0xa: {  	s4 =	sadd.s32 $0x1000, s7;
	s5 =	simm.s32 $0x1;
	s6 =	sadd.s32 s6, s8  }
0xb: {  	s7 =	sadd.s32 $0x11000, s7;
	[sflag:s5] =	ssyncpa.u1 $0x0;
	s6 =	sshll.u32 s6, $0x5  }
0xc: {  	p0 =	por $0x0, $0x0;
	[sflag:s31] =	ssyncpa.u1 $0x0;
	s8 =	sor.u32 $0x1, s6  }
.LBB1_7:
0xd: {  	s15 =	sadd.s32 $0x80, s10  }
0xe: {  	s13 =	sadd.s32 $0x40, s11;
	s17 =	smov.u32 s11;
	p2 =	sgt.s32 s15, $0xFFF  }
0xf: {  	s17 =	smov.u32 @p2 s13  }
0x10: {  	s15 =	simm.s32 @p2 $0x0;
	p2 =	sgt.s32 s17, $0x3F  }
0x11: {  	s17 =	smov.u32 @p2 s2;
	p2 =	sne.s32 s12, s8  }
.Ltmp1:
0x12: {  	p1 =	slt.u32 s12, $0x2;
	(pc) =	sbr.rel @!p2 .LBB1_8-.Ltmp1, $4  }
0x13: {  	s16 =	simm.s32 @!p1 $0x2  }
0x14: {  	s14 =	smov.u32 s11;
	p0 =	por !p0, !p0;
	_ =	swait.ge @!p1 [sflag:s16], $0x4000  }
0x15: {  	s13 =	smov.u32 s10;
	[sflag:s16] =	ssyncset.done @!p1 $0x0;
	s10 =	smov.u32 s15  }
0x16: {  	s12 =	sadd.s32 $0x1, s12;
	[sflag:s16] =	ssyncadd.s32 @!p1 $0xFFFFC000;
	s11 =	smov.u32 s17  }
.LBB1_1:
0x17: {  	p1 =	sge.u32 s12, s6  }
0x18: {  	s15 =	sxor.u32 @!p1 $0xFFFFFFFF, s12;
	s16 =	sshll.u32 @!p1 s11, $0x10  }
0x19: {  	s17 =	sshll.u32 @!p1 s10, $0x4;
	s19 =	simm.s32 @!p1 $0x40;
	s20 =	simm.s32 @!p1 $0x80  }
0x1a: {  	s15 =	sshll.u32 @!p1 s15, $0xE;
	s17 =	sand.u32 @!p1 $0xFFF0, s17;
	s18 =	sadd.s32 @!p1 s4, s16  }
0x1b: {  	s16 =	sadd.s32 @!p1 s16, s7;
	s15 =	sand.u32 @!p1 $0x4000, s15;
	s18 =	sadd.s32 @!p1 s17, s18  }
0x1c: {  	[tilespmem:s15], [sflag:$0x1] =	stream.strided.gather @!p1 [hbm4b:s18+s19], $0x2000, s20, s19, $0x38;
	[tilespmem:$0x10100] =	vst v63  }
0x1d: {  	s31 =	sadd.s32 $0xFFFFFFFF, s12;
	s16 =	sadd.s32 @!p1 s17, s16;
	s15 =	sor.u32 @!p1 $0x2000, s15  }
0x1e: {  	[tilespmem:s15], [sflag:$0x1] =	stream.strided.gather @!p1 [hbm4b:s16+s19], $0x2000, s20, s19, $0x38;
	[tilespmem:$0x10100] =	vst v63  }
0x1f: {  	p1 =	sge.u32 s31, s6  }
.Ltmp2:
0x20: {  	_ = 	snop;
	(pc) =	sbr.rel @p1 .LBB1_7-.Ltmp2, $1  }
0x21: {  	_ =	sdelay $0x3  }
0x22: {  	s15 =	simm.s32 $0x1;
	s17 =	sand.u32 $0x1, s12  }
0x23: {  	_ =	swait.ge [sflag:s5], $0x4000;
	s15 =	simm.s32 @!p0 $0x0;
	s17 =	smul.u32 $0x10200, s17  }
0x24: {  	p2 =	por $0x1, $0x1;
	[sflag:s5] =	ssyncset.done $0x0;
	s16 =	smul.u32 $0x10200, s15  }
0x25: {  	s18 =	sshll.u32 s15, $0x10;
	[sflag:s5] =	ssyncadd.s32 $0xFFFFC000;
	s30 =	sshrl.u32 s17, $0x2  }
0x26: {  	s31 =	sshrl.u32 s18, $0x2;
	s18 =	simm.s32 $0x0;
	s16 =	sshrl.u32 s16, $0x2  }
0x27: {  	s15 =	sor.u32 $0x8000, s30;
	s17 =	sadd.s32 $0x20, s31;
	s16 =	sor.u32 $0x8000, s16  }
.LBB1_3:
0x28: {  	s19 =	sshll.u32 s18, $0xD  }
0x29: {  	s19 =	sand.u32 $0x3FFFE000, s19  }
0x2a: {  	s21 =	sadd.s32 s19, s17  }
0x2b: {  	s31 =	smul.u32 $0x8100, s18;
	v3 =	vld [tilespmem:s21+$0x10]  }
0x2c: {  	v1 =	vld [tilespmem:s21+$0xFFFFFFF0]  }
0x2d: {  	s18 =	sshra.s32 s31, $0x2;
	v0 =	vld [tilespmem:s21+$0x0]  }
0x2e: {  	s18 =	sadd.s32 s18, s16;
	v2 =	vld [tilespmem:s21+$0xFFFFFFE0]  }
0x2f: {  	s19 =	sadd.s32 $0x0, s18  }
0x30: {  	p1 =	por p2, p2;
	s20 =	simm.s32 $0x4;
	s21 =	sadd.s32 $0x40, s21;
	[tilespmem:s19+$0x1830 ss:$0x81] =	vst.msk $0xffff, v3  }
.LBB1_4:
0x31: {  	v3 =	vld [tilespmem:s21+$0x10];
	p2 =	sne.s32 s20, $0x1FC;
	[tilespmem:s19+$0x810 ss:$0x81] =	vst.msk $0xffff, v1;
	s22 =	smov.u32 s20;
	s20 =	sadd.s32 $0x4, s20  }
.Ltmp3:
0x32: {  	v1 =	vld [tilespmem:s21+$0xFFFFFFF0];
	[tilespmem:s19+$0x1020 ss:$0x81] =	vst.msk $0xffff, v0;
	(pc) =	sbr.rel @p2 .LBB1_4-.Ltmp3, $4  }
0x33: {  	v0 =	vld [tilespmem:s21+$0x0];
	[tilespmem:s19+$0x0 ss:$0x81] =	vst.msk $0xffff, v2  }
0x34: {  	s19 =	sshra.s32 s22, $0x2;
	v2 =	vld [tilespmem:s21+$0xFFFFFFE0]  }
0x35: {  	s19 =	sadd.s32 s19, s18  }
0x36: {  	s21 =	sadd.s32 $0x40, s21;
	[tilespmem:s19+$0x1830 ss:$0x81] =	vst.msk $0xffff, v3  }
.Ltmp4:
0x37: {  	(pc) =	sbr.rel @p1 .LBB1_3-.Ltmp4, $4  }
0x38: {  	_ = 	snop  }
0x39: {  	[tilespmem:s19+$0x810 ss:$0x81] =	vst.msk $0xffff, v1  }
0x3a: {  	[tilespmem:s19+$0x1020 ss:$0x81] =	vst.msk $0xffff, v0  }
0x3b: {  	s18 =	simm.s32 $0x1;
	p2 =	por $0x0, $0x0;
	[tilespmem:s19+$0x0 ss:$0x81] =	vst.msk $0xffff, v2  }
0x3c: {  	s16 =	sshll.u32 s13, $0x3;
	s17 =	sand.u32 $0x78, s13;
	s14 =	sshll.u32 s14, $0xF  }
.Ltmp5:
0x3d: {  	s30 =	sand.u32 $0x7E00, s13;
	s16 =	sand.u32 $0xC00, s16;
	(pc) =	sbr.rel .LBB1_7-.Ltmp5, $4  }
0x3e: {  	s31 =	sand.u32 $0x7, s13;
	s14 =	sadd.s32 s3, s14;
	s16 =	sor.u32 s17, s16  }
0x3f: {  	s13 =	sshll.u32 s31, $0x12;
	s14 =	sadd.s32 s30, s14;
	s16 =	sshrl.u32 s16, $0x3  }
0x40: {  	s13 =	sor.u32 $0x400, s13;
	s14 =	sadd.s32 s16, s14  }
0x41: {  	[hbm4b:s14+s13] =	stream.strided.scatter [tilespmem:s15], [sflag:$0x2], $0x4000, s9, s13, $0x20;
	[tilespmem:$0x10100] =	vst v63  }
.LBB1_8:
0x42: {  	_ =	sfence.sel $0x180000  }
0x43: {  	s2 =	simm.s32 $0x1;
	[bflag:$0x0] =	sbarrier.arrive $0xFFFF  }
0x44: {  	s31 =	simm.s32 $0x2;
	[sflag:s2] =	ssyncpa.u1 $0x1  }
0x45: {  	[sflag:s31] =	ssyncpa.u1 $0x1  }
0x46: {  	p0 =	sne.s32 s0, $0x0;
	_ =	strace $0x9000004A  }
0x47: {  	s0 =	sadd.s32 @!p0 $0x100000, s1;
	[bflag:$0x2] =	sbarrier.arrive $0xFFFF  }
0x48: {  	[sflag:s0] =	ssyncadd.tile.s32 @!p0 $0x1;
	_ =	shalt  }
.Lfunc_end1:
_tile_overlayer_lowered:
.L_overlay_start_2:
0x49: {  	(tag) =	ssettag $0x2  }
0x4a: {  	s0 =	rddreg [dreg:$0x0];
	s2 =	stileid.u32  }
0x4b: {  	s1 =	rddreg [dreg:$0x1];
	p0 =	sne.s32 s2, $0x0  }
0x4c: {  	s3 =	rddreg [dreg:$0x2];
	[bflag:$0x3] =	sbarrier.arrive $0xFFFF;
	s2 =	simm.s32 @!p0 $0x1C01  }
0x4d: {  	[timem:s3], [sflag:s2] =	dma.local @!p0 [hbm:s0], s1  }
0x4e: {  	s0 =	simm.s32 @!p0 $0x1  }
0x4f: {  	_ =	swait.ge @!p0 [sflag:s0], s1  }
0x50: {  	s1 =	ssub.s32 @!p0 $0x0, s1;
	[sflag:s0] =	ssyncset.done @!p0 $0x0  }
0x51: {  	[sflag:s0] =	ssyncadd.s32 @!p0 s1  }
0x52: {  	[bflag:$0x3] =	sbarrier.arrive $0xFFFF  }
0x53: {  	_ =	shalt  }

</sc_bundles>
